<compile_context>
chip_gen: v7x
topology: tpu7x:2x2x1
jax: 0.10.2.dev20260603
libtpu: 0.0.44.dev20260713+nightly
codegen_flags: <defaults>
</compile_context>

<pallas_src>
import functools

import jax
import jax.numpy as jnp
from jax import lax
from jax.experimental import pallas as pl
from jax.experimental.pallas import tpu as pltpu
from jax.experimental.pallas import tpu_sc as plsc

_VOCAB = 100000
_EMB = 32
_BATCH = 1024
_CTX = 20

_NC = 2
_NS = 16
_NW = _NC * _NS
_BPW = _BATCH // _NW
_IPW = _BPW * _CTX
_CHUNK = 128
_NCHUNK = _IPW // _CHUNK
_ROWS_PER_SC = _BATCH // _NC
_TRASH = _ROWS_PER_SC
_ACC_ROWS = _ROWS_PER_SC + 8

_LOG2E = 1.4426950408889634
_LN2 = 0.6931471805599453

_mesh = plsc.VectorSubcoreMesh(core_axis_name="c", subcore_axis_name="s")


@functools.partial(
    pl.kernel,
    out_type=jax.ShapeDtypeStruct((_BATCH, _EMB), jnp.float32),
    mesh=_mesh,
    compiler_params=pltpu.CompilerParams(use_tc_tiling_on_sc=False),
    scratch_types=[
        pltpu.VMEM((_IPW,), jnp.int32),
        pltpu.VMEM((_NCHUNK, _CHUNK), jnp.int32),
        pltpu.VMEM((_IPW, _EMB), jnp.float32),
        pltpu.VMEM((_BPW, _EMB), jnp.float32),
        pltpu.VMEM((_BPW, _EMB), jnp.float32),
        pltpu.VMEM_SHARED((_ACC_ROWS, _EMB), jnp.float32),
        pltpu.SemaphoreType.DMA,
    ],
)
def _sc_gather_sum(x_hbm, emb_hbm, sumx_hbm,
                   src_idx, dst_idx, rows, zbuf, obuf, acc, sem):
    c = lax.axis_index("c")
    s = lax.axis_index("s")
    wid = c * _NS + s
    base = wid * _BPW
    flat_base = base * _CTX

    pltpu.sync_copy(x_hbm.at[pl.ds(flat_base, _IPW)], src_idx)

    row_cps = [
        pltpu.async_copy(emb_hbm.at[src_idx.at[pl.ds(j * _CHUNK, _CHUNK)]],
                         rows.at[pl.ds(j * _CHUNK, _CHUNK)], sem)
        for j in range(_NCHUNK)
    ]

    zero = jnp.zeros((16,), jnp.int32)
    for k in range(_IPW // 16):
        j, col = divmod(k, _CHUNK // 16)
        g = jnp.full((16,), flat_base + k * 16, jnp.int32) + lax.iota(jnp.int32, 16)
        b_loc = lax.shift_right_logical(g * 52429, 20) - c * _ROWS_PER_SC
        src = src_idx[pl.ds(k * 16, 16)]
        dst_idx[j, pl.ds(col * 16, 16)] = jnp.where(
            src != zero, b_loc, jnp.full((16,), _TRASH, jnp.int32))

    zrow = jnp.zeros((16,), jnp.float32)
    for r in range(_BPW):
        for h in range(_EMB // 16):
            zbuf[r, pl.ds(h * 16, 16)] = zrow
    pltpu.sync_copy(zbuf, acc.at[pl.ds(s * _BPW, _BPW)])

    @pl.when(s == 0)
    def _():
        pltpu.sync_copy(zbuf.at[pl.ds(0, 8)], acc.at[pl.ds(_ROWS_PER_SC, 8)])

    plsc.subcore_barrier()

    for cp in row_cps:
        cp.wait()
    for j in range(_NCHUNK):
        pltpu.sync_copy(rows.at[pl.ds(j * _CHUNK, _CHUNK)],
                        acc.at[dst_idx.at[j]], add=True)
    plsc.subcore_barrier()

    pltpu.sync_copy(acc.at[pl.ds(s * _BPW, _BPW)], obuf)
    l2e = jnp.full((16,), _LOG2E, jnp.float32)
    for r in range(_BPW):
        for h in range(_EMB // 16):
            obuf[r, pl.ds(h * 16, 16)] = obuf[r, pl.ds(h * 16, 16)] * l2e
    pltpu.sync_copy(obuf, sumx_hbm.at[pl.ds(base, _BPW)])


@functools.partial(
    pl.kernel,
    out_type=jax.ShapeDtypeStruct((_BATCH, _EMB), jnp.float32),
    mesh=_mesh,
    compiler_params=pltpu.CompilerParams(use_tc_tiling_on_sc=False),
    scratch_types=[
        pltpu.VMEM((_BPW,), jnp.int32),
        pltpu.VMEM((_BPW, _EMB), jnp.float32),
        pltpu.SemaphoreType.DMA,
    ],
)
def _sc_gather_wy(y_hbm, lin_hbm, wy_hbm, y_idx, wy, sem):
    c = lax.axis_index("c")
    s = lax.axis_index("s")
    base = (c * _NS + s) * _BPW
    pltpu.sync_copy(y_hbm.at[pl.ds(base, _BPW)], y_idx)
    pltpu.async_copy(lin_hbm.at[y_idx], wy, sem).wait()
    pltpu.sync_copy(wy, wy_hbm.at[pl.ds(base, _BPW)])


_VT = 8192
_NT = _VOCAB // _VT
_TAIL = _VOCAB - _NT * _VT


def _tc_lse_body(sx_ref, wt_ref, s_ref):
    j = pl.program_id(0)
    xb = sx_ref[...].astype(jnp.bfloat16)
    wb = wt_ref[...].astype(jnp.bfloat16)
    lt = lax.dot_general(xb, wb, (((1,), (0,)), ((), ())),
                         preferred_element_type=jnp.float32)
    e = jnp.exp2(lt)
    acc = e[:, 0:128]
    for k in range(1, _VT // 128):
        acc = acc + e[:, k * 128:(k + 1) * 128]
    s_old = jnp.where(j == 0, 0.0, s_ref[...])
    s_ref[...] = s_old + acc


_tc_lse = pl.pallas_call(
    _tc_lse_body,
    grid=(_NT,),
    in_specs=[
        pl.BlockSpec((_BATCH, _EMB), lambda j: (0, 0)),
        pl.BlockSpec((_EMB, _VT), lambda j: (0, j)),
    ],
    out_specs=pl.BlockSpec((_BATCH, 128), lambda j: (0, 0)),
    out_shape=jax.ShapeDtypeStruct((_BATCH, 128), jnp.float32),
)


def _tc_fin_body(s_ref, sx_ref, wy_ref, wtail_ref, out_ref):
    xb = sx_ref[...].astype(jnp.bfloat16)
    wb = wtail_ref[...].astype(jnp.bfloat16)
    lt = lax.dot_general(xb, wb, (((1,), (0,)), ((), ())),
                         preferred_element_type=jnp.float32)
    s = jnp.sum(s_ref[...], axis=1) + jnp.sum(jnp.exp2(lt), axis=1)
    lse2 = jnp.log(s) * _LOG2E
    picked2 = jnp.sum(sx_ref[...] * wy_ref[...], axis=1)
    out_ref[0, 0] = _LN2 * jnp.mean(lse2 - picked2)


_tc_fin = pl.pallas_call(
    _tc_fin_body,
    out_specs=pl.BlockSpec(memory_space=pltpu.SMEM),
    out_shape=jax.ShapeDtypeStruct((1, 1), jnp.float32),
)


def kernel(batch_X, batch_Y, emb_table, lin_w):
    x1d = batch_X.astype(jnp.int32).reshape(_BATCH * _CTX)
    y = batch_Y.astype(jnp.int32)
    wt = lin_w.T
    sumx = _sc_gather_sum(x1d, emb_table)
    wy = _sc_gather_wy(y, lin_w)
    s = _tc_lse(sumx, wt)
    wtail = lax.slice(wt, (0, _NT * _VT), (_EMB, _VOCAB))
    loss = _tc_fin(s, sumx, wy, wtail)
    return loss[0, 0]

# --- scband reference (transcript-rebuilt; emitter-appended) ---
"""Pipeline reference for scband-cbow-30631706755264 (READ-ONLY COPY).

The authoritative reference and input builder live on the scoring server;
editing this copy changes nothing except your own understanding.
"""

import jax, jax.numpy as jnp
import numpy as np

VOCAB = 100000
EMB = 32
BATCH = 1024
CTX = 20
PAD = 0

def setup_inputs(seed: int = 0) -> dict:
    key = jax.random.key(seed)
    k1, k2, k3, k4 = jax.random.split(key, 4)
    batch_X = jax.random.randint(k1, (BATCH, CTX), 0, VOCAB)
    batch_Y = jax.random.randint(k2, (BATCH,), 0, VOCAB)
    emb_table = jax.random.normal(k3, (VOCAB, EMB), dtype=jnp.float32) * 0.02
    lin_w = jax.random.normal(k4, (VOCAB, EMB), dtype=jnp.float32) * 0.02
    return {"batch_X": batch_X, "batch_Y": batch_Y, "emb_table": emb_table, "lin_w": lin_w}

def reference(batch_X, batch_Y, emb_table, lin_w):
    # emb_X: (B, CTX, EMB) gather from embedding table
    emb_X = jnp.take(emb_table, batch_X, axis=0)
    mask = (batch_X != PAD).astype(jnp.float32)[..., None]
    emb_X = emb_X * mask
    sum_X = jnp.sum(emb_X, axis=1)              # (B, EMB)
    lin_X = sum_X @ lin_w.T                      # (B, VOCAB), torch Linear(bias=False)
    logp = jax.nn.log_softmax(lin_X, axis=-1)
    # F.nll_loss with mean reduction
    picked = jnp.take_along_axis(logp, batch_Y[:, None], axis=1)[:, 0]
    loss = -jnp.mean(picked)
    return loss

if __name__ == "__main__":
    import jax
    _d = setup_inputs()
    print(jax.jit(kernel)(*tuple(_d.values())))

</pallas_src>

<mosaic_0001>
#map = affine_map<(d0, d1) -> (0)>
#map1 = affine_map<(d0, d1) -> (0, 0)>
module attributes {stable_mosaic.version = 14 : i64} {
  func.func @_sc_gather_wy(%arg0: i32, %arg1: i32, %arg2: memref<1024xi32, #tpu.memory_space<hbm>>, %arg3: memref<100000x32xf32, #tpu.memory_space<hbm>>, %arg4: memref<1024x32xf32, #tpu.memory_space<hbm>>, %arg5: memref<32xi32, #tpu.memory_space<vmem>>, %arg6: memref<32x32xf32, #tpu.memory_space<vmem>>, %arg7: memref<!tpu.dma_semaphore, #tpu.memory_space<semaphore_mem>>) attributes {dimension_semantics = [#tpu.dimension_semantics<core_parallel>, #tpu.dimension_semantics<subcore_parallel>], iteration_bounds = array<i64: 2, 16>, scalar_prefetch = 0 : i64, scratch_operands = 3 : i64, tpu.core_type = #tpu.core_type<sc_vector_subcore>, window_params = [{transform_indices = #map}, {transform_indices = #map1}, {transform_indices = #map1}]} {
    %mul3A = arith.constant 16 : i32
    %mul3A_0 = arith.muli %arg0, %mul3A : i32
    %add3A = arith.addi %mul3A_0, %arg1 : i32
    %mul3A_1 = arith.constant 32 : i32
    %mul3A_2 = arith.muli %add3A, %mul3A_1 : i32
    "tpu.region"() ({
      %run_scoped3A = tpu.sem_alloc : memref<!tpu.dma_semaphore, #tpu.memory_space<semaphore_mem>>
      %dma_start3A_7 = tpu.memref_slice %arg2[%mul3A_2] : memref<1024xi32, #tpu.memory_space<hbm>> -> memref<32xi32, #tpu.memory_space<hbm>>
      %dma_start3A_8 = tpu.memref_slice %arg2[%mul3A_2] : memref<1024xi32, #tpu.memory_space<hbm>> -> memref<32xi32, #tpu.memory_space<hbm>>
      tpu.enqueue_dma source(%dma_start3A_8 : memref<32xi32, #tpu.memory_space<hbm>>) target(%arg5 : memref<32xi32, #tpu.memory_space<vmem>>) target_semaphore(%run_scoped3A : memref<!tpu.dma_semaphore, #tpu.memory_space<semaphore_mem>>)
      %dma_wait3A_9 = tpu.memref_slice %arg2[%mul3A_2] : memref<1024xi32, #tpu.memory_space<hbm>> -> memref<32xi32, #tpu.memory_space<hbm>>
      %dma_wait3A_10 = tpu.memref_slice %arg2[%mul3A_2] : memref<1024xi32, #tpu.memory_space<hbm>> -> memref<32xi32, #tpu.memory_space<hbm>>
      tpu.wait_dma2 semaphore(%run_scoped3A : memref<!tpu.dma_semaphore, #tpu.memory_space<semaphore_mem>>) src(%dma_wait3A_10 : memref<32xi32, #tpu.memory_space<hbm>>) dst(%arg5 : memref<32xi32, #tpu.memory_space<vmem>>)
      tpu.yield
    }) : () -> ()
    %dma_start3A = arith.constant 0 : i32
    %dma_start3A_3 = arith.constant 0 : i32
    %dma_start3A_4 = tpu.memref_slice %arg3[%dma_start3A, %dma_start3A_3] : memref<100000x32xf32, #tpu.memory_space<hbm>> -> memref<100000x32xf32, #tpu.memory_space<hbm>>
    tpu.enqueue_indirect_dma source(%dma_start3A_4 : memref<100000x32xf32, #tpu.memory_space<hbm>>) target(%arg6 : memref<32x32xf32, #tpu.memory_space<vmem>>) offsets(%arg5 : memref<32xi32, #tpu.memory_space<vmem>>) semaphore(%arg7 : memref<!tpu.dma_semaphore, #tpu.memory_space<semaphore_mem>>)
    %dma_wait3A = arith.constant 0 : i32
    %dma_wait3A_5 = arith.constant 0 : i32
    %dma_wait3A_6 = tpu.memref_slice %arg3[%dma_wait3A, %dma_wait3A_5] : memref<100000x32xf32, #tpu.memory_space<hbm>> -> memref<100000x32xf32, #tpu.memory_space<hbm>>
    tpu.wait_indirect_dma semaphore(%arg7 : memref<!tpu.dma_semaphore, #tpu.memory_space<semaphore_mem>>) src(%dma_wait3A_6 : memref<100000x32xf32, #tpu.memory_space<hbm>>) dst(%arg6 : memref<32x32xf32, #tpu.memory_space<vmem>>)
    "tpu.region"() ({
      %run_scoped3A = tpu.sem_alloc : memref<!tpu.dma_semaphore, #tpu.memory_space<semaphore_mem>>
      %dma_start3A_7 = arith.constant 0 : i32
      %dma_start3A_8 = tpu.memref_slice %arg4[%mul3A_2, %dma_start3A_7] : memref<1024x32xf32, #tpu.memory_space<hbm>> -> memref<32x32xf32, #tpu.memory_space<hbm>>
      %dma_start3A_9 = arith.constant 0 : i32
      %dma_start3A_10 = tpu.memref_slice %arg4[%mul3A_2, %dma_start3A_9] : memref<1024x32xf32, #tpu.memory_space<hbm>> -> memref<32x32xf32, #tpu.memory_space<hbm>>
      tpu.enqueue_dma source(%arg6 : memref<32x32xf32, #tpu.memory_space<vmem>>) target(%dma_start3A_10 : memref<32x32xf32, #tpu.memory_space<hbm>>) target_semaphore(%run_scoped3A : memref<!tpu.dma_semaphore, #tpu.memory_space<semaphore_mem>>)
      %dma_wait3A_11 = arith.constant 0 : i32
      %dma_wait3A_12 = tpu.memref_slice %arg4[%mul3A_2, %dma_wait3A_11] : memref<1024x32xf32, #tpu.memory_space<hbm>> -> memref<32x32xf32, #tpu.memory_space<hbm>>
      %dma_wait3A_13 = arith.constant 0 : i32
      %dma_wait3A_14 = tpu.memref_slice %arg4[%mul3A_2, %dma_wait3A_13] : memref<1024x32xf32, #tpu.memory_space<hbm>> -> memref<32x32xf32, #tpu.memory_space<hbm>>
      tpu.wait_dma2 semaphore(%run_scoped3A : memref<!tpu.dma_semaphore, #tpu.memory_space<semaphore_mem>>) src(%arg6 : memref<32x32xf32, #tpu.memory_space<vmem>>) dst(%dma_wait3A_14 : memref<32x32xf32, #tpu.memory_space<hbm>>)
      tpu.yield
    }) : () -> ()
    return
  }
}

#map = affine_map<(d0, d1) -> (0)>
#map1 = affine_map<(d0, d1) -> (0, 0)>
module attributes {stable_mosaic.version = 14 : i64} {
  func.func @_sc_gather_sum(%arg0: i32, %arg1: i32, %arg2: memref<20480xi32, #tpu.memory_space<hbm>>, %arg3: memref<100000x32xf32, #tpu.memory_space<hbm>>, %arg4: memref<1024x32xf32, #tpu.memory_space<hbm>>, %arg5: memref<640xi32, #tpu.memory_space<vmem>>, %arg6: memref<5x128xi32, #tpu.memory_space<vmem>>, %arg7: memref<640x32xf32, #tpu.memory_space<vmem>>, %arg8: memref<32x32xf32, #tpu.memory_space<vmem>>, %arg9: memref<32x32xf32, #tpu.memory_space<vmem>>, %arg10: memref<520x32xf32, #tpu.memory_space<vmem_shared>>, %arg11: memref<!tpu.dma_semaphore, #tpu.memory_space<semaphore_mem>>) attributes {dimension_semantics = [#tpu.dimension_semantics<core_parallel>, #tpu.dimension_semantics<subcore_parallel>], iteration_bounds = array<i64: 2, 16>, scalar_prefetch = 0 : i64, scratch_operands = 7 : i64, tpu.core_type = #tpu.core_type<sc_vector_subcore>, window_params = [{transform_indices = #map}, {transform_indices = #map1}, {transform_indices = #map1}]} {
    %mul3A = arith.constant 16 : i32
    %mul3A_0 = arith.muli %arg0, %mul3A : i32
    %add3A = arith.addi %mul3A_0, %arg1 : i32
    %mul3A_1 = arith.constant 32 : i32
    %mul3A_2 = arith.muli %add3A, %mul3A_1 : i32
    %mul3A_3 = arith.constant 20 : i32
    %mul3A_4 = arith.muli %mul3A_2, %mul3A_3 : i32
    "tpu.region"() ({
      %run_scoped3A_2364 = tpu.sem_alloc : memref<!tpu.dma_semaphore, #tpu.memory_space<semaphore_mem>>
      %dma_start3A_2365 = tpu.memref_slice %arg2[%mul3A_4] : memref<20480xi32, #tpu.memory_space<hbm>> -> memref<640xi32, #tpu.memory_space<hbm>>
      %dma_start3A_2366 = tpu.memref_slice %arg2[%mul3A_4] : memref<20480xi32, #tpu.memory_space<hbm>> -> memref<640xi32, #tpu.memory_space<hbm>>
      tpu.enqueue_dma source(%dma_start3A_2366 : memref<640xi32, #tpu.memory_space<hbm>>) target(%arg5 : memref<640xi32, #tpu.memory_space<vmem>>) target_semaphore(%run_scoped3A_2364 : memref<!tpu.dma_semaphore, #tpu.memory_space<semaphore_mem>>)
      %dma_wait3A_2367 = tpu.memref_slice %arg2[%mul3A_4] : memref<20480xi32, #tpu.memory_space<hbm>> -> memref<640xi32, #tpu.memory_space<hbm>>
      %dma_wait3A_2368 = tpu.memref_slice %arg2[%mul3A_4] : memref<20480xi32, #tpu.memory_space<hbm>> -> memref<640xi32, #tpu.memory_space<hbm>>
      tpu.wait_dma2 semaphore(%run_scoped3A_2364 : memref<!tpu.dma_semaphore, #tpu.memory_space<semaphore_mem>>) src(%dma_wait3A_2368 : memref<640xi32, #tpu.memory_space<hbm>>) dst(%arg5 : memref<640xi32, #tpu.memory_space<vmem>>)
      tpu.yield
    }) : () -> ()
    %dma_start3A = arith.constant 0 : i32
    %dma_start3A_5 = arith.constant 0 : i32
    %dma_start3A_6 = tpu.memref_slice %arg7[%dma_start3A, %dma_start3A_5] : memref<640x32xf32, #tpu.memory_space<vmem>> -> memref<128x32xf32, #tpu.memory_space<vmem>>
    %dma_start3A_7 = arith.constant 0 : i32
    %dma_start3A_8 = tpu.memref_slice %arg5[%dma_start3A_7] : memref<640xi32, #tpu.memory_space<vmem>> -> memref<128xi32, #tpu.memory_space<vmem>>
    %dma_start3A_9 = arith.constant 0 : i32
    %dma_start3A_10 = arith.constant 0 : i32
    %dma_start3A_11 = tpu.memref_slice %arg3[%dma_start3A_9, %dma_start3A_10] : memref<100000x32xf32, #tpu.memory_space<hbm>> -> memref<100000x32xf32, #tpu.memory_space<hbm>>
    tpu.enqueue_indirect_dma source(%dma_start3A_11 : memref<100000x32xf32, #tpu.memory_space<hbm>>) target(%dma_start3A_6 : memref<128x32xf32, #tpu.memory_space<vmem>>) offsets(%dma_start3A_8 : memref<128xi32, #tpu.memory_space<vmem>>) semaphore(%arg11 : memref<!tpu.dma_semaphore, #tpu.memory_space<semaphore_mem>>)
    %dma_start3A_12 = arith.constant 128 : i32
    %dma_start3A_13 = arith.constant 0 : i32
    %dma_start3A_14 = tpu.memref_slice %arg7[%dma_start3A_12, %dma_start3A_13] : memref<640x32xf32, #tpu.memory_space<vmem>> -> memref<128x32xf32, #tpu.memory_space<vmem>>
    %dma_start3A_15 = arith.constant 128 : i32
    %dma_start3A_16 = tpu.memref_slice %arg5[%dma_start3A_15] : memref<640xi32, #tpu.memory_space<vmem>> -> memref<128xi32, #tpu.memory_space<vmem>>
    %dma_start3A_17 = arith.constant 0 : i32
    %dma_start3A_18 = arith.constant 0 : i32
    %dma_start3A_19 = tpu.memref_slice %arg3[%dma_start3A_17, %dma_start3A_18] : memref<100000x32xf32, #tpu.memory_space<hbm>> -> memref<100000x32xf32, #tpu.memory_space<hbm>>
    tpu.enqueue_indirect_dma source(%dma_start3A_19 : memref<100000x32xf32, #tpu.memory_space<hbm>>) target(%dma_start3A_14 : memref<128x32xf32, #tpu.memory_space<vmem>>) offsets(%dma_start3A_16 : memref<128xi32, #tpu.memory_space<vmem>>) semaphore(%arg11 : memref<!tpu.dma_semaphore, #tpu.memory_space<semaphore_mem>>)
    %dma_start3A_20 = arith.constant 256 : i32
    %dma_start3A_21 = arith.constant 0 : i32
    %dma_start3A_22 = tpu.memref_slice %arg7[%dma_start3A_20, %dma_start3A_21] : memref<640x32xf32, #tpu.memory_space<vmem>> -> memref<128x32xf32, #tpu.memory_space<vmem>>
    %dma_start3A_23 = arith.constant 256 : i32
    %dma_start3A_24 = tpu.memref_slice %arg5[%dma_start3A_23] : memref<640xi32, #tpu.memory_space<vmem>> -> memref<128xi32, #tpu.memory_space<vmem>>
    %dma_start3A_25 = arith.constant 0 : i32
    %dma_start3A_26 = arith.constant 0 : i32
    %dma_start3A_27 = tpu.memref_slice %arg3[%dma_start3A_25, %dma_start3A_26] : memref<100000x32xf32, #tpu.memory_space<hbm>> -> memref<100000x32xf32, #tpu.memory_space<hbm>>
    tpu.enqueue_indirect_dma source(%dma_start3A_27 : memref<100000x32xf32, #tpu.memory_space<hbm>>) target(%dma_start3A_22 : memref<128x32xf32, #tpu.memory_space<vmem>>) offsets(%dma_start3A_24 : memref<128xi32, #tpu.memory_space<vmem>>) semaphore(%arg11 : memref<!tpu.dma_semaphore, #tpu.memory_space<semaphore_mem>>)
    %dma_start3A_28 = arith.constant 384 : i32
    %dma_start3A_29 = arith.constant 0 : i32
    %dma_start3A_30 = tpu.memref_slice %arg7[%dma_start3A_28, %dma_start3A_29] : memref<640x32xf32, #tpu.memory_space<vmem>> -> memref<128x32xf32, #tpu.memory_space<vmem>>
    %dma_start3A_31 = arith.constant 384 : i32
    %dma_start3A_32 = tpu.memref_slice %arg5[%dma_start3A_31] : memref<640xi32, #tpu.memory_space<vmem>> -> memref<128xi32, #tpu.memory_space<vmem>>
    %dma_start3A_33 = arith.constant 0 : i32
    %dma_start3A_34 = arith.constant 0 : i32
    %dma_start3A_35 = tpu.memref_slice %arg3[%dma_start3A_33, %dma_start3A_34] : memref<100000x32xf32, #tpu.memory_space<hbm>> -> memref<100000x32xf32, #tpu.memory_space<hbm>>
    tpu.enqueue_indirect_dma source(%dma_start3A_35 : memref<100000x32xf32, #tpu.memory_space<hbm>>) target(%dma_start3A_30 : memref<128x32xf32, #tpu.memory_space<vmem>>) offsets(%dma_start3A_32 : memref<128xi32, #tpu.memory_space<vmem>>) semaphore(%arg11 : memref<!tpu.dma_semaphore, #tpu.memory_space<semaphore_mem>>)
    %dma_start3A_36 = arith.constant 512 : i32
    %dma_start3A_37 = arith.constant 0 : i32
    %dma_start3A_38 = tpu.memref_slice %arg7[%dma_start3A_36, %dma_start3A_37] : memref<640x32xf32, #tpu.memory_space<vmem>> -> memref<128x32xf32, #tpu.memory_space<vmem>>
    %dma_start3A_39 = arith.constant 512 : i32
    %dma_start3A_40 = tpu.memref_slice %arg5[%dma_start3A_39] : memref<640xi32, #tpu.memory_space<vmem>> -> memref<128xi32, #tpu.memory_space<vmem>>
    %dma_start3A_41 = arith.constant 0 : i32
    %dma_start3A_42 = arith.constant 0 : i32
    %dma_start3A_43 = tpu.memref_slice %arg3[%dma_start3A_41, %dma_start3A_42] : memref<100000x32xf32, #tpu.memory_space<hbm>> -> memref<100000x32xf32, #tpu.memory_space<hbm>>
    tpu.enqueue_indirect_dma source(%dma_start3A_43 : memref<100000x32xf32, #tpu.memory_space<hbm>>) target(%dma_start3A_38 : memref<128x32xf32, #tpu.memory_space<vmem>>) offsets(%dma_start3A_40 : memref<128xi32, #tpu.memory_space<vmem>>) semaphore(%arg11 : memref<!tpu.dma_semaphore, #tpu.memory_space<semaphore_mem>>)
    %broadcast_in_dim3A = arith.constant 0 : i32
    %broadcast_in_dim3A_44 = vector.broadcast %broadcast_in_dim3A : i32 to vector<16xi32>
    %add3A_45 = arith.constant 0 : i32
    %add3A_46 = arith.addi %mul3A_4, %add3A_45 : i32
    %broadcast_in_dim3A_47 = vector.broadcast %add3A_46 : i32 to vector<16xi32>
    %iota3A = tpu.iota {dimensions = array<i32: 0>} : vector<16xi32>
    %add3A_48 = arith.addi %broadcast_in_dim3A_47, %iota3A : vector<16xi32>
    %mul3A_49 = arith.constant 52429 : i32
    %mul3A_50 = vector.broadcast %mul3A_49 : i32 to vector<16xi32>
    %mul3A_51 = arith.muli %add3A_48, %mul3A_50 : vector<16xi32>
    %shift_right_logical3A = arith.constant 20 : i32
    %shift_right_logical3A_52 = vector.broadcast %shift_right_logical3A : i32 to vector<16xi32>
    %shift_right_logical3A_53 = arith.shrui %mul3A_51, %shift_right_logical3A_52 : vector<16xi32>
    %mul3A_54 = arith.constant 512 : i32
    %mul3A_55 = arith.muli %arg0, %mul3A_54 : i32
    %sub3A = vector.broadcast %mul3A_55 : i32 to vector<16xi32>
    %sub3A_56 = arith.subi %shift_right_logical3A_53, %sub3A : vector<16xi32>
    %get3A = arith.constant 0 : index
    %get3A_57 = tpu.vector_load %arg5[%get3A] {strides = array<i32>} : memref<640xi32, #tpu.memory_space<vmem>>, vector<16xi32>,
    %get3A_58 = vector.shape_cast %get3A_57 : vector<16xi32> to vector<16xi32>
    %ne3A = arith.cmpi ne, %get3A_58, %broadcast_in_dim3A_44 : vector<16xi32>
    %broadcast_in_dim3A_59 = arith.constant 512 : i32
    %broadcast_in_dim3A_60 = vector.broadcast %broadcast_in_dim3A_59 : i32 to vector<16xi32>
    %select_n3A = arith.select %ne3A, %sub3A_56, %broadcast_in_dim3A_60 : vector<16xi1>, vector<16xi32>
    %swap3A = arith.constant 0 : i32
    %swap3A_61 = arith.index_cast %swap3A : i32 to index
    %swap3A_62 = arith.constant 0 : index
    %swap3A_63 = tpu.vector_load %arg6[%swap3A_61, %swap3A_62] {strides = array<i32>} : memref<5x128xi32, #tpu.memory_space<vmem>>, vector<1x16xi32>,
    %swap3A_64 = vector.shape_cast %swap3A_63 : vector<1x16xi32> to vector<16xi32>
    %swap3A_65 = vector.shape_cast %select_n3A : vector<16xi32> to vector<1x16xi32>
    tpu.vector_store %arg6[%swap3A_61, %swap3A_62], %swap3A_65 {strides = array<i32>} : memref<5x128xi32, #tpu.memory_space<vmem>>, vector<1x16xi32>,
    %add3A_66 = arith.constant 16 : i32
    %add3A_67 = arith.addi %mul3A_4, %add3A_66 : i32
    %broadcast_in_dim3A_68 = vector.broadcast %add3A_67 : i32 to vector<16xi32>
    %iota3A_69 = tpu.iota {dimensions = array<i32: 0>} : vector<16xi32>
    %add3A_70 = arith.addi %broadcast_in_dim3A_68, %iota3A_69 : vector<16xi32>
    %mul3A_71 = arith.constant 52429 : i32
    %mul3A_72 = vector.broadcast %mul3A_71 : i32 to vector<16xi32>
    %mul3A_73 = arith.muli %add3A_70, %mul3A_72 : vector<16xi32>
    %shift_right_logical3A_74 = arith.constant 20 : i32
    %shift_right_logical3A_75 = vector.broadcast %shift_right_logical3A_74 : i32 to vector<16xi32>
    %shift_right_logical3A_76 = arith.shrui %mul3A_73, %shift_right_logical3A_75 : vector<16xi32>
    %mul3A_77 = arith.constant 512 : i32
    %mul3A_78 = arith.muli %arg0, %mul3A_77 : i32
    %sub3A_79 = vector.broadcast %mul3A_78 : i32 to vector<16xi32>
    %sub3A_80 = arith.subi %shift_right_logical3A_76, %sub3A_79 : vector<16xi32>
    %get3A_81 = arith.constant 16 : index
    %get3A_82 = tpu.vector_load %arg5[%get3A_81] {strides = array<i32>} : memref<640xi32, #tpu.memory_space<vmem>>, vector<16xi32>,
    %get3A_83 = vector.shape_cast %get3A_82 : vector<16xi32> to vector<16xi32>
    %ne3A_84 = arith.cmpi ne, %get3A_83, %broadcast_in_dim3A_44 : vector<16xi32>
    %broadcast_in_dim3A_85 = arith.constant 512 : i32
    %broadcast_in_dim3A_86 = vector.broadcast %broadcast_in_dim3A_85 : i32 to vector<16xi32>
    %select_n3A_87 = arith.select %ne3A_84, %sub3A_80, %broadcast_in_dim3A_86 : vector<16xi1>, vector<16xi32>
    %swap3A_88 = arith.constant 0 : i32
    %swap3A_89 = arith.index_cast %swap3A_88 : i32 to index
    %swap3A_90 = arith.constant 16 : index
    %swap3A_91 = tpu.vector_load %arg6[%swap3A_89, %swap3A_90] {strides = array<i32>} : memref<5x128xi32, #tpu.memory_space<vmem>>, vector<1x16xi32>,
    %swap3A_92 = vector.shape_cast %swap3A_91 : vector<1x16xi32> to vector<16xi32>
    %swap3A_93 = vector.shape_cast %select_n3A_87 : vector<16xi32> to vector<1x16xi32>
    tpu.vector_store %arg6[%swap3A_89, %swap3A_90], %swap3A_93 {strides = array<i32>} : memref<5x128xi32, #tpu.memory_space<vmem>>, vector<1x16xi32>,
    %add3A_94 = arith.constant 32 : i32
    %add3A_95 = arith.addi %mul3A_4, %add3A_94 : i32
    %broadcast_in_dim3A_96 = vector.broadcast %add3A_95 : i32 to vector<16xi32>
    %iota3A_97 = tpu.iota {dimensions = array<i32: 0>} : vector<16xi32>
    %add3A_98 = arith.addi %broadcast_in_dim3A_96, %iota3A_97 : vector<16xi32>
    %mul3A_99 = arith.constant 52429 : i32
    %mul3A_100 = vector.broadcast %mul3A_99 : i32 to vector<16xi32>
    %mul3A_101 = arith.muli %add3A_98, %mul3A_100 : vector<16xi32>
    %shift_right_logical3A_102 = arith.constant 20 : i32
    %shift_right_logical3A_103 = vector.broadcast %shift_right_logical3A_102 : i32 to vector<16xi32>
    %shift_right_logical3A_104 = arith.shrui %mul3A_101, %shift_right_logical3A_103 : vector<16xi32>
    %mul3A_105 = arith.constant 512 : i32
    %mul3A_106 = arith.muli %arg0, %mul3A_105 : i32
    %sub3A_107 = vector.broadcast %mul3A_106 : i32 to vector<16xi32>
    %sub3A_108 = arith.subi %shift_right_logical3A_104, %sub3A_107 : vector<16xi32>
    %get3A_109 = arith.constant 32 : index
    %get3A_110 = tpu.vector_load %arg5[%get3A_109] {strides = array<i32>} : memref<640xi32, #tpu.memory_space<vmem>>, vector<16xi32>,
    %get3A_111 = vector.shape_cast %get3A_110 : vector<16xi32> to vector<16xi32>
    %ne3A_112 = arith.cmpi ne, %get3A_111, %broadcast_in_dim3A_44 : vector<16xi32>
    %broadcast_in_dim3A_113 = arith.constant 512 : i32
    %broadcast_in_dim3A_114 = vector.broadcast %broadcast_in_dim3A_113 : i32 to vector<16xi32>
    %select_n3A_115 = arith.select %ne3A_112, %sub3A_108, %broadcast_in_dim3A_114 : vector<16xi1>, vector<16xi32>
    %swap3A_116 = arith.constant 0 : i32
    %swap3A_117 = arith.index_cast %swap3A_116 : i32 to index
    %swap3A_118 = arith.constant 32 : index
    %swap3A_119 = tpu.vector_load %arg6[%swap3A_117, %swap3A_118] {strides = array<i32>} : memref<5x128xi32, #tpu.memory_space<vmem>>, vector<1x16xi32>,
    %swap3A_120 = vector.shape_cast %swap3A_119 : vector<1x16xi32> to vector<16xi32>
    %swap3A_121 = vector.shape_cast %select_n3A_115 : vector<16xi32> to vector<1x16xi32>
    tpu.vector_store %arg6[%swap3A_117, %swap3A_118], %swap3A_121 {strides = array<i32>} : memref<5x128xi32, #tpu.memory_space<vmem>>, vector<1x16xi32>,
    %add3A_122 = arith.constant 48 : i32
    %add3A_123 = arith.addi %mul3A_4, %add3A_122 : i32
    %broadcast_in_dim3A_124 = vector.broadcast %add3A_123 : i32 to vector<16xi32>
    %iota3A_125 = tpu.iota {dimensions = array<i32: 0>} : vector<16xi32>
    %add3A_126 = arith.addi %broadcast_in_dim3A_124, %iota3A_125 : vector<16xi32>
    %mul3A_127 = arith.constant 52429 : i32
    %mul3A_128 = vector.broadcast %mul3A_127 : i32 to vector<16xi32>
    %mul3A_129 = arith.muli %add3A_126, %mul3A_128 : vector<16xi32>
    %shift_right_logical3A_130 = arith.constant 20 : i32
    %shift_right_logical3A_131 = vector.broadcast %shift_right_logical3A_130 : i32 to vector<16xi32>
    %shift_right_logical3A_132 = arith.shrui %mul3A_129, %shift_right_logical3A_131 : vector<16xi32>
    %mul3A_133 = arith.constant 512 : i32
    %mul3A_134 = arith.muli %arg0, %mul3A_133 : i32
    %sub3A_135 = vector.broadcast %mul3A_134 : i32 to vector<16xi32>
    %sub3A_136 = arith.subi %shift_right_logical3A_132, %sub3A_135 : vector<16xi32>
    %get3A_137 = arith.constant 48 : index
    %get3A_138 = tpu.vector_load %arg5[%get3A_137] {strides = array<i32>} : memref<640xi32, #tpu.memory_space<vmem>>, vector<16xi32>,
    %get3A_139 = vector.shape_cast %get3A_138 : vector<16xi32> to vector<16xi32>
    %ne3A_140 = arith.cmpi ne, %get3A_139, %broadcast_in_dim3A_44 : vector<16xi32>
    %broadcast_in_dim3A_141 = arith.constant 512 : i32
    %broadcast_in_dim3A_142 = vector.broadcast %broadcast_in_dim3A_141 : i32 to vector<16xi32>
    %select_n3A_143 = arith.select %ne3A_140, %sub3A_136, %broadcast_in_dim3A_142 : vector<16xi1>, vector<16xi32>
    %swap3A_144 = arith.constant 0 : i32
    %swap3A_145 = arith.index_cast %swap3A_144 : i32 to index
    %swap3A_146 = arith.constant 48 : index
    %swap3A_147 = tpu.vector_load %arg6[%swap3A_145, %swap3A_146] {strides = array<i32>} : memref<5x128xi32, #tpu.memory_space<vmem>>, vector<1x16xi32>,
    %swap3A_148 = vector.shape_cast %swap3A_147 : vector<1x16xi32> to vector<16xi32>
    %swap3A_149 = vector.shape_cast %select_n3A_143 : vector<16xi32> to vector<1x16xi32>
    tpu.vector_store %arg6[%swap3A_145, %swap3A_146], %swap3A_149 {strides = array<i32>} : memref<5x128xi32, #tpu.memory_space<vmem>>, vector<1x16xi32>,
    %add3A_150 = arith.constant 64 : i32
    %add3A_151 = arith.addi %mul3A_4, %add3A_150 : i32
    %broadcast_in_dim3A_152 = vector.broadcast %add3A_151 : i32 to vector<16xi32>
    %iota3A_153 = tpu.iota {dimensions = array<i32: 0>} : vector<16xi32>
    %add3A_154 = arith.addi %broadcast_in_dim3A_152, %iota3A_153 : vector<16xi32>
    %mul3A_155 = arith.constant 52429 : i32
    %mul3A_156 = vector.broadcast %mul3A_155 : i32 to vector<16xi32>
    %mul3A_157 = arith.muli %add3A_154, %mul3A_156 : vector<16xi32>
    %shift_right_logical3A_158 = arith.constant 20 : i32
    %shift_right_logical3A_159 = vector.broadcast %shift_right_logical3A_158 : i32 to vector<16xi32>
    %shift_right_logical3A_160 = arith.shrui %mul3A_157, %shift_right_logical3A_159 : vector<16xi32>
    %mul3A_161 = arith.constant 512 : i32
    %mul3A_162 = arith.muli %arg0, %mul3A_161 : i32
    %sub3A_163 = vector.broadcast %mul3A_162 : i32 to vector<16xi32>
    %sub3A_164 = arith.subi %shift_right_logical3A_160, %sub3A_163 : vector<16xi32>
    %get3A_165 = arith.constant 64 : index
    %get3A_166 = tpu.vector_load %arg5[%get3A_165] {strides = array<i32>} : memref<640xi32, #tpu.memory_space<vmem>>, vector<16xi32>,
    %get3A_167 = vector.shape_cast %get3A_166 : vector<16xi32> to vector<16xi32>
    %ne3A_168 = arith.cmpi ne, %get3A_167, %broadcast_in_dim3A_44 : vector<16xi32>
    %broadcast_in_dim3A_169 = arith.constant 512 : i32
    %broadcast_in_dim3A_170 = vector.broadcast %broadcast_in_dim3A_169 : i32 to vector<16xi32>
    %select_n3A_171 = arith.select %ne3A_168, %sub3A_164, %broadcast_in_dim3A_170 : vector<16xi1>, vector<16xi32>
    %swap3A_172 = arith.constant 0 : i32
    %swap3A_173 = arith.index_cast %swap3A_172 : i32 to index
    %swap3A_174 = arith.constant 64 : index
    %swap3A_175 = tpu.vector_load %arg6[%swap3A_173, %swap3A_174] {strides = array<i32>} : memref<5x128xi32, #tpu.memory_space<vmem>>, vector<1x16xi32>,
    %swap3A_176 = vector.shape_cast %swap3A_175 : vector<1x16xi32> to vector<16xi32>
    %swap3A_177 = vector.shape_cast %select_n3A_171 : vector<16xi32> to vector<1x16xi32>
    tpu.vector_store %arg6[%swap3A_173, %swap3A_174], %swap3A_177 {strides = array<i32>} : memref<5x128xi32, #tpu.memory_space<vmem>>, vector<1x16xi32>,
    %add3A_178 = arith.constant 80 : i32
    %add3A_179 = arith.addi %mul3A_4, %add3A_178 : i32
    %broadcast_in_dim3A_180 = vector.broadcast %add3A_179 : i32 to vector<16xi32>
    %iota3A_181 = tpu.iota {dimensions = array<i32: 0>} : vector<16xi32>
    %add3A_182 = arith.addi %broadcast_in_dim3A_180, %iota3A_181 : vector<16xi32>
    %mul3A_183 = arith.constant 52429 : i32
    %mul3A_184 = vector.broadcast %mul3A_183 : i32 to vector<16xi32>
    %mul3A_185 = arith.muli %add3A_182, %mul3A_184 : vector<16xi32>
    %shift_right_logical3A_186 = arith.constant 20 : i32
    %shift_right_logical3A_187 = vector.broadcast %shift_right_logical3A_186 : i32 to vector<16xi32>
    %shift_right_logical3A_188 = arith.shrui %mul3A_185, %shift_right_logical3A_187 : vector<16xi32>
    %mul3A_189 = arith.constant 512 : i32
    %mul3A_190 = arith.muli %arg0, %mul3A_189 : i32
    %sub3A_191 = vector.broadcast %mul3A_190 : i32 to vector<16xi32>
    %sub3A_192 = arith.subi %shift_right_logical3A_188, %sub3A_191 : vector<16xi32>
    %get3A_193 = arith.constant 80 : index
    %get3A_194 = tpu.vector_load %arg5[%get3A_193] {strides = array<i32>} : memref<640xi32, #tpu.memory_space<vmem>>, vector<16xi32>,
    %get3A_195 = vector.shape_cast %get3A_194 : vector<16xi32> to vector<16xi32>
    %ne3A_196 = arith.cmpi ne, %get3A_195, %broadcast_in_dim3A_44 : vector<16xi32>
    %broadcast_in_dim3A_197 = arith.constant 512 : i32
    %broadcast_in_dim3A_198 = vector.broadcast %broadcast_in_dim3A_197 : i32 to vector<16xi32>
    %select_n3A_199 = arith.select %ne3A_196, %sub3A_192, %broadcast_in_dim3A_198 : vector<16xi1>, vector<16xi32>
    %swap3A_200 = arith.constant 0 : i32
    %swap3A_201 = arith.index_cast %swap3A_200 : i32 to index
    %swap3A_202 = arith.constant 80 : index
    %swap3A_203 = tpu.vector_load %arg6[%swap3A_201, %swap3A_202] {strides = array<i32>} : memref<5x128xi32, #tpu.memory_space<vmem>>, vector<1x16xi32>,
    %swap3A_204 = vector.shape_cast %swap3A_203 : vector<1x16xi32> to vector<16xi32>
    %swap3A_205 = vector.shape_cast %select_n3A_199 : vector<16xi32> to vector<1x16xi32>
    tpu.vector_store %arg6[%swap3A_201, %swap3A_202], %swap3A_205 {strides = array<i32>} : memref<5x128xi32, #tpu.memory_space<vmem>>, vector<1x16xi32>,
    %add3A_206 = arith.constant 96 : i32
    %add3A_207 = arith.addi %mul3A_4, %add3A_206 : i32
    %broadcast_in_dim3A_208 = vector.broadcast %add3A_207 : i32 to vector<16xi32>
    %iota3A_209 = tpu.iota {dimensions = array<i32: 0>} : vector<16xi32>
    %add3A_210 = arith.addi %broadcast_in_dim3A_208, %iota3A_209 : vector<16xi32>
    %mul3A_211 = arith.constant 52429 : i32
    %mul3A_212 = vector.broadcast %mul3A_211 : i32 to vector<16xi32>
    %mul3A_213 = arith.muli %add3A_210, %mul3A_212 : vector<16xi32>
    %shift_right_logical3A_214 = arith.constant 20 : i32
    %shift_right_logical3A_215 = vector.broadcast %shift_right_logical3A_214 : i32 to vector<16xi32>
    %shift_right_logical3A_216 = arith.shrui %mul3A_213, %shift_right_logical3A_215 : vector<16xi32>
    %mul3A_217 = arith.constant 512 : i32
    %mul3A_218 = arith.muli %arg0, %mul3A_217 : i32
    %sub3A_219 = vector.broadcast %mul3A_218 : i32 to vector<16xi32>
    %sub3A_220 = arith.subi %shift_right_logical3A_216, %sub3A_219 : vector<16xi32>
    %get3A_221 = arith.constant 96 : index
    %get3A_222 = tpu.vector_load %arg5[%get3A_221] {strides = array<i32>} : memref<640xi32, #tpu.memory_space<vmem>>, vector<16xi32>,
    %get3A_223 = vector.shape_cast %get3A_222 : vector<16xi32> to vector<16xi32>
    %ne3A_224 = arith.cmpi ne, %get3A_223, %broadcast_in_dim3A_44 : vector<16xi32>
    %broadcast_in_dim3A_225 = arith.constant 512 : i32
    %broadcast_in_dim3A_226 = vector.broadcast %broadcast_in_dim3A_225 : i32 to vector<16xi32>
    %select_n3A_227 = arith.select %ne3A_224, %sub3A_220, %broadcast_in_dim3A_226 : vector<16xi1>, vector<16xi32>
    %swap3A_228 = arith.constant 0 : i32
    %swap3A_229 = arith.index_cast %swap3A_228 : i32 to index
    %swap3A_230 = arith.constant 96 : index
    %swap3A_231 = tpu.vector_load %arg6[%swap3A_229, %swap3A_230] {strides = array<i32>} : memref<5x128xi32, #tpu.memory_space<vmem>>, vector<1x16xi32>,
    %swap3A_232 = vector.shape_cast %swap3A_231 : vector<1x16xi32> to vector<16xi32>
    %swap3A_233 = vector.shape_cast %select_n3A_227 : vector<16xi32> to vector<1x16xi32>
    tpu.vector_store %arg6[%swap3A_229, %swap3A_230], %swap3A_233 {strides = array<i32>} : memref<5x128xi32, #tpu.memory_space<vmem>>, vector<1x16xi32>,
    %add3A_234 = arith.constant 112 : i32
    %add3A_235 = arith.addi %mul3A_4, %add3A_234 : i32
    %broadcast_in_dim3A_236 = vector.broadcast %add3A_235 : i32 to vector<16xi32>
    %iota3A_237 = tpu.iota {dimensions = array<i32: 0>} : vector<16xi32>
    %add3A_238 = arith.addi %broadcast_in_dim3A_236, %iota3A_237 : vector<16xi32>
    %mul3A_239 = arith.constant 52429 : i32
    %mul3A_240 = vector.broadcast %mul3A_239 : i32 to vector<16xi32>
    %mul3A_241 = arith.muli %add3A_238, %mul3A_240 : vector<16xi32>
    %shift_right_logical3A_242 = arith.constant 20 : i32
    %shift_right_logical3A_243 = vector.broadcast %shift_right_logical3A_242 : i32 to vector<16xi32>
    %shift_right_logical3A_244 = arith.shrui %mul3A_241, %shift_right_logical3A_243 : vector<16xi32>
    %mul3A_245 = arith.constant 512 : i32
    %mul3A_246 = arith.muli %arg0, %mul3A_245 : i32
    %sub3A_247 = vector.broadcast %mul3A_246 : i32 to vector<16xi32>
    %sub3A_248 = arith.subi %shift_right_logical3A_244, %sub3A_247 : vector<16xi32>
    %get3A_249 = arith.constant 112 : index
    %get3A_250 = tpu.vector_load %arg5[%get3A_249] {strides = array<i32>} : memref<640xi32, #tpu.memory_space<vmem>>, vector<16xi32>,
    %get3A_251 = vector.shape_cast %get3A_250 : vector<16xi32> to vector<16xi32>
    %ne3A_252 = arith.cmpi ne, %get3A_251, %broadcast_in_dim3A_44 : vector<16xi32>
    %broadcast_in_dim3A_253 = arith.constant 512 : i32
    %broadcast_in_dim3A_254 = vector.broadcast %broadcast_in_dim3A_253 : i32 to vector<16xi32>
    %select_n3A_255 = arith.select %ne3A_252, %sub3A_248, %broadcast_in_dim3A_254 : vector<16xi1>, vector<16xi32>
    %swap3A_256 = arith.constant 0 : i32
    %swap3A_257 = arith.index_cast %swap3A_256 : i32 to index
    %swap3A_258 = arith.constant 112 : index
    %swap3A_259 = tpu.vector_load %arg6[%swap3A_257, %swap3A_258] {strides = array<i32>} : memref<5x128xi32, #tpu.memory_space<vmem>>, vector<1x16xi32>,
    %swap3A_260 = vector.shape_cast %swap3A_259 : vector<1x16xi32> to vector<16xi32>
    %swap3A_261 = vector.shape_cast %select_n3A_255 : vector<16xi32> to vector<1x16xi32>
    tpu.vector_store %arg6[%swap3A_257, %swap3A_258], %swap3A_261 {strides = array<i32>} : memref<5x128xi32, #tpu.memory_space<vmem>>, vector<1x16xi32>,
    %add3A_262 = arith.constant 128 : i32
    %add3A_263 = arith.addi %mul3A_4, %add3A_262 : i32
    %broadcast_in_dim3A_264 = vector.broadcast %add3A_263 : i32 to vector<16xi32>
    %iota3A_265 = tpu.iota {dimensions = array<i32: 0>} : vector<16xi32>
    %add3A_266 = arith.addi %broadcast_in_dim3A_264, %iota3A_265 : vector<16xi32>
    %mul3A_267 = arith.constant 52429 : i32
    %mul3A_268 = vector.broadcast %mul3A_267 : i32 to vector<16xi32>
    %mul3A_269 = arith.muli %add3A_266, %mul3A_268 : vector<16xi32>
    %shift_right_logical3A_270 = arith.constant 20 : i32
    %shift_right_logical3A_271 = vector.broadcast %shift_right_logical3A_270 : i32 to vector<16xi32>
    %shift_right_logical3A_272 = arith.shrui %mul3A_269, %shift_right_logical3A_271 : vector<16xi32>
    %mul3A_273 = arith.constant 512 : i32
    %mul3A_274 = arith.muli %arg0, %mul3A_273 : i32
    %sub3A_275 = vector.broadcast %mul3A_274 : i32 to vector<16xi32>
    %sub3A_276 = arith.subi %shift_right_logical3A_272, %sub3A_275 : vector<16xi32>
    %get3A_277 = arith.constant 128 : index
    %get3A_278 = tpu.vector_load %arg5[%get3A_277] {strides = array<i32>} : memref<640xi32, #tpu.memory_space<vmem>>, vector<16xi32>,
    %get3A_279 = vector.shape_cast %get3A_278 : vector<16xi32> to vector<16xi32>
    %ne3A_280 = arith.cmpi ne, %get3A_279, %broadcast_in_dim3A_44 : vector<16xi32>
    %broadcast_in_dim3A_281 = arith.constant 512 : i32
    %broadcast_in_dim3A_282 = vector.broadcast %broadcast_in_dim3A_281 : i32 to vector<16xi32>
    %select_n3A_283 = arith.select %ne3A_280, %sub3A_276, %broadcast_in_dim3A_282 : vector<16xi1>, vector<16xi32>
    %swap3A_284 = arith.constant 1 : i32
    %swap3A_285 = arith.index_cast %swap3A_284 : i32 to index
    %swap3A_286 = arith.constant 0 : index
    %swap3A_287 = tpu.vector_load %arg6[%swap3A_285, %swap3A_286] {strides = array<i32>} : memref<5x128xi32, #tpu.memory_space<vmem>>, vector<1x16xi32>,
    %swap3A_288 = vector.shape_cast %swap3A_287 : vector<1x16xi32> to vector<16xi32>
    %swap3A_289 = vector.shape_cast %select_n3A_283 : vector<16xi32> to vector<1x16xi32>
    tpu.vector_store %arg6[%swap3A_285, %swap3A_286], %swap3A_289 {strides = array<i32>} : memref<5x128xi32, #tpu.memory_space<vmem>>, vector<1x16xi32>,
    %add3A_290 = arith.constant 144 : i32
    %add3A_291 = arith.addi %mul3A_4, %add3A_290 : i32
    %broadcast_in_dim3A_292 = vector.broadcast %add3A_291 : i32 to vector<16xi32>
    %iota3A_293 = tpu.iota {dimensions = array<i32: 0>} : vector<16xi32>
    %add3A_294 = arith.addi %broadcast_in_dim3A_292, %iota3A_293 : vector<16xi32>
    %mul3A_295 = arith.constant 52429 : i32
    %mul3A_296 = vector.broadcast %mul3A_295 : i32 to vector<16xi32>
    %mul3A_297 = arith.muli %add3A_294, %mul3A_296 : vector<16xi32>
    %shift_right_logical3A_298 = arith.constant 20 : i32
    %shift_right_logical3A_299 = vector.broadcast %shift_right_logical3A_298 : i32 to vector<16xi32>
    %shift_right_logical3A_300 = arith.shrui %mul3A_297, %shift_right_logical3A_299 : vector<16xi32>
    %mul3A_301 = arith.constant 512 : i32
    %mul3A_302 = arith.muli %arg0, %mul3A_301 : i32
    %sub3A_303 = vector.broadcast %mul3A_302 : i32 to vector<16xi32>
    %sub3A_304 = arith.subi %shift_right_logical3A_300, %sub3A_303 : vector<16xi32>
    %get3A_305 = arith.constant 144 : index
    %get3A_306 = tpu.vector_load %arg5[%get3A_305] {strides = array<i32>} : memref<640xi32, #tpu.memory_space<vmem>>, vector<16xi32>,
    %get3A_307 = vector.shape_cast %get3A_306 : vector<16xi32> to vector<16xi32>
    %ne3A_308 = arith.cmpi ne, %get3A_307, %broadcast_in_dim3A_44 : vector<16xi32>
    %broadcast_in_dim3A_309 = arith.constant 512 : i32
    %broadcast_in_dim3A_310 = vector.broadcast %broadcast_in_dim3A_309 : i32 to vector<16xi32>
    %select_n3A_311 = arith.select %ne3A_308, %sub3A_304, %broadcast_in_dim3A_310 : vector<16xi1>, vector<16xi32>
    %swap3A_312 = arith.constant 1 : i32
    %swap3A_313 = arith.index_cast %swap3A_312 : i32 to index
    %swap3A_314 = arith.constant 16 : index
    %swap3A_315 = tpu.vector_load %arg6[%swap3A_313, %swap3A_314] {strides = array<i32>} : memref<5x128xi32, #tpu.memory_space<vmem>>, vector<1x16xi32>,
    %swap3A_316 = vector.shape_cast %swap3A_315 : vector<1x16xi32> to vector<16xi32>
    %swap3A_317 = vector.shape_cast %select_n3A_311 : vector<16xi32> to vector<1x16xi32>
    tpu.vector_store %arg6[%swap3A_313, %swap3A_314], %swap3A_317 {strides = array<i32>} : memref<5x128xi32, #tpu.memory_space<vmem>>, vector<1x16xi32>,
    %add3A_318 = arith.constant 160 : i32
    %add3A_319 = arith.addi %mul3A_4, %add3A_318 : i32
    %broadcast_in_dim3A_320 = vector.broadcast %add3A_319 : i32 to vector<16xi32>
    %iota3A_321 = tpu.iota {dimensions = array<i32: 0>} : vector<16xi32>
    %add3A_322 = arith.addi %broadcast_in_dim3A_320, %iota3A_321 : vector<16xi32>
    %mul3A_323 = arith.constant 52429 : i32
    %mul3A_324 = vector.broadcast %mul3A_323 : i32 to vector<16xi32>
    %mul3A_325 = arith.muli %add3A_322, %mul3A_324 : vector<16xi32>
    %shift_right_logical3A_326 = arith.constant 20 : i32
    %shift_right_logical3A_327 = vector.broadcast %shift_right_logical3A_326 : i32 to vector<16xi32>
    %shift_right_logical3A_328 = arith.shrui %mul3A_325, %shift_right_logical3A_327 : vector<16xi32>
    %mul3A_329 = arith.constant 512 : i32
    %mul3A_330 = arith.muli %arg0, %mul3A_329 : i32
    %sub3A_331 = vector.broadcast %mul3A_330 : i32 to vector<16xi32>
    %sub3A_332 = arith.subi %shift_right_logical3A_328, %sub3A_331 : vector<16xi32>
    %get3A_333 = arith.constant 160 : index
    %get3A_334 = tpu.vector_load %arg5[%get3A_333] {strides = array<i32>} : memref<640xi32, #tpu.memory_space<vmem>>, vector<16xi32>,
    %get3A_335 = vector.shape_cast %get3A_334 : vector<16xi32> to vector<16xi32>
    %ne3A_336 = arith.cmpi ne, %get3A_335, %broadcast_in_dim3A_44 : vector<16xi32>
    %broadcast_in_dim3A_337 = arith.constant 512 : i32
    %broadcast_in_dim3A_338 = vector.broadcast %broadcast_in_dim3A_337 : i32 to vector<16xi32>
    %select_n3A_339 = arith.select %ne3A_336, %sub3A_332, %broadcast_in_dim3A_338 : vector<16xi1>, vector<16xi32>
    %swap3A_340 = arith.constant 1 : i32
    %swap3A_341 = arith.index_cast %swap3A_340 : i32 to index
    %swap3A_342 = arith.constant 32 : index
    %swap3A_343 = tpu.vector_load %arg6[%swap3A_341, %swap3A_342] {strides = array<i32>} : memref<5x128xi32, #tpu.memory_space<vmem>>, vector<1x16xi32>,
    %swap3A_344 = vector.shape_cast %swap3A_343 : vector<1x16xi32> to vector<16xi32>
    %swap3A_345 = vector.shape_cast %select_n3A_339 : vector<16xi32> to vector<1x16xi32>
    tpu.vector_store %arg6[%swap3A_341, %swap3A_342], %swap3A_345 {strides = array<i32>} : memref<5x128xi32, #tpu.memory_space<vmem>>, vector<1x16xi32>,
    %add3A_346 = arith.constant 176 : i32
    %add3A_347 = arith.addi %mul3A_4, %add3A_346 : i32
    %broadcast_in_dim3A_348 = vector.broadcast %add3A_347 : i32 to vector<16xi32>
    %iota3A_349 = tpu.iota {dimensions = array<i32: 0>} : vector<16xi32>
    %add3A_350 = arith.addi %broadcast_in_dim3A_348, %iota3A_349 : vector<16xi32>
    %mul3A_351 = arith.constant 52429 : i32
    %mul3A_352 = vector.broadcast %mul3A_351 : i32 to vector<16xi32>
    %mul3A_353 = arith.muli %add3A_350, %mul3A_352 : vector<16xi32>
    %shift_right_logical3A_354 = arith.constant 20 : i32
    %shift_right_logical3A_355 = vector.broadcast %shift_right_logical3A_354 : i32 to vector<16xi32>
    %shift_right_logical3A_356 = arith.shrui %mul3A_353, %shift_right_logical3A_355 : vector<16xi32>
    %mul3A_357 = arith.constant 512 : i32
    %mul3A_358 = arith.muli %arg0, %mul3A_357 : i32
    %sub3A_359 = vector.broadcast %mul3A_358 : i32 to vector<16xi32>
    %sub3A_360 = arith.subi %shift_right_logical3A_356, %sub3A_359 : vector<16xi32>
    %get3A_361 = arith.constant 176 : index
    %get3A_362 = tpu.vector_load %arg5[%get3A_361] {strides = array<i32>} : memref<640xi32, #tpu.memory_space<vmem>>, vector<16xi32>,
    %get3A_363 = vector.shape_cast %get3A_362 : vector<16xi32> to vector<16xi32>
    %ne3A_364 = arith.cmpi ne, %get3A_363, %broadcast_in_dim3A_44 : vector<16xi32>
    %broadcast_in_dim3A_365 = arith.constant 512 : i32
    %broadcast_in_dim3A_366 = vector.broadcast %broadcast_in_dim3A_365 : i32 to vector<16xi32>
    %select_n3A_367 = arith.select %ne3A_364, %sub3A_360, %broadcast_in_dim3A_366 : vector<16xi1>, vector<16xi32>
    %swap3A_368 = arith.constant 1 : i32
    %swap3A_369 = arith.index_cast %swap3A_368 : i32 to index
    %swap3A_370 = arith.constant 48 : index
    %swap3A_371 = tpu.vector_load %arg6[%swap3A_369, %swap3A_370] {strides = array<i32>} : memref<5x128xi32, #tpu.memory_space<vmem>>, vector<1x16xi32>,
    %swap3A_372 = vector.shape_cast %swap3A_371 : vector<1x16xi32> to vector<16xi32>
    %swap3A_373 = vector.shape_cast %select_n3A_367 : vector<16xi32> to vector<1x16xi32>
    tpu.vector_store %arg6[%swap3A_369, %swap3A_370], %swap3A_373 {strides = array<i32>} : memref<5x128xi32, #tpu.memory_space<vmem>>, vector<1x16xi32>,
    %add3A_374 = arith.constant 192 : i32
    %add3A_375 = arith.addi %mul3A_4, %add3A_374 : i32
    %broadcast_in_dim3A_376 = vector.broadcast %add3A_375 : i32 to vector<16xi32>
    %iota3A_377 = tpu.iota {dimensions = array<i32: 0>} : vector<16xi32>
    %add3A_378 = arith.addi %broadcast_in_dim3A_376, %iota3A_377 : vector<16xi32>
    %mul3A_379 = arith.constant 52429 : i32
    %mul3A_380 = vector.broadcast %mul3A_379 : i32 to vector<16xi32>
    %mul3A_381 = arith.muli %add3A_378, %mul3A_380 : vector<16xi32>
    %shift_right_logical3A_382 = arith.constant 20 : i32
    %shift_right_logical3A_383 = vector.broadcast %shift_right_logical3A_382 : i32 to vector<16xi32>
    %shift_right_logical3A_384 = arith.shrui %mul3A_381, %shift_right_logical3A_383 : vector<16xi32>
    %mul3A_385 = arith.constant 512 : i32
    %mul3A_386 = arith.muli %arg0, %mul3A_385 : i32
    %sub3A_387 = vector.broadcast %mul3A_386 : i32 to vector<16xi32>
    %sub3A_388 = arith.subi %shift_right_logical3A_384, %sub3A_387 : vector<16xi32>
    %get3A_389 = arith.constant 192 : index
    %get3A_390 = tpu.vector_load %arg5[%get3A_389] {strides = array<i32>} : memref<640xi32, #tpu.memory_space<vmem>>, vector<16xi32>,
    %get3A_391 = vector.shape_cast %get3A_390 : vector<16xi32> to vector<16xi32>
    %ne3A_392 = arith.cmpi ne, %get3A_391, %broadcast_in_dim3A_44 : vector<16xi32>
    %broadcast_in_dim3A_393 = arith.constant 512 : i32
    %broadcast_in_dim3A_394 = vector.broadcast %broadcast_in_dim3A_393 : i32 to vector<16xi32>
    %select_n3A_395 = arith.select %ne3A_392, %sub3A_388, %broadcast_in_dim3A_394 : vector<16xi1>, vector<16xi32>
    %swap3A_396 = arith.constant 1 : i32
    %swap3A_397 = arith.index_cast %swap3A_396 : i32 to index
    %swap3A_398 = arith.constant 64 : index
    %swap3A_399 = tpu.vector_load %arg6[%swap3A_397, %swap3A_398] {strides = array<i32>} : memref<5x128xi32, #tpu.memory_space<vmem>>, vector<1x16xi32>,
    %swap3A_400 = vector.shape_cast %swap3A_399 : vector<1x16xi32> to vector<16xi32>
    %swap3A_401 = vector.shape_cast %select_n3A_395 : vector<16xi32> to vector<1x16xi32>
    tpu.vector_store %arg6[%swap3A_397, %swap3A_398], %swap3A_401 {strides = array<i32>} : memref<5x128xi32, #tpu.memory_space<vmem>>, vector<1x16xi32>,
    %add3A_402 = arith.constant 208 : i32
    %add3A_403 = arith.addi %mul3A_4, %add3A_402 : i32
    %broadcast_in_dim3A_404 = vector.broadcast %add3A_403 : i32 to vector<16xi32>
    %iota3A_405 = tpu.iota {dimensions = array<i32: 0>} : vector<16xi32>
    %add3A_406 = arith.addi %broadcast_in_dim3A_404, %iota3A_405 : vector<16xi32>
    %mul3A_407 = arith.constant 52429 : i32
    %mul3A_408 = vector.broadcast %mul3A_407 : i32 to vector<16xi32>
    %mul3A_409 = arith.muli %add3A_406, %mul3A_408 : vector<16xi32>
    %shift_right_logical3A_410 = arith.constant 20 : i32
    %shift_right_logical3A_411 = vector.broadcast %shift_right_logical3A_410 : i32 to vector<16xi32>
    %shift_right_logical3A_412 = arith.shrui %mul3A_409, %shift_right_logical3A_411 : vector<16xi32>
    %mul3A_413 = arith.constant 512 : i32
    %mul3A_414 = arith.muli %arg0, %mul3A_413 : i32
    %sub3A_415 = vector.broadcast %mul3A_414 : i32 to vector<16xi32>
    %sub3A_416 = arith.subi %shift_right_logical3A_412, %sub3A_415 : vector<16xi32>
    %get3A_417 = arith.constant 208 : index
    %get3A_418 = tpu.vector_load %arg5[%get3A_417] {strides = array<i32>} : memref<640xi32, #tpu.memory_space<vmem>>, vector<16xi32>,
    %get3A_419 = vector.shape_cast %get3A_418 : vector<16xi32> to vector<16xi32>
    %ne3A_420 = arith.cmpi ne, %get3A_419, %broadcast_in_dim3A_44 : vector<16xi32>
    %broadcast_in_dim3A_421 = arith.constant 512 : i32
    %broadcast_in_dim3A_422 = vector.broadcast %broadcast_in_dim3A_421 : i32 to vector<16xi32>
    %select_n3A_423 = arith.select %ne3A_420, %sub3A_416, %broadcast_in_dim3A_422 : vector<16xi1>, vector<16xi32>
    %swap3A_424 = arith.constant 1 : i32
    %swap3A_425 = arith.index_cast %swap3A_424 : i32 to index
    %swap3A_426 = arith.constant 80 : index
    %swap3A_427 = tpu.vector_load %arg6[%swap3A_425, %swap3A_426] {strides = array<i32>} : memref<5x128xi32, #tpu.memory_space<vmem>>, vector<1x16xi32>,
    %swap3A_428 = vector.shape_cast %swap3A_427 : vector<1x16xi32> to vector<16xi32>
    %swap3A_429 = vector.shape_cast %select_n3A_423 : vector<16xi32> to vector<1x16xi32>
    tpu.vector_store %arg6[%swap3A_425, %swap3A_426], %swap3A_429 {strides = array<i32>} : memref<5x128xi32, #tpu.memory_space<vmem>>, vector<1x16xi32>,
    %add3A_430 = arith.constant 224 : i32
    %add3A_431 = arith.addi %mul3A_4, %add3A_430 : i32
    %broadcast_in_dim3A_432 = vector.broadcast %add3A_431 : i32 to vector<16xi32>
    %iota3A_433 = tpu.iota {dimensions = array<i32: 0>} : vector<16xi32>
    %add3A_434 = arith.addi %broadcast_in_dim3A_432, %iota3A_433 : vector<16xi32>
    %mul3A_435 = arith.constant 52429 : i32
    %mul3A_436 = vector.broadcast %mul3A_435 : i32 to vector<16xi32>
    %mul3A_437 = arith.muli %add3A_434, %mul3A_436 : vector<16xi32>
    %shift_right_logical3A_438 = arith.constant 20 : i32
    %shift_right_logical3A_439 = vector.broadcast %shift_right_logical3A_438 : i32 to vector<16xi32>
    %shift_right_logical3A_440 = arith.shrui %mul3A_437, %shift_right_logical3A_439 : vector<16xi32>
    %mul3A_441 = arith.constant 512 : i32
    %mul3A_442 = arith.muli %arg0, %mul3A_441 : i32
    %sub3A_443 = vector.broadcast %mul3A_442 : i32 to vector<16xi32>
    %sub3A_444 = arith.subi %shift_right_logical3A_440, %sub3A_443 : vector<16xi32>
    %get3A_445 = arith.constant 224 : index
    %get3A_446 = tpu.vector_load %arg5[%get3A_445] {strides = array<i32>} : memref<640xi32, #tpu.memory_space<vmem>>, vector<16xi32>,
    %get3A_447 = vector.shape_cast %get3A_446 : vector<16xi32> to vector<16xi32>
    %ne3A_448 = arith.cmpi ne, %get3A_447, %broadcast_in_dim3A_44 : vector<16xi32>
    %broadcast_in_dim3A_449 = arith.constant 512 : i32
    %broadcast_in_dim3A_450 = vector.broadcast %broadcast_in_dim3A_449 : i32 to vector<16xi32>
    %select_n3A_451 = arith.select %ne3A_448, %sub3A_444, %broadcast_in_dim3A_450 : vector<16xi1>, vector<16xi32>
    %swap3A_452 = arith.constant 1 : i32
    %swap3A_453 = arith.index_cast %swap3A_452 : i32 to index
    %swap3A_454 = arith.constant 96 : index
    %swap3A_455 = tpu.vector_load %arg6[%swap3A_453, %swap3A_454] {strides = array<i32>} : memref<5x128xi32, #tpu.memory_space<vmem>>, vector<1x16xi32>,
    %swap3A_456 = vector.shape_cast %swap3A_455 : vector<1x16xi32> to vector<16xi32>
    %swap3A_457 = vector.shape_cast %select_n3A_451 : vector<16xi32> to vector<1x16xi32>
    tpu.vector_store %arg6[%swap3A_453, %swap3A_454], %swap3A_457 {strides = array<i32>} : memref<5x128xi32, #tpu.memory_space<vmem>>, vector<1x16xi32>,
    %add3A_458 = arith.constant 240 : i32
    %add3A_459 = arith.addi %mul3A_4, %add3A_458 : i32
    %broadcast_in_dim3A_460 = vector.broadcast %add3A_459 : i32 to vector<16xi32>
    %iota3A_461 = tpu.iota {dimensions = array<i32: 0>} : vector<16xi32>
    %add3A_462 = arith.addi %broadcast_in_dim3A_460, %iota3A_461 : vector<16xi32>
    %mul3A_463 = arith.constant 52429 : i32
    %mul3A_464 = vector.broadcast %mul3A_463 : i32 to vector<16xi32>
    %mul3A_465 = arith.muli %add3A_462, %mul3A_464 : vector<16xi32>
    %shift_right_logical3A_466 = arith.constant 20 : i32
    %shift_right_logical3A_467 = vector.broadcast %shift_right_logical3A_466 : i32 to vector<16xi32>
    %shift_right_logical3A_468 = arith.shrui %mul3A_465, %shift_right_logical3A_467 : vector<16xi32>
    %mul3A_469 = arith.constant 512 : i32
    %mul3A_470 = arith.muli %arg0, %mul3A_469 : i32
    %sub3A_471 = vector.broadcast %mul3A_470 : i32 to vector<16xi32>
    %sub3A_472 = arith.subi %shift_right_logical3A_468, %sub3A_471 : vector<16xi32>
    %get3A_473 = arith.constant 240 : index
    %get3A_474 = tpu.vector_load %arg5[%get3A_473] {strides = array<i32>} : memref<640xi32, #tpu.memory_space<vmem>>, vector<16xi32>,
    %get3A_475 = vector.shape_cast %get3A_474 : vector<16xi32> to vector<16xi32>
    %ne3A_476 = arith.cmpi ne, %get3A_475, %broadcast_in_dim3A_44 : vector<16xi32>
    %broadcast_in_dim3A_477 = arith.constant 512 : i32
    %broadcast_in_dim3A_478 = vector.broadcast %broadcast_in_dim3A_477 : i32 to vector<16xi32>
    %select_n3A_479 = arith.select %ne3A_476, %sub3A_472, %broadcast_in_dim3A_478 : vector<16xi1>, vector<16xi32>
    %swap3A_480 = arith.constant 1 : i32
    %swap3A_481 = arith.index_cast %swap3A_480 : i32 to index
    %swap3A_482 = arith.constant 112 : index
    %swap3A_483 = tpu.vector_load %arg6[%swap3A_481, %swap3A_482] {strides = array<i32>} : memref<5x128xi32, #tpu.memory_space<vmem>>, vector<1x16xi32>,
    %swap3A_484 = vector.shape_cast %swap3A_483 : vector<1x16xi32> to vector<16xi32>
    %swap3A_485 = vector.shape_cast %select_n3A_479 : vector<16xi32> to vector<1x16xi32>
    tpu.vector_store %arg6[%swap3A_481, %swap3A_482], %swap3A_485 {strides = array<i32>} : memref<5x128xi32, #tpu.memory_space<vmem>>, vector<1x16xi32>,
    %add3A_486 = arith.constant 256 : i32
    %add3A_487 = arith.addi %mul3A_4, %add3A_486 : i32
    %broadcast_in_dim3A_488 = vector.broadcast %add3A_487 : i32 to vector<16xi32>
    %iota3A_489 = tpu.iota {dimensions = array<i32: 0>} : vector<16xi32>
    %add3A_490 = arith.addi %broadcast_in_dim3A_488, %iota3A_489 : vector<16xi32>
    %mul3A_491 = arith.constant 52429 : i32
    %mul3A_492 = vector.broadcast %mul3A_491 : i32 to vector<16xi32>
    %mul3A_493 = arith.muli %add3A_490, %mul3A_492 : vector<16xi32>
    %shift_right_logical3A_494 = arith.constant 20 : i32
    %shift_right_logical3A_495 = vector.broadcast %shift_right_logical3A_494 : i32 to vector<16xi32>
    %shift_right_logical3A_496 = arith.shrui %mul3A_493, %shift_right_logical3A_495 : vector<16xi32>
    %mul3A_497 = arith.constant 512 : i32
    %mul3A_498 = arith.muli %arg0, %mul3A_497 : i32
    %sub3A_499 = vector.broadcast %mul3A_498 : i32 to vector<16xi32>
    %sub3A_500 = arith.subi %shift_right_logical3A_496, %sub3A_499 : vector<16xi32>
    %get3A_501 = arith.constant 256 : index
    %get3A_502 = tpu.vector_load %arg5[%get3A_501] {strides = array<i32>} : memref<640xi32, #tpu.memory_space<vmem>>, vector<16xi32>,
    %get3A_503 = vector.shape_cast %get3A_502 : vector<16xi32> to vector<16xi32>
    %ne3A_504 = arith.cmpi ne, %get3A_503, %broadcast_in_dim3A_44 : vector<16xi32>
    %broadcast_in_dim3A_505 = arith.constant 512 : i32
    %broadcast_in_dim3A_506 = vector.broadcast %broadcast_in_dim3A_505 : i32 to vector<16xi32>
    %select_n3A_507 = arith.select %ne3A_504, %sub3A_500, %broadcast_in_dim3A_506 : vector<16xi1>, vector<16xi32>
    %swap3A_508 = arith.constant 2 : i32
    %swap3A_509 = arith.index_cast %swap3A_508 : i32 to index
    %swap3A_510 = arith.constant 0 : index
    %swap3A_511 = tpu.vector_load %arg6[%swap3A_509, %swap3A_510] {strides = array<i32>} : memref<5x128xi32, #tpu.memory_space<vmem>>, vector<1x16xi32>,
    %swap3A_512 = vector.shape_cast %swap3A_511 : vector<1x16xi32> to vector<16xi32>
    %swap3A_513 = vector.shape_cast %select_n3A_507 : vector<16xi32> to vector<1x16xi32>
    tpu.vector_store %arg6[%swap3A_509, %swap3A_510], %swap3A_513 {strides = array<i32>} : memref<5x128xi32, #tpu.memory_space<vmem>>, vector<1x16xi32>,
    %add3A_514 = arith.constant 272 : i32
    %add3A_515 = arith.addi %mul3A_4, %add3A_514 : i32
    %broadcast_in_dim3A_516 = vector.broadcast %add3A_515 : i32 to vector<16xi32>
    %iota3A_517 = tpu.iota {dimensions = array<i32: 0>} : vector<16xi32>
    %add3A_518 = arith.addi %broadcast_in_dim3A_516, %iota3A_517 : vector<16xi32>
    %mul3A_519 = arith.constant 52429 : i32
    %mul3A_520 = vector.broadcast %mul3A_519 : i32 to vector<16xi32>
    %mul3A_521 = arith.muli %add3A_518, %mul3A_520 : vector<16xi32>
    %shift_right_logical3A_522 = arith.constant 20 : i32
    %shift_right_logical3A_523 = vector.broadcast %shift_right_logical3A_522 : i32 to vector<16xi32>
    %shift_right_logical3A_524 = arith.shrui %mul3A_521, %shift_right_logical3A_523 : vector<16xi32>
    %mul3A_525 = arith.constant 512 : i32
    %mul3A_526 = arith.muli %arg0, %mul3A_525 : i32
    %sub3A_527 = vector.broadcast %mul3A_526 : i32 to vector<16xi32>
    %sub3A_528 = arith.subi %shift_right_logical3A_524, %sub3A_527 : vector<16xi32>
    %get3A_529 = arith.constant 272 : index
    %get3A_530 = tpu.vector_load %arg5[%get3A_529] {strides = array<i32>} : memref<640xi32, #tpu.memory_space<vmem>>, vector<16xi32>,
    %get3A_531 = vector.shape_cast %get3A_530 : vector<16xi32> to vector<16xi32>
    %ne3A_532 = arith.cmpi ne, %get3A_531, %broadcast_in_dim3A_44 : vector<16xi32>
    %broadcast_in_dim3A_533 = arith.constant 512 : i32
    %broadcast_in_dim3A_534 = vector.broadcast %broadcast_in_dim3A_533 : i32 to vector<16xi32>
    %select_n3A_535 = arith.select %ne3A_532, %sub3A_528, %broadcast_in_dim3A_534 : vector<16xi1>, vector<16xi32>
    %swap3A_536 = arith.constant 2 : i32
    %swap3A_537 = arith.index_cast %swap3A_536 : i32 to index
    %swap3A_538 = arith.constant 16 : index
    %swap3A_539 = tpu.vector_load %arg6[%swap3A_537, %swap3A_538] {strides = array<i32>} : memref<5x128xi32, #tpu.memory_space<vmem>>, vector<1x16xi32>,
    %swap3A_540 = vector.shape_cast %swap3A_539 : vector<1x16xi32> to vector<16xi32>
    %swap3A_541 = vector.shape_cast %select_n3A_535 : vector<16xi32> to vector<1x16xi32>
    tpu.vector_store %arg6[%swap3A_537, %swap3A_538], %swap3A_541 {strides = array<i32>} : memref<5x128xi32, #tpu.memory_space<vmem>>, vector<1x16xi32>,
    %add3A_542 = arith.constant 288 : i32
    %add3A_543 = arith.addi %mul3A_4, %add3A_542 : i32
    %broadcast_in_dim3A_544 = vector.broadcast %add3A_543 : i32 to vector<16xi32>
    %iota3A_545 = tpu.iota {dimensions = array<i32: 0>} : vector<16xi32>
    %add3A_546 = arith.addi %broadcast_in_dim3A_544, %iota3A_545 : vector<16xi32>
    %mul3A_547 = arith.constant 52429 : i32
    %mul3A_548 = vector.broadcast %mul3A_547 : i32 to vector<16xi32>
    %mul3A_549 = arith.muli %add3A_546, %mul3A_548 : vector<16xi32>
    %shift_right_logical3A_550 = arith.constant 20 : i32
    %shift_right_logical3A_551 = vector.broadcast %shift_right_logical3A_550 : i32 to vector<16xi32>
    %shift_right_logical3A_552 = arith.shrui %mul3A_549, %shift_right_logical3A_551 : vector<16xi32>
    %mul3A_553 = arith.constant 512 : i32
    %mul3A_554 = arith.muli %arg0, %mul3A_553 : i32
    %sub3A_555 = vector.broadcast %mul3A_554 : i32 to vector<16xi32>
    %sub3A_556 = arith.subi %shift_right_logical3A_552, %sub3A_555 : vector<16xi32>
    %get3A_557 = arith.constant 288 : index
    %get3A_558 = tpu.vector_load %arg5[%get3A_557] {strides = array<i32>} : memref<640xi32, #tpu.memory_space<vmem>>, vector<16xi32>,
    %get3A_559 = vector.shape_cast %get3A_558 : vector<16xi32> to vector<16xi32>
    %ne3A_560 = arith.cmpi ne, %get3A_559, %broadcast_in_dim3A_44 : vector<16xi32>
    %broadcast_in_dim3A_561 = arith.constant 512 : i32
    %broadcast_in_dim3A_562 = vector.broadcast %broadcast_in_dim3A_561 : i32 to vector<16xi32>
    %select_n3A_563 = arith.select %ne3A_560, %sub3A_556, %broadcast_in_dim3A_562 : vector<16xi1>, vector<16xi32>
    %swap3A_564 = arith.constant 2 : i32
    %swap3A_565 = arith.index_cast %swap3A_564 : i32 to index
    %swap3A_566 = arith.constant 32 : index
    %swap3A_567 = tpu.vector_load %arg6[%swap3A_565, %swap3A_566] {strides = array<i32>} : memref<5x128xi32, #tpu.memory_space<vmem>>, vector<1x16xi32>,
    %swap3A_568 = vector.shape_cast %swap3A_567 : vector<1x16xi32> to vector<16xi32>
    %swap3A_569 = vector.shape_cast %select_n3A_563 : vector<16xi32> to vector<1x16xi32>
    tpu.vector_store %arg6[%swap3A_565, %swap3A_566], %swap3A_569 {strides = array<i32>} : memref<5x128xi32, #tpu.memory_space<vmem>>, vector<1x16xi32>,
    %add3A_570 = arith.constant 304 : i32
    %add3A_571 = arith.addi %mul3A_4, %add3A_570 : i32
    %broadcast_in_dim3A_572 = vector.broadcast %add3A_571 : i32 to vector<16xi32>
    %iota3A_573 = tpu.iota {dimensions = array<i32: 0>} : vector<16xi32>
    %add3A_574 = arith.addi %broadcast_in_dim3A_572, %iota3A_573 : vector<16xi32>
    %mul3A_575 = arith.constant 52429 : i32
    %mul3A_576 = vector.broadcast %mul3A_575 : i32 to vector<16xi32>
    %mul3A_577 = arith.muli %add3A_574, %mul3A_576 : vector<16xi32>
    %shift_right_logical3A_578 = arith.constant 20 : i32
    %shift_right_logical3A_579 = vector.broadcast %shift_right_logical3A_578 : i32 to vector<16xi32>
    %shift_right_logical3A_580 = arith.shrui %mul3A_577, %shift_right_logical3A_579 : vector<16xi32>
    %mul3A_581 = arith.constant 512 : i32
    %mul3A_582 = arith.muli %arg0, %mul3A_581 : i32
    %sub3A_583 = vector.broadcast %mul3A_582 : i32 to vector<16xi32>
    %sub3A_584 = arith.subi %shift_right_logical3A_580, %sub3A_583 : vector<16xi32>
    %get3A_585 = arith.constant 304 : index
    %get3A_586 = tpu.vector_load %arg5[%get3A_585] {strides = array<i32>} : memref<640xi32, #tpu.memory_space<vmem>>, vector<16xi32>,
    %get3A_587 = vector.shape_cast %get3A_586 : vector<16xi32> to vector<16xi32>
    %ne3A_588 = arith.cmpi ne, %get3A_587, %broadcast_in_dim3A_44 : vector<16xi32>
    %broadcast_in_dim3A_589 = arith.constant 512 : i32
    %broadcast_in_dim3A_590 = vector.broadcast %broadcast_in_dim3A_589 : i32 to vector<16xi32>
    %select_n3A_591 = arith.select %ne3A_588, %sub3A_584, %broadcast_in_dim3A_590 : vector<16xi1>, vector<16xi32>
    %swap3A_592 = arith.constant 2 : i32
    %swap3A_593 = arith.index_cast %swap3A_592 : i32 to index
    %swap3A_594 = arith.constant 48 : index
    %swap3A_595 = tpu.vector_load %arg6[%swap3A_593, %swap3A_594] {strides = array<i32>} : memref<5x128xi32, #tpu.memory_space<vmem>>, vector<1x16xi32>,
    %swap3A_596 = vector.shape_cast %swap3A_595 : vector<1x16xi32> to vector<16xi32>
    %swap3A_597 = vector.shape_cast %select_n3A_591 : vector<16xi32> to vector<1x16xi32>
    tpu.vector_store %arg6[%swap3A_593, %swap3A_594], %swap3A_597 {strides = array<i32>} : memref<5x128xi32, #tpu.memory_space<vmem>>, vector<1x16xi32>,
    %add3A_598 = arith.constant 320 : i32
    %add3A_599 = arith.addi %mul3A_4, %add3A_598 : i32
    %broadcast_in_dim3A_600 = vector.broadcast %add3A_599 : i32 to vector<16xi32>
    %iota3A_601 = tpu.iota {dimensions = array<i32: 0>} : vector<16xi32>
    %add3A_602 = arith.addi %broadcast_in_dim3A_600, %iota3A_601 : vector<16xi32>
    %mul3A_603 = arith.constant 52429 : i32
    %mul3A_604 = vector.broadcast %mul3A_603 : i32 to vector<16xi32>
    %mul3A_605 = arith.muli %add3A_602, %mul3A_604 : vector<16xi32>
    %shift_right_logical3A_606 = arith.constant 20 : i32
    %shift_right_logical3A_607 = vector.broadcast %shift_right_logical3A_606 : i32 to vector<16xi32>
    %shift_right_logical3A_608 = arith.shrui %mul3A_605, %shift_right_logical3A_607 : vector<16xi32>
    %mul3A_609 = arith.constant 512 : i32
    %mul3A_610 = arith.muli %arg0, %mul3A_609 : i32
    %sub3A_611 = vector.broadcast %mul3A_610 : i32 to vector<16xi32>
    %sub3A_612 = arith.subi %shift_right_logical3A_608, %sub3A_611 : vector<16xi32>
    %get3A_613 = arith.constant 320 : index
    %get3A_614 = tpu.vector_load %arg5[%get3A_613] {strides = array<i32>} : memref<640xi32, #tpu.memory_space<vmem>>, vector<16xi32>,
    %get3A_615 = vector.shape_cast %get3A_614 : vector<16xi32> to vector<16xi32>
    %ne3A_616 = arith.cmpi ne, %get3A_615, %broadcast_in_dim3A_44 : vector<16xi32>
    %broadcast_in_dim3A_617 = arith.constant 512 : i32
    %broadcast_in_dim3A_618 = vector.broadcast %broadcast_in_dim3A_617 : i32 to vector<16xi32>
    %select_n3A_619 = arith.select %ne3A_616, %sub3A_612, %broadcast_in_dim3A_618 : vector<16xi1>, vector<16xi32>
    %swap3A_620 = arith.constant 2 : i32
    %swap3A_621 = arith.index_cast %swap3A_620 : i32 to index
    %swap3A_622 = arith.constant 64 : index
    %swap3A_623 = tpu.vector_load %arg6[%swap3A_621, %swap3A_622] {strides = array<i32>} : memref<5x128xi32, #tpu.memory_space<vmem>>, vector<1x16xi32>,
    %swap3A_624 = vector.shape_cast %swap3A_623 : vector<1x16xi32> to vector<16xi32>
    %swap3A_625 = vector.shape_cast %select_n3A_619 : vector<16xi32> to vector<1x16xi32>
    tpu.vector_store %arg6[%swap3A_621, %swap3A_622], %swap3A_625 {strides = array<i32>} : memref<5x128xi32, #tpu.memory_space<vmem>>, vector<1x16xi32>,
    %add3A_626 = arith.constant 336 : i32
    %add3A_627 = arith.addi %mul3A_4, %add3A_626 : i32
    %broadcast_in_dim3A_628 = vector.broadcast %add3A_627 : i32 to vector<16xi32>
    %iota3A_629 = tpu.iota {dimensions = array<i32: 0>} : vector<16xi32>
    %add3A_630 = arith.addi %broadcast_in_dim3A_628, %iota3A_629 : vector<16xi32>
    %mul3A_631 = arith.constant 52429 : i32
    %mul3A_632 = vector.broadcast %mul3A_631 : i32 to vector<16xi32>
    %mul3A_633 = arith.muli %add3A_630, %mul3A_632 : vector<16xi32>
    %shift_right_logical3A_634 = arith.constant 20 : i32
    %shift_right_logical3A_635 = vector.broadcast %shift_right_logical3A_634 : i32 to vector<16xi32>
    %shift_right_logical3A_636 = arith.shrui %mul3A_633, %shift_right_logical3A_635 : vector<16xi32>
    %mul3A_637 = arith.constant 512 : i32
    %mul3A_638 = arith.muli %arg0, %mul3A_637 : i32
    %sub3A_639 = vector.broadcast %mul3A_638 : i32 to vector<16xi32>
    %sub3A_640 = arith.subi %shift_right_logical3A_636, %sub3A_639 : vector<16xi32>
    %get3A_641 = arith.constant 336 : index
    %get3A_642 = tpu.vector_load %arg5[%get3A_641] {strides = array<i32>} : memref<640xi32, #tpu.memory_space<vmem>>, vector<16xi32>,
    %get3A_643 = vector.shape_cast %get3A_642 : vector<16xi32> to vector<16xi32>
    %ne3A_644 = arith.cmpi ne, %get3A_643, %broadcast_in_dim3A_44 : vector<16xi32>
    %broadcast_in_dim3A_645 = arith.constant 512 : i32
    %broadcast_in_dim3A_646 = vector.broadcast %broadcast_in_dim3A_645 : i32 to vector<16xi32>
    %select_n3A_647 = arith.select %ne3A_644, %sub3A_640, %broadcast_in_dim3A_646 : vector<16xi1>, vector<16xi32>
    %swap3A_648 = arith.constant 2 : i32
    %swap3A_649 = arith.index_cast %swap3A_648 : i32 to index
    %swap3A_650 = arith.constant 80 : index
    %swap3A_651 = tpu.vector_load %arg6[%swap3A_649, %swap3A_650] {strides = array<i32>} : memref<5x128xi32, #tpu.memory_space<vmem>>, vector<1x16xi32>,
    %swap3A_652 = vector.shape_cast %swap3A_651 : vector<1x16xi32> to vector<16xi32>
    %swap3A_653 = vector.shape_cast %select_n3A_647 : vector<16xi32> to vector<1x16xi32>
    tpu.vector_store %arg6[%swap3A_649, %swap3A_650], %swap3A_653 {strides = array<i32>} : memref<5x128xi32, #tpu.memory_space<vmem>>, vector<1x16xi32>,
    %add3A_654 = arith.constant 352 : i32
    %add3A_655 = arith.addi %mul3A_4, %add3A_654 : i32
    %broadcast_in_dim3A_656 = vector.broadcast %add3A_655 : i32 to vector<16xi32>
    %iota3A_657 = tpu.iota {dimensions = array<i32: 0>} : vector<16xi32>
    %add3A_658 = arith.addi %broadcast_in_dim3A_656, %iota3A_657 : vector<16xi32>
    %mul3A_659 = arith.constant 52429 : i32
    %mul3A_660 = vector.broadcast %mul3A_659 : i32 to vector<16xi32>
    %mul3A_661 = arith.muli %add3A_658, %mul3A_660 : vector<16xi32>
    %shift_right_logical3A_662 = arith.constant 20 : i32
    %shift_right_logical3A_663 = vector.broadcast %shift_right_logical3A_662 : i32 to vector<16xi32>
    %shift_right_logical3A_664 = arith.shrui %mul3A_661, %shift_right_logical3A_663 : vector<16xi32>
    %mul3A_665 = arith.constant 512 : i32
    %mul3A_666 = arith.muli %arg0, %mul3A_665 : i32
    %sub3A_667 = vector.broadcast %mul3A_666 : i32 to vector<16xi32>
    %sub3A_668 = arith.subi %shift_right_logical3A_664, %sub3A_667 : vector<16xi32>
    %get3A_669 = arith.constant 352 : index
    %get3A_670 = tpu.vector_load %arg5[%get3A_669] {strides = array<i32>} : memref<640xi32, #tpu.memory_space<vmem>>, vector<16xi32>,
    %get3A_671 = vector.shape_cast %get3A_670 : vector<16xi32> to vector<16xi32>
    %ne3A_672 = arith.cmpi ne, %get3A_671, %broadcast_in_dim3A_44 : vector<16xi32>
    %broadcast_in_dim3A_673 = arith.constant 512 : i32
    %broadcast_in_dim3A_674 = vector.broadcast %broadcast_in_dim3A_673 : i32 to vector<16xi32>
    %select_n3A_675 = arith.select %ne3A_672, %sub3A_668, %broadcast_in_dim3A_674 : vector<16xi1>, vector<16xi32>
    %swap3A_676 = arith.constant 2 : i32
    %swap3A_677 = arith.index_cast %swap3A_676 : i32 to index
    %swap3A_678 = arith.constant 96 : index
    %swap3A_679 = tpu.vector_load %arg6[%swap3A_677, %swap3A_678] {strides = array<i32>} : memref<5x128xi32, #tpu.memory_space<vmem>>, vector<1x16xi32>,
    %swap3A_680 = vector.shape_cast %swap3A_679 : vector<1x16xi32> to vector<16xi32>
    %swap3A_681 = vector.shape_cast %select_n3A_675 : vector<16xi32> to vector<1x16xi32>
    tpu.vector_store %arg6[%swap3A_677, %swap3A_678], %swap3A_681 {strides = array<i32>} : memref<5x128xi32, #tpu.memory_space<vmem>>, vector<1x16xi32>,
    %add3A_682 = arith.constant 368 : i32
    %add3A_683 = arith.addi %mul3A_4, %add3A_682 : i32
    %broadcast_in_dim3A_684 = vector.broadcast %add3A_683 : i32 to vector<16xi32>
    %iota3A_685 = tpu.iota {dimensions = array<i32: 0>} : vector<16xi32>
    %add3A_686 = arith.addi %broadcast_in_dim3A_684, %iota3A_685 : vector<16xi32>
    %mul3A_687 = arith.constant 52429 : i32
    %mul3A_688 = vector.broadcast %mul3A_687 : i32 to vector<16xi32>
    %mul3A_689 = arith.muli %add3A_686, %mul3A_688 : vector<16xi32>
    %shift_right_logical3A_690 = arith.constant 20 : i32
    %shift_right_logical3A_691 = vector.broadcast %shift_right_logical3A_690 : i32 to vector<16xi32>
    %shift_right_logical3A_692 = arith.shrui %mul3A_689, %shift_right_logical3A_691 : vector<16xi32>
    %mul3A_693 = arith.constant 512 : i32
    %mul3A_694 = arith.muli %arg0, %mul3A_693 : i32
    %sub3A_695 = vector.broadcast %mul3A_694 : i32 to vector<16xi32>
    %sub3A_696 = arith.subi %shift_right_logical3A_692, %sub3A_695 : vector<16xi32>
    %get3A_697 = arith.constant 368 : index
    %get3A_698 = tpu.vector_load %arg5[%get3A_697] {strides = array<i32>} : memref<640xi32, #tpu.memory_space<vmem>>, vector<16xi32>,
    %get3A_699 = vector.shape_cast %get3A_698 : vector<16xi32> to vector<16xi32>
    %ne3A_700 = arith.cmpi ne, %get3A_699, %broadcast_in_dim3A_44 : vector<16xi32>
    %broadcast_in_dim3A_701 = arith.constant 512 : i32
    %broadcast_in_dim3A_702 = vector.broadcast %broadcast_in_dim3A_701 : i32 to vector<16xi32>
    %select_n3A_703 = arith.select %ne3A_700, %sub3A_696, %broadcast_in_dim3A_702 : vector<16xi1>, vector<16xi32>
    %swap3A_704 = arith.constant 2 : i32
    %swap3A_705 = arith.index_cast %swap3A_704 : i32 to index
    %swap3A_706 = arith.constant 112 : index
    %swap3A_707 = tpu.vector_load %arg6[%swap3A_705, %swap3A_706] {strides = array<i32>} : memref<5x128xi32, #tpu.memory_space<vmem>>, vector<1x16xi32>,
    %swap3A_708 = vector.shape_cast %swap3A_707 : vector<1x16xi32> to vector<16xi32>
    %swap3A_709 = vector.shape_cast %select_n3A_703 : vector<16xi32> to vector<1x16xi32>
    tpu.vector_store %arg6[%swap3A_705, %swap3A_706], %swap3A_709 {strides = array<i32>} : memref<5x128xi32, #tpu.memory_space<vmem>>, vector<1x16xi32>,
    %add3A_710 = arith.constant 384 : i32
    %add3A_711 = arith.addi %mul3A_4, %add3A_710 : i32
    %broadcast_in_dim3A_712 = vector.broadcast %add3A_711 : i32 to vector<16xi32>
    %iota3A_713 = tpu.iota {dimensions = array<i32: 0>} : vector<16xi32>
    %add3A_714 = arith.addi %broadcast_in_dim3A_712, %iota3A_713 : vector<16xi32>
    %mul3A_715 = arith.constant 52429 : i32
    %mul3A_716 = vector.broadcast %mul3A_715 : i32 to vector<16xi32>
    %mul3A_717 = arith.muli %add3A_714, %mul3A_716 : vector<16xi32>
    %shift_right_logical3A_718 = arith.constant 20 : i32
    %shift_right_logical3A_719 = vector.broadcast %shift_right_logical3A_718 : i32 to vector<16xi32>
    %shift_right_logical3A_720 = arith.shrui %mul3A_717, %shift_right_logical3A_719 : vector<16xi32>
    %mul3A_721 = arith.constant 512 : i32
    %mul3A_722 = arith.muli %arg0, %mul3A_721 : i32
    %sub3A_723 = vector.broadcast %mul3A_722 : i32 to vector<16xi32>
    %sub3A_724 = arith.subi %shift_right_logical3A_720, %sub3A_723 : vector<16xi32>
    %get3A_725 = arith.constant 384 : index
    %get3A_726 = tpu.vector_load %arg5[%get3A_725] {strides = array<i32>} : memref<640xi32, #tpu.memory_space<vmem>>, vector<16xi32>,
    %get3A_727 = vector.shape_cast %get3A_726 : vector<16xi32> to vector<16xi32>
    %ne3A_728 = arith.cmpi ne, %get3A_727, %broadcast_in_dim3A_44 : vector<16xi32>
    %broadcast_in_dim3A_729 = arith.constant 512 : i32
    %broadcast_in_dim3A_730 = vector.broadcast %broadcast_in_dim3A_729 : i32 to vector<16xi32>
    %select_n3A_731 = arith.select %ne3A_728, %sub3A_724, %broadcast_in_dim3A_730 : vector<16xi1>, vector<16xi32>
    %swap3A_732 = arith.constant 3 : i32
    %swap3A_733 = arith.index_cast %swap3A_732 : i32 to index
    %swap3A_734 = arith.constant 0 : index
    %swap3A_735 = tpu.vector_load %arg6[%swap3A_733, %swap3A_734] {strides = array<i32>} : memref<5x128xi32, #tpu.memory_space<vmem>>, vector<1x16xi32>,
    %swap3A_736 = vector.shape_cast %swap3A_735 : vector<1x16xi32> to vector<16xi32>
    %swap3A_737 = vector.shape_cast %select_n3A_731 : vector<16xi32> to vector<1x16xi32>
    tpu.vector_store %arg6[%swap3A_733, %swap3A_734], %swap3A_737 {strides = array<i32>} : memref<5x128xi32, #tpu.memory_space<vmem>>, vector<1x16xi32>,
    %add3A_738 = arith.constant 400 : i32
    %add3A_739 = arith.addi %mul3A_4, %add3A_738 : i32
    %broadcast_in_dim3A_740 = vector.broadcast %add3A_739 : i32 to vector<16xi32>
    %iota3A_741 = tpu.iota {dimensions = array<i32: 0>} : vector<16xi32>
    %add3A_742 = arith.addi %broadcast_in_dim3A_740, %iota3A_741 : vector<16xi32>
    %mul3A_743 = arith.constant 52429 : i32
    %mul3A_744 = vector.broadcast %mul3A_743 : i32 to vector<16xi32>
    %mul3A_745 = arith.muli %add3A_742, %mul3A_744 : vector<16xi32>
    %shift_right_logical3A_746 = arith.constant 20 : i32
    %shift_right_logical3A_747 = vector.broadcast %shift_right_logical3A_746 : i32 to vector<16xi32>
    %shift_right_logical3A_748 = arith.shrui %mul3A_745, %shift_right_logical3A_747 : vector<16xi32>
    %mul3A_749 = arith.constant 512 : i32
    %mul3A_750 = arith.muli %arg0, %mul3A_749 : i32
    %sub3A_751 = vector.broadcast %mul3A_750 : i32 to vector<16xi32>
    %sub3A_752 = arith.subi %shift_right_logical3A_748, %sub3A_751 : vector<16xi32>
    %get3A_753 = arith.constant 400 : index
    %get3A_754 = tpu.vector_load %arg5[%get3A_753] {strides = array<i32>} : memref<640xi32, #tpu.memory_space<vmem>>, vector<16xi32>,
    %get3A_755 = vector.shape_cast %get3A_754 : vector<16xi32> to vector<16xi32>
    %ne3A_756 = arith.cmpi ne, %get3A_755, %broadcast_in_dim3A_44 : vector<16xi32>
    %broadcast_in_dim3A_757 = arith.constant 512 : i32
    %broadcast_in_dim3A_758 = vector.broadcast %broadcast_in_dim3A_757 : i32 to vector<16xi32>
    %select_n3A_759 = arith.select %ne3A_756, %sub3A_752, %broadcast_in_dim3A_758 : vector<16xi1>, vector<16xi32>
    %swap3A_760 = arith.constant 3 : i32
    %swap3A_761 = arith.index_cast %swap3A_760 : i32 to index
    %swap3A_762 = arith.constant 16 : index
    %swap3A_763 = tpu.vector_load %arg6[%swap3A_761, %swap3A_762] {strides = array<i32>} : memref<5x128xi32, #tpu.memory_space<vmem>>, vector<1x16xi32>,
    %swap3A_764 = vector.shape_cast %swap3A_763 : vector<1x16xi32> to vector<16xi32>
    %swap3A_765 = vector.shape_cast %select_n3A_759 : vector<16xi32> to vector<1x16xi32>
    tpu.vector_store %arg6[%swap3A_761, %swap3A_762], %swap3A_765 {strides = array<i32>} : memref<5x128xi32, #tpu.memory_space<vmem>>, vector<1x16xi32>,
    %add3A_766 = arith.constant 416 : i32
    %add3A_767 = arith.addi %mul3A_4, %add3A_766 : i32
    %broadcast_in_dim3A_768 = vector.broadcast %add3A_767 : i32 to vector<16xi32>
    %iota3A_769 = tpu.iota {dimensions = array<i32: 0>} : vector<16xi32>
    %add3A_770 = arith.addi %broadcast_in_dim3A_768, %iota3A_769 : vector<16xi32>
    %mul3A_771 = arith.constant 52429 : i32
    %mul3A_772 = vector.broadcast %mul3A_771 : i32 to vector<16xi32>
    %mul3A_773 = arith.muli %add3A_770, %mul3A_772 : vector<16xi32>
    %shift_right_logical3A_774 = arith.constant 20 : i32
    %shift_right_logical3A_775 = vector.broadcast %shift_right_logical3A_774 : i32 to vector<16xi32>
    %shift_right_logical3A_776 = arith.shrui %mul3A_773, %shift_right_logical3A_775 : vector<16xi32>
    %mul3A_777 = arith.constant 512 : i32
    %mul3A_778 = arith.muli %arg0, %mul3A_777 : i32
    %sub3A_779 = vector.broadcast %mul3A_778 : i32 to vector<16xi32>
    %sub3A_780 = arith.subi %shift_right_logical3A_776, %sub3A_779 : vector<16xi32>
    %get3A_781 = arith.constant 416 : index
    %get3A_782 = tpu.vector_load %arg5[%get3A_781] {strides = array<i32>} : memref<640xi32, #tpu.memory_space<vmem>>, vector<16xi32>,
    %get3A_783 = vector.shape_cast %get3A_782 : vector<16xi32> to vector<16xi32>
    %ne3A_784 = arith.cmpi ne, %get3A_783, %broadcast_in_dim3A_44 : vector<16xi32>
    %broadcast_in_dim3A_785 = arith.constant 512 : i32
    %broadcast_in_dim3A_786 = vector.broadcast %broadcast_in_dim3A_785 : i32 to vector<16xi32>
    %select_n3A_787 = arith.select %ne3A_784, %sub3A_780, %broadcast_in_dim3A_786 : vector<16xi1>, vector<16xi32>
    %swap3A_788 = arith.constant 3 : i32
    %swap3A_789 = arith.index_cast %swap3A_788 : i32 to index
    %swap3A_790 = arith.constant 32 : index
    %swap3A_791 = tpu.vector_load %arg6[%swap3A_789, %swap3A_790] {strides = array<i32>} : memref<5x128xi32, #tpu.memory_space<vmem>>, vector<1x16xi32>,
    %swap3A_792 = vector.shape_cast %swap3A_791 : vector<1x16xi32> to vector<16xi32>
    %swap3A_793 = vector.shape_cast %select_n3A_787 : vector<16xi32> to vector<1x16xi32>
    tpu.vector_store %arg6[%swap3A_789, %swap3A_790], %swap3A_793 {strides = array<i32>} : memref<5x128xi32, #tpu.memory_space<vmem>>, vector<1x16xi32>,
    %add3A_794 = arith.constant 432 : i32
    %add3A_795 = arith.addi %mul3A_4, %add3A_794 : i32
    %broadcast_in_dim3A_796 = vector.broadcast %add3A_795 : i32 to vector<16xi32>
    %iota3A_797 = tpu.iota {dimensions = array<i32: 0>} : vector<16xi32>
    %add3A_798 = arith.addi %broadcast_in_dim3A_796, %iota3A_797 : vector<16xi32>
    %mul3A_799 = arith.constant 52429 : i32
    %mul3A_800 = vector.broadcast %mul3A_799 : i32 to vector<16xi32>
    %mul3A_801 = arith.muli %add3A_798, %mul3A_800 : vector<16xi32>
    %shift_right_logical3A_802 = arith.constant 20 : i32
    %shift_right_logical3A_803 = vector.broadcast %shift_right_logical3A_802 : i32 to vector<16xi32>
    %shift_right_logical3A_804 = arith.shrui %mul3A_801, %shift_right_logical3A_803 : vector<16xi32>
    %mul3A_805 = arith.constant 512 : i32
    %mul3A_806 = arith.muli %arg0, %mul3A_805 : i32
    %sub3A_807 = vector.broadcast %mul3A_806 : i32 to vector<16xi32>
    %sub3A_808 = arith.subi %shift_right_logical3A_804, %sub3A_807 : vector<16xi32>
    %get3A_809 = arith.constant 432 : index
    %get3A_810 = tpu.vector_load %arg5[%get3A_809] {strides = array<i32>} : memref<640xi32, #tpu.memory_space<vmem>>, vector<16xi32>,
    %get3A_811 = vector.shape_cast %get3A_810 : vector<16xi32> to vector<16xi32>
    %ne3A_812 = arith.cmpi ne, %get3A_811, %broadcast_in_dim3A_44 : vector<16xi32>
    %broadcast_in_dim3A_813 = arith.constant 512 : i32
    %broadcast_in_dim3A_814 = vector.broadcast %broadcast_in_dim3A_813 : i32 to vector<16xi32>
    %select_n3A_815 = arith.select %ne3A_812, %sub3A_808, %broadcast_in_dim3A_814 : vector<16xi1>, vector<16xi32>
    %swap3A_816 = arith.constant 3 : i32
    %swap3A_817 = arith.index_cast %swap3A_816 : i32 to index
    %swap3A_818 = arith.constant 48 : index
    %swap3A_819 = tpu.vector_load %arg6[%swap3A_817, %swap3A_818] {strides = array<i32>} : memref<5x128xi32, #tpu.memory_space<vmem>>, vector<1x16xi32>,
    %swap3A_820 = vector.shape_cast %swap3A_819 : vector<1x16xi32> to vector<16xi32>
    %swap3A_821 = vector.shape_cast %select_n3A_815 : vector<16xi32> to vector<1x16xi32>
    tpu.vector_store %arg6[%swap3A_817, %swap3A_818], %swap3A_821 {strides = array<i32>} : memref<5x128xi32, #tpu.memory_space<vmem>>, vector<1x16xi32>,
    %add3A_822 = arith.constant 448 : i32
    %add3A_823 = arith.addi %mul3A_4, %add3A_822 : i32
    %broadcast_in_dim3A_824 = vector.broadcast %add3A_823 : i32 to vector<16xi32>
    %iota3A_825 = tpu.iota {dimensions = array<i32: 0>} : vector<16xi32>
    %add3A_826 = arith.addi %broadcast_in_dim3A_824, %iota3A_825 : vector<16xi32>
    %mul3A_827 = arith.constant 52429 : i32
    %mul3A_828 = vector.broadcast %mul3A_827 : i32 to vector<16xi32>
    %mul3A_829 = arith.muli %add3A_826, %mul3A_828 : vector<16xi32>
    %shift_right_logical3A_830 = arith.constant 20 : i32
    %shift_right_logical3A_831 = vector.broadcast %shift_right_logical3A_830 : i32 to vector<16xi32>
    %shift_right_logical3A_832 = arith.shrui %mul3A_829, %shift_right_logical3A_831 : vector<16xi32>
    %mul3A_833 = arith.constant 512 : i32
    %mul3A_834 = arith.muli %arg0, %mul3A_833 : i32
    %sub3A_835 = vector.broadcast %mul3A_834 : i32 to vector<16xi32>
    %sub3A_836 = arith.subi %shift_right_logical3A_832, %sub3A_835 : vector<16xi32>
    %get3A_837 = arith.constant 448 : index
    %get3A_838 = tpu.vector_load %arg5[%get3A_837] {strides = array<i32>} : memref<640xi32, #tpu.memory_space<vmem>>, vector<16xi32>,
    %get3A_839 = vector.shape_cast %get3A_838 : vector<16xi32> to vector<16xi32>
    %ne3A_840 = arith.cmpi ne, %get3A_839, %broadcast_in_dim3A_44 : vector<16xi32>
    %broadcast_in_dim3A_841 = arith.constant 512 : i32
    %broadcast_in_dim3A_842 = vector.broadcast %broadcast_in_dim3A_841 : i32 to vector<16xi32>
    %select_n3A_843 = arith.select %ne3A_840, %sub3A_836, %broadcast_in_dim3A_842 : vector<16xi1>, vector<16xi32>
    %swap3A_844 = arith.constant 3 : i32
    %swap3A_845 = arith.index_cast %swap3A_844 : i32 to index
    %swap3A_846 = arith.constant 64 : index
    %swap3A_847 = tpu.vector_load %arg6[%swap3A_845, %swap3A_846] {strides = array<i32>} : memref<5x128xi32, #tpu.memory_space<vmem>>, vector<1x16xi32>,
    %swap3A_848 = vector.shape_cast %swap3A_847 : vector<1x16xi32> to vector<16xi32>
    %swap3A_849 = vector.shape_cast %select_n3A_843 : vector<16xi32> to vector<1x16xi32>
    tpu.vector_store %arg6[%swap3A_845, %swap3A_846], %swap3A_849 {strides = array<i32>} : memref<5x128xi32, #tpu.memory_space<vmem>>, vector<1x16xi32>,
    %add3A_850 = arith.constant 464 : i32
    %add3A_851 = arith.addi %mul3A_4, %add3A_850 : i32
    %broadcast_in_dim3A_852 = vector.broadcast %add3A_851 : i32 to vector<16xi32>
    %iota3A_853 = tpu.iota {dimensions = array<i32: 0>} : vector<16xi32>
    %add3A_854 = arith.addi %broadcast_in_dim3A_852, %iota3A_853 : vector<16xi32>
    %mul3A_855 = arith.constant 52429 : i32
    %mul3A_856 = vector.broadcast %mul3A_855 : i32 to vector<16xi32>
    %mul3A_857 = arith.muli %add3A_854, %mul3A_856 : vector<16xi32>
    %shift_right_logical3A_858 = arith.constant 20 : i32
    %shift_right_logical3A_859 = vector.broadcast %shift_right_logical3A_858 : i32 to vector<16xi32>
    %shift_right_logical3A_860 = arith.shrui %mul3A_857, %shift_right_logical3A_859 : vector<16xi32>
    %mul3A_861 = arith.constant 512 : i32
    %mul3A_862 = arith.muli %arg0, %mul3A_861 : i32
    %sub3A_863 = vector.broadcast %mul3A_862 : i32 to vector<16xi32>
    %sub3A_864 = arith.subi %shift_right_logical3A_860, %sub3A_863 : vector<16xi32>
    %get3A_865 = arith.constant 464 : index
    %get3A_866 = tpu.vector_load %arg5[%get3A_865] {strides = array<i32>} : memref<640xi32, #tpu.memory_space<vmem>>, vector<16xi32>,
    %get3A_867 = vector.shape_cast %get3A_866 : vector<16xi32> to vector<16xi32>
    %ne3A_868 = arith.cmpi ne, %get3A_867, %broadcast_in_dim3A_44 : vector<16xi32>
    %broadcast_in_dim3A_869 = arith.constant 512 : i32
    %broadcast_in_dim3A_870 = vector.broadcast %broadcast_in_dim3A_869 : i32 to vector<16xi32>
    %select_n3A_871 = arith.select %ne3A_868, %sub3A_864, %broadcast_in_dim3A_870 : vector<16xi1>, vector<16xi32>
    %swap3A_872 = arith.constant 3 : i32
    %swap3A_873 = arith.index_cast %swap3A_872 : i32 to index
    %swap3A_874 = arith.constant 80 : index
    %swap3A_875 = tpu.vector_load %arg6[%swap3A_873, %swap3A_874] {strides = array<i32>} : memref<5x128xi32, #tpu.memory_space<vmem>>, vector<1x16xi32>,
    %swap3A_876 = vector.shape_cast %swap3A_875 : vector<1x16xi32> to vector<16xi32>
    %swap3A_877 = vector.shape_cast %select_n3A_871 : vector<16xi32> to vector<1x16xi32>
    tpu.vector_store %arg6[%swap3A_873, %swap3A_874], %swap3A_877 {strides = array<i32>} : memref<5x128xi32, #tpu.memory_space<vmem>>, vector<1x16xi32>,
    %add3A_878 = arith.constant 480 : i32
    %add3A_879 = arith.addi %mul3A_4, %add3A_878 : i32
    %broadcast_in_dim3A_880 = vector.broadcast %add3A_879 : i32 to vector<16xi32>
    %iota3A_881 = tpu.iota {dimensions = array<i32: 0>} : vector<16xi32>
    %add3A_882 = arith.addi %broadcast_in_dim3A_880, %iota3A_881 : vector<16xi32>
    %mul3A_883 = arith.constant 52429 : i32
    %mul3A_884 = vector.broadcast %mul3A_883 : i32 to vector<16xi32>
    %mul3A_885 = arith.muli %add3A_882, %mul3A_884 : vector<16xi32>
    %shift_right_logical3A_886 = arith.constant 20 : i32
    %shift_right_logical3A_887 = vector.broadcast %shift_right_logical3A_886 : i32 to vector<16xi32>
    %shift_right_logical3A_888 = arith.shrui %mul3A_885, %shift_right_logical3A_887 : vector<16xi32>
    %mul3A_889 = arith.constant 512 : i32
    %mul3A_890 = arith.muli %arg0, %mul3A_889 : i32
    %sub3A_891 = vector.broadcast %mul3A_890 : i32 to vector<16xi32>
    %sub3A_892 = arith.subi %shift_right_logical3A_888, %sub3A_891 : vector<16xi32>
    %get3A_893 = arith.constant 480 : index
    %get3A_894 = tpu.vector_load %arg5[%get3A_893] {strides = array<i32>} : memref<640xi32, #tpu.memory_space<vmem>>, vector<16xi32>,
    %get3A_895 = vector.shape_cast %get3A_894 : vector<16xi32> to vector<16xi32>
    %ne3A_896 = arith.cmpi ne, %get3A_895, %broadcast_in_dim3A_44 : vector<16xi32>
    %broadcast_in_dim3A_897 = arith.constant 512 : i32
    %broadcast_in_dim3A_898 = vector.broadcast %broadcast_in_dim3A_897 : i32 to vector<16xi32>
    %select_n3A_899 = arith.select %ne3A_896, %sub3A_892, %broadcast_in_dim3A_898 : vector<16xi1>, vector<16xi32>
    %swap3A_900 = arith.constant 3 : i32
    %swap3A_901 = arith.index_cast %swap3A_900 : i32 to index
    %swap3A_902 = arith.constant 96 : index
    %swap3A_903 = tpu.vector_load %arg6[%swap3A_901, %swap3A_902] {strides = array<i32>} : memref<5x128xi32, #tpu.memory_space<vmem>>, vector<1x16xi32>,
    %swap3A_904 = vector.shape_cast %swap3A_903 : vector<1x16xi32> to vector<16xi32>
    %swap3A_905 = vector.shape_cast %select_n3A_899 : vector<16xi32> to vector<1x16xi32>
    tpu.vector_store %arg6[%swap3A_901, %swap3A_902], %swap3A_905 {strides = array<i32>} : memref<5x128xi32, #tpu.memory_space<vmem>>, vector<1x16xi32>,
    %add3A_906 = arith.constant 496 : i32
    %add3A_907 = arith.addi %mul3A_4, %add3A_906 : i32
    %broadcast_in_dim3A_908 = vector.broadcast %add3A_907 : i32 to vector<16xi32>
    %iota3A_909 = tpu.iota {dimensions = array<i32: 0>} : vector<16xi32>
    %add3A_910 = arith.addi %broadcast_in_dim3A_908, %iota3A_909 : vector<16xi32>
    %mul3A_911 = arith.constant 52429 : i32
    %mul3A_912 = vector.broadcast %mul3A_911 : i32 to vector<16xi32>
    %mul3A_913 = arith.muli %add3A_910, %mul3A_912 : vector<16xi32>
    %shift_right_logical3A_914 = arith.constant 20 : i32
    %shift_right_logical3A_915 = vector.broadcast %shift_right_logical3A_914 : i32 to vector<16xi32>
    %shift_right_logical3A_916 = arith.shrui %mul3A_913, %shift_right_logical3A_915 : vector<16xi32>
    %mul3A_917 = arith.constant 512 : i32
    %mul3A_918 = arith.muli %arg0, %mul3A_917 : i32
    %sub3A_919 = vector.broadcast %mul3A_918 : i32 to vector<16xi32>
    %sub3A_920 = arith.subi %shift_right_logical3A_916, %sub3A_919 : vector<16xi32>
    %get3A_921 = arith.constant 496 : index
    %get3A_922 = tpu.vector_load %arg5[%get3A_921] {strides = array<i32>} : memref<640xi32, #tpu.memory_space<vmem>>, vector<16xi32>,
    %get3A_923 = vector.shape_cast %get3A_922 : vector<16xi32> to vector<16xi32>
    %ne3A_924 = arith.cmpi ne, %get3A_923, %broadcast_in_dim3A_44 : vector<16xi32>
    %broadcast_in_dim3A_925 = arith.constant 512 : i32
    %broadcast_in_dim3A_926 = vector.broadcast %broadcast_in_dim3A_925 : i32 to vector<16xi32>
    %select_n3A_927 = arith.select %ne3A_924, %sub3A_920, %broadcast_in_dim3A_926 : vector<16xi1>, vector<16xi32>
    %swap3A_928 = arith.constant 3 : i32
    %swap3A_929 = arith.index_cast %swap3A_928 : i32 to index
    %swap3A_930 = arith.constant 112 : index
    %swap3A_931 = tpu.vector_load %arg6[%swap3A_929, %swap3A_930] {strides = array<i32>} : memref<5x128xi32, #tpu.memory_space<vmem>>, vector<1x16xi32>,
    %swap3A_932 = vector.shape_cast %swap3A_931 : vector<1x16xi32> to vector<16xi32>
    %swap3A_933 = vector.shape_cast %select_n3A_927 : vector<16xi32> to vector<1x16xi32>
    tpu.vector_store %arg6[%swap3A_929, %swap3A_930], %swap3A_933 {strides = array<i32>} : memref<5x128xi32, #tpu.memory_space<vmem>>, vector<1x16xi32>,
    %add3A_934 = arith.constant 512 : i32
    %add3A_935 = arith.addi %mul3A_4, %add3A_934 : i32
    %broadcast_in_dim3A_936 = vector.broadcast %add3A_935 : i32 to vector<16xi32>
    %iota3A_937 = tpu.iota {dimensions = array<i32: 0>} : vector<16xi32>
    %add3A_938 = arith.addi %broadcast_in_dim3A_936, %iota3A_937 : vector<16xi32>
    %mul3A_939 = arith.constant 52429 : i32
    %mul3A_940 = vector.broadcast %mul3A_939 : i32 to vector<16xi32>
    %mul3A_941 = arith.muli %add3A_938, %mul3A_940 : vector<16xi32>
    %shift_right_logical3A_942 = arith.constant 20 : i32
    %shift_right_logical3A_943 = vector.broadcast %shift_right_logical3A_942 : i32 to vector<16xi32>
    %shift_right_logical3A_944 = arith.shrui %mul3A_941, %shift_right_logical3A_943 : vector<16xi32>
    %mul3A_945 = arith.constant 512 : i32
    %mul3A_946 = arith.muli %arg0, %mul3A_945 : i32
    %sub3A_947 = vector.broadcast %mul3A_946 : i32 to vector<16xi32>
    %sub3A_948 = arith.subi %shift_right_logical3A_944, %sub3A_947 : vector<16xi32>
    %get3A_949 = arith.constant 512 : index
    %get3A_950 = tpu.vector_load %arg5[%get3A_949] {strides = array<i32>} : memref<640xi32, #tpu.memory_space<vmem>>, vector<16xi32>,
    %get3A_951 = vector.shape_cast %get3A_950 : vector<16xi32> to vector<16xi32>
    %ne3A_952 = arith.cmpi ne, %get3A_951, %broadcast_in_dim3A_44 : vector<16xi32>
    %broadcast_in_dim3A_953 = arith.constant 512 : i32
    %broadcast_in_dim3A_954 = vector.broadcast %broadcast_in_dim3A_953 : i32 to vector<16xi32>
    %select_n3A_955 = arith.select %ne3A_952, %sub3A_948, %broadcast_in_dim3A_954 : vector<16xi1>, vector<16xi32>
    %swap3A_956 = arith.constant 4 : i32
    %swap3A_957 = arith.index_cast %swap3A_956 : i32 to index
    %swap3A_958 = arith.constant 0 : index
    %swap3A_959 = tpu.vector_load %arg6[%swap3A_957, %swap3A_958] {strides = array<i32>} : memref<5x128xi32, #tpu.memory_space<vmem>>, vector<1x16xi32>,
    %swap3A_960 = vector.shape_cast %swap3A_959 : vector<1x16xi32> to vector<16xi32>
    %swap3A_961 = vector.shape_cast %select_n3A_955 : vector<16xi32> to vector<1x16xi32>
    tpu.vector_store %arg6[%swap3A_957, %swap3A_958], %swap3A_961 {strides = array<i32>} : memref<5x128xi32, #tpu.memory_space<vmem>>, vector<1x16xi32>,
    %add3A_962 = arith.constant 528 : i32
    %add3A_963 = arith.addi %mul3A_4, %add3A_962 : i32
    %broadcast_in_dim3A_964 = vector.broadcast %add3A_963 : i32 to vector<16xi32>
    %iota3A_965 = tpu.iota {dimensions = array<i32: 0>} : vector<16xi32>
    %add3A_966 = arith.addi %broadcast_in_dim3A_964, %iota3A_965 : vector<16xi32>
    %mul3A_967 = arith.constant 52429 : i32
    %mul3A_968 = vector.broadcast %mul3A_967 : i32 to vector<16xi32>
    %mul3A_969 = arith.muli %add3A_966, %mul3A_968 : vector<16xi32>
    %shift_right_logical3A_970 = arith.constant 20 : i32
    %shift_right_logical3A_971 = vector.broadcast %shift_right_logical3A_970 : i32 to vector<16xi32>
    %shift_right_logical3A_972 = arith.shrui %mul3A_969, %shift_right_logical3A_971 : vector<16xi32>
    %mul3A_973 = arith.constant 512 : i32
    %mul3A_974 = arith.muli %arg0, %mul3A_973 : i32
    %sub3A_975 = vector.broadcast %mul3A_974 : i32 to vector<16xi32>
    %sub3A_976 = arith.subi %shift_right_logical3A_972, %sub3A_975 : vector<16xi32>
    %get3A_977 = arith.constant 528 : index
    %get3A_978 = tpu.vector_load %arg5[%get3A_977] {strides = array<i32>} : memref<640xi32, #tpu.memory_space<vmem>>, vector<16xi32>,
    %get3A_979 = vector.shape_cast %get3A_978 : vector<16xi32> to vector<16xi32>
    %ne3A_980 = arith.cmpi ne, %get3A_979, %broadcast_in_dim3A_44 : vector<16xi32>
    %broadcast_in_dim3A_981 = arith.constant 512 : i32
    %broadcast_in_dim3A_982 = vector.broadcast %broadcast_in_dim3A_981 : i32 to vector<16xi32>
    %select_n3A_983 = arith.select %ne3A_980, %sub3A_976, %broadcast_in_dim3A_982 : vector<16xi1>, vector<16xi32>
    %swap3A_984 = arith.constant 4 : i32
    %swap3A_985 = arith.index_cast %swap3A_984 : i32 to index
    %swap3A_986 = arith.constant 16 : index
    %swap3A_987 = tpu.vector_load %arg6[%swap3A_985, %swap3A_986] {strides = array<i32>} : memref<5x128xi32, #tpu.memory_space<vmem>>, vector<1x16xi32>,
    %swap3A_988 = vector.shape_cast %swap3A_987 : vector<1x16xi32> to vector<16xi32>
    %swap3A_989 = vector.shape_cast %select_n3A_983 : vector<16xi32> to vector<1x16xi32>
    tpu.vector_store %arg6[%swap3A_985, %swap3A_986], %swap3A_989 {strides = array<i32>} : memref<5x128xi32, #tpu.memory_space<vmem>>, vector<1x16xi32>,
    %add3A_990 = arith.constant 544 : i32
    %add3A_991 = arith.addi %mul3A_4, %add3A_990 : i32
    %broadcast_in_dim3A_992 = vector.broadcast %add3A_991 : i32 to vector<16xi32>
    %iota3A_993 = tpu.iota {dimensions = array<i32: 0>} : vector<16xi32>
    %add3A_994 = arith.addi %broadcast_in_dim3A_992, %iota3A_993 : vector<16xi32>
    %mul3A_995 = arith.constant 52429 : i32
    %mul3A_996 = vector.broadcast %mul3A_995 : i32 to vector<16xi32>
    %mul3A_997 = arith.muli %add3A_994, %mul3A_996 : vector<16xi32>
    %shift_right_logical3A_998 = arith.constant 20 : i32
    %shift_right_logical3A_999 = vector.broadcast %shift_right_logical3A_998 : i32 to vector<16xi32>
    %shift_right_logical3A_1000 = arith.shrui %mul3A_997, %shift_right_logical3A_999 : vector<16xi32>
    %mul3A_1001 = arith.constant 512 : i32
    %mul3A_1002 = arith.muli %arg0, %mul3A_1001 : i32
    %sub3A_1003 = vector.broadcast %mul3A_1002 : i32 to vector<16xi32>
    %sub3A_1004 = arith.subi %shift_right_logical3A_1000, %sub3A_1003 : vector<16xi32>
    %get3A_1005 = arith.constant 544 : index
    %get3A_1006 = tpu.vector_load %arg5[%get3A_1005] {strides = array<i32>} : memref<640xi32, #tpu.memory_space<vmem>>, vector<16xi32>,
    %get3A_1007 = vector.shape_cast %get3A_1006 : vector<16xi32> to vector<16xi32>
    %ne3A_1008 = arith.cmpi ne, %get3A_1007, %broadcast_in_dim3A_44 : vector<16xi32>
    %broadcast_in_dim3A_1009 = arith.constant 512 : i32
    %broadcast_in_dim3A_1010 = vector.broadcast %broadcast_in_dim3A_1009 : i32 to vector<16xi32>
    %select_n3A_1011 = arith.select %ne3A_1008, %sub3A_1004, %broadcast_in_dim3A_1010 : vector<16xi1>, vector<16xi32>
    %swap3A_1012 = arith.constant 4 : i32
    %swap3A_1013 = arith.index_cast %swap3A_1012 : i32 to index
    %swap3A_1014 = arith.constant 32 : index
    %swap3A_1015 = tpu.vector_load %arg6[%swap3A_1013, %swap3A_1014] {strides = array<i32>} : memref<5x128xi32, #tpu.memory_space<vmem>>, vector<1x16xi32>,
    %swap3A_1016 = vector.shape_cast %swap3A_1015 : vector<1x16xi32> to vector<16xi32>
    %swap3A_1017 = vector.shape_cast %select_n3A_1011 : vector<16xi32> to vector<1x16xi32>
    tpu.vector_store %arg6[%swap3A_1013, %swap3A_1014], %swap3A_1017 {strides = array<i32>} : memref<5x128xi32, #tpu.memory_space<vmem>>, vector<1x16xi32>,
    %add3A_1018 = arith.constant 560 : i32
    %add3A_1019 = arith.addi %mul3A_4, %add3A_1018 : i32
    %broadcast_in_dim3A_1020 = vector.broadcast %add3A_1019 : i32 to vector<16xi32>
    %iota3A_1021 = tpu.iota {dimensions = array<i32: 0>} : vector<16xi32>
    %add3A_1022 = arith.addi %broadcast_in_dim3A_1020, %iota3A_1021 : vector<16xi32>
    %mul3A_1023 = arith.constant 52429 : i32
    %mul3A_1024 = vector.broadcast %mul3A_1023 : i32 to vector<16xi32>
    %mul3A_1025 = arith.muli %add3A_1022, %mul3A_1024 : vector<16xi32>
    %shift_right_logical3A_1026 = arith.constant 20 : i32
    %shift_right_logical3A_1027 = vector.broadcast %shift_right_logical3A_1026 : i32 to vector<16xi32>
    %shift_right_logical3A_1028 = arith.shrui %mul3A_1025, %shift_right_logical3A_1027 : vector<16xi32>
    %mul3A_1029 = arith.constant 512 : i32
    %mul3A_1030 = arith.muli %arg0, %mul3A_1029 : i32
    %sub3A_1031 = vector.broadcast %mul3A_1030 : i32 to vector<16xi32>
    %sub3A_1032 = arith.subi %shift_right_logical3A_1028, %sub3A_1031 : vector<16xi32>
    %get3A_1033 = arith.constant 560 : index
    %get3A_1034 = tpu.vector_load %arg5[%get3A_1033] {strides = array<i32>} : memref<640xi32, #tpu.memory_space<vmem>>, vector<16xi32>,
    %get3A_1035 = vector.shape_cast %get3A_1034 : vector<16xi32> to vector<16xi32>
    %ne3A_1036 = arith.cmpi ne, %get3A_1035, %broadcast_in_dim3A_44 : vector<16xi32>
    %broadcast_in_dim3A_1037 = arith.constant 512 : i32
    %broadcast_in_dim3A_1038 = vector.broadcast %broadcast_in_dim3A_1037 : i32 to vector<16xi32>
    %select_n3A_1039 = arith.select %ne3A_1036, %sub3A_1032, %broadcast_in_dim3A_1038 : vector<16xi1>, vector<16xi32>
    %swap3A_1040 = arith.constant 4 : i32
    %swap3A_1041 = arith.index_cast %swap3A_1040 : i32 to index
    %swap3A_1042 = arith.constant 48 : index
    %swap3A_1043 = tpu.vector_load %arg6[%swap3A_1041, %swap3A_1042] {strides = array<i32>} : memref<5x128xi32, #tpu.memory_space<vmem>>, vector<1x16xi32>,
    %swap3A_1044 = vector.shape_cast %swap3A_1043 : vector<1x16xi32> to vector<16xi32>
    %swap3A_1045 = vector.shape_cast %select_n3A_1039 : vector<16xi32> to vector<1x16xi32>
    tpu.vector_store %arg6[%swap3A_1041, %swap3A_1042], %swap3A_1045 {strides = array<i32>} : memref<5x128xi32, #tpu.memory_space<vmem>>, vector<1x16xi32>,
    %add3A_1046 = arith.constant 576 : i32
    %add3A_1047 = arith.addi %mul3A_4, %add3A_1046 : i32
    %broadcast_in_dim3A_1048 = vector.broadcast %add3A_1047 : i32 to vector<16xi32>
    %iota3A_1049 = tpu.iota {dimensions = array<i32: 0>} : vector<16xi32>
    %add3A_1050 = arith.addi %broadcast_in_dim3A_1048, %iota3A_1049 : vector<16xi32>
    %mul3A_1051 = arith.constant 52429 : i32
    %mul3A_1052 = vector.broadcast %mul3A_1051 : i32 to vector<16xi32>
    %mul3A_1053 = arith.muli %add3A_1050, %mul3A_1052 : vector<16xi32>
    %shift_right_logical3A_1054 = arith.constant 20 : i32
    %shift_right_logical3A_1055 = vector.broadcast %shift_right_logical3A_1054 : i32 to vector<16xi32>
    %shift_right_logical3A_1056 = arith.shrui %mul3A_1053, %shift_right_logical3A_1055 : vector<16xi32>
    %mul3A_1057 = arith.constant 512 : i32
    %mul3A_1058 = arith.muli %arg0, %mul3A_1057 : i32
    %sub3A_1059 = vector.broadcast %mul3A_1058 : i32 to vector<16xi32>
    %sub3A_1060 = arith.subi %shift_right_logical3A_1056, %sub3A_1059 : vector<16xi32>
    %get3A_1061 = arith.constant 576 : index
    %get3A_1062 = tpu.vector_load %arg5[%get3A_1061] {strides = array<i32>} : memref<640xi32, #tpu.memory_space<vmem>>, vector<16xi32>,
    %get3A_1063 = vector.shape_cast %get3A_1062 : vector<16xi32> to vector<16xi32>
    %ne3A_1064 = arith.cmpi ne, %get3A_1063, %broadcast_in_dim3A_44 : vector<16xi32>
    %broadcast_in_dim3A_1065 = arith.constant 512 : i32
    %broadcast_in_dim3A_1066 = vector.broadcast %broadcast_in_dim3A_1065 : i32 to vector<16xi32>
    %select_n3A_1067 = arith.select %ne3A_1064, %sub3A_1060, %broadcast_in_dim3A_1066 : vector<16xi1>, vector<16xi32>
    %swap3A_1068 = arith.constant 4 : i32
    %swap3A_1069 = arith.index_cast %swap3A_1068 : i32 to index
    %swap3A_1070 = arith.constant 64 : index
    %swap3A_1071 = tpu.vector_load %arg6[%swap3A_1069, %swap3A_1070] {strides = array<i32>} : memref<5x128xi32, #tpu.memory_space<vmem>>, vector<1x16xi32>,
    %swap3A_1072 = vector.shape_cast %swap3A_1071 : vector<1x16xi32> to vector<16xi32>
    %swap3A_1073 = vector.shape_cast %select_n3A_1067 : vector<16xi32> to vector<1x16xi32>
    tpu.vector_store %arg6[%swap3A_1069, %swap3A_1070], %swap3A_1073 {strides = array<i32>} : memref<5x128xi32, #tpu.memory_space<vmem>>, vector<1x16xi32>,
    %add3A_1074 = arith.constant 592 : i32
    %add3A_1075 = arith.addi %mul3A_4, %add3A_1074 : i32
    %broadcast_in_dim3A_1076 = vector.broadcast %add3A_1075 : i32 to vector<16xi32>
    %iota3A_1077 = tpu.iota {dimensions = array<i32: 0>} : vector<16xi32>
    %add3A_1078 = arith.addi %broadcast_in_dim3A_1076, %iota3A_1077 : vector<16xi32>
    %mul3A_1079 = arith.constant 52429 : i32
    %mul3A_1080 = vector.broadcast %mul3A_1079 : i32 to vector<16xi32>
    %mul3A_1081 = arith.muli %add3A_1078, %mul3A_1080 : vector<16xi32>
    %shift_right_logical3A_1082 = arith.constant 20 : i32
    %shift_right_logical3A_1083 = vector.broadcast %shift_right_logical3A_1082 : i32 to vector<16xi32>
    %shift_right_logical3A_1084 = arith.shrui %mul3A_1081, %shift_right_logical3A_1083 : vector<16xi32>
    %mul3A_1085 = arith.constant 512 : i32
    %mul3A_1086 = arith.muli %arg0, %mul3A_1085 : i32
    %sub3A_1087 = vector.broadcast %mul3A_1086 : i32 to vector<16xi32>
    %sub3A_1088 = arith.subi %shift_right_logical3A_1084, %sub3A_1087 : vector<16xi32>
    %get3A_1089 = arith.constant 592 : index
    %get3A_1090 = tpu.vector_load %arg5[%get3A_1089] {strides = array<i32>} : memref<640xi32, #tpu.memory_space<vmem>>, vector<16xi32>,
    %get3A_1091 = vector.shape_cast %get3A_1090 : vector<16xi32> to vector<16xi32>
    %ne3A_1092 = arith.cmpi ne, %get3A_1091, %broadcast_in_dim3A_44 : vector<16xi32>
    %broadcast_in_dim3A_1093 = arith.constant 512 : i32
    %broadcast_in_dim3A_1094 = vector.broadcast %broadcast_in_dim3A_1093 : i32 to vector<16xi32>
    %select_n3A_1095 = arith.select %ne3A_1092, %sub3A_1088, %broadcast_in_dim3A_1094 : vector<16xi1>, vector<16xi32>
    %swap3A_1096 = arith.constant 4 : i32
    %swap3A_1097 = arith.index_cast %swap3A_1096 : i32 to index
    %swap3A_1098 = arith.constant 80 : index
    %swap3A_1099 = tpu.vector_load %arg6[%swap3A_1097, %swap3A_1098] {strides = array<i32>} : memref<5x128xi32, #tpu.memory_space<vmem>>, vector<1x16xi32>,
    %swap3A_1100 = vector.shape_cast %swap3A_1099 : vector<1x16xi32> to vector<16xi32>
    %swap3A_1101 = vector.shape_cast %select_n3A_1095 : vector<16xi32> to vector<1x16xi32>
    tpu.vector_store %arg6[%swap3A_1097, %swap3A_1098], %swap3A_1101 {strides = array<i32>} : memref<5x128xi32, #tpu.memory_space<vmem>>, vector<1x16xi32>,
    %add3A_1102 = arith.constant 608 : i32
    %add3A_1103 = arith.addi %mul3A_4, %add3A_1102 : i32
    %broadcast_in_dim3A_1104 = vector.broadcast %add3A_1103 : i32 to vector<16xi32>
    %iota3A_1105 = tpu.iota {dimensions = array<i32: 0>} : vector<16xi32>
    %add3A_1106 = arith.addi %broadcast_in_dim3A_1104, %iota3A_1105 : vector<16xi32>
    %mul3A_1107 = arith.constant 52429 : i32
    %mul3A_1108 = vector.broadcast %mul3A_1107 : i32 to vector<16xi32>
    %mul3A_1109 = arith.muli %add3A_1106, %mul3A_1108 : vector<16xi32>
    %shift_right_logical3A_1110 = arith.constant 20 : i32
    %shift_right_logical3A_1111 = vector.broadcast %shift_right_logical3A_1110 : i32 to vector<16xi32>
    %shift_right_logical3A_1112 = arith.shrui %mul3A_1109, %shift_right_logical3A_1111 : vector<16xi32>
    %mul3A_1113 = arith.constant 512 : i32
    %mul3A_1114 = arith.muli %arg0, %mul3A_1113 : i32
    %sub3A_1115 = vector.broadcast %mul3A_1114 : i32 to vector<16xi32>
    %sub3A_1116 = arith.subi %shift_right_logical3A_1112, %sub3A_1115 : vector<16xi32>
    %get3A_1117 = arith.constant 608 : index
    %get3A_1118 = tpu.vector_load %arg5[%get3A_1117] {strides = array<i32>} : memref<640xi32, #tpu.memory_space<vmem>>, vector<16xi32>,
    %get3A_1119 = vector.shape_cast %get3A_1118 : vector<16xi32> to vector<16xi32>
    %ne3A_1120 = arith.cmpi ne, %get3A_1119, %broadcast_in_dim3A_44 : vector<16xi32>
    %broadcast_in_dim3A_1121 = arith.constant 512 : i32
    %broadcast_in_dim3A_1122 = vector.broadcast %broadcast_in_dim3A_1121 : i32 to vector<16xi32>
    %select_n3A_1123 = arith.select %ne3A_1120, %sub3A_1116, %broadcast_in_dim3A_1122 : vector<16xi1>, vector<16xi32>
    %swap3A_1124 = arith.constant 4 : i32
    %swap3A_1125 = arith.index_cast %swap3A_1124 : i32 to index
    %swap3A_1126 = arith.constant 96 : index
    %swap3A_1127 = tpu.vector_load %arg6[%swap3A_1125, %swap3A_1126] {strides = array<i32>} : memref<5x128xi32, #tpu.memory_space<vmem>>, vector<1x16xi32>,
    %swap3A_1128 = vector.shape_cast %swap3A_1127 : vector<1x16xi32> to vector<16xi32>
    %swap3A_1129 = vector.shape_cast %select_n3A_1123 : vector<16xi32> to vector<1x16xi32>
    tpu.vector_store %arg6[%swap3A_1125, %swap3A_1126], %swap3A_1129 {strides = array<i32>} : memref<5x128xi32, #tpu.memory_space<vmem>>, vector<1x16xi32>,
    %add3A_1130 = arith.constant 624 : i32
    %add3A_1131 = arith.addi %mul3A_4, %add3A_1130 : i32
    %broadcast_in_dim3A_1132 = vector.broadcast %add3A_1131 : i32 to vector<16xi32>
    %iota3A_1133 = tpu.iota {dimensions = array<i32: 0>} : vector<16xi32>
    %add3A_1134 = arith.addi %broadcast_in_dim3A_1132, %iota3A_1133 : vector<16xi32>
    %mul3A_1135 = arith.constant 52429 : i32
    %mul3A_1136 = vector.broadcast %mul3A_1135 : i32 to vector<16xi32>
    %mul3A_1137 = arith.muli %add3A_1134, %mul3A_1136 : vector<16xi32>
    %shift_right_logical3A_1138 = arith.constant 20 : i32
    %shift_right_logical3A_1139 = vector.broadcast %shift_right_logical3A_1138 : i32 to vector<16xi32>
    %shift_right_logical3A_1140 = arith.shrui %mul3A_1137, %shift_right_logical3A_1139 : vector<16xi32>
    %mul3A_1141 = arith.constant 512 : i32
    %mul3A_1142 = arith.muli %arg0, %mul3A_1141 : i32
    %sub3A_1143 = vector.broadcast %mul3A_1142 : i32 to vector<16xi32>
    %sub3A_1144 = arith.subi %shift_right_logical3A_1140, %sub3A_1143 : vector<16xi32>
    %get3A_1145 = arith.constant 624 : index
    %get3A_1146 = tpu.vector_load %arg5[%get3A_1145] {strides = array<i32>} : memref<640xi32, #tpu.memory_space<vmem>>, vector<16xi32>,
    %get3A_1147 = vector.shape_cast %get3A_1146 : vector<16xi32> to vector<16xi32>
    %ne3A_1148 = arith.cmpi ne, %get3A_1147, %broadcast_in_dim3A_44 : vector<16xi32>
    %broadcast_in_dim3A_1149 = arith.constant 512 : i32
    %broadcast_in_dim3A_1150 = vector.broadcast %broadcast_in_dim3A_1149 : i32 to vector<16xi32>
    %select_n3A_1151 = arith.select %ne3A_1148, %sub3A_1144, %broadcast_in_dim3A_1150 : vector<16xi1>, vector<16xi32>
    %swap3A_1152 = arith.constant 4 : i32
    %swap3A_1153 = arith.index_cast %swap3A_1152 : i32 to index
    %swap3A_1154 = arith.constant 112 : index
    %swap3A_1155 = tpu.vector_load %arg6[%swap3A_1153, %swap3A_1154] {strides = array<i32>} : memref<5x128xi32, #tpu.memory_space<vmem>>, vector<1x16xi32>,
    %swap3A_1156 = vector.shape_cast %swap3A_1155 : vector<1x16xi32> to vector<16xi32>
    %swap3A_1157 = vector.shape_cast %select_n3A_1151 : vector<16xi32> to vector<1x16xi32>
    tpu.vector_store %arg6[%swap3A_1153, %swap3A_1154], %swap3A_1157 {strides = array<i32>} : memref<5x128xi32, #tpu.memory_space<vmem>>, vector<1x16xi32>,
    %broadcast_in_dim3A_1158 = arith.constant 0.000000e+00 : f32
    %broadcast_in_dim3A_1159 = vector.broadcast %broadcast_in_dim3A_1158 : f32 to vector<16xf32>
    %swap3A_1160 = arith.constant 0 : i32
    %swap3A_1161 = arith.index_cast %swap3A_1160 : i32 to index
    %swap3A_1162 = arith.constant 0 : index
    %swap3A_1163 = tpu.vector_load %arg8[%swap3A_1161, %swap3A_1162] {strides = array<i32>} : memref<32x32xf32, #tpu.memory_space<vmem>>, vector<1x16xf32>,
    %swap3A_1164 = vector.shape_cast %swap3A_1163 : vector<1x16xf32> to vector<16xf32>
    %swap3A_1165 = vector.shape_cast %broadcast_in_dim3A_1159 : vector<16xf32> to vector<1x16xf32>
    tpu.vector_store %arg8[%swap3A_1161, %swap3A_1162], %swap3A_1165 {strides = array<i32>} : memref<32x32xf32, #tpu.memory_space<vmem>>, vector<1x16xf32>,
    %swap3A_1166 = arith.constant 0 : i32
    %swap3A_1167 = arith.index_cast %swap3A_1166 : i32 to index
    %swap3A_1168 = arith.constant 16 : index
    %swap3A_1169 = tpu.vector_load %arg8[%swap3A_1167, %swap3A_1168] {strides = array<i32>} : memref<32x32xf32, #tpu.memory_space<vmem>>, vector<1x16xf32>,
    %swap3A_1170 = vector.shape_cast %swap3A_1169 : vector<1x16xf32> to vector<16xf32>
    %swap3A_1171 = vector.shape_cast %broadcast_in_dim3A_1159 : vector<16xf32> to vector<1x16xf32>
    tpu.vector_store %arg8[%swap3A_1167, %swap3A_1168], %swap3A_1171 {strides = array<i32>} : memref<32x32xf32, #tpu.memory_space<vmem>>, vector<1x16xf32>,
    %swap3A_1172 = arith.constant 1 : i32
    %swap3A_1173 = arith.index_cast %swap3A_1172 : i32 to index
    %swap3A_1174 = arith.constant 0 : index
    %swap3A_1175 = tpu.vector_load %arg8[%swap3A_1173, %swap3A_1174] {strides = array<i32>} : memref<32x32xf32, #tpu.memory_space<vmem>>, vector<1x16xf32>,
    %swap3A_1176 = vector.shape_cast %swap3A_1175 : vector<1x16xf32> to vector<16xf32>
    %swap3A_1177 = vector.shape_cast %broadcast_in_dim3A_1159 : vector<16xf32> to vector<1x16xf32>
    tpu.vector_store %arg8[%swap3A_1173, %swap3A_1174], %swap3A_1177 {strides = array<i32>} : memref<32x32xf32, #tpu.memory_space<vmem>>, vector<1x16xf32>,
    %swap3A_1178 = arith.constant 1 : i32
    %swap3A_1179 = arith.index_cast %swap3A_1178 : i32 to index
    %swap3A_1180 = arith.constant 16 : index
    %swap3A_1181 = tpu.vector_load %arg8[%swap3A_1179, %swap3A_1180] {strides = array<i32>} : memref<32x32xf32, #tpu.memory_space<vmem>>, vector<1x16xf32>,
    %swap3A_1182 = vector.shape_cast %swap3A_1181 : vector<1x16xf32> to vector<16xf32>
    %swap3A_1183 = vector.shape_cast %broadcast_in_dim3A_1159 : vector<16xf32> to vector<1x16xf32>
    tpu.vector_store %arg8[%swap3A_1179, %swap3A_1180], %swap3A_1183 {strides = array<i32>} : memref<32x32xf32, #tpu.memory_space<vmem>>, vector<1x16xf32>,
    %swap3A_1184 = arith.constant 2 : i32
    %swap3A_1185 = arith.index_cast %swap3A_1184 : i32 to index
    %swap3A_1186 = arith.constant 0 : index
    %swap3A_1187 = tpu.vector_load %arg8[%swap3A_1185, %swap3A_1186] {strides = array<i32>} : memref<32x32xf32, #tpu.memory_space<vmem>>, vector<1x16xf32>,
    %swap3A_1188 = vector.shape_cast %swap3A_1187 : vector<1x16xf32> to vector<16xf32>
    %swap3A_1189 = vector.shape_cast %broadcast_in_dim3A_1159 : vector<16xf32> to vector<1x16xf32>
    tpu.vector_store %arg8[%swap3A_1185, %swap3A_1186], %swap3A_1189 {strides = array<i32>} : memref<32x32xf32, #tpu.memory_space<vmem>>, vector<1x16xf32>,
    %swap3A_1190 = arith.constant 2 : i32
    %swap3A_1191 = arith.index_cast %swap3A_1190 : i32 to index
    %swap3A_1192 = arith.constant 16 : index
    %swap3A_1193 = tpu.vector_load %arg8[%swap3A_1191, %swap3A_1192] {strides = array<i32>} : memref<32x32xf32, #tpu.memory_space<vmem>>, vector<1x16xf32>,
    %swap3A_1194 = vector.shape_cast %swap3A_1193 : vector<1x16xf32> to vector<16xf32>
    %swap3A_1195 = vector.shape_cast %broadcast_in_dim3A_1159 : vector<16xf32> to vector<1x16xf32>
    tpu.vector_store %arg8[%swap3A_1191, %swap3A_1192], %swap3A_1195 {strides = array<i32>} : memref<32x32xf32, #tpu.memory_space<vmem>>, vector<1x16xf32>,
    %swap3A_1196 = arith.constant 3 : i32
    %swap3A_1197 = arith.index_cast %swap3A_1196 : i32 to index
    %swap3A_1198 = arith.constant 0 : index
    %swap3A_1199 = tpu.vector_load %arg8[%swap3A_1197, %swap3A_1198] {strides = array<i32>} : memref<32x32xf32, #tpu.memory_space<vmem>>, vector<1x16xf32>,
    %swap3A_1200 = vector.shape_cast %swap3A_1199 : vector<1x16xf32> to vector<16xf32>
    %swap3A_1201 = vector.shape_cast %broadcast_in_dim3A_1159 : vector<16xf32> to vector<1x16xf32>
    tpu.vector_store %arg8[%swap3A_1197, %swap3A_1198], %swap3A_1201 {strides = array<i32>} : memref<32x32xf32, #tpu.memory_space<vmem>>, vector<1x16xf32>,
    %swap3A_1202 = arith.constant 3 : i32
    %swap3A_1203 = arith.index_cast %swap3A_1202 : i32 to index
    %swap3A_1204 = arith.constant 16 : index
    %swap3A_1205 = tpu.vector_load %arg8[%swap3A_1203, %swap3A_1204] {strides = array<i32>} : memref<32x32xf32, #tpu.memory_space<vmem>>, vector<1x16xf32>,
    %swap3A_1206 = vector.shape_cast %swap3A_1205 : vector<1x16xf32> to vector<16xf32>
    %swap3A_1207 = vector.shape_cast %broadcast_in_dim3A_1159 : vector<16xf32> to vector<1x16xf32>
    tpu.vector_store %arg8[%swap3A_1203, %swap3A_1204], %swap3A_1207 {strides = array<i32>} : memref<32x32xf32, #tpu.memory_space<vmem>>, vector<1x16xf32>,
    %swap3A_1208 = arith.constant 4 : i32
    %swap3A_1209 = arith.index_cast %swap3A_1208 : i32 to index
    %swap3A_1210 = arith.constant 0 : index
    %swap3A_1211 = tpu.vector_load %arg8[%swap3A_1209, %swap3A_1210] {strides = array<i32>} : memref<32x32xf32, #tpu.memory_space<vmem>>, vector<1x16xf32>,
    %swap3A_1212 = vector.shape_cast %swap3A_1211 : vector<1x16xf32> to vector<16xf32>
    %swap3A_1213 = vector.shape_cast %broadcast_in_dim3A_1159 : vector<16xf32> to vector<1x16xf32>
    tpu.vector_store %arg8[%swap3A_1209, %swap3A_1210], %swap3A_1213 {strides = array<i32>} : memref<32x32xf32, #tpu.memory_space<vmem>>, vector<1x16xf32>,
    %swap3A_1214 = arith.constant 4 : i32
    %swap3A_1215 = arith.index_cast %swap3A_1214 : i32 to index
    %swap3A_1216 = arith.constant 16 : index
    %swap3A_1217 = tpu.vector_load %arg8[%swap3A_1215, %swap3A_1216] {strides = array<i32>} : memref<32x32xf32, #tpu.memory_space<vmem>>, vector<1x16xf32>,
    %swap3A_1218 = vector.shape_cast %swap3A_1217 : vector<1x16xf32> to vector<16xf32>
    %swap3A_1219 = vector.shape_cast %broadcast_in_dim3A_1159 : vector<16xf32> to vector<1x16xf32>
    tpu.vector_store %arg8[%swap3A_1215, %swap3A_1216], %swap3A_1219 {strides = array<i32>} : memref<32x32xf32, #tpu.memory_space<vmem>>, vector<1x16xf32>,
    %swap3A_1220 = arith.constant 5 : i32
    %swap3A_1221 = arith.index_cast %swap3A_1220 : i32 to index
    %swap3A_1222 = arith.constant 0 : index
    %swap3A_1223 = tpu.vector_load %arg8[%swap3A_1221, %swap3A_1222] {strides = array<i32>} : memref<32x32xf32, #tpu.memory_space<vmem>>, vector<1x16xf32>,
    %swap3A_1224 = vector.shape_cast %swap3A_1223 : vector<1x16xf32> to vector<16xf32>
    %swap3A_1225 = vector.shape_cast %broadcast_in_dim3A_1159 : vector<16xf32> to vector<1x16xf32>
    tpu.vector_store %arg8[%swap3A_1221, %swap3A_1222], %swap3A_1225 {strides = array<i32>} : memref<32x32xf32, #tpu.memory_space<vmem>>, vector<1x16xf32>,
    %swap3A_1226 = arith.constant 5 : i32
    %swap3A_1227 = arith.index_cast %swap3A_1226 : i32 to index
    %swap3A_1228 = arith.constant 16 : index
    %swap3A_1229 = tpu.vector_load %arg8[%swap3A_1227, %swap3A_1228] {strides = array<i32>} : memref<32x32xf32, #tpu.memory_space<vmem>>, vector<1x16xf32>,
    %swap3A_1230 = vector.shape_cast %swap3A_1229 : vector<1x16xf32> to vector<16xf32>
    %swap3A_1231 = vector.shape_cast %broadcast_in_dim3A_1159 : vector<16xf32> to vector<1x16xf32>
    tpu.vector_store %arg8[%swap3A_1227, %swap3A_1228], %swap3A_1231 {strides = array<i32>} : memref<32x32xf32, #tpu.memory_space<vmem>>, vector<1x16xf32>,
    %swap3A_1232 = arith.constant 6 : i32
    %swap3A_1233 = arith.index_cast %swap3A_1232 : i32 to index
    %swap3A_1234 = arith.constant 0 : index
    %swap3A_1235 = tpu.vector_load %arg8[%swap3A_1233, %swap3A_1234] {strides = array<i32>} : memref<32x32xf32, #tpu.memory_space<vmem>>, vector<1x16xf32>,
    %swap3A_1236 = vector.shape_cast %swap3A_1235 : vector<1x16xf32> to vector<16xf32>
    %swap3A_1237 = vector.shape_cast %broadcast_in_dim3A_1159 : vector<16xf32> to vector<1x16xf32>
    tpu.vector_store %arg8[%swap3A_1233, %swap3A_1234], %swap3A_1237 {strides = array<i32>} : memref<32x32xf32, #tpu.memory_space<vmem>>, vector<1x16xf32>,
    %swap3A_1238 = arith.constant 6 : i32
    %swap3A_1239 = arith.index_cast %swap3A_1238 : i32 to index
    %swap3A_1240 = arith.constant 16 : index
    %swap3A_1241 = tpu.vector_load %arg8[%swap3A_1239, %swap3A_1240] {strides = array<i32>} : memref<32x32xf32, #tpu.memory_space<vmem>>, vector<1x16xf32>,
    %swap3A_1242 = vector.shape_cast %swap3A_1241 : vector<1x16xf32> to vector<16xf32>
    %swap3A_1243 = vector.shape_cast %broadcast_in_dim3A_1159 : vector<16xf32> to vector<1x16xf32>
    tpu.vector_store %arg8[%swap3A_1239, %swap3A_1240], %swap3A_1243 {strides = array<i32>} : memref<32x32xf32, #tpu.memory_space<vmem>>, vector<1x16xf32>,
    %swap3A_1244 = arith.constant 7 : i32
    %swap3A_1245 = arith.index_cast %swap3A_1244 : i32 to index
    %swap3A_1246 = arith.constant 0 : index
    %swap3A_1247 = tpu.vector_load %arg8[%swap3A_1245, %swap3A_1246] {strides = array<i32>} : memref<32x32xf32, #tpu.memory_space<vmem>>, vector<1x16xf32>,
    %swap3A_1248 = vector.shape_cast %swap3A_1247 : vector<1x16xf32> to vector<16xf32>
    %swap3A_1249 = vector.shape_cast %broadcast_in_dim3A_1159 : vector<16xf32> to vector<1x16xf32>
    tpu.vector_store %arg8[%swap3A_1245, %swap3A_1246], %swap3A_1249 {strides = array<i32>} : memref<32x32xf32, #tpu.memory_space<vmem>>, vector<1x16xf32>,
    %swap3A_1250 = arith.constant 7 : i32
    %swap3A_1251 = arith.index_cast %swap3A_1250 : i32 to index
    %swap3A_1252 = arith.constant 16 : index
    %swap3A_1253 = tpu.vector_load %arg8[%swap3A_1251, %swap3A_1252] {strides = array<i32>} : memref<32x32xf32, #tpu.memory_space<vmem>>, vector<1x16xf32>,
    %swap3A_1254 = vector.shape_cast %swap3A_1253 : vector<1x16xf32> to vector<16xf32>
    %swap3A_1255 = vector.shape_cast %broadcast_in_dim3A_1159 : vector<16xf32> to vector<1x16xf32>
    tpu.vector_store %arg8[%swap3A_1251, %swap3A_1252], %swap3A_1255 {strides = array<i32>} : memref<32x32xf32, #tpu.memory_space<vmem>>, vector<1x16xf32>,
    %swap3A_1256 = arith.constant 8 : i32
    %swap3A_1257 = arith.index_cast %swap3A_1256 : i32 to index
    %swap3A_1258 = arith.constant 0 : index
    %swap3A_1259 = tpu.vector_load %arg8[%swap3A_1257, %swap3A_1258] {strides = array<i32>} : memref<32x32xf32, #tpu.memory_space<vmem>>, vector<1x16xf32>,
    %swap3A_1260 = vector.shape_cast %swap3A_1259 : vector<1x16xf32> to vector<16xf32>
    %swap3A_1261 = vector.shape_cast %broadcast_in_dim3A_1159 : vector<16xf32> to vector<1x16xf32>
    tpu.vector_store %arg8[%swap3A_1257, %swap3A_1258], %swap3A_1261 {strides = array<i32>} : memref<32x32xf32, #tpu.memory_space<vmem>>, vector<1x16xf32>,
    %swap3A_1262 = arith.constant 8 : i32
    %swap3A_1263 = arith.index_cast %swap3A_1262 : i32 to index
    %swap3A_1264 = arith.constant 16 : index
    %swap3A_1265 = tpu.vector_load %arg8[%swap3A_1263, %swap3A_1264] {strides = array<i32>} : memref<32x32xf32, #tpu.memory_space<vmem>>, vector<1x16xf32>,
    %swap3A_1266 = vector.shape_cast %swap3A_1265 : vector<1x16xf32> to vector<16xf32>
    %swap3A_1267 = vector.shape_cast %broadcast_in_dim3A_1159 : vector<16xf32> to vector<1x16xf32>
    tpu.vector_store %arg8[%swap3A_1263, %swap3A_1264], %swap3A_1267 {strides = array<i32>} : memref<32x32xf32, #tpu.memory_space<vmem>>, vector<1x16xf32>,
    %swap3A_1268 = arith.constant 9 : i32
    %swap3A_1269 = arith.index_cast %swap3A_1268 : i32 to index
    %swap3A_1270 = arith.constant 0 : index
    %swap3A_1271 = tpu.vector_load %arg8[%swap3A_1269, %swap3A_1270] {strides = array<i32>} : memref<32x32xf32, #tpu.memory_space<vmem>>, vector<1x16xf32>,
    %swap3A_1272 = vector.shape_cast %swap3A_1271 : vector<1x16xf32> to vector<16xf32>
    %swap3A_1273 = vector.shape_cast %broadcast_in_dim3A_1159 : vector<16xf32> to vector<1x16xf32>
    tpu.vector_store %arg8[%swap3A_1269, %swap3A_1270], %swap3A_1273 {strides = array<i32>} : memref<32x32xf32, #tpu.memory_space<vmem>>, vector<1x16xf32>,
    %swap3A_1274 = arith.constant 9 : i32
    %swap3A_1275 = arith.index_cast %swap3A_1274 : i32 to index
    %swap3A_1276 = arith.constant 16 : index
    %swap3A_1277 = tpu.vector_load %arg8[%swap3A_1275, %swap3A_1276] {strides = array<i32>} : memref<32x32xf32, #tpu.memory_space<vmem>>, vector<1x16xf32>,
    %swap3A_1278 = vector.shape_cast %swap3A_1277 : vector<1x16xf32> to vector<16xf32>
    %swap3A_1279 = vector.shape_cast %broadcast_in_dim3A_1159 : vector<16xf32> to vector<1x16xf32>
    tpu.vector_store %arg8[%swap3A_1275, %swap3A_1276], %swap3A_1279 {strides = array<i32>} : memref<32x32xf32, #tpu.memory_space<vmem>>, vector<1x16xf32>,
    %swap3A_1280 = arith.constant 10 : i32
    %swap3A_1281 = arith.index_cast %swap3A_1280 : i32 to index
    %swap3A_1282 = arith.constant 0 : index
    %swap3A_1283 = tpu.vector_load %arg8[%swap3A_1281, %swap3A_1282] {strides = array<i32>} : memref<32x32xf32, #tpu.memory_space<vmem>>, vector<1x16xf32>,
    %swap3A_1284 = vector.shape_cast %swap3A_1283 : vector<1x16xf32> to vector<16xf32>
    %swap3A_1285 = vector.shape_cast %broadcast_in_dim3A_1159 : vector<16xf32> to vector<1x16xf32>
    tpu.vector_store %arg8[%swap3A_1281, %swap3A_1282], %swap3A_1285 {strides = array<i32>} : memref<32x32xf32, #tpu.memory_space<vmem>>, vector<1x16xf32>,
    %swap3A_1286 = arith.constant 10 : i32
    %swap3A_1287 = arith.index_cast %swap3A_1286 : i32 to index
    %swap3A_1288 = arith.constant 16 : index
    %swap3A_1289 = tpu.vector_load %arg8[%swap3A_1287, %swap3A_1288] {strides = array<i32>} : memref<32x32xf32, #tpu.memory_space<vmem>>, vector<1x16xf32>,
    %swap3A_1290 = vector.shape_cast %swap3A_1289 : vector<1x16xf32> to vector<16xf32>
    %swap3A_1291 = vector.shape_cast %broadcast_in_dim3A_1159 : vector<16xf32> to vector<1x16xf32>
    tpu.vector_store %arg8[%swap3A_1287, %swap3A_1288], %swap3A_1291 {strides = array<i32>} : memref<32x32xf32, #tpu.memory_space<vmem>>, vector<1x16xf32>,
    %swap3A_1292 = arith.constant 11 : i32
    %swap3A_1293 = arith.index_cast %swap3A_1292 : i32 to index
    %swap3A_1294 = arith.constant 0 : index
    %swap3A_1295 = tpu.vector_load %arg8[%swap3A_1293, %swap3A_1294] {strides = array<i32>} : memref<32x32xf32, #tpu.memory_space<vmem>>, vector<1x16xf32>,
    %swap3A_1296 = vector.shape_cast %swap3A_1295 : vector<1x16xf32> to vector<16xf32>
    %swap3A_1297 = vector.shape_cast %broadcast_in_dim3A_1159 : vector<16xf32> to vector<1x16xf32>
    tpu.vector_store %arg8[%swap3A_1293, %swap3A_1294], %swap3A_1297 {strides = array<i32>} : memref<32x32xf32, #tpu.memory_space<vmem>>, vector<1x16xf32>,
    %swap3A_1298 = arith.constant 11 : i32
    %swap3A_1299 = arith.index_cast %swap3A_1298 : i32 to index
    %swap3A_1300 = arith.constant 16 : index
    %swap3A_1301 = tpu.vector_load %arg8[%swap3A_1299, %swap3A_1300] {strides = array<i32>} : memref<32x32xf32, #tpu.memory_space<vmem>>, vector<1x16xf32>,
    %swap3A_1302 = vector.shape_cast %swap3A_1301 : vector<1x16xf32> to vector<16xf32>
    %swap3A_1303 = vector.shape_cast %broadcast_in_dim3A_1159 : vector<16xf32> to vector<1x16xf32>
    tpu.vector_store %arg8[%swap3A_1299, %swap3A_1300], %swap3A_1303 {strides = array<i32>} : memref<32x32xf32, #tpu.memory_space<vmem>>, vector<1x16xf32>,
    %swap3A_1304 = arith.constant 12 : i32
    %swap3A_1305 = arith.index_cast %swap3A_1304 : i32 to index
    %swap3A_1306 = arith.constant 0 : index
    %swap3A_1307 = tpu.vector_load %arg8[%swap3A_1305, %swap3A_1306] {strides = array<i32>} : memref<32x32xf32, #tpu.memory_space<vmem>>, vector<1x16xf32>,
    %swap3A_1308 = vector.shape_cast %swap3A_1307 : vector<1x16xf32> to vector<16xf32>
    %swap3A_1309 = vector.shape_cast %broadcast_in_dim3A_1159 : vector<16xf32> to vector<1x16xf32>
    tpu.vector_store %arg8[%swap3A_1305, %swap3A_1306], %swap3A_1309 {strides = array<i32>} : memref<32x32xf32, #tpu.memory_space<vmem>>, vector<1x16xf32>,
    %swap3A_1310 = arith.constant 12 : i32
    %swap3A_1311 = arith.index_cast %swap3A_1310 : i32 to index
    %swap3A_1312 = arith.constant 16 : index
    %swap3A_1313 = tpu.vector_load %arg8[%swap3A_1311, %swap3A_1312] {strides = array<i32>} : memref<32x32xf32, #tpu.memory_space<vmem>>, vector<1x16xf32>,
    %swap3A_1314 = vector.shape_cast %swap3A_1313 : vector<1x16xf32> to vector<16xf32>
    %swap3A_1315 = vector.shape_cast %broadcast_in_dim3A_1159 : vector<16xf32> to vector<1x16xf32>
    tpu.vector_store %arg8[%swap3A_1311, %swap3A_1312], %swap3A_1315 {strides = array<i32>} : memref<32x32xf32, #tpu.memory_space<vmem>>, vector<1x16xf32>,
    %swap3A_1316 = arith.constant 13 : i32
    %swap3A_1317 = arith.index_cast %swap3A_1316 : i32 to index
    %swap3A_1318 = arith.constant 0 : index
    %swap3A_1319 = tpu.vector_load %arg8[%swap3A_1317, %swap3A_1318] {strides = array<i32>} : memref<32x32xf32, #tpu.memory_space<vmem>>, vector<1x16xf32>,
    %swap3A_1320 = vector.shape_cast %swap3A_1319 : vector<1x16xf32> to vector<16xf32>
    %swap3A_1321 = vector.shape_cast %broadcast_in_dim3A_1159 : vector<16xf32> to vector<1x16xf32>
    tpu.vector_store %arg8[%swap3A_1317, %swap3A_1318], %swap3A_1321 {strides = array<i32>} : memref<32x32xf32, #tpu.memory_space<vmem>>, vector<1x16xf32>,
    %swap3A_1322 = arith.constant 13 : i32
    %swap3A_1323 = arith.index_cast %swap3A_1322 : i32 to index
    %swap3A_1324 = arith.constant 16 : index
    %swap3A_1325 = tpu.vector_load %arg8[%swap3A_1323, %swap3A_1324] {strides = array<i32>} : memref<32x32xf32, #tpu.memory_space<vmem>>, vector<1x16xf32>,
    %swap3A_1326 = vector.shape_cast %swap3A_1325 : vector<1x16xf32> to vector<16xf32>
    %swap3A_1327 = vector.shape_cast %broadcast_in_dim3A_1159 : vector<16xf32> to vector<1x16xf32>
    tpu.vector_store %arg8[%swap3A_1323, %swap3A_1324], %swap3A_1327 {strides = array<i32>} : memref<32x32xf32, #tpu.memory_space<vmem>>, vector<1x16xf32>,
    %swap3A_1328 = arith.constant 14 : i32
    %swap3A_1329 = arith.index_cast %swap3A_1328 : i32 to index
    %swap3A_1330 = arith.constant 0 : index
    %swap3A_1331 = tpu.vector_load %arg8[%swap3A_1329, %swap3A_1330] {strides = array<i32>} : memref<32x32xf32, #tpu.memory_space<vmem>>, vector<1x16xf32>,
    %swap3A_1332 = vector.shape_cast %swap3A_1331 : vector<1x16xf32> to vector<16xf32>
    %swap3A_1333 = vector.shape_cast %broadcast_in_dim3A_1159 : vector<16xf32> to vector<1x16xf32>
    tpu.vector_store %arg8[%swap3A_1329, %swap3A_1330], %swap3A_1333 {strides = array<i32>} : memref<32x32xf32, #tpu.memory_space<vmem>>, vector<1x16xf32>,
    %swap3A_1334 = arith.constant 14 : i32
    %swap3A_1335 = arith.index_cast %swap3A_1334 : i32 to index
    %swap3A_1336 = arith.constant 16 : index
    %swap3A_1337 = tpu.vector_load %arg8[%swap3A_1335, %swap3A_1336] {strides = array<i32>} : memref<32x32xf32, #tpu.memory_space<vmem>>, vector<1x16xf32>,
    %swap3A_1338 = vector.shape_cast %swap3A_1337 : vector<1x16xf32> to vector<16xf32>
    %swap3A_1339 = vector.shape_cast %broadcast_in_dim3A_1159 : vector<16xf32> to vector<1x16xf32>
    tpu.vector_store %arg8[%swap3A_1335, %swap3A_1336], %swap3A_1339 {strides = array<i32>} : memref<32x32xf32, #tpu.memory_space<vmem>>, vector<1x16xf32>,
    %swap3A_1340 = arith.constant 15 : i32
    %swap3A_1341 = arith.index_cast %swap3A_1340 : i32 to index
    %swap3A_1342 = arith.constant 0 : index
    %swap3A_1343 = tpu.vector_load %arg8[%swap3A_1341, %swap3A_1342] {strides = array<i32>} : memref<32x32xf32, #tpu.memory_space<vmem>>, vector<1x16xf32>,
    %swap3A_1344 = vector.shape_cast %swap3A_1343 : vector<1x16xf32> to vector<16xf32>
    %swap3A_1345 = vector.shape_cast %broadcast_in_dim3A_1159 : vector<16xf32> to vector<1x16xf32>
    tpu.vector_store %arg8[%swap3A_1341, %swap3A_1342], %swap3A_1345 {strides = array<i32>} : memref<32x32xf32, #tpu.memory_space<vmem>>, vector<1x16xf32>,
    %swap3A_1346 = arith.constant 15 : i32
    %swap3A_1347 = arith.index_cast %swap3A_1346 : i32 to index
    %swap3A_1348 = arith.constant 16 : index
    %swap3A_1349 = tpu.vector_load %arg8[%swap3A_1347, %swap3A_1348] {strides = array<i32>} : memref<32x32xf32, #tpu.memory_space<vmem>>, vector<1x16xf32>,
    %swap3A_1350 = vector.shape_cast %swap3A_1349 : vector<1x16xf32> to vector<16xf32>
    %swap3A_1351 = vector.shape_cast %broadcast_in_dim3A_1159 : vector<16xf32> to vector<1x16xf32>
    tpu.vector_store %arg8[%swap3A_1347, %swap3A_1348], %swap3A_1351 {strides = array<i32>} : memref<32x32xf32, #tpu.memory_space<vmem>>, vector<1x16xf32>,
    %swap3A_1352 = arith.constant 16 : i32
    %swap3A_1353 = arith.index_cast %swap3A_1352 : i32 to index
    %swap3A_1354 = arith.constant 0 : index
    %swap3A_1355 = tpu.vector_load %arg8[%swap3A_1353, %swap3A_1354] {strides = array<i32>} : memref<32x32xf32, #tpu.memory_space<vmem>>, vector<1x16xf32>,
    %swap3A_1356 = vector.shape_cast %swap3A_1355 : vector<1x16xf32> to vector<16xf32>
    %swap3A_1357 = vector.shape_cast %broadcast_in_dim3A_1159 : vector<16xf32> to vector<1x16xf32>
    tpu.vector_store %arg8[%swap3A_1353, %swap3A_1354], %swap3A_1357 {strides = array<i32>} : memref<32x32xf32, #tpu.memory_space<vmem>>, vector<1x16xf32>,
    %swap3A_1358 = arith.constant 16 : i32
    %swap3A_1359 = arith.index_cast %swap3A_1358 : i32 to index
    %swap3A_1360 = arith.constant 16 : index
    %swap3A_1361 = tpu.vector_load %arg8[%swap3A_1359, %swap3A_1360] {strides = array<i32>} : memref<32x32xf32, #tpu.memory_space<vmem>>, vector<1x16xf32>,
    %swap3A_1362 = vector.shape_cast %swap3A_1361 : vector<1x16xf32> to vector<16xf32>
    %swap3A_1363 = vector.shape_cast %broadcast_in_dim3A_1159 : vector<16xf32> to vector<1x16xf32>
    tpu.vector_store %arg8[%swap3A_1359, %swap3A_1360], %swap3A_1363 {strides = array<i32>} : memref<32x32xf32, #tpu.memory_space<vmem>>, vector<1x16xf32>,
    %swap3A_1364 = arith.constant 17 : i32
    %swap3A_1365 = arith.index_cast %swap3A_1364 : i32 to index
    %swap3A_1366 = arith.constant 0 : index
    %swap3A_1367 = tpu.vector_load %arg8[%swap3A_1365, %swap3A_1366] {strides = array<i32>} : memref<32x32xf32, #tpu.memory_space<vmem>>, vector<1x16xf32>,
    %swap3A_1368 = vector.shape_cast %swap3A_1367 : vector<1x16xf32> to vector<16xf32>
    %swap3A_1369 = vector.shape_cast %broadcast_in_dim3A_1159 : vector<16xf32> to vector<1x16xf32>
    tpu.vector_store %arg8[%swap3A_1365, %swap3A_1366], %swap3A_1369 {strides = array<i32>} : memref<32x32xf32, #tpu.memory_space<vmem>>, vector<1x16xf32>,
    %swap3A_1370 = arith.constant 17 : i32
    %swap3A_1371 = arith.index_cast %swap3A_1370 : i32 to index
    %swap3A_1372 = arith.constant 16 : index
    %swap3A_1373 = tpu.vector_load %arg8[%swap3A_1371, %swap3A_1372] {strides = array<i32>} : memref<32x32xf32, #tpu.memory_space<vmem>>, vector<1x16xf32>,
    %swap3A_1374 = vector.shape_cast %swap3A_1373 : vector<1x16xf32> to vector<16xf32>
    %swap3A_1375 = vector.shape_cast %broadcast_in_dim3A_1159 : vector<16xf32> to vector<1x16xf32>
    tpu.vector_store %arg8[%swap3A_1371, %swap3A_1372], %swap3A_1375 {strides = array<i32>} : memref<32x32xf32, #tpu.memory_space<vmem>>, vector<1x16xf32>,
    %swap3A_1376 = arith.constant 18 : i32
    %swap3A_1377 = arith.index_cast %swap3A_1376 : i32 to index
    %swap3A_1378 = arith.constant 0 : index
    %swap3A_1379 = tpu.vector_load %arg8[%swap3A_1377, %swap3A_1378] {strides = array<i32>} : memref<32x32xf32, #tpu.memory_space<vmem>>, vector<1x16xf32>,
    %swap3A_1380 = vector.shape_cast %swap3A_1379 : vector<1x16xf32> to vector<16xf32>
    %swap3A_1381 = vector.shape_cast %broadcast_in_dim3A_1159 : vector<16xf32> to vector<1x16xf32>
    tpu.vector_store %arg8[%swap3A_1377, %swap3A_1378], %swap3A_1381 {strides = array<i32>} : memref<32x32xf32, #tpu.memory_space<vmem>>, vector<1x16xf32>,
    %swap3A_1382 = arith.constant 18 : i32
    %swap3A_1383 = arith.index_cast %swap3A_1382 : i32 to index
    %swap3A_1384 = arith.constant 16 : index
    %swap3A_1385 = tpu.vector_load %arg8[%swap3A_1383, %swap3A_1384] {strides = array<i32>} : memref<32x32xf32, #tpu.memory_space<vmem>>, vector<1x16xf32>,
    %swap3A_1386 = vector.shape_cast %swap3A_1385 : vector<1x16xf32> to vector<16xf32>
    %swap3A_1387 = vector.shape_cast %broadcast_in_dim3A_1159 : vector<16xf32> to vector<1x16xf32>
    tpu.vector_store %arg8[%swap3A_1383, %swap3A_1384], %swap3A_1387 {strides = array<i32>} : memref<32x32xf32, #tpu.memory_space<vmem>>, vector<1x16xf32>,
    %swap3A_1388 = arith.constant 19 : i32
    %swap3A_1389 = arith.index_cast %swap3A_1388 : i32 to index
    %swap3A_1390 = arith.constant 0 : index
    %swap3A_1391 = tpu.vector_load %arg8[%swap3A_1389, %swap3A_1390] {strides = array<i32>} : memref<32x32xf32, #tpu.memory_space<vmem>>, vector<1x16xf32>,
    %swap3A_1392 = vector.shape_cast %swap3A_1391 : vector<1x16xf32> to vector<16xf32>
    %swap3A_1393 = vector.shape_cast %broadcast_in_dim3A_1159 : vector<16xf32> to vector<1x16xf32>
    tpu.vector_store %arg8[%swap3A_1389, %swap3A_1390], %swap3A_1393 {strides = array<i32>} : memref<32x32xf32, #tpu.memory_space<vmem>>, vector<1x16xf32>,
    %swap3A_1394 = arith.constant 19 : i32
    %swap3A_1395 = arith.index_cast %swap3A_1394 : i32 to index
    %swap3A_1396 = arith.constant 16 : index
    %swap3A_1397 = tpu.vector_load %arg8[%swap3A_1395, %swap3A_1396] {strides = array<i32>} : memref<32x32xf32, #tpu.memory_space<vmem>>, vector<1x16xf32>,
    %swap3A_1398 = vector.shape_cast %swap3A_1397 : vector<1x16xf32> to vector<16xf32>
    %swap3A_1399 = vector.shape_cast %broadcast_in_dim3A_1159 : vector<16xf32> to vector<1x16xf32>
    tpu.vector_store %arg8[%swap3A_1395, %swap3A_1396], %swap3A_1399 {strides = array<i32>} : memref<32x32xf32, #tpu.memory_space<vmem>>, vector<1x16xf32>,
    %swap3A_1400 = arith.constant 20 : i32
    %swap3A_1401 = arith.index_cast %swap3A_1400 : i32 to index
    %swap3A_1402 = arith.constant 0 : index
    %swap3A_1403 = tpu.vector_load %arg8[%swap3A_1401, %swap3A_1402] {strides = array<i32>} : memref<32x32xf32, #tpu.memory_space<vmem>>, vector<1x16xf32>,
    %swap3A_1404 = vector.shape_cast %swap3A_1403 : vector<1x16xf32> to vector<16xf32>
    %swap3A_1405 = vector.shape_cast %broadcast_in_dim3A_1159 : vector<16xf32> to vector<1x16xf32>
    tpu.vector_store %arg8[%swap3A_1401, %swap3A_1402], %swap3A_1405 {strides = array<i32>} : memref<32x32xf32, #tpu.memory_space<vmem>>, vector<1x16xf32>,
    %swap3A_1406 = arith.constant 20 : i32
    %swap3A_1407 = arith.index_cast %swap3A_1406 : i32 to index
    %swap3A_1408 = arith.constant 16 : index
    %swap3A_1409 = tpu.vector_load %arg8[%swap3A_1407, %swap3A_1408] {strides = array<i32>} : memref<32x32xf32, #tpu.memory_space<vmem>>, vector<1x16xf32>,
    %swap3A_1410 = vector.shape_cast %swap3A_1409 : vector<1x16xf32> to vector<16xf32>
    %swap3A_1411 = vector.shape_cast %broadcast_in_dim3A_1159 : vector<16xf32> to vector<1x16xf32>
    tpu.vector_store %arg8[%swap3A_1407, %swap3A_1408], %swap3A_1411 {strides = array<i32>} : memref<32x32xf32, #tpu.memory_space<vmem>>, vector<1x16xf32>,
    %swap3A_1412 = arith.constant 21 : i32
    %swap3A_1413 = arith.index_cast %swap3A_1412 : i32 to index
    %swap3A_1414 = arith.constant 0 : index
    %swap3A_1415 = tpu.vector_load %arg8[%swap3A_1413, %swap3A_1414] {strides = array<i32>} : memref<32x32xf32, #tpu.memory_space<vmem>>, vector<1x16xf32>,
    %swap3A_1416 = vector.shape_cast %swap3A_1415 : vector<1x16xf32> to vector<16xf32>
    %swap3A_1417 = vector.shape_cast %broadcast_in_dim3A_1159 : vector<16xf32> to vector<1x16xf32>
    tpu.vector_store %arg8[%swap3A_1413, %swap3A_1414], %swap3A_1417 {strides = array<i32>} : memref<32x32xf32, #tpu.memory_space<vmem>>, vector<1x16xf32>,
    %swap3A_1418 = arith.constant 21 : i32
    %swap3A_1419 = arith.index_cast %swap3A_1418 : i32 to index
    %swap3A_1420 = arith.constant 16 : index
    %swap3A_1421 = tpu.vector_load %arg8[%swap3A_1419, %swap3A_1420] {strides = array<i32>} : memref<32x32xf32, #tpu.memory_space<vmem>>, vector<1x16xf32>,
    %swap3A_1422 = vector.shape_cast %swap3A_1421 : vector<1x16xf32> to vector<16xf32>
    %swap3A_1423 = vector.shape_cast %broadcast_in_dim3A_1159 : vector<16xf32> to vector<1x16xf32>
    tpu.vector_store %arg8[%swap3A_1419, %swap3A_1420], %swap3A_1423 {strides = array<i32>} : memref<32x32xf32, #tpu.memory_space<vmem>>, vector<1x16xf32>,
    %swap3A_1424 = arith.constant 22 : i32
    %swap3A_1425 = arith.index_cast %swap3A_1424 : i32 to index
    %swap3A_1426 = arith.constant 0 : index
    %swap3A_1427 = tpu.vector_load %arg8[%swap3A_1425, %swap3A_1426] {strides = array<i32>} : memref<32x32xf32, #tpu.memory_space<vmem>>, vector<1x16xf32>,
    %swap3A_1428 = vector.shape_cast %swap3A_1427 : vector<1x16xf32> to vector<16xf32>
    %swap3A_1429 = vector.shape_cast %broadcast_in_dim3A_1159 : vector<16xf32> to vector<1x16xf32>
    tpu.vector_store %arg8[%swap3A_1425, %swap3A_1426], %swap3A_1429 {strides = array<i32>} : memref<32x32xf32, #tpu.memory_space<vmem>>, vector<1x16xf32>,
    %swap3A_1430 = arith.constant 22 : i32
    %swap3A_1431 = arith.index_cast %swap3A_1430 : i32 to index
    %swap3A_1432 = arith.constant 16 : index
    %swap3A_1433 = tpu.vector_load %arg8[%swap3A_1431, %swap3A_1432] {strides = array<i32>} : memref<32x32xf32, #tpu.memory_space<vmem>>, vector<1x16xf32>,
    %swap3A_1434 = vector.shape_cast %swap3A_1433 : vector<1x16xf32> to vector<16xf32>
    %swap3A_1435 = vector.shape_cast %broadcast_in_dim3A_1159 : vector<16xf32> to vector<1x16xf32>
    tpu.vector_store %arg8[%swap3A_1431, %swap3A_1432], %swap3A_1435 {strides = array<i32>} : memref<32x32xf32, #tpu.memory_space<vmem>>, vector<1x16xf32>,
    %swap3A_1436 = arith.constant 23 : i32
    %swap3A_1437 = arith.index_cast %swap3A_1436 : i32 to index
    %swap3A_1438 = arith.constant 0 : index
    %swap3A_1439 = tpu.vector_load %arg8[%swap3A_1437, %swap3A_1438] {strides = array<i32>} : memref<32x32xf32, #tpu.memory_space<vmem>>, vector<1x16xf32>,
    %swap3A_1440 = vector.shape_cast %swap3A_1439 : vector<1x16xf32> to vector<16xf32>
    %swap3A_1441 = vector.shape_cast %broadcast_in_dim3A_1159 : vector<16xf32> to vector<1x16xf32>
    tpu.vector_store %arg8[%swap3A_1437, %swap3A_1438], %swap3A_1441 {strides = array<i32>} : memref<32x32xf32, #tpu.memory_space<vmem>>, vector<1x16xf32>,
    %swap3A_1442 = arith.constant 23 : i32
    %swap3A_1443 = arith.index_cast %swap3A_1442 : i32 to index
    %swap3A_1444 = arith.constant 16 : index
    %swap3A_1445 = tpu.vector_load %arg8[%swap3A_1443, %swap3A_1444] {strides = array<i32>} : memref<32x32xf32, #tpu.memory_space<vmem>>, vector<1x16xf32>,
    %swap3A_1446 = vector.shape_cast %swap3A_1445 : vector<1x16xf32> to vector<16xf32>
    %swap3A_1447 = vector.shape_cast %broadcast_in_dim3A_1159 : vector<16xf32> to vector<1x16xf32>
    tpu.vector_store %arg8[%swap3A_1443, %swap3A_1444], %swap3A_1447 {strides = array<i32>} : memref<32x32xf32, #tpu.memory_space<vmem>>, vector<1x16xf32>,
    %swap3A_1448 = arith.constant 24 : i32
    %swap3A_1449 = arith.index_cast %swap3A_1448 : i32 to index
    %swap3A_1450 = arith.constant 0 : index
    %swap3A_1451 = tpu.vector_load %arg8[%swap3A_1449, %swap3A_1450] {strides = array<i32>} : memref<32x32xf32, #tpu.memory_space<vmem>>, vector<1x16xf32>,
    %swap3A_1452 = vector.shape_cast %swap3A_1451 : vector<1x16xf32> to vector<16xf32>
    %swap3A_1453 = vector.shape_cast %broadcast_in_dim3A_1159 : vector<16xf32> to vector<1x16xf32>
    tpu.vector_store %arg8[%swap3A_1449, %swap3A_1450], %swap3A_1453 {strides = array<i32>} : memref<32x32xf32, #tpu.memory_space<vmem>>, vector<1x16xf32>,
    %swap3A_1454 = arith.constant 24 : i32
    %swap3A_1455 = arith.index_cast %swap3A_1454 : i32 to index
    %swap3A_1456 = arith.constant 16 : index
    %swap3A_1457 = tpu.vector_load %arg8[%swap3A_1455, %swap3A_1456] {strides = array<i32>} : memref<32x32xf32, #tpu.memory_space<vmem>>, vector<1x16xf32>,
    %swap3A_1458 = vector.shape_cast %swap3A_1457 : vector<1x16xf32> to vector<16xf32>
    %swap3A_1459 = vector.shape_cast %broadcast_in_dim3A_1159 : vector<16xf32> to vector<1x16xf32>
    tpu.vector_store %arg8[%swap3A_1455, %swap3A_1456], %swap3A_1459 {strides = array<i32>} : memref<32x32xf32, #tpu.memory_space<vmem>>, vector<1x16xf32>,
    %swap3A_1460 = arith.constant 25 : i32
    %swap3A_1461 = arith.index_cast %swap3A_1460 : i32 to index
    %swap3A_1462 = arith.constant 0 : index
    %swap3A_1463 = tpu.vector_load %arg8[%swap3A_1461, %swap3A_1462] {strides = array<i32>} : memref<32x32xf32, #tpu.memory_space<vmem>>, vector<1x16xf32>,
    %swap3A_1464 = vector.shape_cast %swap3A_1463 : vector<1x16xf32> to vector<16xf32>
    %swap3A_1465 = vector.shape_cast %broadcast_in_dim3A_1159 : vector<16xf32> to vector<1x16xf32>
    tpu.vector_store %arg8[%swap3A_1461, %swap3A_1462], %swap3A_1465 {strides = array<i32>} : memref<32x32xf32, #tpu.memory_space<vmem>>, vector<1x16xf32>,
    %swap3A_1466 = arith.constant 25 : i32
    %swap3A_1467 = arith.index_cast %swap3A_1466 : i32 to index
    %swap3A_1468 = arith.constant 16 : index
    %swap3A_1469 = tpu.vector_load %arg8[%swap3A_1467, %swap3A_1468] {strides = array<i32>} : memref<32x32xf32, #tpu.memory_space<vmem>>, vector<1x16xf32>,
    %swap3A_1470 = vector.shape_cast %swap3A_1469 : vector<1x16xf32> to vector<16xf32>
    %swap3A_1471 = vector.shape_cast %broadcast_in_dim3A_1159 : vector<16xf32> to vector<1x16xf32>
    tpu.vector_store %arg8[%swap3A_1467, %swap3A_1468], %swap3A_1471 {strides = array<i32>} : memref<32x32xf32, #tpu.memory_space<vmem>>, vector<1x16xf32>,
    %swap3A_1472 = arith.constant 26 : i32
    %swap3A_1473 = arith.index_cast %swap3A_1472 : i32 to index
    %swap3A_1474 = arith.constant 0 : index
    %swap3A_1475 = tpu.vector_load %arg8[%swap3A_1473, %swap3A_1474] {strides = array<i32>} : memref<32x32xf32, #tpu.memory_space<vmem>>, vector<1x16xf32>,
    %swap3A_1476 = vector.shape_cast %swap3A_1475 : vector<1x16xf32> to vector<16xf32>
    %swap3A_1477 = vector.shape_cast %broadcast_in_dim3A_1159 : vector<16xf32> to vector<1x16xf32>
    tpu.vector_store %arg8[%swap3A_1473, %swap3A_1474], %swap3A_1477 {strides = array<i32>} : memref<32x32xf32, #tpu.memory_space<vmem>>, vector<1x16xf32>,
    %swap3A_1478 = arith.constant 26 : i32
    %swap3A_1479 = arith.index_cast %swap3A_1478 : i32 to index
    %swap3A_1480 = arith.constant 16 : index
    %swap3A_1481 = tpu.vector_load %arg8[%swap3A_1479, %swap3A_1480] {strides = array<i32>} : memref<32x32xf32, #tpu.memory_space<vmem>>, vector<1x16xf32>,
    %swap3A_1482 = vector.shape_cast %swap3A_1481 : vector<1x16xf32> to vector<16xf32>
    %swap3A_1483 = vector.shape_cast %broadcast_in_dim3A_1159 : vector<16xf32> to vector<1x16xf32>
    tpu.vector_store %arg8[%swap3A_1479, %swap3A_1480], %swap3A_1483 {strides = array<i32>} : memref<32x32xf32, #tpu.memory_space<vmem>>, vector<1x16xf32>,
    %swap3A_1484 = arith.constant 27 : i32
    %swap3A_1485 = arith.index_cast %swap3A_1484 : i32 to index
    %swap3A_1486 = arith.constant 0 : index
    %swap3A_1487 = tpu.vector_load %arg8[%swap3A_1485, %swap3A_1486] {strides = array<i32>} : memref<32x32xf32, #tpu.memory_space<vmem>>, vector<1x16xf32>,
    %swap3A_1488 = vector.shape_cast %swap3A_1487 : vector<1x16xf32> to vector<16xf32>
    %swap3A_1489 = vector.shape_cast %broadcast_in_dim3A_1159 : vector<16xf32> to vector<1x16xf32>
    tpu.vector_store %arg8[%swap3A_1485, %swap3A_1486], %swap3A_1489 {strides = array<i32>} : memref<32x32xf32, #tpu.memory_space<vmem>>, vector<1x16xf32>,
    %swap3A_1490 = arith.constant 27 : i32
    %swap3A_1491 = arith.index_cast %swap3A_1490 : i32 to index
    %swap3A_1492 = arith.constant 16 : index
    %swap3A_1493 = tpu.vector_load %arg8[%swap3A_1491, %swap3A_1492] {strides = array<i32>} : memref<32x32xf32, #tpu.memory_space<vmem>>, vector<1x16xf32>,
    %swap3A_1494 = vector.shape_cast %swap3A_1493 : vector<1x16xf32> to vector<16xf32>
    %swap3A_1495 = vector.shape_cast %broadcast_in_dim3A_1159 : vector<16xf32> to vector<1x16xf32>
    tpu.vector_store %arg8[%swap3A_1491, %swap3A_1492], %swap3A_1495 {strides = array<i32>} : memref<32x32xf32, #tpu.memory_space<vmem>>, vector<1x16xf32>,
    %swap3A_1496 = arith.constant 28 : i32
    %swap3A_1497 = arith.index_cast %swap3A_1496 : i32 to index
    %swap3A_1498 = arith.constant 0 : index
    %swap3A_1499 = tpu.vector_load %arg8[%swap3A_1497, %swap3A_1498] {strides = array<i32>} : memref<32x32xf32, #tpu.memory_space<vmem>>, vector<1x16xf32>,
    %swap3A_1500 = vector.shape_cast %swap3A_1499 : vector<1x16xf32> to vector<16xf32>
    %swap3A_1501 = vector.shape_cast %broadcast_in_dim3A_1159 : vector<16xf32> to vector<1x16xf32>
    tpu.vector_store %arg8[%swap3A_1497, %swap3A_1498], %swap3A_1501 {strides = array<i32>} : memref<32x32xf32, #tpu.memory_space<vmem>>, vector<1x16xf32>,
    %swap3A_1502 = arith.constant 28 : i32
    %swap3A_1503 = arith.index_cast %swap3A_1502 : i32 to index
    %swap3A_1504 = arith.constant 16 : index
    %swap3A_1505 = tpu.vector_load %arg8[%swap3A_1503, %swap3A_1504] {strides = array<i32>} : memref<32x32xf32, #tpu.memory_space<vmem>>, vector<1x16xf32>,
    %swap3A_1506 = vector.shape_cast %swap3A_1505 : vector<1x16xf32> to vector<16xf32>
    %swap3A_1507 = vector.shape_cast %broadcast_in_dim3A_1159 : vector<16xf32> to vector<1x16xf32>
    tpu.vector_store %arg8[%swap3A_1503, %swap3A_1504], %swap3A_1507 {strides = array<i32>} : memref<32x32xf32, #tpu.memory_space<vmem>>, vector<1x16xf32>,
    %swap3A_1508 = arith.constant 29 : i32
    %swap3A_1509 = arith.index_cast %swap3A_1508 : i32 to index
    %swap3A_1510 = arith.constant 0 : index
    %swap3A_1511 = tpu.vector_load %arg8[%swap3A_1509, %swap3A_1510] {strides = array<i32>} : memref<32x32xf32, #tpu.memory_space<vmem>>, vector<1x16xf32>,
    %swap3A_1512 = vector.shape_cast %swap3A_1511 : vector<1x16xf32> to vector<16xf32>
    %swap3A_1513 = vector.shape_cast %broadcast_in_dim3A_1159 : vector<16xf32> to vector<1x16xf32>
    tpu.vector_store %arg8[%swap3A_1509, %swap3A_1510], %swap3A_1513 {strides = array<i32>} : memref<32x32xf32, #tpu.memory_space<vmem>>, vector<1x16xf32>,
    %swap3A_1514 = arith.constant 29 : i32
    %swap3A_1515 = arith.index_cast %swap3A_1514 : i32 to index
    %swap3A_1516 = arith.constant 16 : index
    %swap3A_1517 = tpu.vector_load %arg8[%swap3A_1515, %swap3A_1516] {strides = array<i32>} : memref<32x32xf32, #tpu.memory_space<vmem>>, vector<1x16xf32>,
    %swap3A_1518 = vector.shape_cast %swap3A_1517 : vector<1x16xf32> to vector<16xf32>
    %swap3A_1519 = vector.shape_cast %broadcast_in_dim3A_1159 : vector<16xf32> to vector<1x16xf32>
    tpu.vector_store %arg8[%swap3A_1515, %swap3A_1516], %swap3A_1519 {strides = array<i32>} : memref<32x32xf32, #tpu.memory_space<vmem>>, vector<1x16xf32>,
    %swap3A_1520 = arith.constant 30 : i32
    %swap3A_1521 = arith.index_cast %swap3A_1520 : i32 to index
    %swap3A_1522 = arith.constant 0 : index
    %swap3A_1523 = tpu.vector_load %arg8[%swap3A_1521, %swap3A_1522] {strides = array<i32>} : memref<32x32xf32, #tpu.memory_space<vmem>>, vector<1x16xf32>,
    %swap3A_1524 = vector.shape_cast %swap3A_1523 : vector<1x16xf32> to vector<16xf32>
    %swap3A_1525 = vector.shape_cast %broadcast_in_dim3A_1159 : vector<16xf32> to vector<1x16xf32>
    tpu.vector_store %arg8[%swap3A_1521, %swap3A_1522], %swap3A_1525 {strides = array<i32>} : memref<32x32xf32, #tpu.memory_space<vmem>>, vector<1x16xf32>,
    %swap3A_1526 = arith.constant 30 : i32
    %swap3A_1527 = arith.index_cast %swap3A_1526 : i32 to index
    %swap3A_1528 = arith.constant 16 : index
    %swap3A_1529 = tpu.vector_load %arg8[%swap3A_1527, %swap3A_1528] {strides = array<i32>} : memref<32x32xf32, #tpu.memory_space<vmem>>, vector<1x16xf32>,
    %swap3A_1530 = vector.shape_cast %swap3A_1529 : vector<1x16xf32> to vector<16xf32>
    %swap3A_1531 = vector.shape_cast %broadcast_in_dim3A_1159 : vector<16xf32> to vector<1x16xf32>
    tpu.vector_store %arg8[%swap3A_1527, %swap3A_1528], %swap3A_1531 {strides = array<i32>} : memref<32x32xf32, #tpu.memory_space<vmem>>, vector<1x16xf32>,
    %swap3A_1532 = arith.constant 31 : i32
    %swap3A_1533 = arith.index_cast %swap3A_1532 : i32 to index
    %swap3A_1534 = arith.constant 0 : index
    %swap3A_1535 = tpu.vector_load %arg8[%swap3A_1533, %swap3A_1534] {strides = array<i32>} : memref<32x32xf32, #tpu.memory_space<vmem>>, vector<1x16xf32>,
    %swap3A_1536 = vector.shape_cast %swap3A_1535 : vector<1x16xf32> to vector<16xf32>
    %swap3A_1537 = vector.shape_cast %broadcast_in_dim3A_1159 : vector<16xf32> to vector<1x16xf32>
    tpu.vector_store %arg8[%swap3A_1533, %swap3A_1534], %swap3A_1537 {strides = array<i32>} : memref<32x32xf32, #tpu.memory_space<vmem>>, vector<1x16xf32>,
    %swap3A_1538 = arith.constant 31 : i32
    %swap3A_1539 = arith.index_cast %swap3A_1538 : i32 to index
    %swap3A_1540 = arith.constant 16 : index
    %swap3A_1541 = tpu.vector_load %arg8[%swap3A_1539, %swap3A_1540] {strides = array<i32>} : memref<32x32xf32, #tpu.memory_space<vmem>>, vector<1x16xf32>,
    %swap3A_1542 = vector.shape_cast %swap3A_1541 : vector<1x16xf32> to vector<16xf32>
    %swap3A_1543 = vector.shape_cast %broadcast_in_dim3A_1159 : vector<16xf32> to vector<1x16xf32>
    tpu.vector_store %arg8[%swap3A_1539, %swap3A_1540], %swap3A_1543 {strides = array<i32>} : memref<32x32xf32, #tpu.memory_space<vmem>>, vector<1x16xf32>,
    %mul3A_1544 = arith.constant 32 : i32
    %mul3A_1545 = arith.muli %arg1, %mul3A_1544 : i32
    "tpu.region"() ({
      %run_scoped3A_2364 = tpu.sem_alloc : memref<!tpu.dma_semaphore, #tpu.memory_space<semaphore_mem>>
      %dma_start3A_2365 = arith.constant 0 : i32
      %dma_start3A_2366 = tpu.memref_slice %arg10[%mul3A_1545, %dma_start3A_2365] : memref<520x32xf32, #tpu.memory_space<vmem_shared>> -> memref<32x32xf32, #tpu.memory_space<vmem_shared>>
      %dma_start3A_2367 = arith.constant 0 : i32
      %dma_start3A_2368 = tpu.memref_slice %arg10[%mul3A_1545, %dma_start3A_2367] : memref<520x32xf32, #tpu.memory_space<vmem_shared>> -> memref<32x32xf32, #tpu.memory_space<vmem_shared>>
      tpu.enqueue_dma source(%arg8 : memref<32x32xf32, #tpu.memory_space<vmem>>) target(%dma_start3A_2368 : memref<32x32xf32, #tpu.memory_space<vmem_shared>>) target_semaphore(%run_scoped3A_2364 : memref<!tpu.dma_semaphore, #tpu.memory_space<semaphore_mem>>)
      %dma_wait3A_2369 = arith.constant 0 : i32
      %dma_wait3A_2370 = tpu.memref_slice %arg10[%mul3A_1545, %dma_wait3A_2369] : memref<520x32xf32, #tpu.memory_space<vmem_shared>> -> memref<32x32xf32, #tpu.memory_space<vmem_shared>>
      %dma_wait3A_2371 = arith.constant 0 : i32
      %dma_wait3A_2372 = tpu.memref_slice %arg10[%mul3A_1545, %dma_wait3A_2371] : memref<520x32xf32, #tpu.memory_space<vmem_shared>> -> memref<32x32xf32, #tpu.memory_space<vmem_shared>>
      tpu.wait_dma2 semaphore(%run_scoped3A_2364 : memref<!tpu.dma_semaphore, #tpu.memory_space<semaphore_mem>>) src(%arg8 : memref<32x32xf32, #tpu.memory_space<vmem>>) dst(%dma_wait3A_2372 : memref<32x32xf32, #tpu.memory_space<vmem_shared>>)
      tpu.yield
    }) : () -> ()
    %eq3A = arith.constant 0 : i32
    %eq3A_1546 = arith.cmpi eq, %arg1, %eq3A : i32
    %convert_element_type3A = arith.extui %eq3A_1546 : i1 to i32
    %cond3A = arith.constant 0 : i32
    %cond3A_1547 = arith.cmpi ne, %convert_element_type3A, %cond3A : i32
    scf.if %cond3A_1547 {
      "tpu.region"() ({
        %run_scoped3A_2364 = tpu.sem_alloc : memref<!tpu.dma_semaphore, #tpu.memory_space<semaphore_mem>>
        %dma_start3A_2365 = arith.constant 0 : i32
        %dma_start3A_2366 = arith.constant 0 : i32
        %dma_start3A_2367 = tpu.memref_slice %arg8[%dma_start3A_2365, %dma_start3A_2366] : memref<32x32xf32, #tpu.memory_space<vmem>> -> memref<8x32xf32, #tpu.memory_space<vmem>>
        %dma_start3A_2368 = arith.constant 512 : i32
        %dma_start3A_2369 = arith.constant 0 : i32
        %dma_start3A_2370 = tpu.memref_slice %arg10[%dma_start3A_2368, %dma_start3A_2369] : memref<520x32xf32, #tpu.memory_space<vmem_shared>> -> memref<8x32xf32, #tpu.memory_space<vmem_shared>>
        %dma_start3A_2371 = arith.constant 512 : i32
        %dma_start3A_2372 = arith.constant 0 : i32
        %dma_start3A_2373 = tpu.memref_slice %arg10[%dma_start3A_2371, %dma_start3A_2372] : memref<520x32xf32, #tpu.memory_space<vmem_shared>> -> memref<8x32xf32, #tpu.memory_space<vmem_shared>>
        %dma_start3A_2374 = arith.constant 0 : i32
        %dma_start3A_2375 = arith.constant 0 : i32
        %dma_start3A_2376 = tpu.memref_slice %arg8[%dma_start3A_2374, %dma_start3A_2375] : memref<32x32xf32, #tpu.memory_space<vmem>> -> memref<8x32xf32, #tpu.memory_space<vmem>>
        tpu.enqueue_dma source(%dma_start3A_2376 : memref<8x32xf32, #tpu.memory_space<vmem>>) target(%dma_start3A_2373 : memref<8x32xf32, #tpu.memory_space<vmem_shared>>) target_semaphore(%run_scoped3A_2364 : memref<!tpu.dma_semaphore, #tpu.memory_space<semaphore_mem>>)
        %dma_wait3A_2377 = arith.constant 0 : i32
        %dma_wait3A_2378 = arith.constant 0 : i32
        %dma_wait3A_2379 = tpu.memref_slice %arg8[%dma_wait3A_2377, %dma_wait3A_2378] : memref<32x32xf32, #tpu.memory_space<vmem>> -> memref<8x32xf32, #tpu.memory_space<vmem>>
        %dma_wait3A_2380 = arith.constant 512 : i32
        %dma_wait3A_2381 = arith.constant 0 : i32
        %dma_wait3A_2382 = tpu.memref_slice %arg10[%dma_wait3A_2380, %dma_wait3A_2381] : memref<520x32xf32, #tpu.memory_space<vmem_shared>> -> memref<8x32xf32, #tpu.memory_space<vmem_shared>>
        %dma_wait3A_2383 = arith.constant 512 : i32
        %dma_wait3A_2384 = arith.constant 0 : i32
        %dma_wait3A_2385 = tpu.memref_slice %arg10[%dma_wait3A_2383, %dma_wait3A_2384] : memref<520x32xf32, #tpu.memory_space<vmem_shared>> -> memref<8x32xf32, #tpu.memory_space<vmem_shared>>
        %dma_wait3A_2386 = arith.constant 0 : i32
        %dma_wait3A_2387 = arith.constant 0 : i32
        %dma_wait3A_2388 = tpu.memref_slice %arg8[%dma_wait3A_2386, %dma_wait3A_2387] : memref<32x32xf32, #tpu.memory_space<vmem>> -> memref<8x32xf32, #tpu.memory_space<vmem>>
        tpu.wait_dma2 semaphore(%run_scoped3A_2364 : memref<!tpu.dma_semaphore, #tpu.memory_space<semaphore_mem>>) src(%dma_wait3A_2388 : memref<8x32xf32, #tpu.memory_space<vmem>>) dst(%dma_wait3A_2385 : memref<8x32xf32, #tpu.memory_space<vmem_shared>>)
        tpu.yield
      }) : () -> ()
    } else {
    }
    %barrier3A = arith.constant 0 : index
    tpu.barrier barrier_id(%barrier3A)
    %dma_wait3A = arith.constant 0 : i32
    %dma_wait3A_1548 = arith.constant 0 : i32
    %dma_wait3A_1549 = tpu.memref_slice %arg7[%dma_wait3A, %dma_wait3A_1548] : memref<640x32xf32, #tpu.memory_space<vmem>> -> memref<128x32xf32, #tpu.memory_space<vmem>>
    %dma_wait3A_1550 = arith.constant 0 : i32
    %dma_wait3A_1551 = tpu.memref_slice %arg5[%dma_wait3A_1550] : memref<640xi32, #tpu.memory_space<vmem>> -> memref<128xi32, #tpu.memory_space<vmem>>
    %dma_wait3A_1552 = arith.constant 0 : i32
    %dma_wait3A_1553 = arith.constant 0 : i32
    %dma_wait3A_1554 = tpu.memref_slice %arg3[%dma_wait3A_1552, %dma_wait3A_1553] : memref<100000x32xf32, #tpu.memory_space<hbm>> -> memref<100000x32xf32, #tpu.memory_space<hbm>>
    tpu.wait_indirect_dma semaphore(%arg11 : memref<!tpu.dma_semaphore, #tpu.memory_space<semaphore_mem>>) src(%dma_wait3A_1554 : memref<100000x32xf32, #tpu.memory_space<hbm>>) dst(%dma_wait3A_1549 : memref<128x32xf32, #tpu.memory_space<vmem>>)
    %dma_wait3A_1555 = arith.constant 128 : i32
    %dma_wait3A_1556 = arith.constant 0 : i32
    %dma_wait3A_1557 = tpu.memref_slice %arg7[%dma_wait3A_1555, %dma_wait3A_1556] : memref<640x32xf32, #tpu.memory_space<vmem>> -> memref<128x32xf32, #tpu.memory_space<vmem>>
    %dma_wait3A_1558 = arith.constant 128 : i32
    %dma_wait3A_1559 = tpu.memref_slice %arg5[%dma_wait3A_1558] : memref<640xi32, #tpu.memory_space<vmem>> -> memref<128xi32, #tpu.memory_space<vmem>>
    %dma_wait3A_1560 = arith.constant 0 : i32
    %dma_wait3A_1561 = arith.constant 0 : i32
    %dma_wait3A_1562 = tpu.memref_slice %arg3[%dma_wait3A_1560, %dma_wait3A_1561] : memref<100000x32xf32, #tpu.memory_space<hbm>> -> memref<100000x32xf32, #tpu.memory_space<hbm>>
    tpu.wait_indirect_dma semaphore(%arg11 : memref<!tpu.dma_semaphore, #tpu.memory_space<semaphore_mem>>) src(%dma_wait3A_1562 : memref<100000x32xf32, #tpu.memory_space<hbm>>) dst(%dma_wait3A_1557 : memref<128x32xf32, #tpu.memory_space<vmem>>)
    %dma_wait3A_1563 = arith.constant 256 : i32
    %dma_wait3A_1564 = arith.constant 0 : i32
    %dma_wait3A_1565 = tpu.memref_slice %arg7[%dma_wait3A_1563, %dma_wait3A_1564] : memref<640x32xf32, #tpu.memory_space<vmem>> -> memref<128x32xf32, #tpu.memory_space<vmem>>
    %dma_wait3A_1566 = arith.constant 256 : i32
    %dma_wait3A_1567 = tpu.memref_slice %arg5[%dma_wait3A_1566] : memref<640xi32, #tpu.memory_space<vmem>> -> memref<128xi32, #tpu.memory_space<vmem>>
    %dma_wait3A_1568 = arith.constant 0 : i32
    %dma_wait3A_1569 = arith.constant 0 : i32
    %dma_wait3A_1570 = tpu.memref_slice %arg3[%dma_wait3A_1568, %dma_wait3A_1569] : memref<100000x32xf32, #tpu.memory_space<hbm>> -> memref<100000x32xf32, #tpu.memory_space<hbm>>
    tpu.wait_indirect_dma semaphore(%arg11 : memref<!tpu.dma_semaphore, #tpu.memory_space<semaphore_mem>>) src(%dma_wait3A_1570 : memref<100000x32xf32, #tpu.memory_space<hbm>>) dst(%dma_wait3A_1565 : memref<128x32xf32, #tpu.memory_space<vmem>>)
    %dma_wait3A_1571 = arith.constant 384 : i32
    %dma_wait3A_1572 = arith.constant 0 : i32
    %dma_wait3A_1573 = tpu.memref_slice %arg7[%dma_wait3A_1571, %dma_wait3A_1572] : memref<640x32xf32, #tpu.memory_space<vmem>> -> memref<128x32xf32, #tpu.memory_space<vmem>>
    %dma_wait3A_1574 = arith.constant 384 : i32
    %dma_wait3A_1575 = tpu.memref_slice %arg5[%dma_wait3A_1574] : memref<640xi32, #tpu.memory_space<vmem>> -> memref<128xi32, #tpu.memory_space<vmem>>
    %dma_wait3A_1576 = arith.constant 0 : i32
    %dma_wait3A_1577 = arith.constant 0 : i32
    %dma_wait3A_1578 = tpu.memref_slice %arg3[%dma_wait3A_1576, %dma_wait3A_1577] : memref<100000x32xf32, #tpu.memory_space<hbm>> -> memref<100000x32xf32, #tpu.memory_space<hbm>>
    tpu.wait_indirect_dma semaphore(%arg11 : memref<!tpu.dma_semaphore, #tpu.memory_space<semaphore_mem>>) src(%dma_wait3A_1578 : memref<100000x32xf32, #tpu.memory_space<hbm>>) dst(%dma_wait3A_1573 : memref<128x32xf32, #tpu.memory_space<vmem>>)
    %dma_wait3A_1579 = arith.constant 512 : i32
    %dma_wait3A_1580 = arith.constant 0 : i32
    %dma_wait3A_1581 = tpu.memref_slice %arg7[%dma_wait3A_1579, %dma_wait3A_1580] : memref<640x32xf32, #tpu.memory_space<vmem>> -> memref<128x32xf32, #tpu.memory_space<vmem>>
    %dma_wait3A_1582 = arith.constant 512 : i32
    %dma_wait3A_1583 = tpu.memref_slice %arg5[%dma_wait3A_1582] : memref<640xi32, #tpu.memory_space<vmem>> -> memref<128xi32, #tpu.memory_space<vmem>>
    %dma_wait3A_1584 = arith.constant 0 : i32
    %dma_wait3A_1585 = arith.constant 0 : i32
    %dma_wait3A_1586 = tpu.memref_slice %arg3[%dma_wait3A_1584, %dma_wait3A_1585] : memref<100000x32xf32, #tpu.memory_space<hbm>> -> memref<100000x32xf32, #tpu.memory_space<hbm>>
    tpu.wait_indirect_dma semaphore(%arg11 : memref<!tpu.dma_semaphore, #tpu.memory_space<semaphore_mem>>) src(%dma_wait3A_1586 : memref<100000x32xf32, #tpu.memory_space<hbm>>) dst(%dma_wait3A_1581 : memref<128x32xf32, #tpu.memory_space<vmem>>)
    %run_scoped3A = arith.constant 0 : i32
    "tpu.region"() ({
      %run_scoped3A_2364 = tpu.sem_alloc : memref<!tpu.dma_semaphore, #tpu.memory_space<semaphore_mem>>
      %dma_start3A_2365 = arith.constant 0 : i32
      %dma_start3A_2366 = arith.constant 0 : i32
      %dma_start3A_2367 = tpu.memref_slice %arg7[%dma_start3A_2365, %dma_start3A_2366] : memref<640x32xf32, #tpu.memory_space<vmem>> -> memref<128x32xf32, #tpu.memory_space<vmem>>
      %dma_start3A_2368 = arith.constant 0 : i32
      %dma_start3A_2369 = tpu.memref_slice %arg6[%run_scoped3A, %dma_start3A_2368] : memref<5x128xi32, #tpu.memory_space<vmem>> -> memref<1x128xi32, #tpu.memory_space<vmem>>
      %dma_start3A_2370 = tpu.memref_squeeze %dma_start3A_2369 : memref<1x128xi32, #tpu.memory_space<vmem>> -> memref<128xi32, #tpu.memory_space<vmem>>
      %dma_start3A_2371 = arith.constant 0 : i32
      %dma_start3A_2372 = arith.constant 0 : i32
      %dma_start3A_2373 = tpu.memref_slice %arg10[%dma_start3A_2371, %dma_start3A_2372] : memref<520x32xf32, #tpu.memory_space<vmem_shared>> -> memref<520x32xf32, #tpu.memory_space<vmem_shared>>
      tpu.enqueue_indirect_dma source(%dma_start3A_2367 : memref<128x32xf32, #tpu.memory_space<vmem>>) target(%dma_start3A_2373 : memref<520x32xf32, #tpu.memory_space<vmem_shared>>) offsets(%dma_start3A_2370 : memref<128xi32, #tpu.memory_space<vmem>>) semaphore(%run_scoped3A_2364 : memref<!tpu.dma_semaphore, #tpu.memory_space<semaphore_mem>>) {add = true}
      %dma_wait3A_2374 = arith.constant 0 : i32
      %dma_wait3A_2375 = arith.constant 0 : i32
      %dma_wait3A_2376 = tpu.memref_slice %arg7[%dma_wait3A_2374, %dma_wait3A_2375] : memref<640x32xf32, #tpu.memory_space<vmem>> -> memref<128x32xf32, #tpu.memory_space<vmem>>
      %dma_wait3A_2377 = arith.constant 0 : i32
      %dma_wait3A_2378 = tpu.memref_slice %arg6[%run_scoped3A, %dma_wait3A_2377] : memref<5x128xi32, #tpu.memory_space<vmem>> -> memref<1x128xi32, #tpu.memory_space<vmem>>
      %dma_wait3A_2379 = tpu.memref_squeeze %dma_wait3A_2378 : memref<1x128xi32, #tpu.memory_space<vmem>> -> memref<128xi32, #tpu.memory_space<vmem>>
      %dma_wait3A_2380 = arith.constant 0 : i32
      %dma_wait3A_2381 = arith.constant 0 : i32
      %dma_wait3A_2382 = tpu.memref_slice %arg10[%dma_wait3A_2380, %dma_wait3A_2381] : memref<520x32xf32, #tpu.memory_space<vmem_shared>> -> memref<520x32xf32, #tpu.memory_space<vmem_shared>>
      tpu.wait_indirect_dma semaphore(%run_scoped3A_2364 : memref<!tpu.dma_semaphore, #tpu.memory_space<semaphore_mem>>) src(%dma_wait3A_2376 : memref<128x32xf32, #tpu.memory_space<vmem>>) dst(%dma_wait3A_2382 : memref<520x32xf32, #tpu.memory_space<vmem_shared>>)
      tpu.yield
    }) : () -> ()
    %run_scoped3A_1587 = arith.constant 1 : i32
    "tpu.region"() ({
      %run_scoped3A_2364 = tpu.sem_alloc : memref<!tpu.dma_semaphore, #tpu.memory_space<semaphore_mem>>
      %dma_start3A_2365 = arith.constant 128 : i32
      %dma_start3A_2366 = arith.constant 0 : i32
      %dma_start3A_2367 = tpu.memref_slice %arg7[%dma_start3A_2365, %dma_start3A_2366] : memref<640x32xf32, #tpu.memory_space<vmem>> -> memref<128x32xf32, #tpu.memory_space<vmem>>
      %dma_start3A_2368 = arith.constant 0 : i32
      %dma_start3A_2369 = tpu.memref_slice %arg6[%run_scoped3A_1587, %dma_start3A_2368] : memref<5x128xi32, #tpu.memory_space<vmem>> -> memref<1x128xi32, #tpu.memory_space<vmem>>
      %dma_start3A_2370 = tpu.memref_squeeze %dma_start3A_2369 : memref<1x128xi32, #tpu.memory_space<vmem>> -> memref<128xi32, #tpu.memory_space<vmem>>
      %dma_start3A_2371 = arith.constant 0 : i32
      %dma_start3A_2372 = arith.constant 0 : i32
      %dma_start3A_2373 = tpu.memref_slice %arg10[%dma_start3A_2371, %dma_start3A_2372] : memref<520x32xf32, #tpu.memory_space<vmem_shared>> -> memref<520x32xf32, #tpu.memory_space<vmem_shared>>
      tpu.enqueue_indirect_dma source(%dma_start3A_2367 : memref<128x32xf32, #tpu.memory_space<vmem>>) target(%dma_start3A_2373 : memref<520x32xf32, #tpu.memory_space<vmem_shared>>) offsets(%dma_start3A_2370 : memref<128xi32, #tpu.memory_space<vmem>>) semaphore(%run_scoped3A_2364 : memref<!tpu.dma_semaphore, #tpu.memory_space<semaphore_mem>>) {add = true}
      %dma_wait3A_2374 = arith.constant 128 : i32
      %dma_wait3A_2375 = arith.constant 0 : i32
      %dma_wait3A_2376 = tpu.memref_slice %arg7[%dma_wait3A_2374, %dma_wait3A_2375] : memref<640x32xf32, #tpu.memory_space<vmem>> -> memref<128x32xf32, #tpu.memory_space<vmem>>
      %dma_wait3A_2377 = arith.constant 0 : i32
      %dma_wait3A_2378 = tpu.memref_slice %arg6[%run_scoped3A_1587, %dma_wait3A_2377] : memref<5x128xi32, #tpu.memory_space<vmem>> -> memref<1x128xi32, #tpu.memory_space<vmem>>
      %dma_wait3A_2379 = tpu.memref_squeeze %dma_wait3A_2378 : memref<1x128xi32, #tpu.memory_space<vmem>> -> memref<128xi32, #tpu.memory_space<vmem>>
      %dma_wait3A_2380 = arith.constant 0 : i32
      %dma_wait3A_2381 = arith.constant 0 : i32
      %dma_wait3A_2382 = tpu.memref_slice %arg10[%dma_wait3A_2380, %dma_wait3A_2381] : memref<520x32xf32, #tpu.memory_space<vmem_shared>> -> memref<520x32xf32, #tpu.memory_space<vmem_shared>>
      tpu.wait_indirect_dma semaphore(%run_scoped3A_2364 : memref<!tpu.dma_semaphore, #tpu.memory_space<semaphore_mem>>) src(%dma_wait3A_2376 : memref<128x32xf32, #tpu.memory_space<vmem>>) dst(%dma_wait3A_2382 : memref<520x32xf32, #tpu.memory_space<vmem_shared>>)
      tpu.yield
    }) : () -> ()
    %run_scoped3A_1588 = arith.constant 2 : i32
    "tpu.region"() ({
      %run_scoped3A_2364 = tpu.sem_alloc : memref<!tpu.dma_semaphore, #tpu.memory_space<semaphore_mem>>
      %dma_start3A_2365 = arith.constant 256 : i32
      %dma_start3A_2366 = arith.constant 0 : i32
      %dma_start3A_2367 = tpu.memref_slice %arg7[%dma_start3A_2365, %dma_start3A_2366] : memref<640x32xf32, #tpu.memory_space<vmem>> -> memref<128x32xf32, #tpu.memory_space<vmem>>
      %dma_start3A_2368 = arith.constant 0 : i32
      %dma_start3A_2369 = tpu.memref_slice %arg6[%run_scoped3A_1588, %dma_start3A_2368] : memref<5x128xi32, #tpu.memory_space<vmem>> -> memref<1x128xi32, #tpu.memory_space<vmem>>
      %dma_start3A_2370 = tpu.memref_squeeze %dma_start3A_2369 : memref<1x128xi32, #tpu.memory_space<vmem>> -> memref<128xi32, #tpu.memory_space<vmem>>
      %dma_start3A_2371 = arith.constant 0 : i32
      %dma_start3A_2372 = arith.constant 0 : i32
      %dma_start3A_2373 = tpu.memref_slice %arg10[%dma_start3A_2371, %dma_start3A_2372] : memref<520x32xf32, #tpu.memory_space<vmem_shared>> -> memref<520x32xf32, #tpu.memory_space<vmem_shared>>
      tpu.enqueue_indirect_dma source(%dma_start3A_2367 : memref<128x32xf32, #tpu.memory_space<vmem>>) target(%dma_start3A_2373 : memref<520x32xf32, #tpu.memory_space<vmem_shared>>) offsets(%dma_start3A_2370 : memref<128xi32, #tpu.memory_space<vmem>>) semaphore(%run_scoped3A_2364 : memref<!tpu.dma_semaphore, #tpu.memory_space<semaphore_mem>>) {add = true}
      %dma_wait3A_2374 = arith.constant 256 : i32
      %dma_wait3A_2375 = arith.constant 0 : i32
      %dma_wait3A_2376 = tpu.memref_slice %arg7[%dma_wait3A_2374, %dma_wait3A_2375] : memref<640x32xf32, #tpu.memory_space<vmem>> -> memref<128x32xf32, #tpu.memory_space<vmem>>
      %dma_wait3A_2377 = arith.constant 0 : i32
      %dma_wait3A_2378 = tpu.memref_slice %arg6[%run_scoped3A_1588, %dma_wait3A_2377] : memref<5x128xi32, #tpu.memory_space<vmem>> -> memref<1x128xi32, #tpu.memory_space<vmem>>
      %dma_wait3A_2379 = tpu.memref_squeeze %dma_wait3A_2378 : memref<1x128xi32, #tpu.memory_space<vmem>> -> memref<128xi32, #tpu.memory_space<vmem>>
      %dma_wait3A_2380 = arith.constant 0 : i32
      %dma_wait3A_2381 = arith.constant 0 : i32
      %dma_wait3A_2382 = tpu.memref_slice %arg10[%dma_wait3A_2380, %dma_wait3A_2381] : memref<520x32xf32, #tpu.memory_space<vmem_shared>> -> memref<520x32xf32, #tpu.memory_space<vmem_shared>>
      tpu.wait_indirect_dma semaphore(%run_scoped3A_2364 : memref<!tpu.dma_semaphore, #tpu.memory_space<semaphore_mem>>) src(%dma_wait3A_2376 : memref<128x32xf32, #tpu.memory_space<vmem>>) dst(%dma_wait3A_2382 : memref<520x32xf32, #tpu.memory_space<vmem_shared>>)
      tpu.yield
    }) : () -> ()
    %run_scoped3A_1589 = arith.constant 3 : i32
    "tpu.region"() ({
      %run_scoped3A_2364 = tpu.sem_alloc : memref<!tpu.dma_semaphore, #tpu.memory_space<semaphore_mem>>
      %dma_start3A_2365 = arith.constant 384 : i32
      %dma_start3A_2366 = arith.constant 0 : i32
      %dma_start3A_2367 = tpu.memref_slice %arg7[%dma_start3A_2365, %dma_start3A_2366] : memref<640x32xf32, #tpu.memory_space<vmem>> -> memref<128x32xf32, #tpu.memory_space<vmem>>
      %dma_start3A_2368 = arith.constant 0 : i32
      %dma_start3A_2369 = tpu.memref_slice %arg6[%run_scoped3A_1589, %dma_start3A_2368] : memref<5x128xi32, #tpu.memory_space<vmem>> -> memref<1x128xi32, #tpu.memory_space<vmem>>
      %dma_start3A_2370 = tpu.memref_squeeze %dma_start3A_2369 : memref<1x128xi32, #tpu.memory_space<vmem>> -> memref<128xi32, #tpu.memory_space<vmem>>
      %dma_start3A_2371 = arith.constant 0 : i32
      %dma_start3A_2372 = arith.constant 0 : i32
      %dma_start3A_2373 = tpu.memref_slice %arg10[%dma_start3A_2371, %dma_start3A_2372] : memref<520x32xf32, #tpu.memory_space<vmem_shared>> -> memref<520x32xf32, #tpu.memory_space<vmem_shared>>
      tpu.enqueue_indirect_dma source(%dma_start3A_2367 : memref<128x32xf32, #tpu.memory_space<vmem>>) target(%dma_start3A_2373 : memref<520x32xf32, #tpu.memory_space<vmem_shared>>) offsets(%dma_start3A_2370 : memref<128xi32, #tpu.memory_space<vmem>>) semaphore(%run_scoped3A_2364 : memref<!tpu.dma_semaphore, #tpu.memory_space<semaphore_mem>>) {add = true}
      %dma_wait3A_2374 = arith.constant 384 : i32
      %dma_wait3A_2375 = arith.constant 0 : i32
      %dma_wait3A_2376 = tpu.memref_slice %arg7[%dma_wait3A_2374, %dma_wait3A_2375] : memref<640x32xf32, #tpu.memory_space<vmem>> -> memref<128x32xf32, #tpu.memory_space<vmem>>
      %dma_wait3A_2377 = arith.constant 0 : i32
      %dma_wait3A_2378 = tpu.memref_slice %arg6[%run_scoped3A_1589, %dma_wait3A_2377] : memref<5x128xi32, #tpu.memory_space<vmem>> -> memref<1x128xi32, #tpu.memory_space<vmem>>
      %dma_wait3A_2379 = tpu.memref_squeeze %dma_wait3A_2378 : memref<1x128xi32, #tpu.memory_space<vmem>> -> memref<128xi32, #tpu.memory_space<vmem>>
      %dma_wait3A_2380 = arith.constant 0 : i32
      %dma_wait3A_2381 = arith.constant 0 : i32
      %dma_wait3A_2382 = tpu.memref_slice %arg10[%dma_wait3A_2380, %dma_wait3A_2381] : memref<520x32xf32, #tpu.memory_space<vmem_shared>> -> memref<520x32xf32, #tpu.memory_space<vmem_shared>>
      tpu.wait_indirect_dma semaphore(%run_scoped3A_2364 : memref<!tpu.dma_semaphore, #tpu.memory_space<semaphore_mem>>) src(%dma_wait3A_2376 : memref<128x32xf32, #tpu.memory_space<vmem>>) dst(%dma_wait3A_2382 : memref<520x32xf32, #tpu.memory_space<vmem_shared>>)
      tpu.yield
    }) : () -> ()
    %run_scoped3A_1590 = arith.constant 4 : i32
    "tpu.region"() ({
      %run_scoped3A_2364 = tpu.sem_alloc : memref<!tpu.dma_semaphore, #tpu.memory_space<semaphore_mem>>
      %dma_start3A_2365 = arith.constant 512 : i32
      %dma_start3A_2366 = arith.constant 0 : i32
      %dma_start3A_2367 = tpu.memref_slice %arg7[%dma_start3A_2365, %dma_start3A_2366] : memref<640x32xf32, #tpu.memory_space<vmem>> -> memref<128x32xf32, #tpu.memory_space<vmem>>
      %dma_start3A_2368 = arith.constant 0 : i32
      %dma_start3A_2369 = tpu.memref_slice %arg6[%run_scoped3A_1590, %dma_start3A_2368] : memref<5x128xi32, #tpu.memory_space<vmem>> -> memref<1x128xi32, #tpu.memory_space<vmem>>
      %dma_start3A_2370 = tpu.memref_squeeze %dma_start3A_2369 : memref<1x128xi32, #tpu.memory_space<vmem>> -> memref<128xi32, #tpu.memory_space<vmem>>
      %dma_start3A_2371 = arith.constant 0 : i32
      %dma_start3A_2372 = arith.constant 0 : i32
      %dma_start3A_2373 = tpu.memref_slice %arg10[%dma_start3A_2371, %dma_start3A_2372] : memref<520x32xf32, #tpu.memory_space<vmem_shared>> -> memref<520x32xf32, #tpu.memory_space<vmem_shared>>
      tpu.enqueue_indirect_dma source(%dma_start3A_2367 : memref<128x32xf32, #tpu.memory_space<vmem>>) target(%dma_start3A_2373 : memref<520x32xf32, #tpu.memory_space<vmem_shared>>) offsets(%dma_start3A_2370 : memref<128xi32, #tpu.memory_space<vmem>>) semaphore(%run_scoped3A_2364 : memref<!tpu.dma_semaphore, #tpu.memory_space<semaphore_mem>>) {add = true}
      %dma_wait3A_2374 = arith.constant 512 : i32
      %dma_wait3A_2375 = arith.constant 0 : i32
      %dma_wait3A_2376 = tpu.memref_slice %arg7[%dma_wait3A_2374, %dma_wait3A_2375] : memref<640x32xf32, #tpu.memory_space<vmem>> -> memref<128x32xf32, #tpu.memory_space<vmem>>
      %dma_wait3A_2377 = arith.constant 0 : i32
      %dma_wait3A_2378 = tpu.memref_slice %arg6[%run_scoped3A_1590, %dma_wait3A_2377] : memref<5x128xi32, #tpu.memory_space<vmem>> -> memref<1x128xi32, #tpu.memory_space<vmem>>
      %dma_wait3A_2379 = tpu.memref_squeeze %dma_wait3A_2378 : memref<1x128xi32, #tpu.memory_space<vmem>> -> memref<128xi32, #tpu.memory_space<vmem>>
      %dma_wait3A_2380 = arith.constant 0 : i32
      %dma_wait3A_2381 = arith.constant 0 : i32
      %dma_wait3A_2382 = tpu.memref_slice %arg10[%dma_wait3A_2380, %dma_wait3A_2381] : memref<520x32xf32, #tpu.memory_space<vmem_shared>> -> memref<520x32xf32, #tpu.memory_space<vmem_shared>>
      tpu.wait_indirect_dma semaphore(%run_scoped3A_2364 : memref<!tpu.dma_semaphore, #tpu.memory_space<semaphore_mem>>) src(%dma_wait3A_2376 : memref<128x32xf32, #tpu.memory_space<vmem>>) dst(%dma_wait3A_2382 : memref<520x32xf32, #tpu.memory_space<vmem_shared>>)
      tpu.yield
    }) : () -> ()
    %barrier3A_1591 = arith.constant 0 : index
    tpu.barrier barrier_id(%barrier3A_1591)
    %mul3A_1592 = arith.constant 32 : i32
    %mul3A_1593 = arith.muli %arg1, %mul3A_1592 : i32
    "tpu.region"() ({
      %run_scoped3A_2364 = tpu.sem_alloc : memref<!tpu.dma_semaphore, #tpu.memory_space<semaphore_mem>>
      %dma_start3A_2365 = arith.constant 0 : i32
      %dma_start3A_2366 = tpu.memref_slice %arg10[%mul3A_1593, %dma_start3A_2365] : memref<520x32xf32, #tpu.memory_space<vmem_shared>> -> memref<32x32xf32, #tpu.memory_space<vmem_shared>>
      %dma_start3A_2367 = arith.constant 0 : i32
      %dma_start3A_2368 = tpu.memref_slice %arg10[%mul3A_1593, %dma_start3A_2367] : memref<520x32xf32, #tpu.memory_space<vmem_shared>> -> memref<32x32xf32, #tpu.memory_space<vmem_shared>>
      tpu.enqueue_dma source(%dma_start3A_2368 : memref<32x32xf32, #tpu.memory_space<vmem_shared>>) target(%arg9 : memref<32x32xf32, #tpu.memory_space<vmem>>) target_semaphore(%run_scoped3A_2364 : memref<!tpu.dma_semaphore, #tpu.memory_space<semaphore_mem>>)
      %dma_wait3A_2369 = arith.constant 0 : i32
      %dma_wait3A_2370 = tpu.memref_slice %arg10[%mul3A_1593, %dma_wait3A_2369] : memref<520x32xf32, #tpu.memory_space<vmem_shared>> -> memref<32x32xf32, #tpu.memory_space<vmem_shared>>
      %dma_wait3A_2371 = arith.constant 0 : i32
      %dma_wait3A_2372 = tpu.memref_slice %arg10[%mul3A_1593, %dma_wait3A_2371] : memref<520x32xf32, #tpu.memory_space<vmem_shared>> -> memref<32x32xf32, #tpu.memory_space<vmem_shared>>
      tpu.wait_dma2 semaphore(%run_scoped3A_2364 : memref<!tpu.dma_semaphore, #tpu.memory_space<semaphore_mem>>) src(%dma_wait3A_2372 : memref<32x32xf32, #tpu.memory_space<vmem_shared>>) dst(%arg9 : memref<32x32xf32, #tpu.memory_space<vmem>>)
      tpu.yield
    }) : () -> ()
    %broadcast_in_dim3A_1594 = arith.constant 1.44269502 : f32
    %broadcast_in_dim3A_1595 = vector.broadcast %broadcast_in_dim3A_1594 : f32 to vector<16xf32>
    %get3A_1596 = arith.constant 0 : i32
    %get3A_1597 = arith.index_cast %get3A_1596 : i32 to index
    %get3A_1598 = arith.constant 0 : index
    %get3A_1599 = tpu.vector_load %arg9[%get3A_1597, %get3A_1598] {strides = array<i32>} : memref<32x32xf32, #tpu.memory_space<vmem>>, vector<1x16xf32>,
    %get3A_1600 = vector.shape_cast %get3A_1599 : vector<1x16xf32> to vector<16xf32>
    %mul3A_1601 = arith.mulf %get3A_1600, %broadcast_in_dim3A_1595 : vector<16xf32>
    %swap3A_1602 = arith.constant 0 : i32
    %swap3A_1603 = arith.index_cast %swap3A_1602 : i32 to index
    %swap3A_1604 = arith.constant 0 : index
    %swap3A_1605 = tpu.vector_load %arg9[%swap3A_1603, %swap3A_1604] {strides = array<i32>} : memref<32x32xf32, #tpu.memory_space<vmem>>, vector<1x16xf32>,
    %swap3A_1606 = vector.shape_cast %swap3A_1605 : vector<1x16xf32> to vector<16xf32>
    %swap3A_1607 = vector.shape_cast %mul3A_1601 : vector<16xf32> to vector<1x16xf32>
    tpu.vector_store %arg9[%swap3A_1603, %swap3A_1604], %swap3A_1607 {strides = array<i32>} : memref<32x32xf32, #tpu.memory_space<vmem>>, vector<1x16xf32>,
    %get3A_1608 = arith.constant 0 : i32
    %get3A_1609 = arith.index_cast %get3A_1608 : i32 to index
    %get3A_1610 = arith.constant 16 : index
    %get3A_1611 = tpu.vector_load %arg9[%get3A_1609, %get3A_1610] {strides = array<i32>} : memref<32x32xf32, #tpu.memory_space<vmem>>, vector<1x16xf32>,
    %get3A_1612 = vector.shape_cast %get3A_1611 : vector<1x16xf32> to vector<16xf32>
    %mul3A_1613 = arith.mulf %get3A_1612, %broadcast_in_dim3A_1595 : vector<16xf32>
    %swap3A_1614 = arith.constant 0 : i32
    %swap3A_1615 = arith.index_cast %swap3A_1614 : i32 to index
    %swap3A_1616 = arith.constant 16 : index
    %swap3A_1617 = tpu.vector_load %arg9[%swap3A_1615, %swap3A_1616] {strides = array<i32>} : memref<32x32xf32, #tpu.memory_space<vmem>>, vector<1x16xf32>,
    %swap3A_1618 = vector.shape_cast %swap3A_1617 : vector<1x16xf32> to vector<16xf32>
    %swap3A_1619 = vector.shape_cast %mul3A_1613 : vector<16xf32> to vector<1x16xf32>
    tpu.vector_store %arg9[%swap3A_1615, %swap3A_1616], %swap3A_1619 {strides = array<i32>} : memref<32x32xf32, #tpu.memory_space<vmem>>, vector<1x16xf32>,
    %get3A_1620 = arith.constant 1 : i32
    %get3A_1621 = arith.index_cast %get3A_1620 : i32 to index
    %get3A_1622 = arith.constant 0 : index
    %get3A_1623 = tpu.vector_load %arg9[%get3A_1621, %get3A_1622] {strides = array<i32>} : memref<32x32xf32, #tpu.memory_space<vmem>>, vector<1x16xf32>,
    %get3A_1624 = vector.shape_cast %get3A_1623 : vector<1x16xf32> to vector<16xf32>
    %mul3A_1625 = arith.mulf %get3A_1624, %broadcast_in_dim3A_1595 : vector<16xf32>
    %swap3A_1626 = arith.constant 1 : i32
    %swap3A_1627 = arith.index_cast %swap3A_1626 : i32 to index
    %swap3A_1628 = arith.constant 0 : index
    %swap3A_1629 = tpu.vector_load %arg9[%swap3A_1627, %swap3A_1628] {strides = array<i32>} : memref<32x32xf32, #tpu.memory_space<vmem>>, vector<1x16xf32>,
    %swap3A_1630 = vector.shape_cast %swap3A_1629 : vector<1x16xf32> to vector<16xf32>
    %swap3A_1631 = vector.shape_cast %mul3A_1625 : vector<16xf32> to vector<1x16xf32>
    tpu.vector_store %arg9[%swap3A_1627, %swap3A_1628], %swap3A_1631 {strides = array<i32>} : memref<32x32xf32, #tpu.memory_space<vmem>>, vector<1x16xf32>,
    %get3A_1632 = arith.constant 1 : i32
    %get3A_1633 = arith.index_cast %get3A_1632 : i32 to index
    %get3A_1634 = arith.constant 16 : index
    %get3A_1635 = tpu.vector_load %arg9[%get3A_1633, %get3A_1634] {strides = array<i32>} : memref<32x32xf32, #tpu.memory_space<vmem>>, vector<1x16xf32>,
    %get3A_1636 = vector.shape_cast %get3A_1635 : vector<1x16xf32> to vector<16xf32>
    %mul3A_1637 = arith.mulf %get3A_1636, %broadcast_in_dim3A_1595 : vector<16xf32>
    %swap3A_1638 = arith.constant 1 : i32
    %swap3A_1639 = arith.index_cast %swap3A_1638 : i32 to index
    %swap3A_1640 = arith.constant 16 : index
    %swap3A_1641 = tpu.vector_load %arg9[%swap3A_1639, %swap3A_1640] {strides = array<i32>} : memref<32x32xf32, #tpu.memory_space<vmem>>, vector<1x16xf32>,
    %swap3A_1642 = vector.shape_cast %swap3A_1641 : vector<1x16xf32> to vector<16xf32>
    %swap3A_1643 = vector.shape_cast %mul3A_1637 : vector<16xf32> to vector<1x16xf32>
    tpu.vector_store %arg9[%swap3A_1639, %swap3A_1640], %swap3A_1643 {strides = array<i32>} : memref<32x32xf32, #tpu.memory_space<vmem>>, vector<1x16xf32>,
    %get3A_1644 = arith.constant 2 : i32
    %get3A_1645 = arith.index_cast %get3A_1644 : i32 to index
    %get3A_1646 = arith.constant 0 : index
    %get3A_1647 = tpu.vector_load %arg9[%get3A_1645, %get3A_1646] {strides = array<i32>} : memref<32x32xf32, #tpu.memory_space<vmem>>, vector<1x16xf32>,
    %get3A_1648 = vector.shape_cast %get3A_1647 : vector<1x16xf32> to vector<16xf32>
    %mul3A_1649 = arith.mulf %get3A_1648, %broadcast_in_dim3A_1595 : vector<16xf32>
    %swap3A_1650 = arith.constant 2 : i32
    %swap3A_1651 = arith.index_cast %swap3A_1650 : i32 to index
    %swap3A_1652 = arith.constant 0 : index
    %swap3A_1653 = tpu.vector_load %arg9[%swap3A_1651, %swap3A_1652] {strides = array<i32>} : memref<32x32xf32, #tpu.memory_space<vmem>>, vector<1x16xf32>,
    %swap3A_1654 = vector.shape_cast %swap3A_1653 : vector<1x16xf32> to vector<16xf32>
    %swap3A_1655 = vector.shape_cast %mul3A_1649 : vector<16xf32> to vector<1x16xf32>
    tpu.vector_store %arg9[%swap3A_1651, %swap3A_1652], %swap3A_1655 {strides = array<i32>} : memref<32x32xf32, #tpu.memory_space<vmem>>, vector<1x16xf32>,
    %get3A_1656 = arith.constant 2 : i32
    %get3A_1657 = arith.index_cast %get3A_1656 : i32 to index
    %get3A_1658 = arith.constant 16 : index
    %get3A_1659 = tpu.vector_load %arg9[%get3A_1657, %get3A_1658] {strides = array<i32>} : memref<32x32xf32, #tpu.memory_space<vmem>>, vector<1x16xf32>,
    %get3A_1660 = vector.shape_cast %get3A_1659 : vector<1x16xf32> to vector<16xf32>
    %mul3A_1661 = arith.mulf %get3A_1660, %broadcast_in_dim3A_1595 : vector<16xf32>
    %swap3A_1662 = arith.constant 2 : i32
    %swap3A_1663 = arith.index_cast %swap3A_1662 : i32 to index
    %swap3A_1664 = arith.constant 16 : index
    %swap3A_1665 = tpu.vector_load %arg9[%swap3A_1663, %swap3A_1664] {strides = array<i32>} : memref<32x32xf32, #tpu.memory_space<vmem>>, vector<1x16xf32>,
    %swap3A_1666 = vector.shape_cast %swap3A_1665 : vector<1x16xf32> to vector<16xf32>
    %swap3A_1667 = vector.shape_cast %mul3A_1661 : vector<16xf32> to vector<1x16xf32>
    tpu.vector_store %arg9[%swap3A_1663, %swap3A_1664], %swap3A_1667 {strides = array<i32>} : memref<32x32xf32, #tpu.memory_space<vmem>>, vector<1x16xf32>,
    %get3A_1668 = arith.constant 3 : i32
    %get3A_1669 = arith.index_cast %get3A_1668 : i32 to index
    %get3A_1670 = arith.constant 0 : index
    %get3A_1671 = tpu.vector_load %arg9[%get3A_1669, %get3A_1670] {strides = array<i32>} : memref<32x32xf32, #tpu.memory_space<vmem>>, vector<1x16xf32>,
    %get3A_1672 = vector.shape_cast %get3A_1671 : vector<1x16xf32> to vector<16xf32>
    %mul3A_1673 = arith.mulf %get3A_1672, %broadcast_in_dim3A_1595 : vector<16xf32>
    %swap3A_1674 = arith.constant 3 : i32
    %swap3A_1675 = arith.index_cast %swap3A_1674 : i32 to index
    %swap3A_1676 = arith.constant 0 : index
    %swap3A_1677 = tpu.vector_load %arg9[%swap3A_1675, %swap3A_1676] {strides = array<i32>} : memref<32x32xf32, #tpu.memory_space<vmem>>, vector<1x16xf32>,
    %swap3A_1678 = vector.shape_cast %swap3A_1677 : vector<1x16xf32> to vector<16xf32>
    %swap3A_1679 = vector.shape_cast %mul3A_1673 : vector<16xf32> to vector<1x16xf32>
    tpu.vector_store %arg9[%swap3A_1675, %swap3A_1676], %swap3A_1679 {strides = array<i32>} : memref<32x32xf32, #tpu.memory_space<vmem>>, vector<1x16xf32>,
    %get3A_1680 = arith.constant 3 : i32
    %get3A_1681 = arith.index_cast %get3A_1680 : i32 to index
    %get3A_1682 = arith.constant 16 : index
    %get3A_1683 = tpu.vector_load %arg9[%get3A_1681, %get3A_1682] {strides = array<i32>} : memref<32x32xf32, #tpu.memory_space<vmem>>, vector<1x16xf32>,
    %get3A_1684 = vector.shape_cast %get3A_1683 : vector<1x16xf32> to vector<16xf32>
    %mul3A_1685 = arith.mulf %get3A_1684, %broadcast_in_dim3A_1595 : vector<16xf32>
    %swap3A_1686 = arith.constant 3 : i32
    %swap3A_1687 = arith.index_cast %swap3A_1686 : i32 to index
    %swap3A_1688 = arith.constant 16 : index
    %swap3A_1689 = tpu.vector_load %arg9[%swap3A_1687, %swap3A_1688] {strides = array<i32>} : memref<32x32xf32, #tpu.memory_space<vmem>>, vector<1x16xf32>,
    %swap3A_1690 = vector.shape_cast %swap3A_1689 : vector<1x16xf32> to vector<16xf32>
    %swap3A_1691 = vector.shape_cast %mul3A_1685 : vector<16xf32> to vector<1x16xf32>
    tpu.vector_store %arg9[%swap3A_1687, %swap3A_1688], %swap3A_1691 {strides = array<i32>} : memref<32x32xf32, #tpu.memory_space<vmem>>, vector<1x16xf32>,
    %get3A_1692 = arith.constant 4 : i32
    %get3A_1693 = arith.index_cast %get3A_1692 : i32 to index
    %get3A_1694 = arith.constant 0 : index
    %get3A_1695 = tpu.vector_load %arg9[%get3A_1693, %get3A_1694] {strides = array<i32>} : memref<32x32xf32, #tpu.memory_space<vmem>>, vector<1x16xf32>,
    %get3A_1696 = vector.shape_cast %get3A_1695 : vector<1x16xf32> to vector<16xf32>
    %mul3A_1697 = arith.mulf %get3A_1696, %broadcast_in_dim3A_1595 : vector<16xf32>
    %swap3A_1698 = arith.constant 4 : i32
    %swap3A_1699 = arith.index_cast %swap3A_1698 : i32 to index
    %swap3A_1700 = arith.constant 0 : index
    %swap3A_1701 = tpu.vector_load %arg9[%swap3A_1699, %swap3A_1700] {strides = array<i32>} : memref<32x32xf32, #tpu.memory_space<vmem>>, vector<1x16xf32>,
    %swap3A_1702 = vector.shape_cast %swap3A_1701 : vector<1x16xf32> to vector<16xf32>
    %swap3A_1703 = vector.shape_cast %mul3A_1697 : vector<16xf32> to vector<1x16xf32>
    tpu.vector_store %arg9[%swap3A_1699, %swap3A_1700], %swap3A_1703 {strides = array<i32>} : memref<32x32xf32, #tpu.memory_space<vmem>>, vector<1x16xf32>,
    %get3A_1704 = arith.constant 4 : i32
    %get3A_1705 = arith.index_cast %get3A_1704 : i32 to index
    %get3A_1706 = arith.constant 16 : index
    %get3A_1707 = tpu.vector_load %arg9[%get3A_1705, %get3A_1706] {strides = array<i32>} : memref<32x32xf32, #tpu.memory_space<vmem>>, vector<1x16xf32>,
    %get3A_1708 = vector.shape_cast %get3A_1707 : vector<1x16xf32> to vector<16xf32>
    %mul3A_1709 = arith.mulf %get3A_1708, %broadcast_in_dim3A_1595 : vector<16xf32>
    %swap3A_1710 = arith.constant 4 : i32
    %swap3A_1711 = arith.index_cast %swap3A_1710 : i32 to index
    %swap3A_1712 = arith.constant 16 : index
    %swap3A_1713 = tpu.vector_load %arg9[%swap3A_1711, %swap3A_1712] {strides = array<i32>} : memref<32x32xf32, #tpu.memory_space<vmem>>, vector<1x16xf32>,
    %swap3A_1714 = vector.shape_cast %swap3A_1713 : vector<1x16xf32> to vector<16xf32>
    %swap3A_1715 = vector.shape_cast %mul3A_1709 : vector<16xf32> to vector<1x16xf32>
    tpu.vector_store %arg9[%swap3A_1711, %swap3A_1712], %swap3A_1715 {strides = array<i32>} : memref<32x32xf32, #tpu.memory_space<vmem>>, vector<1x16xf32>,
    %get3A_1716 = arith.constant 5 : i32
    %get3A_1717 = arith.index_cast %get3A_1716 : i32 to index
    %get3A_1718 = arith.constant 0 : index
    %get3A_1719 = tpu.vector_load %arg9[%get3A_1717, %get3A_1718] {strides = array<i32>} : memref<32x32xf32, #tpu.memory_space<vmem>>, vector<1x16xf32>,
    %get3A_1720 = vector.shape_cast %get3A_1719 : vector<1x16xf32> to vector<16xf32>
    %mul3A_1721 = arith.mulf %get3A_1720, %broadcast_in_dim3A_1595 : vector<16xf32>
    %swap3A_1722 = arith.constant 5 : i32
    %swap3A_1723 = arith.index_cast %swap3A_1722 : i32 to index
    %swap3A_1724 = arith.constant 0 : index
    %swap3A_1725 = tpu.vector_load %arg9[%swap3A_1723, %swap3A_1724] {strides = array<i32>} : memref<32x32xf32, #tpu.memory_space<vmem>>, vector<1x16xf32>,
    %swap3A_1726 = vector.shape_cast %swap3A_1725 : vector<1x16xf32> to vector<16xf32>
    %swap3A_1727 = vector.shape_cast %mul3A_1721 : vector<16xf32> to vector<1x16xf32>
    tpu.vector_store %arg9[%swap3A_1723, %swap3A_1724], %swap3A_1727 {strides = array<i32>} : memref<32x32xf32, #tpu.memory_space<vmem>>, vector<1x16xf32>,
    %get3A_1728 = arith.constant 5 : i32
    %get3A_1729 = arith.index_cast %get3A_1728 : i32 to index
    %get3A_1730 = arith.constant 16 : index
    %get3A_1731 = tpu.vector_load %arg9[%get3A_1729, %get3A_1730] {strides = array<i32>} : memref<32x32xf32, #tpu.memory_space<vmem>>, vector<1x16xf32>,
    %get3A_1732 = vector.shape_cast %get3A_1731 : vector<1x16xf32> to vector<16xf32>
    %mul3A_1733 = arith.mulf %get3A_1732, %broadcast_in_dim3A_1595 : vector<16xf32>
    %swap3A_1734 = arith.constant 5 : i32
    %swap3A_1735 = arith.index_cast %swap3A_1734 : i32 to index
    %swap3A_1736 = arith.constant 16 : index
    %swap3A_1737 = tpu.vector_load %arg9[%swap3A_1735, %swap3A_1736] {strides = array<i32>} : memref<32x32xf32, #tpu.memory_space<vmem>>, vector<1x16xf32>,
    %swap3A_1738 = vector.shape_cast %swap3A_1737 : vector<1x16xf32> to vector<16xf32>
    %swap3A_1739 = vector.shape_cast %mul3A_1733 : vector<16xf32> to vector<1x16xf32>
    tpu.vector_store %arg9[%swap3A_1735, %swap3A_1736], %swap3A_1739 {strides = array<i32>} : memref<32x32xf32, #tpu.memory_space<vmem>>, vector<1x16xf32>,
    %get3A_1740 = arith.constant 6 : i32
    %get3A_1741 = arith.index_cast %get3A_1740 : i32 to index
    %get3A_1742 = arith.constant 0 : index
    %get3A_1743 = tpu.vector_load %arg9[%get3A_1741, %get3A_1742] {strides = array<i32>} : memref<32x32xf32, #tpu.memory_space<vmem>>, vector<1x16xf32>,
    %get3A_1744 = vector.shape_cast %get3A_1743 : vector<1x16xf32> to vector<16xf32>
    %mul3A_1745 = arith.mulf %get3A_1744, %broadcast_in_dim3A_1595 : vector<16xf32>
    %swap3A_1746 = arith.constant 6 : i32
    %swap3A_1747 = arith.index_cast %swap3A_1746 : i32 to index
    %swap3A_1748 = arith.constant 0 : index
    %swap3A_1749 = tpu.vector_load %arg9[%swap3A_1747, %swap3A_1748] {strides = array<i32>} : memref<32x32xf32, #tpu.memory_space<vmem>>, vector<1x16xf32>,
    %swap3A_1750 = vector.shape_cast %swap3A_1749 : vector<1x16xf32> to vector<16xf32>
    %swap3A_1751 = vector.shape_cast %mul3A_1745 : vector<16xf32> to vector<1x16xf32>
    tpu.vector_store %arg9[%swap3A_1747, %swap3A_1748], %swap3A_1751 {strides = array<i32>} : memref<32x32xf32, #tpu.memory_space<vmem>>, vector<1x16xf32>,
    %get3A_1752 = arith.constant 6 : i32
    %get3A_1753 = arith.index_cast %get3A_1752 : i32 to index
    %get3A_1754 = arith.constant 16 : index
    %get3A_1755 = tpu.vector_load %arg9[%get3A_1753, %get3A_1754] {strides = array<i32>} : memref<32x32xf32, #tpu.memory_space<vmem>>, vector<1x16xf32>,
    %get3A_1756 = vector.shape_cast %get3A_1755 : vector<1x16xf32> to vector<16xf32>
    %mul3A_1757 = arith.mulf %get3A_1756, %broadcast_in_dim3A_1595 : vector<16xf32>
    %swap3A_1758 = arith.constant 6 : i32
    %swap3A_1759 = arith.index_cast %swap3A_1758 : i32 to index
    %swap3A_1760 = arith.constant 16 : index
    %swap3A_1761 = tpu.vector_load %arg9[%swap3A_1759, %swap3A_1760] {strides = array<i32>} : memref<32x32xf32, #tpu.memory_space<vmem>>, vector<1x16xf32>,
    %swap3A_1762 = vector.shape_cast %swap3A_1761 : vector<1x16xf32> to vector<16xf32>
    %swap3A_1763 = vector.shape_cast %mul3A_1757 : vector<16xf32> to vector<1x16xf32>
    tpu.vector_store %arg9[%swap3A_1759, %swap3A_1760], %swap3A_1763 {strides = array<i32>} : memref<32x32xf32, #tpu.memory_space<vmem>>, vector<1x16xf32>,
    %get3A_1764 = arith.constant 7 : i32
    %get3A_1765 = arith.index_cast %get3A_1764 : i32 to index
    %get3A_1766 = arith.constant 0 : index
    %get3A_1767 = tpu.vector_load %arg9[%get3A_1765, %get3A_1766] {strides = array<i32>} : memref<32x32xf32, #tpu.memory_space<vmem>>, vector<1x16xf32>,
    %get3A_1768 = vector.shape_cast %get3A_1767 : vector<1x16xf32> to vector<16xf32>
    %mul3A_1769 = arith.mulf %get3A_1768, %broadcast_in_dim3A_1595 : vector<16xf32>
    %swap3A_1770 = arith.constant 7 : i32
    %swap3A_1771 = arith.index_cast %swap3A_1770 : i32 to index
    %swap3A_1772 = arith.constant 0 : index
    %swap3A_1773 = tpu.vector_load %arg9[%swap3A_1771, %swap3A_1772] {strides = array<i32>} : memref<32x32xf32, #tpu.memory_space<vmem>>, vector<1x16xf32>,
    %swap3A_1774 = vector.shape_cast %swap3A_1773 : vector<1x16xf32> to vector<16xf32>
    %swap3A_1775 = vector.shape_cast %mul3A_1769 : vector<16xf32> to vector<1x16xf32>
    tpu.vector_store %arg9[%swap3A_1771, %swap3A_1772], %swap3A_1775 {strides = array<i32>} : memref<32x32xf32, #tpu.memory_space<vmem>>, vector<1x16xf32>,
    %get3A_1776 = arith.constant 7 : i32
    %get3A_1777 = arith.index_cast %get3A_1776 : i32 to index
    %get3A_1778 = arith.constant 16 : index
    %get3A_1779 = tpu.vector_load %arg9[%get3A_1777, %get3A_1778] {strides = array<i32>} : memref<32x32xf32, #tpu.memory_space<vmem>>, vector<1x16xf32>,
    %get3A_1780 = vector.shape_cast %get3A_1779 : vector<1x16xf32> to vector<16xf32>
    %mul3A_1781 = arith.mulf %get3A_1780, %broadcast_in_dim3A_1595 : vector<16xf32>
    %swap3A_1782 = arith.constant 7 : i32
    %swap3A_1783 = arith.index_cast %swap3A_1782 : i32 to index
    %swap3A_1784 = arith.constant 16 : index
    %swap3A_1785 = tpu.vector_load %arg9[%swap3A_1783, %swap3A_1784] {strides = array<i32>} : memref<32x32xf32, #tpu.memory_space<vmem>>, vector<1x16xf32>,
    %swap3A_1786 = vector.shape_cast %swap3A_1785 : vector<1x16xf32> to vector<16xf32>
    %swap3A_1787 = vector.shape_cast %mul3A_1781 : vector<16xf32> to vector<1x16xf32>
    tpu.vector_store %arg9[%swap3A_1783, %swap3A_1784], %swap3A_1787 {strides = array<i32>} : memref<32x32xf32, #tpu.memory_space<vmem>>, vector<1x16xf32>,
    %get3A_1788 = arith.constant 8 : i32
    %get3A_1789 = arith.index_cast %get3A_1788 : i32 to index
    %get3A_1790 = arith.constant 0 : index
    %get3A_1791 = tpu.vector_load %arg9[%get3A_1789, %get3A_1790] {strides = array<i32>} : memref<32x32xf32, #tpu.memory_space<vmem>>, vector<1x16xf32>,
    %get3A_1792 = vector.shape_cast %get3A_1791 : vector<1x16xf32> to vector<16xf32>
    %mul3A_1793 = arith.mulf %get3A_1792, %broadcast_in_dim3A_1595 : vector<16xf32>
    %swap3A_1794 = arith.constant 8 : i32
    %swap3A_1795 = arith.index_cast %swap3A_1794 : i32 to index
    %swap3A_1796 = arith.constant 0 : index
    %swap3A_1797 = tpu.vector_load %arg9[%swap3A_1795, %swap3A_1796] {strides = array<i32>} : memref<32x32xf32, #tpu.memory_space<vmem>>, vector<1x16xf32>,
    %swap3A_1798 = vector.shape_cast %swap3A_1797 : vector<1x16xf32> to vector<16xf32>
    %swap3A_1799 = vector.shape_cast %mul3A_1793 : vector<16xf32> to vector<1x16xf32>
    tpu.vector_store %arg9[%swap3A_1795, %swap3A_1796], %swap3A_1799 {strides = array<i32>} : memref<32x32xf32, #tpu.memory_space<vmem>>, vector<1x16xf32>,
    %get3A_1800 = arith.constant 8 : i32
    %get3A_1801 = arith.index_cast %get3A_1800 : i32 to index
    %get3A_1802 = arith.constant 16 : index
    %get3A_1803 = tpu.vector_load %arg9[%get3A_1801, %get3A_1802] {strides = array<i32>} : memref<32x32xf32, #tpu.memory_space<vmem>>, vector<1x16xf32>,
    %get3A_1804 = vector.shape_cast %get3A_1803 : vector<1x16xf32> to vector<16xf32>
    %mul3A_1805 = arith.mulf %get3A_1804, %broadcast_in_dim3A_1595 : vector<16xf32>
    %swap3A_1806 = arith.constant 8 : i32
    %swap3A_1807 = arith.index_cast %swap3A_1806 : i32 to index
    %swap3A_1808 = arith.constant 16 : index
    %swap3A_1809 = tpu.vector_load %arg9[%swap3A_1807, %swap3A_1808] {strides = array<i32>} : memref<32x32xf32, #tpu.memory_space<vmem>>, vector<1x16xf32>,
    %swap3A_1810 = vector.shape_cast %swap3A_1809 : vector<1x16xf32> to vector<16xf32>
    %swap3A_1811 = vector.shape_cast %mul3A_1805 : vector<16xf32> to vector<1x16xf32>
    tpu.vector_store %arg9[%swap3A_1807, %swap3A_1808], %swap3A_1811 {strides = array<i32>} : memref<32x32xf32, #tpu.memory_space<vmem>>, vector<1x16xf32>,
    %get3A_1812 = arith.constant 9 : i32
    %get3A_1813 = arith.index_cast %get3A_1812 : i32 to index
    %get3A_1814 = arith.constant 0 : index
    %get3A_1815 = tpu.vector_load %arg9[%get3A_1813, %get3A_1814] {strides = array<i32>} : memref<32x32xf32, #tpu.memory_space<vmem>>, vector<1x16xf32>,
    %get3A_1816 = vector.shape_cast %get3A_1815 : vector<1x16xf32> to vector<16xf32>
    %mul3A_1817 = arith.mulf %get3A_1816, %broadcast_in_dim3A_1595 : vector<16xf32>
    %swap3A_1818 = arith.constant 9 : i32
    %swap3A_1819 = arith.index_cast %swap3A_1818 : i32 to index
    %swap3A_1820 = arith.constant 0 : index
    %swap3A_1821 = tpu.vector_load %arg9[%swap3A_1819, %swap3A_1820] {strides = array<i32>} : memref<32x32xf32, #tpu.memory_space<vmem>>, vector<1x16xf32>,
    %swap3A_1822 = vector.shape_cast %swap3A_1821 : vector<1x16xf32> to vector<16xf32>
    %swap3A_1823 = vector.shape_cast %mul3A_1817 : vector<16xf32> to vector<1x16xf32>
    tpu.vector_store %arg9[%swap3A_1819, %swap3A_1820], %swap3A_1823 {strides = array<i32>} : memref<32x32xf32, #tpu.memory_space<vmem>>, vector<1x16xf32>,
    %get3A_1824 = arith.constant 9 : i32
    %get3A_1825 = arith.index_cast %get3A_1824 : i32 to index
    %get3A_1826 = arith.constant 16 : index
    %get3A_1827 = tpu.vector_load %arg9[%get3A_1825, %get3A_1826] {strides = array<i32>} : memref<32x32xf32, #tpu.memory_space<vmem>>, vector<1x16xf32>,
    %get3A_1828 = vector.shape_cast %get3A_1827 : vector<1x16xf32> to vector<16xf32>
    %mul3A_1829 = arith.mulf %get3A_1828, %broadcast_in_dim3A_1595 : vector<16xf32>
    %swap3A_1830 = arith.constant 9 : i32
    %swap3A_1831 = arith.index_cast %swap3A_1830 : i32 to index
    %swap3A_1832 = arith.constant 16 : index
    %swap3A_1833 = tpu.vector_load %arg9[%swap3A_1831, %swap3A_1832] {strides = array<i32>} : memref<32x32xf32, #tpu.memory_space<vmem>>, vector<1x16xf32>,
    %swap3A_1834 = vector.shape_cast %swap3A_1833 : vector<1x16xf32> to vector<16xf32>
    %swap3A_1835 = vector.shape_cast %mul3A_1829 : vector<16xf32> to vector<1x16xf32>
    tpu.vector_store %arg9[%swap3A_1831, %swap3A_1832], %swap3A_1835 {strides = array<i32>} : memref<32x32xf32, #tpu.memory_space<vmem>>, vector<1x16xf32>,
    %get3A_1836 = arith.constant 10 : i32
    %get3A_1837 = arith.index_cast %get3A_1836 : i32 to index
    %get3A_1838 = arith.constant 0 : index
    %get3A_1839 = tpu.vector_load %arg9[%get3A_1837, %get3A_1838] {strides = array<i32>} : memref<32x32xf32, #tpu.memory_space<vmem>>, vector<1x16xf32>,
    %get3A_1840 = vector.shape_cast %get3A_1839 : vector<1x16xf32> to vector<16xf32>
    %mul3A_1841 = arith.mulf %get3A_1840, %broadcast_in_dim3A_1595 : vector<16xf32>
    %swap3A_1842 = arith.constant 10 : i32
    %swap3A_1843 = arith.index_cast %swap3A_1842 : i32 to index
    %swap3A_1844 = arith.constant 0 : index
    %swap3A_1845 = tpu.vector_load %arg9[%swap3A_1843, %swap3A_1844] {strides = array<i32>} : memref<32x32xf32, #tpu.memory_space<vmem>>, vector<1x16xf32>,
    %swap3A_1846 = vector.shape_cast %swap3A_1845 : vector<1x16xf32> to vector<16xf32>
    %swap3A_1847 = vector.shape_cast %mul3A_1841 : vector<16xf32> to vector<1x16xf32>
    tpu.vector_store %arg9[%swap3A_1843, %swap3A_1844], %swap3A_1847 {strides = array<i32>} : memref<32x32xf32, #tpu.memory_space<vmem>>, vector<1x16xf32>,
    %get3A_1848 = arith.constant 10 : i32
    %get3A_1849 = arith.index_cast %get3A_1848 : i32 to index
    %get3A_1850 = arith.constant 16 : index
    %get3A_1851 = tpu.vector_load %arg9[%get3A_1849, %get3A_1850] {strides = array<i32>} : memref<32x32xf32, #tpu.memory_space<vmem>>, vector<1x16xf32>,
    %get3A_1852 = vector.shape_cast %get3A_1851 : vector<1x16xf32> to vector<16xf32>
    %mul3A_1853 = arith.mulf %get3A_1852, %broadcast_in_dim3A_1595 : vector<16xf32>
    %swap3A_1854 = arith.constant 10 : i32
    %swap3A_1855 = arith.index_cast %swap3A_1854 : i32 to index
    %swap3A_1856 = arith.constant 16 : index
    %swap3A_1857 = tpu.vector_load %arg9[%swap3A_1855, %swap3A_1856] {strides = array<i32>} : memref<32x32xf32, #tpu.memory_space<vmem>>, vector<1x16xf32>,
    %swap3A_1858 = vector.shape_cast %swap3A_1857 : vector<1x16xf32> to vector<16xf32>
    %swap3A_1859 = vector.shape_cast %mul3A_1853 : vector<16xf32> to vector<1x16xf32>
    tpu.vector_store %arg9[%swap3A_1855, %swap3A_1856], %swap3A_1859 {strides = array<i32>} : memref<32x32xf32, #tpu.memory_space<vmem>>, vector<1x16xf32>,
    %get3A_1860 = arith.constant 11 : i32
    %get3A_1861 = arith.index_cast %get3A_1860 : i32 to index
    %get3A_1862 = arith.constant 0 : index
    %get3A_1863 = tpu.vector_load %arg9[%get3A_1861, %get3A_1862] {strides = array<i32>} : memref<32x32xf32, #tpu.memory_space<vmem>>, vector<1x16xf32>,
    %get3A_1864 = vector.shape_cast %get3A_1863 : vector<1x16xf32> to vector<16xf32>
    %mul3A_1865 = arith.mulf %get3A_1864, %broadcast_in_dim3A_1595 : vector<16xf32>
    %swap3A_1866 = arith.constant 11 : i32
    %swap3A_1867 = arith.index_cast %swap3A_1866 : i32 to index
    %swap3A_1868 = arith.constant 0 : index
    %swap3A_1869 = tpu.vector_load %arg9[%swap3A_1867, %swap3A_1868] {strides = array<i32>} : memref<32x32xf32, #tpu.memory_space<vmem>>, vector<1x16xf32>,
    %swap3A_1870 = vector.shape_cast %swap3A_1869 : vector<1x16xf32> to vector<16xf32>
    %swap3A_1871 = vector.shape_cast %mul3A_1865 : vector<16xf32> to vector<1x16xf32>
    tpu.vector_store %arg9[%swap3A_1867, %swap3A_1868], %swap3A_1871 {strides = array<i32>} : memref<32x32xf32, #tpu.memory_space<vmem>>, vector<1x16xf32>,
    %get3A_1872 = arith.constant 11 : i32
    %get3A_1873 = arith.index_cast %get3A_1872 : i32 to index
    %get3A_1874 = arith.constant 16 : index
    %get3A_1875 = tpu.vector_load %arg9[%get3A_1873, %get3A_1874] {strides = array<i32>} : memref<32x32xf32, #tpu.memory_space<vmem>>, vector<1x16xf32>,
    %get3A_1876 = vector.shape_cast %get3A_1875 : vector<1x16xf32> to vector<16xf32>
    %mul3A_1877 = arith.mulf %get3A_1876, %broadcast_in_dim3A_1595 : vector<16xf32>
    %swap3A_1878 = arith.constant 11 : i32
    %swap3A_1879 = arith.index_cast %swap3A_1878 : i32 to index
    %swap3A_1880 = arith.constant 16 : index
    %swap3A_1881 = tpu.vector_load %arg9[%swap3A_1879, %swap3A_1880] {strides = array<i32>} : memref<32x32xf32, #tpu.memory_space<vmem>>, vector<1x16xf32>,
    %swap3A_1882 = vector.shape_cast %swap3A_1881 : vector<1x16xf32> to vector<16xf32>
    %swap3A_1883 = vector.shape_cast %mul3A_1877 : vector<16xf32> to vector<1x16xf32>
    tpu.vector_store %arg9[%swap3A_1879, %swap3A_1880], %swap3A_1883 {strides = array<i32>} : memref<32x32xf32, #tpu.memory_space<vmem>>, vector<1x16xf32>,
    %get3A_1884 = arith.constant 12 : i32
    %get3A_1885 = arith.index_cast %get3A_1884 : i32 to index
    %get3A_1886 = arith.constant 0 : index
    %get3A_1887 = tpu.vector_load %arg9[%get3A_1885, %get3A_1886] {strides = array<i32>} : memref<32x32xf32, #tpu.memory_space<vmem>>, vector<1x16xf32>,
    %get3A_1888 = vector.shape_cast %get3A_1887 : vector<1x16xf32> to vector<16xf32>
    %mul3A_1889 = arith.mulf %get3A_1888, %broadcast_in_dim3A_1595 : vector<16xf32>
    %swap3A_1890 = arith.constant 12 : i32
    %swap3A_1891 = arith.index_cast %swap3A_1890 : i32 to index
    %swap3A_1892 = arith.constant 0 : index
    %swap3A_1893 = tpu.vector_load %arg9[%swap3A_1891, %swap3A_1892] {strides = array<i32>} : memref<32x32xf32, #tpu.memory_space<vmem>>, vector<1x16xf32>,
    %swap3A_1894 = vector.shape_cast %swap3A_1893 : vector<1x16xf32> to vector<16xf32>
    %swap3A_1895 = vector.shape_cast %mul3A_1889 : vector<16xf32> to vector<1x16xf32>
    tpu.vector_store %arg9[%swap3A_1891, %swap3A_1892], %swap3A_1895 {strides = array<i32>} : memref<32x32xf32, #tpu.memory_space<vmem>>, vector<1x16xf32>,
    %get3A_1896 = arith.constant 12 : i32
    %get3A_1897 = arith.index_cast %get3A_1896 : i32 to index
    %get3A_1898 = arith.constant 16 : index
    %get3A_1899 = tpu.vector_load %arg9[%get3A_1897, %get3A_1898] {strides = array<i32>} : memref<32x32xf32, #tpu.memory_space<vmem>>, vector<1x16xf32>,
    %get3A_1900 = vector.shape_cast %get3A_1899 : vector<1x16xf32> to vector<16xf32>
    %mul3A_1901 = arith.mulf %get3A_1900, %broadcast_in_dim3A_1595 : vector<16xf32>
    %swap3A_1902 = arith.constant 12 : i32
    %swap3A_1903 = arith.index_cast %swap3A_1902 : i32 to index
    %swap3A_1904 = arith.constant 16 : index
    %swap3A_1905 = tpu.vector_load %arg9[%swap3A_1903, %swap3A_1904] {strides = array<i32>} : memref<32x32xf32, #tpu.memory_space<vmem>>, vector<1x16xf32>,
    %swap3A_1906 = vector.shape_cast %swap3A_1905 : vector<1x16xf32> to vector<16xf32>
    %swap3A_1907 = vector.shape_cast %mul3A_1901 : vector<16xf32> to vector<1x16xf32>
    tpu.vector_store %arg9[%swap3A_1903, %swap3A_1904], %swap3A_1907 {strides = array<i32>} : memref<32x32xf32, #tpu.memory_space<vmem>>, vector<1x16xf32>,
    %get3A_1908 = arith.constant 13 : i32
    %get3A_1909 = arith.index_cast %get3A_1908 : i32 to index
    %get3A_1910 = arith.constant 0 : index
    %get3A_1911 = tpu.vector_load %arg9[%get3A_1909, %get3A_1910] {strides = array<i32>} : memref<32x32xf32, #tpu.memory_space<vmem>>, vector<1x16xf32>,
    %get3A_1912 = vector.shape_cast %get3A_1911 : vector<1x16xf32> to vector<16xf32>
    %mul3A_1913 = arith.mulf %get3A_1912, %broadcast_in_dim3A_1595 : vector<16xf32>
    %swap3A_1914 = arith.constant 13 : i32
    %swap3A_1915 = arith.index_cast %swap3A_1914 : i32 to index
    %swap3A_1916 = arith.constant 0 : index
    %swap3A_1917 = tpu.vector_load %arg9[%swap3A_1915, %swap3A_1916] {strides = array<i32>} : memref<32x32xf32, #tpu.memory_space<vmem>>, vector<1x16xf32>,
    %swap3A_1918 = vector.shape_cast %swap3A_1917 : vector<1x16xf32> to vector<16xf32>
    %swap3A_1919 = vector.shape_cast %mul3A_1913 : vector<16xf32> to vector<1x16xf32>
    tpu.vector_store %arg9[%swap3A_1915, %swap3A_1916], %swap3A_1919 {strides = array<i32>} : memref<32x32xf32, #tpu.memory_space<vmem>>, vector<1x16xf32>,
    %get3A_1920 = arith.constant 13 : i32
    %get3A_1921 = arith.index_cast %get3A_1920 : i32 to index
    %get3A_1922 = arith.constant 16 : index
    %get3A_1923 = tpu.vector_load %arg9[%get3A_1921, %get3A_1922] {strides = array<i32>} : memref<32x32xf32, #tpu.memory_space<vmem>>, vector<1x16xf32>,
    %get3A_1924 = vector.shape_cast %get3A_1923 : vector<1x16xf32> to vector<16xf32>
    %mul3A_1925 = arith.mulf %get3A_1924, %broadcast_in_dim3A_1595 : vector<16xf32>
    %swap3A_1926 = arith.constant 13 : i32
    %swap3A_1927 = arith.index_cast %swap3A_1926 : i32 to index
    %swap3A_1928 = arith.constant 16 : index
    %swap3A_1929 = tpu.vector_load %arg9[%swap3A_1927, %swap3A_1928] {strides = array<i32>} : memref<32x32xf32, #tpu.memory_space<vmem>>, vector<1x16xf32>,
    %swap3A_1930 = vector.shape_cast %swap3A_1929 : vector<1x16xf32> to vector<16xf32>
    %swap3A_1931 = vector.shape_cast %mul3A_1925 : vector<16xf32> to vector<1x16xf32>
    tpu.vector_store %arg9[%swap3A_1927, %swap3A_1928], %swap3A_1931 {strides = array<i32>} : memref<32x32xf32, #tpu.memory_space<vmem>>, vector<1x16xf32>,
    %get3A_1932 = arith.constant 14 : i32
    %get3A_1933 = arith.index_cast %get3A_1932 : i32 to index
    %get3A_1934 = arith.constant 0 : index
    %get3A_1935 = tpu.vector_load %arg9[%get3A_1933, %get3A_1934] {strides = array<i32>} : memref<32x32xf32, #tpu.memory_space<vmem>>, vector<1x16xf32>,
    %get3A_1936 = vector.shape_cast %get3A_1935 : vector<1x16xf32> to vector<16xf32>
    %mul3A_1937 = arith.mulf %get3A_1936, %broadcast_in_dim3A_1595 : vector<16xf32>
    %swap3A_1938 = arith.constant 14 : i32
    %swap3A_1939 = arith.index_cast %swap3A_1938 : i32 to index
    %swap3A_1940 = arith.constant 0 : index
    %swap3A_1941 = tpu.vector_load %arg9[%swap3A_1939, %swap3A_1940] {strides = array<i32>} : memref<32x32xf32, #tpu.memory_space<vmem>>, vector<1x16xf32>,
    %swap3A_1942 = vector.shape_cast %swap3A_1941 : vector<1x16xf32> to vector<16xf32>
    %swap3A_1943 = vector.shape_cast %mul3A_1937 : vector<16xf32> to vector<1x16xf32>
    tpu.vector_store %arg9[%swap3A_1939, %swap3A_1940], %swap3A_1943 {strides = array<i32>} : memref<32x32xf32, #tpu.memory_space<vmem>>, vector<1x16xf32>,
    %get3A_1944 = arith.constant 14 : i32
    %get3A_1945 = arith.index_cast %get3A_1944 : i32 to index
    %get3A_1946 = arith.constant 16 : index
    %get3A_1947 = tpu.vector_load %arg9[%get3A_1945, %get3A_1946] {strides = array<i32>} : memref<32x32xf32, #tpu.memory_space<vmem>>, vector<1x16xf32>,
    %get3A_1948 = vector.shape_cast %get3A_1947 : vector<1x16xf32> to vector<16xf32>
    %mul3A_1949 = arith.mulf %get3A_1948, %broadcast_in_dim3A_1595 : vector<16xf32>
    %swap3A_1950 = arith.constant 14 : i32
    %swap3A_1951 = arith.index_cast %swap3A_1950 : i32 to index
    %swap3A_1952 = arith.constant 16 : index
    %swap3A_1953 = tpu.vector_load %arg9[%swap3A_1951, %swap3A_1952] {strides = array<i32>} : memref<32x32xf32, #tpu.memory_space<vmem>>, vector<1x16xf32>,
    %swap3A_1954 = vector.shape_cast %swap3A_1953 : vector<1x16xf32> to vector<16xf32>
    %swap3A_1955 = vector.shape_cast %mul3A_1949 : vector<16xf32> to vector<1x16xf32>
    tpu.vector_store %arg9[%swap3A_1951, %swap3A_1952], %swap3A_1955 {strides = array<i32>} : memref<32x32xf32, #tpu.memory_space<vmem>>, vector<1x16xf32>,
    %get3A_1956 = arith.constant 15 : i32
    %get3A_1957 = arith.index_cast %get3A_1956 : i32 to index
    %get3A_1958 = arith.constant 0 : index
    %get3A_1959 = tpu.vector_load %arg9[%get3A_1957, %get3A_1958] {strides = array<i32>} : memref<32x32xf32, #tpu.memory_space<vmem>>, vector<1x16xf32>,
    %get3A_1960 = vector.shape_cast %get3A_1959 : vector<1x16xf32> to vector<16xf32>
    %mul3A_1961 = arith.mulf %get3A_1960, %broadcast_in_dim3A_1595 : vector<16xf32>
    %swap3A_1962 = arith.constant 15 : i32
    %swap3A_1963 = arith.index_cast %swap3A_1962 : i32 to index
    %swap3A_1964 = arith.constant 0 : index
    %swap3A_1965 = tpu.vector_load %arg9[%swap3A_1963, %swap3A_1964] {strides = array<i32>} : memref<32x32xf32, #tpu.memory_space<vmem>>, vector<1x16xf32>,
    %swap3A_1966 = vector.shape_cast %swap3A_1965 : vector<1x16xf32> to vector<16xf32>
    %swap3A_1967 = vector.shape_cast %mul3A_1961 : vector<16xf32> to vector<1x16xf32>
    tpu.vector_store %arg9[%swap3A_1963, %swap3A_1964], %swap3A_1967 {strides = array<i32>} : memref<32x32xf32, #tpu.memory_space<vmem>>, vector<1x16xf32>,
    %get3A_1968 = arith.constant 15 : i32
    %get3A_1969 = arith.index_cast %get3A_1968 : i32 to index
    %get3A_1970 = arith.constant 16 : index
    %get3A_1971 = tpu.vector_load %arg9[%get3A_1969, %get3A_1970] {strides = array<i32>} : memref<32x32xf32, #tpu.memory_space<vmem>>, vector<1x16xf32>,
    %get3A_1972 = vector.shape_cast %get3A_1971 : vector<1x16xf32> to vector<16xf32>
    %mul3A_1973 = arith.mulf %get3A_1972, %broadcast_in_dim3A_1595 : vector<16xf32>
    %swap3A_1974 = arith.constant 15 : i32
    %swap3A_1975 = arith.index_cast %swap3A_1974 : i32 to index
    %swap3A_1976 = arith.constant 16 : index
    %swap3A_1977 = tpu.vector_load %arg9[%swap3A_1975, %swap3A_1976] {strides = array<i32>} : memref<32x32xf32, #tpu.memory_space<vmem>>, vector<1x16xf32>,
    %swap3A_1978 = vector.shape_cast %swap3A_1977 : vector<1x16xf32> to vector<16xf32>
    %swap3A_1979 = vector.shape_cast %mul3A_1973 : vector<16xf32> to vector<1x16xf32>
    tpu.vector_store %arg9[%swap3A_1975, %swap3A_1976], %swap3A_1979 {strides = array<i32>} : memref<32x32xf32, #tpu.memory_space<vmem>>, vector<1x16xf32>,
    %get3A_1980 = arith.constant 16 : i32
    %get3A_1981 = arith.index_cast %get3A_1980 : i32 to index
    %get3A_1982 = arith.constant 0 : index
    %get3A_1983 = tpu.vector_load %arg9[%get3A_1981, %get3A_1982] {strides = array<i32>} : memref<32x32xf32, #tpu.memory_space<vmem>>, vector<1x16xf32>,
    %get3A_1984 = vector.shape_cast %get3A_1983 : vector<1x16xf32> to vector<16xf32>
    %mul3A_1985 = arith.mulf %get3A_1984, %broadcast_in_dim3A_1595 : vector<16xf32>
    %swap3A_1986 = arith.constant 16 : i32
    %swap3A_1987 = arith.index_cast %swap3A_1986 : i32 to index
    %swap3A_1988 = arith.constant 0 : index
    %swap3A_1989 = tpu.vector_load %arg9[%swap3A_1987, %swap3A_1988] {strides = array<i32>} : memref<32x32xf32, #tpu.memory_space<vmem>>, vector<1x16xf32>,
    %swap3A_1990 = vector.shape_cast %swap3A_1989 : vector<1x16xf32> to vector<16xf32>
    %swap3A_1991 = vector.shape_cast %mul3A_1985 : vector<16xf32> to vector<1x16xf32>
    tpu.vector_store %arg9[%swap3A_1987, %swap3A_1988], %swap3A_1991 {strides = array<i32>} : memref<32x32xf32, #tpu.memory_space<vmem>>, vector<1x16xf32>,
    %get3A_1992 = arith.constant 16 : i32
    %get3A_1993 = arith.index_cast %get3A_1992 : i32 to index
    %get3A_1994 = arith.constant 16 : index
    %get3A_1995 = tpu.vector_load %arg9[%get3A_1993, %get3A_1994] {strides = array<i32>} : memref<32x32xf32, #tpu.memory_space<vmem>>, vector<1x16xf32>,
    %get3A_1996 = vector.shape_cast %get3A_1995 : vector<1x16xf32> to vector<16xf32>
    %mul3A_1997 = arith.mulf %get3A_1996, %broadcast_in_dim3A_1595 : vector<16xf32>
    %swap3A_1998 = arith.constant 16 : i32
    %swap3A_1999 = arith.index_cast %swap3A_1998 : i32 to index
    %swap3A_2000 = arith.constant 16 : index
    %swap3A_2001 = tpu.vector_load %arg9[%swap3A_1999, %swap3A_2000] {strides = array<i32>} : memref<32x32xf32, #tpu.memory_space<vmem>>, vector<1x16xf32>,
    %swap3A_2002 = vector.shape_cast %swap3A_2001 : vector<1x16xf32> to vector<16xf32>
    %swap3A_2003 = vector.shape_cast %mul3A_1997 : vector<16xf32> to vector<1x16xf32>
    tpu.vector_store %arg9[%swap3A_1999, %swap3A_2000], %swap3A_2003 {strides = array<i32>} : memref<32x32xf32, #tpu.memory_space<vmem>>, vector<1x16xf32>,
    %get3A_2004 = arith.constant 17 : i32
    %get3A_2005 = arith.index_cast %get3A_2004 : i32 to index
    %get3A_2006 = arith.constant 0 : index
    %get3A_2007 = tpu.vector_load %arg9[%get3A_2005, %get3A_2006] {strides = array<i32>} : memref<32x32xf32, #tpu.memory_space<vmem>>, vector<1x16xf32>,
    %get3A_2008 = vector.shape_cast %get3A_2007 : vector<1x16xf32> to vector<16xf32>
    %mul3A_2009 = arith.mulf %get3A_2008, %broadcast_in_dim3A_1595 : vector<16xf32>
    %swap3A_2010 = arith.constant 17 : i32
    %swap3A_2011 = arith.index_cast %swap3A_2010 : i32 to index
    %swap3A_2012 = arith.constant 0 : index
    %swap3A_2013 = tpu.vector_load %arg9[%swap3A_2011, %swap3A_2012] {strides = array<i32>} : memref<32x32xf32, #tpu.memory_space<vmem>>, vector<1x16xf32>,
    %swap3A_2014 = vector.shape_cast %swap3A_2013 : vector<1x16xf32> to vector<16xf32>
    %swap3A_2015 = vector.shape_cast %mul3A_2009 : vector<16xf32> to vector<1x16xf32>
    tpu.vector_store %arg9[%swap3A_2011, %swap3A_2012], %swap3A_2015 {strides = array<i32>} : memref<32x32xf32, #tpu.memory_space<vmem>>, vector<1x16xf32>,
    %get3A_2016 = arith.constant 17 : i32
    %get3A_2017 = arith.index_cast %get3A_2016 : i32 to index
    %get3A_2018 = arith.constant 16 : index
    %get3A_2019 = tpu.vector_load %arg9[%get3A_2017, %get3A_2018] {strides = array<i32>} : memref<32x32xf32, #tpu.memory_space<vmem>>, vector<1x16xf32>,
    %get3A_2020 = vector.shape_cast %get3A_2019 : vector<1x16xf32> to vector<16xf32>
    %mul3A_2021 = arith.mulf %get3A_2020, %broadcast_in_dim3A_1595 : vector<16xf32>
    %swap3A_2022 = arith.constant 17 : i32
    %swap3A_2023 = arith.index_cast %swap3A_2022 : i32 to index
    %swap3A_2024 = arith.constant 16 : index
    %swap3A_2025 = tpu.vector_load %arg9[%swap3A_2023, %swap3A_2024] {strides = array<i32>} : memref<32x32xf32, #tpu.memory_space<vmem>>, vector<1x16xf32>,
    %swap3A_2026 = vector.shape_cast %swap3A_2025 : vector<1x16xf32> to vector<16xf32>
    %swap3A_2027 = vector.shape_cast %mul3A_2021 : vector<16xf32> to vector<1x16xf32>
    tpu.vector_store %arg9[%swap3A_2023, %swap3A_2024], %swap3A_2027 {strides = array<i32>} : memref<32x32xf32, #tpu.memory_space<vmem>>, vector<1x16xf32>,
    %get3A_2028 = arith.constant 18 : i32
    %get3A_2029 = arith.index_cast %get3A_2028 : i32 to index
    %get3A_2030 = arith.constant 0 : index
    %get3A_2031 = tpu.vector_load %arg9[%get3A_2029, %get3A_2030] {strides = array<i32>} : memref<32x32xf32, #tpu.memory_space<vmem>>, vector<1x16xf32>,
    %get3A_2032 = vector.shape_cast %get3A_2031 : vector<1x16xf32> to vector<16xf32>
    %mul3A_2033 = arith.mulf %get3A_2032, %broadcast_in_dim3A_1595 : vector<16xf32>
    %swap3A_2034 = arith.constant 18 : i32
    %swap3A_2035 = arith.index_cast %swap3A_2034 : i32 to index
    %swap3A_2036 = arith.constant 0 : index
    %swap3A_2037 = tpu.vector_load %arg9[%swap3A_2035, %swap3A_2036] {strides = array<i32>} : memref<32x32xf32, #tpu.memory_space<vmem>>, vector<1x16xf32>,
    %swap3A_2038 = vector.shape_cast %swap3A_2037 : vector<1x16xf32> to vector<16xf32>
    %swap3A_2039 = vector.shape_cast %mul3A_2033 : vector<16xf32> to vector<1x16xf32>
    tpu.vector_store %arg9[%swap3A_2035, %swap3A_2036], %swap3A_2039 {strides = array<i32>} : memref<32x32xf32, #tpu.memory_space<vmem>>, vector<1x16xf32>,
    %get3A_2040 = arith.constant 18 : i32
    %get3A_2041 = arith.index_cast %get3A_2040 : i32 to index
    %get3A_2042 = arith.constant 16 : index
    %get3A_2043 = tpu.vector_load %arg9[%get3A_2041, %get3A_2042] {strides = array<i32>} : memref<32x32xf32, #tpu.memory_space<vmem>>, vector<1x16xf32>,
    %get3A_2044 = vector.shape_cast %get3A_2043 : vector<1x16xf32> to vector<16xf32>
    %mul3A_2045 = arith.mulf %get3A_2044, %broadcast_in_dim3A_1595 : vector<16xf32>
    %swap3A_2046 = arith.constant 18 : i32
    %swap3A_2047 = arith.index_cast %swap3A_2046 : i32 to index
    %swap3A_2048 = arith.constant 16 : index
    %swap3A_2049 = tpu.vector_load %arg9[%swap3A_2047, %swap3A_2048] {strides = array<i32>} : memref<32x32xf32, #tpu.memory_space<vmem>>, vector<1x16xf32>,
    %swap3A_2050 = vector.shape_cast %swap3A_2049 : vector<1x16xf32> to vector<16xf32>
    %swap3A_2051 = vector.shape_cast %mul3A_2045 : vector<16xf32> to vector<1x16xf32>
    tpu.vector_store %arg9[%swap3A_2047, %swap3A_2048], %swap3A_2051 {strides = array<i32>} : memref<32x32xf32, #tpu.memory_space<vmem>>, vector<1x16xf32>,
    %get3A_2052 = arith.constant 19 : i32
    %get3A_2053 = arith.index_cast %get3A_2052 : i32 to index
    %get3A_2054 = arith.constant 0 : index
    %get3A_2055 = tpu.vector_load %arg9[%get3A_2053, %get3A_2054] {strides = array<i32>} : memref<32x32xf32, #tpu.memory_space<vmem>>, vector<1x16xf32>,
    %get3A_2056 = vector.shape_cast %get3A_2055 : vector<1x16xf32> to vector<16xf32>
    %mul3A_2057 = arith.mulf %get3A_2056, %broadcast_in_dim3A_1595 : vector<16xf32>
    %swap3A_2058 = arith.constant 19 : i32
    %swap3A_2059 = arith.index_cast %swap3A_2058 : i32 to index
    %swap3A_2060 = arith.constant 0 : index
    %swap3A_2061 = tpu.vector_load %arg9[%swap3A_2059, %swap3A_2060] {strides = array<i32>} : memref<32x32xf32, #tpu.memory_space<vmem>>, vector<1x16xf32>,
    %swap3A_2062 = vector.shape_cast %swap3A_2061 : vector<1x16xf32> to vector<16xf32>
    %swap3A_2063 = vector.shape_cast %mul3A_2057 : vector<16xf32> to vector<1x16xf32>
    tpu.vector_store %arg9[%swap3A_2059, %swap3A_2060], %swap3A_2063 {strides = array<i32>} : memref<32x32xf32, #tpu.memory_space<vmem>>, vector<1x16xf32>,
    %get3A_2064 = arith.constant 19 : i32
    %get3A_2065 = arith.index_cast %get3A_2064 : i32 to index
    %get3A_2066 = arith.constant 16 : index
    %get3A_2067 = tpu.vector_load %arg9[%get3A_2065, %get3A_2066] {strides = array<i32>} : memref<32x32xf32, #tpu.memory_space<vmem>>, vector<1x16xf32>,
    %get3A_2068 = vector.shape_cast %get3A_2067 : vector<1x16xf32> to vector<16xf32>
    %mul3A_2069 = arith.mulf %get3A_2068, %broadcast_in_dim3A_1595 : vector<16xf32>
    %swap3A_2070 = arith.constant 19 : i32
    %swap3A_2071 = arith.index_cast %swap3A_2070 : i32 to index
    %swap3A_2072 = arith.constant 16 : index
    %swap3A_2073 = tpu.vector_load %arg9[%swap3A_2071, %swap3A_2072] {strides = array<i32>} : memref<32x32xf32, #tpu.memory_space<vmem>>, vector<1x16xf32>,
    %swap3A_2074 = vector.shape_cast %swap3A_2073 : vector<1x16xf32> to vector<16xf32>
    %swap3A_2075 = vector.shape_cast %mul3A_2069 : vector<16xf32> to vector<1x16xf32>
    tpu.vector_store %arg9[%swap3A_2071, %swap3A_2072], %swap3A_2075 {strides = array<i32>} : memref<32x32xf32, #tpu.memory_space<vmem>>, vector<1x16xf32>,
    %get3A_2076 = arith.constant 20 : i32
    %get3A_2077 = arith.index_cast %get3A_2076 : i32 to index
    %get3A_2078 = arith.constant 0 : index
    %get3A_2079 = tpu.vector_load %arg9[%get3A_2077, %get3A_2078] {strides = array<i32>} : memref<32x32xf32, #tpu.memory_space<vmem>>, vector<1x16xf32>,
    %get3A_2080 = vector.shape_cast %get3A_2079 : vector<1x16xf32> to vector<16xf32>
    %mul3A_2081 = arith.mulf %get3A_2080, %broadcast_in_dim3A_1595 : vector<16xf32>
    %swap3A_2082 = arith.constant 20 : i32
    %swap3A_2083 = arith.index_cast %swap3A_2082 : i32 to index
    %swap3A_2084 = arith.constant 0 : index
    %swap3A_2085 = tpu.vector_load %arg9[%swap3A_2083, %swap3A_2084] {strides = array<i32>} : memref<32x32xf32, #tpu.memory_space<vmem>>, vector<1x16xf32>,
    %swap3A_2086 = vector.shape_cast %swap3A_2085 : vector<1x16xf32> to vector<16xf32>
    %swap3A_2087 = vector.shape_cast %mul3A_2081 : vector<16xf32> to vector<1x16xf32>
    tpu.vector_store %arg9[%swap3A_2083, %swap3A_2084], %swap3A_2087 {strides = array<i32>} : memref<32x32xf32, #tpu.memory_space<vmem>>, vector<1x16xf32>,
    %get3A_2088 = arith.constant 20 : i32
    %get3A_2089 = arith.index_cast %get3A_2088 : i32 to index
    %get3A_2090 = arith.constant 16 : index
    %get3A_2091 = tpu.vector_load %arg9[%get3A_2089, %get3A_2090] {strides = array<i32>} : memref<32x32xf32, #tpu.memory_space<vmem>>, vector<1x16xf32>,
    %get3A_2092 = vector.shape_cast %get3A_2091 : vector<1x16xf32> to vector<16xf32>
    %mul3A_2093 = arith.mulf %get3A_2092, %broadcast_in_dim3A_1595 : vector<16xf32>
    %swap3A_2094 = arith.constant 20 : i32
    %swap3A_2095 = arith.index_cast %swap3A_2094 : i32 to index
    %swap3A_2096 = arith.constant 16 : index
    %swap3A_2097 = tpu.vector_load %arg9[%swap3A_2095, %swap3A_2096] {strides = array<i32>} : memref<32x32xf32, #tpu.memory_space<vmem>>, vector<1x16xf32>,
    %swap3A_2098 = vector.shape_cast %swap3A_2097 : vector<1x16xf32> to vector<16xf32>
    %swap3A_2099 = vector.shape_cast %mul3A_2093 : vector<16xf32> to vector<1x16xf32>
    tpu.vector_store %arg9[%swap3A_2095, %swap3A_2096], %swap3A_2099 {strides = array<i32>} : memref<32x32xf32, #tpu.memory_space<vmem>>, vector<1x16xf32>,
    %get3A_2100 = arith.constant 21 : i32
    %get3A_2101 = arith.index_cast %get3A_2100 : i32 to index
    %get3A_2102 = arith.constant 0 : index
    %get3A_2103 = tpu.vector_load %arg9[%get3A_2101, %get3A_2102] {strides = array<i32>} : memref<32x32xf32, #tpu.memory_space<vmem>>, vector<1x16xf32>,
    %get3A_2104 = vector.shape_cast %get3A_2103 : vector<1x16xf32> to vector<16xf32>
    %mul3A_2105 = arith.mulf %get3A_2104, %broadcast_in_dim3A_1595 : vector<16xf32>
    %swap3A_2106 = arith.constant 21 : i32
    %swap3A_2107 = arith.index_cast %swap3A_2106 : i32 to index
    %swap3A_2108 = arith.constant 0 : index
    %swap3A_2109 = tpu.vector_load %arg9[%swap3A_2107, %swap3A_2108] {strides = array<i32>} : memref<32x32xf32, #tpu.memory_space<vmem>>, vector<1x16xf32>,
    %swap3A_2110 = vector.shape_cast %swap3A_2109 : vector<1x16xf32> to vector<16xf32>
    %swap3A_2111 = vector.shape_cast %mul3A_2105 : vector<16xf32> to vector<1x16xf32>
    tpu.vector_store %arg9[%swap3A_2107, %swap3A_2108], %swap3A_2111 {strides = array<i32>} : memref<32x32xf32, #tpu.memory_space<vmem>>, vector<1x16xf32>,
    %get3A_2112 = arith.constant 21 : i32
    %get3A_2113 = arith.index_cast %get3A_2112 : i32 to index
    %get3A_2114 = arith.constant 16 : index
    %get3A_2115 = tpu.vector_load %arg9[%get3A_2113, %get3A_2114] {strides = array<i32>} : memref<32x32xf32, #tpu.memory_space<vmem>>, vector<1x16xf32>,
    %get3A_2116 = vector.shape_cast %get3A_2115 : vector<1x16xf32> to vector<16xf32>
    %mul3A_2117 = arith.mulf %get3A_2116, %broadcast_in_dim3A_1595 : vector<16xf32>
    %swap3A_2118 = arith.constant 21 : i32
    %swap3A_2119 = arith.index_cast %swap3A_2118 : i32 to index
    %swap3A_2120 = arith.constant 16 : index
    %swap3A_2121 = tpu.vector_load %arg9[%swap3A_2119, %swap3A_2120] {strides = array<i32>} : memref<32x32xf32, #tpu.memory_space<vmem>>, vector<1x16xf32>,
    %swap3A_2122 = vector.shape_cast %swap3A_2121 : vector<1x16xf32> to vector<16xf32>
    %swap3A_2123 = vector.shape_cast %mul3A_2117 : vector<16xf32> to vector<1x16xf32>
    tpu.vector_store %arg9[%swap3A_2119, %swap3A_2120], %swap3A_2123 {strides = array<i32>} : memref<32x32xf32, #tpu.memory_space<vmem>>, vector<1x16xf32>,
    %get3A_2124 = arith.constant 22 : i32
    %get3A_2125 = arith.index_cast %get3A_2124 : i32 to index
    %get3A_2126 = arith.constant 0 : index
    %get3A_2127 = tpu.vector_load %arg9[%get3A_2125, %get3A_2126] {strides = array<i32>} : memref<32x32xf32, #tpu.memory_space<vmem>>, vector<1x16xf32>,
    %get3A_2128 = vector.shape_cast %get3A_2127 : vector<1x16xf32> to vector<16xf32>
    %mul3A_2129 = arith.mulf %get3A_2128, %broadcast_in_dim3A_1595 : vector<16xf32>
    %swap3A_2130 = arith.constant 22 : i32
    %swap3A_2131 = arith.index_cast %swap3A_2130 : i32 to index
    %swap3A_2132 = arith.constant 0 : index
    %swap3A_2133 = tpu.vector_load %arg9[%swap3A_2131, %swap3A_2132] {strides = array<i32>} : memref<32x32xf32, #tpu.memory_space<vmem>>, vector<1x16xf32>,
    %swap3A_2134 = vector.shape_cast %swap3A_2133 : vector<1x16xf32> to vector<16xf32>
    %swap3A_2135 = vector.shape_cast %mul3A_2129 : vector<16xf32> to vector<1x16xf32>
    tpu.vector_store %arg9[%swap3A_2131, %swap3A_2132], %swap3A_2135 {strides = array<i32>} : memref<32x32xf32, #tpu.memory_space<vmem>>, vector<1x16xf32>,
    %get3A_2136 = arith.constant 22 : i32
    %get3A_2137 = arith.index_cast %get3A_2136 : i32 to index
    %get3A_2138 = arith.constant 16 : index
    %get3A_2139 = tpu.vector_load %arg9[%get3A_2137, %get3A_2138] {strides = array<i32>} : memref<32x32xf32, #tpu.memory_space<vmem>>, vector<1x16xf32>,
    %get3A_2140 = vector.shape_cast %get3A_2139 : vector<1x16xf32> to vector<16xf32>
    %mul3A_2141 = arith.mulf %get3A_2140, %broadcast_in_dim3A_1595 : vector<16xf32>
    %swap3A_2142 = arith.constant 22 : i32
    %swap3A_2143 = arith.index_cast %swap3A_2142 : i32 to index
    %swap3A_2144 = arith.constant 16 : index
    %swap3A_2145 = tpu.vector_load %arg9[%swap3A_2143, %swap3A_2144] {strides = array<i32>} : memref<32x32xf32, #tpu.memory_space<vmem>>, vector<1x16xf32>,
    %swap3A_2146 = vector.shape_cast %swap3A_2145 : vector<1x16xf32> to vector<16xf32>
    %swap3A_2147 = vector.shape_cast %mul3A_2141 : vector<16xf32> to vector<1x16xf32>
    tpu.vector_store %arg9[%swap3A_2143, %swap3A_2144], %swap3A_2147 {strides = array<i32>} : memref<32x32xf32, #tpu.memory_space<vmem>>, vector<1x16xf32>,
    %get3A_2148 = arith.constant 23 : i32
    %get3A_2149 = arith.index_cast %get3A_2148 : i32 to index
    %get3A_2150 = arith.constant 0 : index
    %get3A_2151 = tpu.vector_load %arg9[%get3A_2149, %get3A_2150] {strides = array<i32>} : memref<32x32xf32, #tpu.memory_space<vmem>>, vector<1x16xf32>,
    %get3A_2152 = vector.shape_cast %get3A_2151 : vector<1x16xf32> to vector<16xf32>
    %mul3A_2153 = arith.mulf %get3A_2152, %broadcast_in_dim3A_1595 : vector<16xf32>
    %swap3A_2154 = arith.constant 23 : i32
    %swap3A_2155 = arith.index_cast %swap3A_2154 : i32 to index
    %swap3A_2156 = arith.constant 0 : index
    %swap3A_2157 = tpu.vector_load %arg9[%swap3A_2155, %swap3A_2156] {strides = array<i32>} : memref<32x32xf32, #tpu.memory_space<vmem>>, vector<1x16xf32>,
    %swap3A_2158 = vector.shape_cast %swap3A_2157 : vector<1x16xf32> to vector<16xf32>
    %swap3A_2159 = vector.shape_cast %mul3A_2153 : vector<16xf32> to vector<1x16xf32>
    tpu.vector_store %arg9[%swap3A_2155, %swap3A_2156], %swap3A_2159 {strides = array<i32>} : memref<32x32xf32, #tpu.memory_space<vmem>>, vector<1x16xf32>,
    %get3A_2160 = arith.constant 23 : i32
    %get3A_2161 = arith.index_cast %get3A_2160 : i32 to index
    %get3A_2162 = arith.constant 16 : index
    %get3A_2163 = tpu.vector_load %arg9[%get3A_2161, %get3A_2162] {strides = array<i32>} : memref<32x32xf32, #tpu.memory_space<vmem>>, vector<1x16xf32>,
    %get3A_2164 = vector.shape_cast %get3A_2163 : vector<1x16xf32> to vector<16xf32>
    %mul3A_2165 = arith.mulf %get3A_2164, %broadcast_in_dim3A_1595 : vector<16xf32>
    %swap3A_2166 = arith.constant 23 : i32
    %swap3A_2167 = arith.index_cast %swap3A_2166 : i32 to index
    %swap3A_2168 = arith.constant 16 : index
    %swap3A_2169 = tpu.vector_load %arg9[%swap3A_2167, %swap3A_2168] {strides = array<i32>} : memref<32x32xf32, #tpu.memory_space<vmem>>, vector<1x16xf32>,
    %swap3A_2170 = vector.shape_cast %swap3A_2169 : vector<1x16xf32> to vector<16xf32>
    %swap3A_2171 = vector.shape_cast %mul3A_2165 : vector<16xf32> to vector<1x16xf32>
    tpu.vector_store %arg9[%swap3A_2167, %swap3A_2168], %swap3A_2171 {strides = array<i32>} : memref<32x32xf32, #tpu.memory_space<vmem>>, vector<1x16xf32>,
    %get3A_2172 = arith.constant 24 : i32
    %get3A_2173 = arith.index_cast %get3A_2172 : i32 to index
    %get3A_2174 = arith.constant 0 : index
    %get3A_2175 = tpu.vector_load %arg9[%get3A_2173, %get3A_2174] {strides = array<i32>} : memref<32x32xf32, #tpu.memory_space<vmem>>, vector<1x16xf32>,
    %get3A_2176 = vector.shape_cast %get3A_2175 : vector<1x16xf32> to vector<16xf32>
    %mul3A_2177 = arith.mulf %get3A_2176, %broadcast_in_dim3A_1595 : vector<16xf32>
    %swap3A_2178 = arith.constant 24 : i32
    %swap3A_2179 = arith.index_cast %swap3A_2178 : i32 to index
    %swap3A_2180 = arith.constant 0 : index
    %swap3A_2181 = tpu.vector_load %arg9[%swap3A_2179, %swap3A_2180] {strides = array<i32>} : memref<32x32xf32, #tpu.memory_space<vmem>>, vector<1x16xf32>,
    %swap3A_2182 = vector.shape_cast %swap3A_2181 : vector<1x16xf32> to vector<16xf32>
    %swap3A_2183 = vector.shape_cast %mul3A_2177 : vector<16xf32> to vector<1x16xf32>
    tpu.vector_store %arg9[%swap3A_2179, %swap3A_2180], %swap3A_2183 {strides = array<i32>} : memref<32x32xf32, #tpu.memory_space<vmem>>, vector<1x16xf32>,
    %get3A_2184 = arith.constant 24 : i32
    %get3A_2185 = arith.index_cast %get3A_2184 : i32 to index
    %get3A_2186 = arith.constant 16 : index
    %get3A_2187 = tpu.vector_load %arg9[%get3A_2185, %get3A_2186] {strides = array<i32>} : memref<32x32xf32, #tpu.memory_space<vmem>>, vector<1x16xf32>,
    %get3A_2188 = vector.shape_cast %get3A_2187 : vector<1x16xf32> to vector<16xf32>
    %mul3A_2189 = arith.mulf %get3A_2188, %broadcast_in_dim3A_1595 : vector<16xf32>
    %swap3A_2190 = arith.constant 24 : i32
    %swap3A_2191 = arith.index_cast %swap3A_2190 : i32 to index
    %swap3A_2192 = arith.constant 16 : index
    %swap3A_2193 = tpu.vector_load %arg9[%swap3A_2191, %swap3A_2192] {strides = array<i32>} : memref<32x32xf32, #tpu.memory_space<vmem>>, vector<1x16xf32>,
    %swap3A_2194 = vector.shape_cast %swap3A_2193 : vector<1x16xf32> to vector<16xf32>
    %swap3A_2195 = vector.shape_cast %mul3A_2189 : vector<16xf32> to vector<1x16xf32>
    tpu.vector_store %arg9[%swap3A_2191, %swap3A_2192], %swap3A_2195 {strides = array<i32>} : memref<32x32xf32, #tpu.memory_space<vmem>>, vector<1x16xf32>,
    %get3A_2196 = arith.constant 25 : i32
    %get3A_2197 = arith.index_cast %get3A_2196 : i32 to index
    %get3A_2198 = arith.constant 0 : index
    %get3A_2199 = tpu.vector_load %arg9[%get3A_2197, %get3A_2198] {strides = array<i32>} : memref<32x32xf32, #tpu.memory_space<vmem>>, vector<1x16xf32>,
    %get3A_2200 = vector.shape_cast %get3A_2199 : vector<1x16xf32> to vector<16xf32>
    %mul3A_2201 = arith.mulf %get3A_2200, %broadcast_in_dim3A_1595 : vector<16xf32>
    %swap3A_2202 = arith.constant 25 : i32
    %swap3A_2203 = arith.index_cast %swap3A_2202 : i32 to index
    %swap3A_2204 = arith.constant 0 : index
    %swap3A_2205 = tpu.vector_load %arg9[%swap3A_2203, %swap3A_2204] {strides = array<i32>} : memref<32x32xf32, #tpu.memory_space<vmem>>, vector<1x16xf32>,
    %swap3A_2206 = vector.shape_cast %swap3A_2205 : vector<1x16xf32> to vector<16xf32>
    %swap3A_2207 = vector.shape_cast %mul3A_2201 : vector<16xf32> to vector<1x16xf32>
    tpu.vector_store %arg9[%swap3A_2203, %swap3A_2204], %swap3A_2207 {strides = array<i32>} : memref<32x32xf32, #tpu.memory_space<vmem>>, vector<1x16xf32>,
    %get3A_2208 = arith.constant 25 : i32
    %get3A_2209 = arith.index_cast %get3A_2208 : i32 to index
    %get3A_2210 = arith.constant 16 : index
    %get3A_2211 = tpu.vector_load %arg9[%get3A_2209, %get3A_2210] {strides = array<i32>} : memref<32x32xf32, #tpu.memory_space<vmem>>, vector<1x16xf32>,
    %get3A_2212 = vector.shape_cast %get3A_2211 : vector<1x16xf32> to vector<16xf32>
    %mul3A_2213 = arith.mulf %get3A_2212, %broadcast_in_dim3A_1595 : vector<16xf32>
    %swap3A_2214 = arith.constant 25 : i32
    %swap3A_2215 = arith.index_cast %swap3A_2214 : i32 to index
    %swap3A_2216 = arith.constant 16 : index
    %swap3A_2217 = tpu.vector_load %arg9[%swap3A_2215, %swap3A_2216] {strides = array<i32>} : memref<32x32xf32, #tpu.memory_space<vmem>>, vector<1x16xf32>,
    %swap3A_2218 = vector.shape_cast %swap3A_2217 : vector<1x16xf32> to vector<16xf32>
    %swap3A_2219 = vector.shape_cast %mul3A_2213 : vector<16xf32> to vector<1x16xf32>
    tpu.vector_store %arg9[%swap3A_2215, %swap3A_2216], %swap3A_2219 {strides = array<i32>} : memref<32x32xf32, #tpu.memory_space<vmem>>, vector<1x16xf32>,
    %get3A_2220 = arith.constant 26 : i32
    %get3A_2221 = arith.index_cast %get3A_2220 : i32 to index
    %get3A_2222 = arith.constant 0 : index
    %get3A_2223 = tpu.vector_load %arg9[%get3A_2221, %get3A_2222] {strides = array<i32>} : memref<32x32xf32, #tpu.memory_space<vmem>>, vector<1x16xf32>,
    %get3A_2224 = vector.shape_cast %get3A_2223 : vector<1x16xf32> to vector<16xf32>
    %mul3A_2225 = arith.mulf %get3A_2224, %broadcast_in_dim3A_1595 : vector<16xf32>
    %swap3A_2226 = arith.constant 26 : i32
    %swap3A_2227 = arith.index_cast %swap3A_2226 : i32 to index
    %swap3A_2228 = arith.constant 0 : index
    %swap3A_2229 = tpu.vector_load %arg9[%swap3A_2227, %swap3A_2228] {strides = array<i32>} : memref<32x32xf32, #tpu.memory_space<vmem>>, vector<1x16xf32>,
    %swap3A_2230 = vector.shape_cast %swap3A_2229 : vector<1x16xf32> to vector<16xf32>
    %swap3A_2231 = vector.shape_cast %mul3A_2225 : vector<16xf32> to vector<1x16xf32>
    tpu.vector_store %arg9[%swap3A_2227, %swap3A_2228], %swap3A_2231 {strides = array<i32>} : memref<32x32xf32, #tpu.memory_space<vmem>>, vector<1x16xf32>,
    %get3A_2232 = arith.constant 26 : i32
    %get3A_2233 = arith.index_cast %get3A_2232 : i32 to index
    %get3A_2234 = arith.constant 16 : index
    %get3A_2235 = tpu.vector_load %arg9[%get3A_2233, %get3A_2234] {strides = array<i32>} : memref<32x32xf32, #tpu.memory_space<vmem>>, vector<1x16xf32>,
    %get3A_2236 = vector.shape_cast %get3A_2235 : vector<1x16xf32> to vector<16xf32>
    %mul3A_2237 = arith.mulf %get3A_2236, %broadcast_in_dim3A_1595 : vector<16xf32>
    %swap3A_2238 = arith.constant 26 : i32
    %swap3A_2239 = arith.index_cast %swap3A_2238 : i32 to index
    %swap3A_2240 = arith.constant 16 : index
    %swap3A_2241 = tpu.vector_load %arg9[%swap3A_2239, %swap3A_2240] {strides = array<i32>} : memref<32x32xf32, #tpu.memory_space<vmem>>, vector<1x16xf32>,
    %swap3A_2242 = vector.shape_cast %swap3A_2241 : vector<1x16xf32> to vector<16xf32>
    %swap3A_2243 = vector.shape_cast %mul3A_2237 : vector<16xf32> to vector<1x16xf32>
    tpu.vector_store %arg9[%swap3A_2239, %swap3A_2240], %swap3A_2243 {strides = array<i32>} : memref<32x32xf32, #tpu.memory_space<vmem>>, vector<1x16xf32>,
    %get3A_2244 = arith.constant 27 : i32
    %get3A_2245 = arith.index_cast %get3A_2244 : i32 to index
    %get3A_2246 = arith.constant 0 : index
    %get3A_2247 = tpu.vector_load %arg9[%get3A_2245, %get3A_2246] {strides = array<i32>} : memref<32x32xf32, #tpu.memory_space<vmem>>, vector<1x16xf32>,
    %get3A_2248 = vector.shape_cast %get3A_2247 : vector<1x16xf32> to vector<16xf32>
    %mul3A_2249 = arith.mulf %get3A_2248, %broadcast_in_dim3A_1595 : vector<16xf32>
    %swap3A_2250 = arith.constant 27 : i32
    %swap3A_2251 = arith.index_cast %swap3A_2250 : i32 to index
    %swap3A_2252 = arith.constant 0 : index
    %swap3A_2253 = tpu.vector_load %arg9[%swap3A_2251, %swap3A_2252] {strides = array<i32>} : memref<32x32xf32, #tpu.memory_space<vmem>>, vector<1x16xf32>,
    %swap3A_2254 = vector.shape_cast %swap3A_2253 : vector<1x16xf32> to vector<16xf32>
    %swap3A_2255 = vector.shape_cast %mul3A_2249 : vector<16xf32> to vector<1x16xf32>
    tpu.vector_store %arg9[%swap3A_2251, %swap3A_2252], %swap3A_2255 {strides = array<i32>} : memref<32x32xf32, #tpu.memory_space<vmem>>, vector<1x16xf32>,
    %get3A_2256 = arith.constant 27 : i32
    %get3A_2257 = arith.index_cast %get3A_2256 : i32 to index
    %get3A_2258 = arith.constant 16 : index
    %get3A_2259 = tpu.vector_load %arg9[%get3A_2257, %get3A_2258] {strides = array<i32>} : memref<32x32xf32, #tpu.memory_space<vmem>>, vector<1x16xf32>,
    %get3A_2260 = vector.shape_cast %get3A_2259 : vector<1x16xf32> to vector<16xf32>
    %mul3A_2261 = arith.mulf %get3A_2260, %broadcast_in_dim3A_1595 : vector<16xf32>
    %swap3A_2262 = arith.constant 27 : i32
    %swap3A_2263 = arith.index_cast %swap3A_2262 : i32 to index
    %swap3A_2264 = arith.constant 16 : index
    %swap3A_2265 = tpu.vector_load %arg9[%swap3A_2263, %swap3A_2264] {strides = array<i32>} : memref<32x32xf32, #tpu.memory_space<vmem>>, vector<1x16xf32>,
    %swap3A_2266 = vector.shape_cast %swap3A_2265 : vector<1x16xf32> to vector<16xf32>
    %swap3A_2267 = vector.shape_cast %mul3A_2261 : vector<16xf32> to vector<1x16xf32>
    tpu.vector_store %arg9[%swap3A_2263, %swap3A_2264], %swap3A_2267 {strides = array<i32>} : memref<32x32xf32, #tpu.memory_space<vmem>>, vector<1x16xf32>,
    %get3A_2268 = arith.constant 28 : i32
    %get3A_2269 = arith.index_cast %get3A_2268 : i32 to index
    %get3A_2270 = arith.constant 0 : index
    %get3A_2271 = tpu.vector_load %arg9[%get3A_2269, %get3A_2270] {strides = array<i32>} : memref<32x32xf32, #tpu.memory_space<vmem>>, vector<1x16xf32>,
    %get3A_2272 = vector.shape_cast %get3A_2271 : vector<1x16xf32> to vector<16xf32>
    %mul3A_2273 = arith.mulf %get3A_2272, %broadcast_in_dim3A_1595 : vector<16xf32>
    %swap3A_2274 = arith.constant 28 : i32
    %swap3A_2275 = arith.index_cast %swap3A_2274 : i32 to index
    %swap3A_2276 = arith.constant 0 : index
    %swap3A_2277 = tpu.vector_load %arg9[%swap3A_2275, %swap3A_2276] {strides = array<i32>} : memref<32x32xf32, #tpu.memory_space<vmem>>, vector<1x16xf32>,
    %swap3A_2278 = vector.shape_cast %swap3A_2277 : vector<1x16xf32> to vector<16xf32>
    %swap3A_2279 = vector.shape_cast %mul3A_2273 : vector<16xf32> to vector<1x16xf32>
    tpu.vector_store %arg9[%swap3A_2275, %swap3A_2276], %swap3A_2279 {strides = array<i32>} : memref<32x32xf32, #tpu.memory_space<vmem>>, vector<1x16xf32>,
    %get3A_2280 = arith.constant 28 : i32
    %get3A_2281 = arith.index_cast %get3A_2280 : i32 to index
    %get3A_2282 = arith.constant 16 : index
    %get3A_2283 = tpu.vector_load %arg9[%get3A_2281, %get3A_2282] {strides = array<i32>} : memref<32x32xf32, #tpu.memory_space<vmem>>, vector<1x16xf32>,
    %get3A_2284 = vector.shape_cast %get3A_2283 : vector<1x16xf32> to vector<16xf32>
    %mul3A_2285 = arith.mulf %get3A_2284, %broadcast_in_dim3A_1595 : vector<16xf32>
    %swap3A_2286 = arith.constant 28 : i32
    %swap3A_2287 = arith.index_cast %swap3A_2286 : i32 to index
    %swap3A_2288 = arith.constant 16 : index
    %swap3A_2289 = tpu.vector_load %arg9[%swap3A_2287, %swap3A_2288] {strides = array<i32>} : memref<32x32xf32, #tpu.memory_space<vmem>>, vector<1x16xf32>,
    %swap3A_2290 = vector.shape_cast %swap3A_2289 : vector<1x16xf32> to vector<16xf32>
    %swap3A_2291 = vector.shape_cast %mul3A_2285 : vector<16xf32> to vector<1x16xf32>
    tpu.vector_store %arg9[%swap3A_2287, %swap3A_2288], %swap3A_2291 {strides = array<i32>} : memref<32x32xf32, #tpu.memory_space<vmem>>, vector<1x16xf32>,
    %get3A_2292 = arith.constant 29 : i32
    %get3A_2293 = arith.index_cast %get3A_2292 : i32 to index
    %get3A_2294 = arith.constant 0 : index
    %get3A_2295 = tpu.vector_load %arg9[%get3A_2293, %get3A_2294] {strides = array<i32>} : memref<32x32xf32, #tpu.memory_space<vmem>>, vector<1x16xf32>,
    %get3A_2296 = vector.shape_cast %get3A_2295 : vector<1x16xf32> to vector<16xf32>
    %mul3A_2297 = arith.mulf %get3A_2296, %broadcast_in_dim3A_1595 : vector<16xf32>
    %swap3A_2298 = arith.constant 29 : i32
    %swap3A_2299 = arith.index_cast %swap3A_2298 : i32 to index
    %swap3A_2300 = arith.constant 0 : index
    %swap3A_2301 = tpu.vector_load %arg9[%swap3A_2299, %swap3A_2300] {strides = array<i32>} : memref<32x32xf32, #tpu.memory_space<vmem>>, vector<1x16xf32>,
    %swap3A_2302 = vector.shape_cast %swap3A_2301 : vector<1x16xf32> to vector<16xf32>
    %swap3A_2303 = vector.shape_cast %mul3A_2297 : vector<16xf32> to vector<1x16xf32>
    tpu.vector_store %arg9[%swap3A_2299, %swap3A_2300], %swap3A_2303 {strides = array<i32>} : memref<32x32xf32, #tpu.memory_space<vmem>>, vector<1x16xf32>,
    %get3A_2304 = arith.constant 29 : i32
    %get3A_2305 = arith.index_cast %get3A_2304 : i32 to index
    %get3A_2306 = arith.constant 16 : index
    %get3A_2307 = tpu.vector_load %arg9[%get3A_2305, %get3A_2306] {strides = array<i32>} : memref<32x32xf32, #tpu.memory_space<vmem>>, vector<1x16xf32>,
    %get3A_2308 = vector.shape_cast %get3A_2307 : vector<1x16xf32> to vector<16xf32>
    %mul3A_2309 = arith.mulf %get3A_2308, %broadcast_in_dim3A_1595 : vector<16xf32>
    %swap3A_2310 = arith.constant 29 : i32
    %swap3A_2311 = arith.index_cast %swap3A_2310 : i32 to index
    %swap3A_2312 = arith.constant 16 : index
    %swap3A_2313 = tpu.vector_load %arg9[%swap3A_2311, %swap3A_2312] {strides = array<i32>} : memref<32x32xf32, #tpu.memory_space<vmem>>, vector<1x16xf32>,
    %swap3A_2314 = vector.shape_cast %swap3A_2313 : vector<1x16xf32> to vector<16xf32>
    %swap3A_2315 = vector.shape_cast %mul3A_2309 : vector<16xf32> to vector<1x16xf32>
    tpu.vector_store %arg9[%swap3A_2311, %swap3A_2312], %swap3A_2315 {strides = array<i32>} : memref<32x32xf32, #tpu.memory_space<vmem>>, vector<1x16xf32>,
    %get3A_2316 = arith.constant 30 : i32
    %get3A_2317 = arith.index_cast %get3A_2316 : i32 to index
    %get3A_2318 = arith.constant 0 : index
    %get3A_2319 = tpu.vector_load %arg9[%get3A_2317, %get3A_2318] {strides = array<i32>} : memref<32x32xf32, #tpu.memory_space<vmem>>, vector<1x16xf32>,
    %get3A_2320 = vector.shape_cast %get3A_2319 : vector<1x16xf32> to vector<16xf32>
    %mul3A_2321 = arith.mulf %get3A_2320, %broadcast_in_dim3A_1595 : vector<16xf32>
    %swap3A_2322 = arith.constant 30 : i32
    %swap3A_2323 = arith.index_cast %swap3A_2322 : i32 to index
    %swap3A_2324 = arith.constant 0 : index
    %swap3A_2325 = tpu.vector_load %arg9[%swap3A_2323, %swap3A_2324] {strides = array<i32>} : memref<32x32xf32, #tpu.memory_space<vmem>>, vector<1x16xf32>,
    %swap3A_2326 = vector.shape_cast %swap3A_2325 : vector<1x16xf32> to vector<16xf32>
    %swap3A_2327 = vector.shape_cast %mul3A_2321 : vector<16xf32> to vector<1x16xf32>
    tpu.vector_store %arg9[%swap3A_2323, %swap3A_2324], %swap3A_2327 {strides = array<i32>} : memref<32x32xf32, #tpu.memory_space<vmem>>, vector<1x16xf32>,
    %get3A_2328 = arith.constant 30 : i32
    %get3A_2329 = arith.index_cast %get3A_2328 : i32 to index
    %get3A_2330 = arith.constant 16 : index
    %get3A_2331 = tpu.vector_load %arg9[%get3A_2329, %get3A_2330] {strides = array<i32>} : memref<32x32xf32, #tpu.memory_space<vmem>>, vector<1x16xf32>,
    %get3A_2332 = vector.shape_cast %get3A_2331 : vector<1x16xf32> to vector<16xf32>
    %mul3A_2333 = arith.mulf %get3A_2332, %broadcast_in_dim3A_1595 : vector<16xf32>
    %swap3A_2334 = arith.constant 30 : i32
    %swap3A_2335 = arith.index_cast %swap3A_2334 : i32 to index
    %swap3A_2336 = arith.constant 16 : index
    %swap3A_2337 = tpu.vector_load %arg9[%swap3A_2335, %swap3A_2336] {strides = array<i32>} : memref<32x32xf32, #tpu.memory_space<vmem>>, vector<1x16xf32>,
    %swap3A_2338 = vector.shape_cast %swap3A_2337 : vector<1x16xf32> to vector<16xf32>
    %swap3A_2339 = vector.shape_cast %mul3A_2333 : vector<16xf32> to vector<1x16xf32>
    tpu.vector_store %arg9[%swap3A_2335, %swap3A_2336], %swap3A_2339 {strides = array<i32>} : memref<32x32xf32, #tpu.memory_space<vmem>>, vector<1x16xf32>,
    %get3A_2340 = arith.constant 31 : i32
    %get3A_2341 = arith.index_cast %get3A_2340 : i32 to index
    %get3A_2342 = arith.constant 0 : index
    %get3A_2343 = tpu.vector_load %arg9[%get3A_2341, %get3A_2342] {strides = array<i32>} : memref<32x32xf32, #tpu.memory_space<vmem>>, vector<1x16xf32>,
    %get3A_2344 = vector.shape_cast %get3A_2343 : vector<1x16xf32> to vector<16xf32>
    %mul3A_2345 = arith.mulf %get3A_2344, %broadcast_in_dim3A_1595 : vector<16xf32>
    %swap3A_2346 = arith.constant 31 : i32
    %swap3A_2347 = arith.index_cast %swap3A_2346 : i32 to index
    %swap3A_2348 = arith.constant 0 : index
    %swap3A_2349 = tpu.vector_load %arg9[%swap3A_2347, %swap3A_2348] {strides = array<i32>} : memref<32x32xf32, #tpu.memory_space<vmem>>, vector<1x16xf32>,
    %swap3A_2350 = vector.shape_cast %swap3A_2349 : vector<1x16xf32> to vector<16xf32>
    %swap3A_2351 = vector.shape_cast %mul3A_2345 : vector<16xf32> to vector<1x16xf32>
    tpu.vector_store %arg9[%swap3A_2347, %swap3A_2348], %swap3A_2351 {strides = array<i32>} : memref<32x32xf32, #tpu.memory_space<vmem>>, vector<1x16xf32>,
    %get3A_2352 = arith.constant 31 : i32
    %get3A_2353 = arith.index_cast %get3A_2352 : i32 to index
    %get3A_2354 = arith.constant 16 : index
    %get3A_2355 = tpu.vector_load %arg9[%get3A_2353, %get3A_2354] {strides = array<i32>} : memref<32x32xf32, #tpu.memory_space<vmem>>, vector<1x16xf32>,
    %get3A_2356 = vector.shape_cast %get3A_2355 : vector<1x16xf32> to vector<16xf32>
    %mul3A_2357 = arith.mulf %get3A_2356, %broadcast_in_dim3A_1595 : vector<16xf32>
    %swap3A_2358 = arith.constant 31 : i32
    %swap3A_2359 = arith.index_cast %swap3A_2358 : i32 to index
    %swap3A_2360 = arith.constant 16 : index
    %swap3A_2361 = tpu.vector_load %arg9[%swap3A_2359, %swap3A_2360] {strides = array<i32>} : memref<32x32xf32, #tpu.memory_space<vmem>>, vector<1x16xf32>,
    %swap3A_2362 = vector.shape_cast %swap3A_2361 : vector<1x16xf32> to vector<16xf32>
    %swap3A_2363 = vector.shape_cast %mul3A_2357 : vector<16xf32> to vector<1x16xf32>
    tpu.vector_store %arg9[%swap3A_2359, %swap3A_2360], %swap3A_2363 {strides = array<i32>} : memref<32x32xf32, #tpu.memory_space<vmem>>, vector<1x16xf32>,
    "tpu.region"() ({
      %run_scoped3A_2364 = tpu.sem_alloc : memref<!tpu.dma_semaphore, #tpu.memory_space<semaphore_mem>>
      %dma_start3A_2365 = arith.constant 0 : i32
      %dma_start3A_2366 = tpu.memref_slice %arg4[%mul3A_2, %dma_start3A_2365] : memref<1024x32xf32, #tpu.memory_space<hbm>> -> memref<32x32xf32, #tpu.memory_space<hbm>>
      %dma_start3A_2367 = arith.constant 0 : i32
      %dma_start3A_2368 = tpu.memref_slice %arg4[%mul3A_2, %dma_start3A_2367] : memref<1024x32xf32, #tpu.memory_space<hbm>> -> memref<32x32xf32, #tpu.memory_space<hbm>>
      tpu.enqueue_dma source(%arg9 : memref<32x32xf32, #tpu.memory_space<vmem>>) target(%dma_start3A_2368 : memref<32x32xf32, #tpu.memory_space<hbm>>) target_semaphore(%run_scoped3A_2364 : memref<!tpu.dma_semaphore, #tpu.memory_space<semaphore_mem>>)
      %dma_wait3A_2369 = arith.constant 0 : i32
      %dma_wait3A_2370 = tpu.memref_slice %arg4[%mul3A_2, %dma_wait3A_2369] : memref<1024x32xf32, #tpu.memory_space<hbm>> -> memref<32x32xf32, #tpu.memory_space<hbm>>
      %dma_wait3A_2371 = arith.constant 0 : i32
      %dma_wait3A_2372 = tpu.memref_slice %arg4[%mul3A_2, %dma_wait3A_2371] : memref<1024x32xf32, #tpu.memory_space<hbm>> -> memref<32x32xf32, #tpu.memory_space<hbm>>
      tpu.wait_dma2 semaphore(%run_scoped3A_2364 : memref<!tpu.dma_semaphore, #tpu.memory_space<semaphore_mem>>) src(%arg9 : memref<32x32xf32, #tpu.memory_space<vmem>>) dst(%dma_wait3A_2372 : memref<32x32xf32, #tpu.memory_space<hbm>>)
      tpu.yield
    }) : () -> ()
    return
  }
}

module attributes {stable_mosaic.version = 14 : i64} {
  func.func @_tc_lse_body(%arg0: i32, %arg1: memref<1024x32xf32, #tpu.memory_space<vmem>>, %arg2: memref<32x8192xf32, #tpu.memory_space<vmem>>, %arg3: memref<1024x128xf32, #tpu.memory_space<vmem>>) attributes {dimension_semantics = [#tpu.dimension_semantics<arbitrary>], iteration_bounds = array<i64: 12>, scalar_prefetch = 0 : i64, scratch_operands = 0 : i64, tpu.core_type = #tpu.core_type<tc>, window_params = [{pipeline_mode = #tpu.pipeline_mode<synchronous>, transform_indices = @transform_0, window_bounds = array<i64: 1024, 32>}, {transform_indices = @transform_1, window_bounds = array<i64: 32, 8192>}, {pipeline_mode = #tpu.pipeline_mode<synchronous>, transform_indices = @transform_2, window_bounds = array<i64: 1024, 128>}]} {
    %get3A = arith.constant 0 : index
    %get3A_0 = arith.constant 0 : index
    %get3A_1 = vector.load %arg1[%get3A, %get3A_0] : memref<1024x32xf32, #tpu.memory_space<vmem>>, vector<1024x32xf32>
    %convert_element_type3A = arith.truncf %get3A_1 : vector<1024x32xf32> to vector<1024x32xbf16>
    %get3A_2 = arith.constant 0 : index
    %get3A_3 = arith.constant 0 : index
    %get3A_4 = vector.load %arg2[%get3A_2, %get3A_3] : memref<32x8192xf32, #tpu.memory_space<vmem>>, vector<32x8192xf32>
    %convert_element_type3A_5 = arith.truncf %get3A_4 : vector<32x8192xf32> to vector<32x8192xbf16>
    %dot_general3A = arith.constant dense<0.000000e+00> : vector<1024x8192xf32>
    %dot_general3A_6 = tpu.matmul %convert_element_type3A, %convert_element_type3A_5, %dot_general3A {dimension_numbers = #tpu.dot_dimension_numbers<[1], [0], [0], [1], [0, 0, 1, 1], [], []>, transpose_lhs_hint = false} : vector<1024x32xbf16>, vector<32x8192xbf16>, vector<1024x8192xf32> -> vector<1024x8192xf32>
    %exp23A = math.exp2 %dot_general3A_6 : vector<1024x8192xf32>
    %slice3A = vector.extract_strided_slice %exp23A {offsets = [0, 0], sizes = [1024, 128], strides = [1, 1]} : vector<1024x8192xf32> to vector<1024x128xf32>
    %slice3A_7 = vector.extract_strided_slice %exp23A {offsets = [0, 128], sizes = [1024, 128], strides = [1, 1]} : vector<1024x8192xf32> to vector<1024x128xf32>
    %add3A = arith.addf %slice3A, %slice3A_7 : vector<1024x128xf32>
    %slice3A_8 = vector.extract_strided_slice %exp23A {offsets = [0, 256], sizes = [1024, 128], strides = [1, 1]} : vector<1024x8192xf32> to vector<1024x128xf32>
    %add3A_9 = arith.addf %add3A, %slice3A_8 : vector<1024x128xf32>
    %slice3A_10 = vector.extract_strided_slice %exp23A {offsets = [0, 384], sizes = [1024, 128], strides = [1, 1]} : vector<1024x8192xf32> to vector<1024x128xf32>
    %add3A_11 = arith.addf %add3A_9, %slice3A_10 : vector<1024x128xf32>
    %slice3A_12 = vector.extract_strided_slice %exp23A {offsets = [0, 512], sizes = [1024, 128], strides = [1, 1]} : vector<1024x8192xf32> to vector<1024x128xf32>
    %add3A_13 = arith.addf %add3A_11, %slice3A_12 : vector<1024x128xf32>
    %slice3A_14 = vector.extract_strided_slice %exp23A {offsets = [0, 640], sizes = [1024, 128], strides = [1, 1]} : vector<1024x8192xf32> to vector<1024x128xf32>
    %add3A_15 = arith.addf %add3A_13, %slice3A_14 : vector<1024x128xf32>
    %slice3A_16 = vector.extract_strided_slice %exp23A {offsets = [0, 768], sizes = [1024, 128], strides = [1, 1]} : vector<1024x8192xf32> to vector<1024x128xf32>
    %add3A_17 = arith.addf %add3A_15, %slice3A_16 : vector<1024x128xf32>
    %slice3A_18 = vector.extract_strided_slice %exp23A {offsets = [0, 896], sizes = [1024, 128], strides = [1, 1]} : vector<1024x8192xf32> to vector<1024x128xf32>
    %add3A_19 = arith.addf %add3A_17, %slice3A_18 : vector<1024x128xf32>
    %slice3A_20 = vector.extract_strided_slice %exp23A {offsets = [0, 1024], sizes = [1024, 128], strides = [1, 1]} : vector<1024x8192xf32> to vector<1024x128xf32>
    %add3A_21 = arith.addf %add3A_19, %slice3A_20 : vector<1024x128xf32>
    %slice3A_22 = vector.extract_strided_slice %exp23A {offsets = [0, 1152], sizes = [1024, 128], strides = [1, 1]} : vector<1024x8192xf32> to vector<1024x128xf32>
    %add3A_23 = arith.addf %add3A_21, %slice3A_22 : vector<1024x128xf32>
    %slice3A_24 = vector.extract_strided_slice %exp23A {offsets = [0, 1280], sizes = [1024, 128], strides = [1, 1]} : vector<1024x8192xf32> to vector<1024x128xf32>
    %add3A_25 = arith.addf %add3A_23, %slice3A_24 : vector<1024x128xf32>
    %slice3A_26 = vector.extract_strided_slice %exp23A {offsets = [0, 1408], sizes = [1024, 128], strides = [1, 1]} : vector<1024x8192xf32> to vector<1024x128xf32>
    %add3A_27 = arith.addf %add3A_25, %slice3A_26 : vector<1024x128xf32>
    %slice3A_28 = vector.extract_strided_slice %exp23A {offsets = [0, 1536], sizes = [1024, 128], strides = [1, 1]} : vector<1024x8192xf32> to vector<1024x128xf32>
    %add3A_29 = arith.addf %add3A_27, %slice3A_28 : vector<1024x128xf32>
    %slice3A_30 = vector.extract_strided_slice %exp23A {offsets = [0, 1664], sizes = [1024, 128], strides = [1, 1]} : vector<1024x8192xf32> to vector<1024x128xf32>
    %add3A_31 = arith.addf %add3A_29, %slice3A_30 : vector<1024x128xf32>
    %slice3A_32 = vector.extract_strided_slice %exp23A {offsets = [0, 1792], sizes = [1024, 128], strides = [1, 1]} : vector<1024x8192xf32> to vector<1024x128xf32>
    %add3A_33 = arith.addf %add3A_31, %slice3A_32 : vector<1024x128xf32>
    %slice3A_34 = vector.extract_strided_slice %exp23A {offsets = [0, 1920], sizes = [1024, 128], strides = [1, 1]} : vector<1024x8192xf32> to vector<1024x128xf32>
    %add3A_35 = arith.addf %add3A_33, %slice3A_34 : vector<1024x128xf32>
    %slice3A_36 = vector.extract_strided_slice %exp23A {offsets = [0, 2048], sizes = [1024, 128], strides = [1, 1]} : vector<1024x8192xf32> to vector<1024x128xf32>
    %add3A_37 = arith.addf %add3A_35, %slice3A_36 : vector<1024x128xf32>
    %slice3A_38 = vector.extract_strided_slice %exp23A {offsets = [0, 2176], sizes = [1024, 128], strides = [1, 1]} : vector<1024x8192xf32> to vector<1024x128xf32>
    %add3A_39 = arith.addf %add3A_37, %slice3A_38 : vector<1024x128xf32>
    %slice3A_40 = vector.extract_strided_slice %exp23A {offsets = [0, 2304], sizes = [1024, 128], strides = [1, 1]} : vector<1024x8192xf32> to vector<1024x128xf32>
    %add3A_41 = arith.addf %add3A_39, %slice3A_40 : vector<1024x128xf32>
    %slice3A_42 = vector.extract_strided_slice %exp23A {offsets = [0, 2432], sizes = [1024, 128], strides = [1, 1]} : vector<1024x8192xf32> to vector<1024x128xf32>
    %add3A_43 = arith.addf %add3A_41, %slice3A_42 : vector<1024x128xf32>
    %slice3A_44 = vector.extract_strided_slice %exp23A {offsets = [0, 2560], sizes = [1024, 128], strides = [1, 1]} : vector<1024x8192xf32> to vector<1024x128xf32>
    %add3A_45 = arith.addf %add3A_43, %slice3A_44 : vector<1024x128xf32>
    %slice3A_46 = vector.extract_strided_slice %exp23A {offsets = [0, 2688], sizes = [1024, 128], strides = [1, 1]} : vector<1024x8192xf32> to vector<1024x128xf32>
    %add3A_47 = arith.addf %add3A_45, %slice3A_46 : vector<1024x128xf32>
    %slice3A_48 = vector.extract_strided_slice %exp23A {offsets = [0, 2816], sizes = [1024, 128], strides = [1, 1]} : vector<1024x8192xf32> to vector<1024x128xf32>
    %add3A_49 = arith.addf %add3A_47, %slice3A_48 : vector<1024x128xf32>
    %slice3A_50 = vector.extract_strided_slice %exp23A {offsets = [0, 2944], sizes = [1024, 128], strides = [1, 1]} : vector<1024x8192xf32> to vector<1024x128xf32>
    %add3A_51 = arith.addf %add3A_49, %slice3A_50 : vector<1024x128xf32>
    %slice3A_52 = vector.extract_strided_slice %exp23A {offsets = [0, 3072], sizes = [1024, 128], strides = [1, 1]} : vector<1024x8192xf32> to vector<1024x128xf32>
    %add3A_53 = arith.addf %add3A_51, %slice3A_52 : vector<1024x128xf32>
    %slice3A_54 = vector.extract_strided_slice %exp23A {offsets = [0, 3200], sizes = [1024, 128], strides = [1, 1]} : vector<1024x8192xf32> to vector<1024x128xf32>
    %add3A_55 = arith.addf %add3A_53, %slice3A_54 : vector<1024x128xf32>
    %slice3A_56 = vector.extract_strided_slice %exp23A {offsets = [0, 3328], sizes = [1024, 128], strides = [1, 1]} : vector<1024x8192xf32> to vector<1024x128xf32>
    %add3A_57 = arith.addf %add3A_55, %slice3A_56 : vector<1024x128xf32>
    %slice3A_58 = vector.extract_strided_slice %exp23A {offsets = [0, 3456], sizes = [1024, 128], strides = [1, 1]} : vector<1024x8192xf32> to vector<1024x128xf32>
    %add3A_59 = arith.addf %add3A_57, %slice3A_58 : vector<1024x128xf32>
    %slice3A_60 = vector.extract_strided_slice %exp23A {offsets = [0, 3584], sizes = [1024, 128], strides = [1, 1]} : vector<1024x8192xf32> to vector<1024x128xf32>
    %add3A_61 = arith.addf %add3A_59, %slice3A_60 : vector<1024x128xf32>
    %slice3A_62 = vector.extract_strided_slice %exp23A {offsets = [0, 3712], sizes = [1024, 128], strides = [1, 1]} : vector<1024x8192xf32> to vector<1024x128xf32>
    %add3A_63 = arith.addf %add3A_61, %slice3A_62 : vector<1024x128xf32>
    %slice3A_64 = vector.extract_strided_slice %exp23A {offsets = [0, 3840], sizes = [1024, 128], strides = [1, 1]} : vector<1024x8192xf32> to vector<1024x128xf32>
    %add3A_65 = arith.addf %add3A_63, %slice3A_64 : vector<1024x128xf32>
    %slice3A_66 = vector.extract_strided_slice %exp23A {offsets = [0, 3968], sizes = [1024, 128], strides = [1, 1]} : vector<1024x8192xf32> to vector<1024x128xf32>
    %add3A_67 = arith.addf %add3A_65, %slice3A_66 : vector<1024x128xf32>
    %slice3A_68 = vector.extract_strided_slice %exp23A {offsets = [0, 4096], sizes = [1024, 128], strides = [1, 1]} : vector<1024x8192xf32> to vector<1024x128xf32>
    %add3A_69 = arith.addf %add3A_67, %slice3A_68 : vector<1024x128xf32>
    %slice3A_70 = vector.extract_strided_slice %exp23A {offsets = [0, 4224], sizes = [1024, 128], strides = [1, 1]} : vector<1024x8192xf32> to vector<1024x128xf32>
    %add3A_71 = arith.addf %add3A_69, %slice3A_70 : vector<1024x128xf32>
    %slice3A_72 = vector.extract_strided_slice %exp23A {offsets = [0, 4352], sizes = [1024, 128], strides = [1, 1]} : vector<1024x8192xf32> to vector<1024x128xf32>
    %add3A_73 = arith.addf %add3A_71, %slice3A_72 : vector<1024x128xf32>
    %slice3A_74 = vector.extract_strided_slice %exp23A {offsets = [0, 4480], sizes = [1024, 128], strides = [1, 1]} : vector<1024x8192xf32> to vector<1024x128xf32>
    %add3A_75 = arith.addf %add3A_73, %slice3A_74 : vector<1024x128xf32>
    %slice3A_76 = vector.extract_strided_slice %exp23A {offsets = [0, 4608], sizes = [1024, 128], strides = [1, 1]} : vector<1024x8192xf32> to vector<1024x128xf32>
    %add3A_77 = arith.addf %add3A_75, %slice3A_76 : vector<1024x128xf32>
    %slice3A_78 = vector.extract_strided_slice %exp23A {offsets = [0, 4736], sizes = [1024, 128], strides = [1, 1]} : vector<1024x8192xf32> to vector<1024x128xf32>
    %add3A_79 = arith.addf %add3A_77, %slice3A_78 : vector<1024x128xf32>
    %slice3A_80 = vector.extract_strided_slice %exp23A {offsets = [0, 4864], sizes = [1024, 128], strides = [1, 1]} : vector<1024x8192xf32> to vector<1024x128xf32>
    %add3A_81 = arith.addf %add3A_79, %slice3A_80 : vector<1024x128xf32>
    %slice3A_82 = vector.extract_strided_slice %exp23A {offsets = [0, 4992], sizes = [1024, 128], strides = [1, 1]} : vector<1024x8192xf32> to vector<1024x128xf32>
    %add3A_83 = arith.addf %add3A_81, %slice3A_82 : vector<1024x128xf32>
    %slice3A_84 = vector.extract_strided_slice %exp23A {offsets = [0, 5120], sizes = [1024, 128], strides = [1, 1]} : vector<1024x8192xf32> to vector<1024x128xf32>
    %add3A_85 = arith.addf %add3A_83, %slice3A_84 : vector<1024x128xf32>
    %slice3A_86 = vector.extract_strided_slice %exp23A {offsets = [0, 5248], sizes = [1024, 128], strides = [1, 1]} : vector<1024x8192xf32> to vector<1024x128xf32>
    %add3A_87 = arith.addf %add3A_85, %slice3A_86 : vector<1024x128xf32>
    %slice3A_88 = vector.extract_strided_slice %exp23A {offsets = [0, 5376], sizes = [1024, 128], strides = [1, 1]} : vector<1024x8192xf32> to vector<1024x128xf32>
    %add3A_89 = arith.addf %add3A_87, %slice3A_88 : vector<1024x128xf32>
    %slice3A_90 = vector.extract_strided_slice %exp23A {offsets = [0, 5504], sizes = [1024, 128], strides = [1, 1]} : vector<1024x8192xf32> to vector<1024x128xf32>
    %add3A_91 = arith.addf %add3A_89, %slice3A_90 : vector<1024x128xf32>
    %slice3A_92 = vector.extract_strided_slice %exp23A {offsets = [0, 5632], sizes = [1024, 128], strides = [1, 1]} : vector<1024x8192xf32> to vector<1024x128xf32>
    %add3A_93 = arith.addf %add3A_91, %slice3A_92 : vector<1024x128xf32>
    %slice3A_94 = vector.extract_strided_slice %exp23A {offsets = [0, 5760], sizes = [1024, 128], strides = [1, 1]} : vector<1024x8192xf32> to vector<1024x128xf32>
    %add3A_95 = arith.addf %add3A_93, %slice3A_94 : vector<1024x128xf32>
    %slice3A_96 = vector.extract_strided_slice %exp23A {offsets = [0, 5888], sizes = [1024, 128], strides = [1, 1]} : vector<1024x8192xf32> to vector<1024x128xf32>
    %add3A_97 = arith.addf %add3A_95, %slice3A_96 : vector<1024x128xf32>
    %slice3A_98 = vector.extract_strided_slice %exp23A {offsets = [0, 6016], sizes = [1024, 128], strides = [1, 1]} : vector<1024x8192xf32> to vector<1024x128xf32>
    %add3A_99 = arith.addf %add3A_97, %slice3A_98 : vector<1024x128xf32>
    %slice3A_100 = vector.extract_strided_slice %exp23A {offsets = [0, 6144], sizes = [1024, 128], strides = [1, 1]} : vector<1024x8192xf32> to vector<1024x128xf32>
    %add3A_101 = arith.addf %add3A_99, %slice3A_100 : vector<1024x128xf32>
    %slice3A_102 = vector.extract_strided_slice %exp23A {offsets = [0, 6272], sizes = [1024, 128], strides = [1, 1]} : vector<1024x8192xf32> to vector<1024x128xf32>
    %add3A_103 = arith.addf %add3A_101, %slice3A_102 : vector<1024x128xf32>
    %slice3A_104 = vector.extract_strided_slice %exp23A {offsets = [0, 6400], sizes = [1024, 128], strides = [1, 1]} : vector<1024x8192xf32> to vector<1024x128xf32>
    %add3A_105 = arith.addf %add3A_103, %slice3A_104 : vector<1024x128xf32>
    %slice3A_106 = vector.extract_strided_slice %exp23A {offsets = [0, 6528], sizes = [1024, 128], strides = [1, 1]} : vector<1024x8192xf32> to vector<1024x128xf32>
    %add3A_107 = arith.addf %add3A_105, %slice3A_106 : vector<1024x128xf32>
    %slice3A_108 = vector.extract_strided_slice %exp23A {offsets = [0, 6656], sizes = [1024, 128], strides = [1, 1]} : vector<1024x8192xf32> to vector<1024x128xf32>
    %add3A_109 = arith.addf %add3A_107, %slice3A_108 : vector<1024x128xf32>
    %slice3A_110 = vector.extract_strided_slice %exp23A {offsets = [0, 6784], sizes = [1024, 128], strides = [1, 1]} : vector<1024x8192xf32> to vector<1024x128xf32>
    %add3A_111 = arith.addf %add3A_109, %slice3A_110 : vector<1024x128xf32>
    %slice3A_112 = vector.extract_strided_slice %exp23A {offsets = [0, 6912], sizes = [1024, 128], strides = [1, 1]} : vector<1024x8192xf32> to vector<1024x128xf32>
    %add3A_113 = arith.addf %add3A_111, %slice3A_112 : vector<1024x128xf32>
    %slice3A_114 = vector.extract_strided_slice %exp23A {offsets = [0, 7040], sizes = [1024, 128], strides = [1, 1]} : vector<1024x8192xf32> to vector<1024x128xf32>
    %add3A_115 = arith.addf %add3A_113, %slice3A_114 : vector<1024x128xf32>
    %slice3A_116 = vector.extract_strided_slice %exp23A {offsets = [0, 7168], sizes = [1024, 128], strides = [1, 1]} : vector<1024x8192xf32> to vector<1024x128xf32>
    %add3A_117 = arith.addf %add3A_115, %slice3A_116 : vector<1024x128xf32>
    %slice3A_118 = vector.extract_strided_slice %exp23A {offsets = [0, 7296], sizes = [1024, 128], strides = [1, 1]} : vector<1024x8192xf32> to vector<1024x128xf32>
    %add3A_119 = arith.addf %add3A_117, %slice3A_118 : vector<1024x128xf32>
    %slice3A_120 = vector.extract_strided_slice %exp23A {offsets = [0, 7424], sizes = [1024, 128], strides = [1, 1]} : vector<1024x8192xf32> to vector<1024x128xf32>
    %add3A_121 = arith.addf %add3A_119, %slice3A_120 : vector<1024x128xf32>
    %slice3A_122 = vector.extract_strided_slice %exp23A {offsets = [0, 7552], sizes = [1024, 128], strides = [1, 1]} : vector<1024x8192xf32> to vector<1024x128xf32>
    %add3A_123 = arith.addf %add3A_121, %slice3A_122 : vector<1024x128xf32>
    %slice3A_124 = vector.extract_strided_slice %exp23A {offsets = [0, 7680], sizes = [1024, 128], strides = [1, 1]} : vector<1024x8192xf32> to vector<1024x128xf32>
    %add3A_125 = arith.addf %add3A_123, %slice3A_124 : vector<1024x128xf32>
    %slice3A_126 = vector.extract_strided_slice %exp23A {offsets = [0, 7808], sizes = [1024, 128], strides = [1, 1]} : vector<1024x8192xf32> to vector<1024x128xf32>
    %add3A_127 = arith.addf %add3A_125, %slice3A_126 : vector<1024x128xf32>
    %slice3A_128 = vector.extract_strided_slice %exp23A {offsets = [0, 7936], sizes = [1024, 128], strides = [1, 1]} : vector<1024x8192xf32> to vector<1024x128xf32>
    %add3A_129 = arith.addf %add3A_127, %slice3A_128 : vector<1024x128xf32>
    %slice3A_130 = vector.extract_strided_slice %exp23A {offsets = [0, 8064], sizes = [1024, 128], strides = [1, 1]} : vector<1024x8192xf32> to vector<1024x128xf32>
    %add3A_131 = arith.addf %add3A_129, %slice3A_130 : vector<1024x128xf32>
    %eq3A = arith.constant 0 : i32
    %eq3A_132 = arith.cmpi eq, %arg0, %eq3A : i32
    %get3A_133 = arith.constant 0 : index
    %get3A_134 = arith.constant 0 : index
    %get3A_135 = vector.load %arg3[%get3A_133, %get3A_134] : memref<1024x128xf32, #tpu.memory_space<vmem>>, vector<1024x128xf32>
    %jit3A = arith.constant 0.000000e+00 : f32
    %broadcast_in_dim3A = vector.broadcast %jit3A : f32 to vector<1024x128xf32>
    %select_n3A = arith.select %eq3A_132, %broadcast_in_dim3A, %get3A_135 : vector<1024x128xf32>
    %add3A_136 = arith.addf %select_n3A, %add3A_131 : vector<1024x128xf32>
    %swap3A = arith.constant 0 : index
    %swap3A_137 = arith.constant 0 : index
    %swap3A_138 = vector.load %arg3[%swap3A, %swap3A_137] : memref<1024x128xf32, #tpu.memory_space<vmem>>, vector<1024x128xf32>
    tpu.vector_store %arg3[%swap3A, %swap3A_137], %add3A_136 {strides = array<i32>} : memref<1024x128xf32, #tpu.memory_space<vmem>>, vector<1024x128xf32>,
    return
  }
  func.func @transform_0(%arg0: i32) -> (i32, i32) {
    %c0_i32 = arith.constant 0 : i32
    %c0_i32_0 = arith.constant 0 : i32
    %c0_i32_1 = arith.constant 0 : i32
    return %c0_i32, %c0_i32_0 : i32, i32
  }
  func.func @transform_1(%arg0: i32) -> (i32, i32) {
    %c0_i32 = arith.constant 0 : i32
    %c0_i32_0 = arith.constant 0 : i32
    return %c0_i32, %arg0 : i32, i32
  }
  func.func @transform_2(%arg0: i32) -> (i32, i32) {
    %c0_i32 = arith.constant 0 : i32
    %c0_i32_0 = arith.constant 0 : i32
    %c0_i32_1 = arith.constant 0 : i32
    return %c0_i32, %c0_i32_0 : i32, i32
  }
}

module attributes {stable_mosaic.version = 14 : i64} {
  func.func @_tc_fin_body(%arg0: memref<1024x128xf32, #tpu.memory_space<vmem>>, %arg1: memref<1024x32xf32, #tpu.memory_space<vmem>>, %arg2: memref<1024x32xf32, #tpu.memory_space<vmem>>, %arg3: memref<32x1696xf32, #tpu.memory_space<vmem>>, %arg4: memref<1x1xf32, #tpu.memory_space<smem>>) attributes {dimension_semantics = [], scalar_prefetch = 0 : i64, scratch_operands = 0 : i64, tpu.core_type = #tpu.core_type<tc>} {
    %get3A = arith.constant 0 : index
    %get3A_0 = arith.constant 0 : index
    %get3A_1 = vector.load %arg1[%get3A, %get3A_0] : memref<1024x32xf32, #tpu.memory_space<vmem>>, vector<1024x32xf32>
    %convert_element_type3A = arith.truncf %get3A_1 : vector<1024x32xf32> to vector<1024x32xbf16>
    %get3A_2 = arith.constant 0 : index
    %get3A_3 = arith.constant 0 : index
    %get3A_4 = vector.load %arg3[%get3A_2, %get3A_3] : memref<32x1696xf32, #tpu.memory_space<vmem>>, vector<32x1696xf32>
    %convert_element_type3A_5 = arith.truncf %get3A_4 : vector<32x1696xf32> to vector<32x1696xbf16>
    %dot_general3A = arith.constant dense<0.000000e+00> : vector<1024x1696xf32>
    %dot_general3A_6 = tpu.matmul %convert_element_type3A, %convert_element_type3A_5, %dot_general3A {dimension_numbers = #tpu.dot_dimension_numbers<[1], [0], [0], [1], [0, 0, 1, 1], [], []>, transpose_lhs_hint = false} : vector<1024x32xbf16>, vector<32x1696xbf16>, vector<1024x1696xf32> -> vector<1024x1696xf32>
    %get3A_7 = arith.constant 0 : index
    %get3A_8 = arith.constant 0 : index
    %get3A_9 = vector.load %arg0[%get3A_7, %get3A_8] : memref<1024x128xf32, #tpu.memory_space<vmem>>, vector<1024x128xf32>
    %reduce_sum3A = arith.constant dense<0.000000e+00> : vector<1024xf32>
    %reduce_sum3A_10 = vector.multi_reduction <add>, %get3A_9, %reduce_sum3A [1] : vector<1024x128xf32> to vector<1024xf32>
    %exp23A = math.exp2 %dot_general3A_6 : vector<1024x1696xf32>
    %reduce_sum3A_11 = arith.constant dense<0.000000e+00> : vector<1024xf32>
    %reduce_sum3A_12 = vector.multi_reduction <add>, %exp23A, %reduce_sum3A_11 [1] : vector<1024x1696xf32> to vector<1024xf32>
    %add3A = arith.addf %reduce_sum3A_10, %reduce_sum3A_12 : vector<1024xf32>
    %log3A = math.log %add3A : vector<1024xf32>
    %mul3A = arith.constant 1.44269502 : f32
    %mul3A_13 = vector.broadcast %mul3A : f32 to vector<1024xf32>
    %mul3A_14 = arith.mulf %log3A, %mul3A_13 : vector<1024xf32>
    %get3A_15 = arith.constant 0 : index
    %get3A_16 = arith.constant 0 : index
    %get3A_17 = vector.load %arg1[%get3A_15, %get3A_16] : memref<1024x32xf32, #tpu.memory_space<vmem>>, vector<1024x32xf32>
    %get3A_18 = arith.constant 0 : index
    %get3A_19 = arith.constant 0 : index
    %get3A_20 = vector.load %arg2[%get3A_18, %get3A_19] : memref<1024x32xf32, #tpu.memory_space<vmem>>, vector<1024x32xf32>
    %mul3A_21 = arith.mulf %get3A_17, %get3A_20 : vector<1024x32xf32>
    %reduce_sum3A_22 = arith.constant dense<0.000000e+00> : vector<1024xf32>
    %reduce_sum3A_23 = vector.multi_reduction <add>, %mul3A_21, %reduce_sum3A_22 [1] : vector<1024x32xf32> to vector<1024xf32>
    %sub3A = arith.subf %mul3A_14, %reduce_sum3A_23 : vector<1024xf32>
    %reduce_sum3A_24 = vector.shape_cast %sub3A : vector<1024xf32> to vector<1x1024xf32>
    %reduce_sum3A_25 = arith.constant dense<0.000000e+00> : vector<1xf32>
    %reduce_sum3A_26 = vector.multi_reduction <add>, %reduce_sum3A_24, %reduce_sum3A_25 [1] : vector<1x1024xf32> to vector<1xf32>
    %reduce_sum3A_27 = vector.shape_cast %reduce_sum3A_26 : vector<1xf32> to vector<1x1xf32>
    %reduce_sum3A_28 = vector.extract %reduce_sum3A_27[0, 0] : f32 from vector<1x1xf32>
    %div3A = arith.constant 1.024000e+03 : f32
    %div3A_29 = arith.divf %reduce_sum3A_28, %div3A : f32
    %mul3A_30 = arith.constant 0.693147182 : f32
    %mul3A_31 = arith.mulf %mul3A_30, %div3A_29 : f32
    %swap3A = arith.constant 0 : index
    %swap3A_32 = arith.constant 0 : index
    %swap3A_33 = memref.load %arg4[%swap3A, %swap3A_32] : memref<1x1xf32, #tpu.memory_space<smem>>
    memref.store %mul3A_31, %arg4[%swap3A, %swap3A_32] : memref<1x1xf32, #tpu.memory_space<smem>>
    return
  }
}

</mosaic_0001>

<sc_bundles>
// kernel: kernel.6.cloned.1.call-start
scs
__scs_entry_jumppad:
0x0: {  	(pc) =	sbr.rel $0x88, $3  }
0x1: {  	(tag) =	ssettag $0x0;
	lr =	simm.s32 $0x1  }
0x2: {  	[smem:$0x3F9D] =	sst lr;
	_ =	strace $0xD0000000  }
0x3: {  	_ = 	snop  }
0x4: {  	_ = 	snop  }
0x5: {  	_ = 	snop  }
0x6: {  	_ = 	snop  }
0x7: {  	_ = 	snop  }
__scs_overlays_trampoline_lowered:
0x8: {  	[smem:$0x3FAC] =	sst s0  }
0x9: {  	[smem:$0x3FAD] =	sst s1  }
0xa: {  	[smem:$0x3FAE] =	sst s2  }
0xb: {  	[smem:$0x3FAF] =	sst s3  }
0xc: {  	[smem:$0x3FB0] =	sst s4  }
0xd: {  	[smem:$0x3FB1] =	sst s5  }
0xe: {  	[smem:$0x3FB2] =	sst s6  }
0xf: {  	[smem:$0x3FB3] =	sst s7  }
0x10: {  	[smem:$0x3FB4] =	sst s8  }
0x11: {  	[smem:$0x3FB5] =	sst s9;
	s0 =	simm.s32 @!p0 $0x0  }
0x12: {  	s1 =	sld [smem:$0x3F9B];
	s0 =	simm.s32 @p0 $0x1  }
0x13: {  	[smem:$0x3FB6] =	sst s0;
	s0 =	simm.s32 @!p1 $0x0  }
0x14: {  	s2 =	sld [smem:$0x3F9A];
	s0 =	simm.s32 @p1 $0x1  }
0x15: {  	[smem:$0x3FB7] =	sst s0;
	s0 =	simm.s32 @!p2 $0x0  }
0x16: {  	s3 =	sld [smem:$0x3FDB];
	s0 =	simm.s32 @p2 $0x1  }
0x17: {  	s4 =	simm.s32 $0x1BF5;
	[smem:$0x3FB9] =	sst s0  }
0x18: {  	s0 =	sld [smem:$0x3F9C];
	_ =	swait.ge [sflag:s4], $0x0  }
0x19: {  	s7 =	sld [smem:$0x3F9D]  }
0x1a: {  	s8 =	sadd.s32 $0xFFFFE003, lr  }
0x1b: {  	s9 =	sadd.s32 $0xFFFFFEF7, lr;
	s5 =	simm.s32 $0xFFFFFFFF;
	p2 =	slt.u32 s8, $0xFFFFF086  }
0x1c: {  	p1 =	slt.u32 s9, $0xF7A;
	s5 =	simm.s32 @!p2 $0x0  }
0x1d: {  	s5 =	simm.s32 @p1 $0x1;
	p0 =	seq.s32 s7, s2  }
0x1e: {  	s7 =	smul.u32 @!p0 $0xF7A, s2;
	p2 =	seq.s32 @!p0 s5, $0x0  }
0x1f: {  	s9 =	smul.u32 $0xF7A, s1;
	s8 =	simm.s32 @!p0 $0x1BF5;
	p2 =	por !p2, p0  }
0x20: {  	[sflag:s8] =	ssyncset.s32 @!p0 $0xFFFFF086;
	s6 =	sadd.s32 @!p0 s3, s7;
	s7 =	simm.s32 @!p0 $0x108  }
0x21: {  	s3 =	sadd.s32 s3, s9;
	s6 =	sadd.s32 @!p0 $0x88, s6;
	s7 =	simm.s32 @p2 $0x1082  }
0x22: {  	[simem:s7], [sflag:s8] =	dma.local @!p0 [hbm:s6], $0xF7A  }
0x23: {  	s9 =	sor.u32 $0xD0000000, s2;
	s6 =	simm.s32 $0x108;
	_ =	swait.ge @!p0 [sflag:s8], $0x0  }
0x24: {  	s3 =	sadd.s32 $0x88, s3;
	s6 =	simm.s32 @!p1 $0x1082;
	[sflag:s4] =	ssyncset.s32 $0xFFFFF086  }
0x25: {  	[simem:s6], [sflag:s4] =	dma.local [hbm:s3], $0xF7A  }
0x26: {  	[smem:$0x3F9D] =	sst s1;
	(tag) =	ssettag s2;
	_ =	strace s9  }
0x27: {  	s1 =	sld [smem:$0x3FAD]  }
0x28: {  	s2 =	sld [smem:$0x3FAE]  }
0x29: {  	s4 =	sld [smem:$0x3FB0]  }
0x2a: {  	p0 =	seq.s32 s5, $0x0;
	s5 =	sld [smem:$0x3FB1]  }
0x2b: {  	s6 =	sld [smem:$0x3FB2]  }
0x2c: {  	s7 =	sld [smem:$0x3FB3]  }
0x2d: {  	s3 =	simm.s32 $0x108;
	s8 =	sld [smem:$0x3FB4]  }
0x2e: {  	s3 =	simm.s32 @!p0 $0x1082;
	s9 =	sld [smem:$0x3FB5]  }
0x2f: {  	lr =	sadd.s32 s0, s3;
	s0 =	sld [smem:$0x3FAC]  }
0x30: {  	s3 =	sld [smem:$0x3FAF]  }
0x31: {  	[smem:$0x3FB8] =	sst s10  }
0x32: {  	s10 =	sld [smem:$0x3FB6];
	_ =	sdelay $0x3  }
0x33: {  	p0 =	seq.s32 s10, $0x1;
	s10 =	sld [smem:$0x3FB8];
	_ =	sdelay $0x3  }
0x34: {  	[smem:$0x3FB8] =	sst s10  }
0x35: {  	s10 =	sld [smem:$0x3FB7];
	_ =	sdelay $0x3  }
0x36: {  	p1 =	seq.s32 s10, $0x1;
	s10 =	sld [smem:$0x3FB8];
	_ =	sdelay $0x3  }
0x37: {  	[smem:$0x3FB8] =	sst s10  }
0x38: {  	s10 =	sld [smem:$0x3FB9]  }
0x39: {  	_ = 	snop;
	(pc) =	sbr.ind lr, $3  }
0x3a: {  	_ = 	snop  }
0x3b: {  	_ = 	snop  }
0x3c: {  	p2 =	seq.s32 s10, $0x1;
	s10 =	sld [smem:$0x3FB8]  }
0x3d: {  	_ =	shalt  }
0x3e: {  	_ =	shalt  }
0x3f: {  	_ =	shalt  }
0x40: {  	_ =	shalt  }
0x41: {  	_ =	shalt  }
0x42: {  	_ =	shalt  }
0x43: {  	_ =	shalt  }
0x44: {  	_ =	shalt  }
0x45: {  	_ =	shalt  }
0x46: {  	_ =	shalt  }
0x47: {  	_ =	shalt  }
0x48: {  	_ =	shalt  }
0x49: {  	_ =	shalt  }
0x4a: {  	_ =	shalt  }
0x4b: {  	_ =	shalt  }
0x4c: {  	_ =	shalt  }
0x4d: {  	_ =	shalt  }
0x4e: {  	_ =	shalt  }
0x4f: {  	_ =	shalt  }
0x50: {  	_ =	shalt  }
0x51: {  	_ =	shalt  }
0x52: {  	_ =	shalt  }
0x53: {  	_ =	shalt  }
0x54: {  	_ =	shalt  }
0x55: {  	_ =	shalt  }
0x56: {  	_ =	shalt  }
0x57: {  	_ =	shalt  }
0x58: {  	_ =	shalt  }
0x59: {  	_ =	shalt  }
0x5a: {  	_ =	shalt  }
0x5b: {  	_ =	shalt  }
0x5c: {  	_ =	shalt  }
0x5d: {  	_ =	shalt  }
0x5e: {  	_ =	shalt  }
0x5f: {  	_ =	shalt  }
0x60: {  	_ =	shalt  }
0x61: {  	_ =	shalt  }
0x62: {  	_ =	shalt  }
0x63: {  	_ =	shalt  }
0x64: {  	_ =	shalt  }
0x65: {  	_ =	shalt  }
0x66: {  	_ =	shalt  }
0x67: {  	_ =	shalt  }
0x68: {  	_ =	shalt  }
0x69: {  	_ =	shalt  }
0x6a: {  	_ =	shalt  }
0x6b: {  	_ =	shalt  }
0x6c: {  	_ =	shalt  }
0x6d: {  	_ =	shalt  }
0x6e: {  	_ =	shalt  }
0x6f: {  	_ =	shalt  }
0x70: {  	_ =	shalt  }
0x71: {  	_ =	shalt  }
0x72: {  	_ =	shalt  }
0x73: {  	_ =	shalt  }
0x74: {  	_ =	shalt  }
0x75: {  	_ =	shalt  }
0x76: {  	_ =	shalt  }
0x77: {  	_ =	shalt  }
0x78: {  	_ =	shalt  }
0x79: {  	_ =	shalt  }
0x7a: {  	_ =	shalt  }
0x7b: {  	_ =	shalt  }
0x7c: {  	_ =	shalt  }
0x7d: {  	_ =	shalt  }
0x7e: {  	_ =	shalt  }
0x7f: {  	_ =	shalt  }
0x80: {  	_ =	shalt  }
0x81: {  	_ =	shalt  }
0x82: {  	_ =	shalt  }
0x83: {  	_ =	shalt  }
0x84: {  	_ =	shalt  }
0x85: {  	_ =	shalt  }
0x86: {  	_ =	shalt  }
0x87: {  	_ =	shalt  }
.Lfunc_end0:
.L_simem_size_0:
called_computation_lowered:
.L_overlay_start_0:
0x88: {  	s2 =	sld [smem:$0x3FD9]  }
0x89: {  	s3 =	sld [smem:$0x3FFE];
	_ =	sdelay $0x1  }
0x8a: {  	s1 =	srdreg.scid  }
0x8b: {  	s0 =	sand.u32 $0x1, s1  }
0x8c: {  	s16 =	sshll.u32 s0, $0xA;
	s2 =	sadd.s32 s3, s2  }
0x8d: {  	s2 =	sadd.s32 s2, s16  }
0x8e: {  	[smem:$0x3FC4] =	sst s2  }
0x8f: {  	_ = 	snop  }
0x90: {  	(tm) =	ssettm $0x1  }
0x91: {  	s17 =	sld [smem:$0x3FFB];
	_ =	sdelay $0x3  }
0x92: {  	_ =	strace s17  }
0x93: {  	s2 =	sld [smem:$0x3FFC];
	_ =	sdelay $0x3  }
0x94: {  	_ =	strace s2  }
0x95: {  	s2 =	sld [smem:$0x3FFD];
	_ =	sdelay $0x3  }
0x96: {  	_ =	strace s2  }
0x97: {  	_ =	strace $0x8FFFFFFF  }
0x98: {  	s18 =	sld [smem:$0x3FDB];
	_ =	sdelay $0x1  }
0x99: {  	s19 =	simm.s32 $_scs_section_size  }
0x9a: {  	s4 =	simm.s32 $_size__tile_overlayer_lowered;
	s5 =	simm.s32 $_tile_overlayer_lowered  }
0x9b: {  	s22 =	simm.s32 $0x1BFF;
	s21 =	sshll.u32 s5, $0x1;
	s2 =	sadd.s32 s19, s18  }
0x9c: {  	s6 =	simm.s32 $0x0;
	s20 =	sshll.u32 s4, $0x1;
	s4 =	sadd.s32 s21, s2  }
0x9d: {  	[timem:s6], [sflag:s22] =	dma.local [hbm:s4], s20  }
0x9e: {  	_ =	swait.ge [sflag:s22], s20  }
0x9f: {  	s3 =	ssub.s32 $0x0, s20;
	[sflag:s22] =	ssyncset.done $0x0  }
0xa0: {  	[sflag:s22] =	ssyncadd.s32 s3;
	_ =	sdelay $0x1  }
0xa1: {  	s23 =	simm.s32 $0x1B8B  }
0xa2: {  	_ =	swait.ge [sflag:s23], $0x1  }
0xa3: {  	[sflag:s23] =	ssyncset.done $0x0  }
0xa4: {  	s25 =	simm.s32 $0x1B8E;
	s24 =	sld [smem:$0x3FFE];
	[sflag:s23] =	ssyncadd.s32 $0xFFFFFFFF  }
0xa5: {  	s26 =	simm.s32 $execute0_lowered;
	[smem:$0x3FD2] =	sst s25  }
0xa6: {  	s4 =	sshll.u32 s26, $0x1;
	_ =	strace $0x80000046;
	[dreg:$0x1] =	wrdreg $0xFFFFFFFF  }
0xa7: {  	s28 =	simm.s32 $_size_execute0_lowered;
	s2 =	sadd.s32 s2, s4;
	[dreg:$0x0] =	wrdreg $0x0  }
0xa8: {  	s4 =	sshll.u32 s28, $0x1;
	[dreg:$0x2] =	wrdreg s2  }
0xa9: {  	[dreg:$0x3] =	wrdreg s4  }
0xaa: {  	[dreg:$0x4] =	wrdreg $0xC0  }
0xab: {  	_ =	task [dreg:s6], $0x5FFFF  }
0xac: {  	[dreg:$0x1] =	wrdreg $0xFFFFFFFF  }
0xad: {  	[dreg:$0x0] =	wrdreg $0x60  }
0xae: {  	[dreg:$0x2] =	wrdreg s24  }
0xaf: {  	[dreg:$0x3] =	wrdreg $0x5D000  }
0xb0: {  	[dreg:$0x4] =	wrdreg $0x9  }
0xb1: {  	_ =	task.clear_ibuf [dreg:s6], $0x5FFFF;
	_ =	strace $0x90000046  }
0xb2: {  	s29 =	simm.s32 $0x9;
	_ =	strace $0x80000048  }
0xb3: {  	_ =	swait.ge [sflag:s29], $0x1  }
0xb4: {  	[sflag:s29] =	ssyncadd.s32 $0xFFFFFFFF  }
0xb5: {  	_ =	strace $0x90000048  }
0xb6: {  	_ =	sfence  }
0xb7: {  	s30 =	sld [smem:$0x0];
	_ =	sdelay $0x2  }
0xb8: {  	s31 =	sshll.u32 s1, $0xD;
	s1 =	sshrl.u32 s1, $0x2  }
0xb9: {  	s3 =	sand.u32 $0x4000, s31;
	s1 =	sadd.s32 s1, s30  }
0xba: {  	s0 =	sor.u32 s3, s0;
	s1 =	sshll.u32 s1, $0x11  }
0xbb: {  	s0 =	sor.u32 s1, s0  }
0xbc: {  	s0 =	sadd.s32 $0x8F2B, s0  }
0xbd: {  	[sflag:s0] =	ssyncadd.remote.s32 $0x1  }
0xbe: {  	_ =	sfence.sel $0xFFFF  }
0xbf: {  	[dreg:$0x0] =	wrdreg $0xFFFFFFFF;
	(pc) =	sbr.abs _section_cstart, $3  }
0xc0: {  	[dreg:$0x1] =	wrdreg $0xFFFFFFFF  }
0xc1: {  	_ =	task.clear_ibuf [dreg:s6], $0x2FFFF;
	_ =	strace $0x9FFFFFFF  }
0xc2: {  	(tm) =	ssettm $0x7FFFFFFF  }
0xc3: {  	_ =	shalt  }
tec
execute0_lowered:
.L_overlay_start_1:
0x0: {  	(tag) =	ssettag $0x1  }
0x1: {  	s0 =	srdreg.scid  }
0x2: {  	s3 =	sand.u32 $0x1, s0  }
0x3: {  	s9 =	stileid.u32;
	s0 =	sshll.u32 s3, $0x4  }
0x4: {  	s5 =	sor.u32 s9, s0  }
0x5: {  	s4 =	smul.u32 $0x280, s5  }
0x6: {  	v1 =	vlaneseq.u32;
	s1 =	sshll.u32 s3, $0x9  }
0x7: {  	v37 =	vmul.u32 $0xCCCD, v1;
	v39 =	vmov s1;
	v0 =	vmov s4;
	s17 =	sor.u32 $0x10, s4;
	s19 =	sor.u32 $0x30, s4  }
0x8: {  	s20 =	sor.u32 $0x40, s4;
	s21 =	sor.u32 $0x50, s4;
	s22 =	sor.u32 $0x60, s4;
	v0 =	vmul.u32 $0xCCCD, v0;
	v2 =	vmov s17;
	v3 =	vmov s19  }
0x9: {  	s23 =	sor.u32 $0x70, s4;
	s24 =	sadd.s32 $0x80, s4;
	s25 =	sadd.s32 $0x90, s4;
	v4 =	vmov s20;
	v5 =	vmov s21;
	v6 =	vmov s22  }
0xa: {  	s26 =	sadd.s32 $0xA0, s4;
	s28 =	sadd.s32 $0xB0, s4;
	s29 =	sadd.s32 $0xC0, s4;
	v7 =	vmov s23;
	v8 =	vmov s24;
	v9 =	vmov s25  }
0xb: {  	s30 =	sadd.s32 $0xD0, s4;
	s31 =	sadd.s32 $0xE0, s4;
	s1 =	sadd.s32 $0xF0, s4;
	v10 =	vmov s26;
	v11 =	vmov s28;
	v12 =	vmov s29  }
0xc: {  	s2 =	sadd.s32 $0x100, s4;
	s6 =	sadd.s32 $0x110, s4;
	s7 =	sadd.s32 $0x120, s4;
	v13 =	vmov s30;
	v14 =	vmov s31;
	v15 =	vmov s1  }
0xd: {  	s8 =	sadd.s32 $0x130, s4;
	s10 =	sadd.s32 $0x140, s4;
	s11 =	sadd.s32 $0x150, s4;
	v16 =	vmov s2;
	v17 =	vmov s6;
	v18 =	vmov s7  }
0xe: {  	s12 =	sadd.s32 $0x160, s4;
	s13 =	sadd.s32 $0x170, s4;
	s14 =	sadd.s32 $0x180, s4;
	v19 =	vmov s8;
	v20 =	vmov s10;
	v21 =	vmov s11  }
0xf: {  	s15 =	sadd.s32 $0x190, s4;
	s16 =	sadd.s32 $0x1A0, s4;
	v22 =	vmov s12;
	v23 =	vmov s13;
	v24 =	vmov s14  }
0x10: {  	s18 =	sor.u32 $0x20, s4;
	v25 =	vmov s15;
	v26 =	vmov s16;
	v1 =	vmul.u32 $0xCCCD, v2  }
0x11: {  	v2 =	vmov s18;
	v3 =	vmul.u32 $0xCCCD, v3;
	v4 =	vmul.u32 $0xCCCD, v4  }
0x12: {  	v5 =	vmul.u32 $0xCCCD, v5;
	v6 =	vmul.u32 $0xCCCD, v6;
	v7 =	vmul.u32 $0xCCCD, v7  }
0x13: {  	v8 =	vmul.u32 $0xCCCD, v8;
	v9 =	vmul.u32 $0xCCCD, v9;
	v10 =	vmul.u32 $0xCCCD, v10  }
0x14: {  	v11 =	vmul.u32 $0xCCCD, v11;
	v12 =	vmul.u32 $0xCCCD, v12;
	v13 =	vmul.u32 $0xCCCD, v13  }
0x15: {  	v14 =	vmul.u32 $0xCCCD, v14;
	v15 =	vmul.u32 $0xCCCD, v15;
	v16 =	vmul.u32 $0xCCCD, v16  }
0x16: {  	v17 =	vmul.u32 $0xCCCD, v17;
	v18 =	vmul.u32 $0xCCCD, v18;
	v19 =	vmul.u32 $0xCCCD, v19  }
0x17: {  	v20 =	vmul.u32 $0xCCCD, v20;
	v21 =	vmul.u32 $0xCCCD, v21;
	v22 =	vmul.u32 $0xCCCD, v22  }
0x18: {  	s17 =	sadd.s32 $0x1B0, s4;
	s19 =	sadd.s32 $0x1D0, s4;
	v23 =	vmul.u32 $0xCCCD, v23;
	v24 =	vmul.u32 $0xCCCD, v24;
	v25 =	vmul.u32 $0xCCCD, v25  }
0x19: {  	s20 =	sadd.s32 $0x1E0, s4;
	s21 =	sadd.s32 $0x1F0, s4;
	s22 =	sadd.s32 $0x200, s4;
	v26 =	vmul.u32 $0xCCCD, v26;
	v27 =	vmov s17;
	v29 =	vmov s19  }
0x1a: {  	s23 =	sadd.s32 $0x210, s4;
	s24 =	sadd.s32 $0x220, s4;
	s8 =	sadd.s32 $0x230, s4;
	v30 =	vmov s20;
	v31 =	vmov s21;
	v32 =	vmov s22  }
0x1b: {  	s10 =	sadd.s32 $0x240, s4;
	s28 =	sadd.s32 $0x250, s4;
	v33 =	vmov s23;
	v34 =	vmov s24;
	v35 =	vmov s8  }
0x1c: {  	s29 =	sadd.s32 $0x260, s4;
	v36 =	vmov s10;
	v38 =	vmov s28;
	v0 =	vbroadcast v0, $0x0  }
0x1d: {  	s30 =	sadd.s32 $0x270, s4;
	v40 =	vmov s29;
	v1 =	vbroadcast v1, $0x0;
	v3 =	vbroadcast v3, $0x0  }
0x1e: {  	v41 =	vmov s30;
	v4 =	vbroadcast v4, $0x0;
	v5 =	vbroadcast v5, $0x0  }
0x1f: {  	v2 =	vmul.u32 $0xCCCD, v2;
	v6 =	vbroadcast v6, $0x0;
	v7 =	vbroadcast v7, $0x0  }
0x20: {  	s18 =	sadd.s32 $0x1C0, s4;
	v27 =	vmul.u32 $0xCCCD, v27;
	v8 =	vbroadcast v8, $0x0;
	v9 =	vbroadcast v9, $0x0  }
0x21: {  	v28 =	vmov s18;
	v10 =	vbroadcast v10, $0x0;
	v11 =	vbroadcast v11, $0x0  }
0x22: {  	v29 =	vmul.u32 $0xCCCD, v29;
	v12 =	vbroadcast v12, $0x0;
	v13 =	vbroadcast v13, $0x0  }
0x23: {  	v30 =	vmul.u32 $0xCCCD, v30;
	v14 =	vbroadcast v14, $0x0;
	v15 =	vbroadcast v15, $0x0  }
0x24: {  	v31 =	vmul.u32 $0xCCCD, v31;
	v16 =	vbroadcast v16, $0x0;
	v17 =	vbroadcast v17, $0x0  }
0x25: {  	v32 =	vmul.u32 $0xCCCD, v32;
	v18 =	vbroadcast v18, $0x0;
	v19 =	vbroadcast v19, $0x0  }
0x26: {  	v33 =	vmul.u32 $0xCCCD, v33;
	v20 =	vbroadcast v20, $0x0;
	v21 =	vbroadcast v21, $0x0  }
0x27: {  	v34 =	vmul.u32 $0xCCCD, v34;
	v22 =	vbroadcast v22, $0x0;
	v23 =	vbroadcast v23, $0x0  }
0x28: {  	v35 =	vmul.u32 $0xCCCD, v35;
	v24 =	vbroadcast v24, $0x0;
	v25 =	vbroadcast v25, $0x0  }
0x29: {  	v36 =	vmul.u32 $0xCCCD, v36;
	v26 =	vbroadcast v26, $0x0;
	v2 =	vbroadcast v2, $0x0  }
0x2a: {  	v38 =	vmul.u32 $0xCCCD, v38;
	v27 =	vbroadcast v27, $0x0;
	v29 =	vbroadcast v29, $0x0  }
0x2b: {  	v40 =	vmul.u32 $0xCCCD, v40;
	v30 =	vbroadcast v30, $0x0;
	v31 =	vbroadcast v31, $0x0  }
0x2c: {  	v41 =	vmul.u32 $0xCCCD, v41;
	v32 =	vbroadcast v32, $0x0;
	v33 =	vbroadcast v33, $0x0  }
0x2d: {  	v28 =	vmul.u32 $0xCCCD, v28;
	v34 =	vbroadcast v34, $0x0;
	v35 =	vbroadcast v35, $0x0  }
0x2e: {  	v0 =	vadd.s32 v37, v0;
	v36 =	vbroadcast v36, $0x0;
	v38 =	vbroadcast v38, $0x0  }
0x2f: {  	v40 =	vbroadcast v40, $0x0;
	v41 =	vbroadcast v41, $0x0;
	v0 =	vshrl.u32 v0, $0x14  }
0x30: {  	v1 =	vadd.s32 v37, v1;
	v3 =	vadd.s32 v37, v3;
	v4 =	vadd.s32 v37, v4  }
0x31: {  	v5 =	vadd.s32 v37, v5;
	v6 =	vadd.s32 v37, v6;
	v7 =	vadd.s32 v37, v7  }
0x32: {  	v8 =	vadd.s32 v37, v8;
	v9 =	vadd.s32 v37, v9;
	v10 =	vadd.s32 v37, v10  }
0x33: {  	v11 =	vadd.s32 v37, v11;
	v12 =	vadd.s32 v37, v12;
	v13 =	vadd.s32 v37, v13  }
0x34: {  	v14 =	vadd.s32 v37, v14;
	v15 =	vadd.s32 v37, v15;
	v16 =	vadd.s32 v37, v16  }
0x35: {  	v17 =	vadd.s32 v37, v17;
	v18 =	vadd.s32 v37, v18;
	v19 =	vadd.s32 v37, v19  }
0x36: {  	v20 =	vadd.s32 v37, v20;
	v21 =	vadd.s32 v37, v21;
	v22 =	vadd.s32 v37, v22  }
0x37: {  	v23 =	vadd.s32 v37, v23;
	v24 =	vadd.s32 v37, v24;
	v25 =	vadd.s32 v37, v25  }
0x38: {  	v26 =	vadd.s32 v37, v26;
	v28 =	vbroadcast v28, $0x0;
	v0 =	vsub.s32 v0, v39  }
0x39: {  	v1 =	vshrl.u32 v1, $0x14;
	v2 =	vadd.s32 v37, v2;
	v3 =	vshrl.u32 v3, $0x14  }
0x3a: {  	v4 =	vshrl.u32 v4, $0x14;
	v5 =	vshrl.u32 v5, $0x14;
	v6 =	vshrl.u32 v6, $0x14  }
0x3b: {  	v7 =	vshrl.u32 v7, $0x14;
	v8 =	vshrl.u32 v8, $0x14;
	v9 =	vshrl.u32 v9, $0x14  }
0x3c: {  	v10 =	vshrl.u32 v10, $0x14;
	v11 =	vshrl.u32 v11, $0x14;
	v12 =	vshrl.u32 v12, $0x14  }
0x3d: {  	v13 =	vshrl.u32 v13, $0x14;
	v14 =	vshrl.u32 v14, $0x14;
	v15 =	vshrl.u32 v15, $0x14  }
0x3e: {  	v16 =	vshrl.u32 v16, $0x14;
	v17 =	vshrl.u32 v17, $0x14;
	v18 =	vshrl.u32 v18, $0x14  }
0x3f: {  	v19 =	vshrl.u32 v19, $0x14;
	v20 =	vshrl.u32 v20, $0x14;
	v21 =	vshrl.u32 v21, $0x14  }
0x40: {  	v22 =	vshrl.u32 v22, $0x14;
	v23 =	vshrl.u32 v23, $0x14;
	v24 =	vshrl.u32 v24, $0x14  }
0x41: {  	v25 =	vshrl.u32 v25, $0x14;
	v26 =	vshrl.u32 v26, $0x14;
	v27 =	vadd.s32 v37, v27  }
0x42: {  	v29 =	vadd.s32 v37, v29;
	v30 =	vadd.s32 v37, v30;
	v31 =	vadd.s32 v37, v31  }
0x43: {  	v32 =	vadd.s32 v37, v32;
	v33 =	vadd.s32 v37, v33;
	v34 =	vadd.s32 v37, v34  }
0x44: {  	v35 =	vadd.s32 v37, v35;
	v36 =	vadd.s32 v37, v36;
	v38 =	vadd.s32 v37, v38  }
0x45: {  	v40 =	vadd.s32 v37, v40;
	v41 =	vadd.s32 v37, v41;
	v1 =	vsub.s32 v1, v39  }
0x46: {  	v2 =	vshrl.u32 v2, $0x14;
	v3 =	vsub.s32 v3, v39;
	v4 =	vsub.s32 v4, v39  }
0x47: {  	v5 =	vsub.s32 v5, v39;
	v6 =	vsub.s32 v6, v39;
	v7 =	vsub.s32 v7, v39  }
0x48: {  	v8 =	vsub.s32 v8, v39;
	v9 =	vsub.s32 v9, v39;
	v10 =	vsub.s32 v10, v39  }
0x49: {  	v11 =	vsub.s32 v11, v39;
	v12 =	vsub.s32 v12, v39;
	v13 =	vsub.s32 v13, v39  }
0x4a: {  	s0 =	rddreg [dreg:$0x2];
	v14 =	vsub.s32 v14, v39;
	v15 =	vsub.s32 v15, v39;
	v16 =	vsub.s32 v16, v39  }
0x4b: {  	p0 =	sne.s32 s9, $0x0;
	s6 =	rddreg [dreg:$0x0];
	v17 =	vsub.s32 v17, v39;
	v18 =	vsub.s32 v18, v39;
	v19 =	vsub.s32 v19, v39  }
0x4c: {  	s5 =	sshll.u32 s5, $0x7;
	s1 =	rddreg [dreg:$0x1];
	s2 =	simm.s32 $0x0;
	v20 =	vsub.s32 v20, v39;
	v21 =	vsub.s32 v21, v39;
	v22 =	vsub.s32 v22, v39  }
0x4d: {  	s7 =	sshrl.u32 s4, $0x3;
	s11 =	ssub.s32 $0x2, s3;
	s31 =	sshll.u32 s9, $0xA;
	v23 =	vsub.s32 v23, v39;
	v24 =	vsub.s32 v24, v39;
	v25 =	vsub.s32 v25, v39  }
0x4e: {  	s9 =	simm.s32 $0x2;
	s12 =	simm.s32 $0x1500;
	s13 =	simm.s32 $0x100;
	v26 =	vsub.s32 v26, v39;
	v27 =	vshrl.u32 v27, $0x14;
	v28 =	vadd.s32 v37, v28  }
0x4f: {  	s14 =	simm.s32 $0x2500;
	s15 =	simm.s32 $0x180;
	s16 =	simm.s32 $0x3500;
	v29 =	vshrl.u32 v29, $0x14;
	v30 =	vshrl.u32 v30, $0x14;
	v31 =	vshrl.u32 v31, $0x14  }
0x50: {  	[smem:$0x7FF] =	sst s2;
	s7 =	sadd.s32 s7, s6;
	s3 =	sadd.s32 $0x188C00, s6;
	v32 =	vshrl.u32 v32, $0x14;
	v33 =	vshrl.u32 v33, $0x14;
	v34 =	vshrl.u32 v34, $0x14  }
0x51: {  	s25 =	sshrl.u32 s11, $0x1;
	s26 =	sadd.s32 s5, s6;
	s5 =	sadd.s32 s31, s1;
	v35 =	vshrl.u32 v35, $0x14;
	v36 =	vshrl.u32 v36, $0x14;
	v38 =	vshrl.u32 v38, $0x14  }
0x52: {  	s6 =	sadd.s32 $0x4000, s1;
	s10 =	simm.s32 $0x80;
	s17 =	simm.s32 $0x200;
	v62 =	vshrl.u32 v40, $0x14;
	v63 =	vshrl.u32 v41, $0x14;
	v40 =	vimm.f32 $0.0e+00  }
0x53: {  	s19 =	simm.s32 $0x5500;
	s20 =	simm.s32 $0x1;
	s21 =	simm.s32 $0x280;
	v2 =	vsub.s32 v2, v39;
	v27 =	vsub.s32 v27, v39;
	v28 =	vshrl.u32 v28, $0x14  }
0x54: {  	s22 =	simm.s32 $0x300;
	s23 =	simm.s32 $0x380;
	s24 =	simm.s32 $0x400;
	v29 =	vsub.s32 v29, v39;
	v30 =	vsub.s32 v30, v39;
	v31 =	vsub.s32 v31, v39  }
0x55: {  	_ =	strace $0x80000047;
	s8 =	ssub.s32 s11, s25;
	s4 =	sadd.s32 $0x1800, s7;
	v32 =	vsub.s32 v32, v39;
	v33 =	vsub.s32 v33, v39;
	v34 =	vsub.s32 v34, v39  }
0x56: {  	s7 =	sadd.s32 $0x2200, s26;
	s11 =	simm.s32 $0x500;
	s18 =	simm.s32 $0x4500;
	v35 =	vsub.s32 v35, v39;
	v36 =	vsub.s32 v36, v39;
	v37 =	vsub.s32 v38, v39  }
0x57: {  	s25 =	simm.s32 $0x480;
	s26 =	simm.s32 $0x5900;
	s8 =	smax.u32 s8, $0x1;
	v38 =	vsub.s32 v62, v39;
	v28 =	vsub.s32 v28, v39;
	v39 =	vsub.s32 v63, v39  }
.LBB2_1:
0x58: {  	[tilespmem:s2], [sflag:$0x2] =	stream.linear.gather [hbm4b:s4+s2], $0x280, $0x38;
	[tilespmem:$0x6110] =	vst v63  }
0x59: {  	_ =	swait.ge [sflag:s9], $0x280  }
0x5a: {  	[sflag:s9] =	ssyncset.done $0x0  }
0x5b: {  	[sflag:s9] =	ssyncadd.s32 $0xFFFFFD80  }
0x5c: {  	[tilespmem:s11], [sflag:$0x1] =	stream.indirect.gather [hbm4b:s3+s10], $0x20, s2, s10, $0xb8;
	[tilespmem:$0x6110] =	vst v63  }
0x5d: {  	_ = 	snop  }
0x5e: {  	[tilespmem:s12], [sflag:$0x1] =	stream.indirect.gather [hbm4b:s3+s10], $0x20, s10, s10, $0xb8;
	[tilespmem:$0x6110] =	vst v63  }
0x5f: {  	_ = 	snop  }
0x60: {  	[tilespmem:s14], [sflag:$0x1] =	stream.indirect.gather [hbm4b:s3+s10], $0x20, s13, s10, $0xb8;
	[tilespmem:$0x6110] =	vst v63  }
0x61: {  	_ = 	snop  }
0x62: {  	[tilespmem:s16], [sflag:$0x1] =	stream.indirect.gather [hbm4b:s3+s10], $0x20, s15, s10, $0xb8;
	[tilespmem:$0x6110] =	vst v63  }
0x63: {  	_ = 	snop  }
0x64: {  	[tilespmem:s18], [sflag:$0x1] =	stream.indirect.gather [hbm4b:s3+s10], $0x20, s17, s10, $0xb8;
	[tilespmem:$0x6110] =	vst v63  }
0x65: {  	[tilespmem:$0x5500] =	vst v40  }
0x66: {  	[tilespmem:$0x5510] =	vst v40  }
0x67: {  	[tilespmem:$0x5520] =	vst v40  }
0x68: {  	[tilespmem:$0x5530] =	vst v40  }
0x69: {  	[tilespmem:$0x5540] =	vst v40  }
0x6a: {  	[tilespmem:$0x5550] =	vst v40  }
0x6b: {  	[tilespmem:$0x5560] =	vst v40  }
0x6c: {  	[tilespmem:$0x5570] =	vst v40  }
0x6d: {  	[tilespmem:$0x5580] =	vst v40  }
0x6e: {  	[tilespmem:$0x5590] =	vst v40  }
0x6f: {  	[tilespmem:$0x55A0] =	vst v40  }
0x70: {  	[tilespmem:$0x55B0] =	vst v40  }
0x71: {  	[tilespmem:$0x55C0] =	vst v40  }
0x72: {  	[tilespmem:$0x55D0] =	vst v40  }
0x73: {  	[tilespmem:$0x55E0] =	vst v40  }
0x74: {  	[tilespmem:$0x55F0] =	vst v40  }
0x75: {  	[tilespmem:$0x5600] =	vst v40  }
0x76: {  	[tilespmem:$0x5610] =	vst v40  }
0x77: {  	[tilespmem:$0x5620] =	vst v40  }
0x78: {  	[tilespmem:$0x5630] =	vst v40  }
0x79: {  	[tilespmem:$0x5640] =	vst v40  }
0x7a: {  	[tilespmem:$0x5650] =	vst v40  }
0x7b: {  	[tilespmem:$0x5660] =	vst v40  }
0x7c: {  	[tilespmem:$0x5670] =	vst v40  }
0x7d: {  	[tilespmem:$0x5680] =	vst v40  }
0x7e: {  	[tilespmem:$0x5690] =	vst v40  }
0x7f: {  	[tilespmem:$0x56A0] =	vst v40  }
0x80: {  	[tilespmem:$0x56B0] =	vst v40  }
0x81: {  	[tilespmem:$0x56C0] =	vst v40  }
0x82: {  	[tilespmem:$0x56D0] =	vst v40  }
0x83: {  	[tilespmem:$0x56E0] =	vst v40  }
0x84: {  	[tilespmem:$0x56F0] =	vst v40  }
0x85: {  	[tilespmem:$0x5700] =	vst v40  }
0x86: {  	[tilespmem:$0x5710] =	vst v40  }
0x87: {  	[tilespmem:$0x5720] =	vst v40  }
0x88: {  	[tilespmem:$0x5730] =	vst v40  }
0x89: {  	[tilespmem:$0x5740] =	vst v40  }
0x8a: {  	[tilespmem:$0x5750] =	vst v40  }
0x8b: {  	[tilespmem:$0x5760] =	vst v40  }
0x8c: {  	[tilespmem:$0x5770] =	vst v40  }
0x8d: {  	[tilespmem:$0x5780] =	vst v40  }
0x8e: {  	[tilespmem:$0x5790] =	vst v40  }
0x8f: {  	[tilespmem:$0x57A0] =	vst v40  }
0x90: {  	[tilespmem:$0x57B0] =	vst v40  }
0x91: {  	[tilespmem:$0x57C0] =	vst v40  }
0x92: {  	[tilespmem:$0x57D0] =	vst v40  }
0x93: {  	[tilespmem:$0x57E0] =	vst v40  }
0x94: {  	[tilespmem:$0x57F0] =	vst v40  }
0x95: {  	[tilespmem:$0x5800] =	vst v40  }
0x96: {  	[tilespmem:$0x5810] =	vst v40  }
0x97: {  	[tilespmem:$0x5820] =	vst v40  }
0x98: {  	[tilespmem:$0x5830] =	vst v40  }
0x99: {  	[tilespmem:$0x5840] =	vst v40  }
0x9a: {  	[tilespmem:$0x5850] =	vst v40  }
0x9b: {  	[tilespmem:$0x5860] =	vst v40  }
0x9c: {  	[tilespmem:$0x5870] =	vst v40  }
0x9d: {  	[tilespmem:$0x5880] =	vst v40  }
0x9e: {  	v41 =	vld [tilespmem:$0x0];
	[tilespmem:$0x5890] =	vst v40  }
0x9f: {  	v42 =	vld [tilespmem:$0x10];
	[tilespmem:$0x58A0] =	vst v40  }
0xa0: {  	v43 =	vld [tilespmem:$0x20];
	[tilespmem:$0x58B0] =	vst v40  }
0xa1: {  	v44 =	vld [tilespmem:$0x30];
	[tilespmem:$0x58C0] =	vst v40  }
0xa2: {  	v45 =	vld [tilespmem:$0x40];
	[tilespmem:$0x58D0] =	vst v40  }
0xa3: {  	v59 =	vld [tilespmem:$0x50];
	[tilespmem:$0x58E0] =	vst v40;
	vm0 =	veq.s32 v41, $0x0  }
0xa4: {  	v60 =	vld [tilespmem:$0x60];
	[tilespmem:$0x58F0] =	vst v40;
	vm13 =	veq.s32 v42, $0x0;
	v46 =	vsel vm0, $0x200, v0  }
0xa5: {  	v62 =	vld [tilespmem:$0x70];
	vm14 =	veq.s32 v43, $0x0;
	v61 =	vsel vm13, $0x200, v1;
	[tilespmem:$0x280] =	vst v46  }
0xa6: {  	v48 =	vld [tilespmem:$0x80];
	vm15 =	veq.s32 v44, $0x0;
	v63 =	vsel vm14, $0x200, v2;
	[tilespmem:$0x290] =	vst v61  }
0xa7: {  	v50 =	vld [tilespmem:$0x90];
	vm4 =	veq.s32 v45, $0x0;
	v49 =	vsel vm15, $0x200, v3;
	[tilespmem:$0x2A0] =	vst v63  }
0xa8: {  	v52 =	vld [tilespmem:$0xA0];
	vm5 =	veq.s32 v59, $0x0;
	v51 =	vsel vm4, $0x200, v4;
	[tilespmem:$0x2B0] =	vst v49  }
0xa9: {  	v54 =	vld [tilespmem:$0xB0];
	vm6 =	veq.s32 v60, $0x0;
	v53 =	vsel vm5, $0x200, v5;
	[tilespmem:$0x2C0] =	vst v51  }
0xaa: {  	v56 =	vld [tilespmem:$0xC0];
	vm7 =	veq.s32 v62, $0x0;
	v55 =	vsel vm6, $0x200, v6;
	[tilespmem:$0x2D0] =	vst v53  }
0xab: {  	v58 =	vld [tilespmem:$0xD0];
	vm8 =	veq.s32 v48, $0x0;
	v57 =	vsel vm7, $0x200, v7;
	[tilespmem:$0x2E0] =	vst v55  }
0xac: {  	vm9 =	veq.s32 v50, $0x0;
	v60 =	vld [tilespmem:$0xE0];
	v59 =	vsel vm8, $0x200, v8;
	[tilespmem:$0x2F0] =	vst v57  }
0xad: {  	vm10 =	veq.s32 v52, $0x0;
	v62 =	vld [tilespmem:$0xF0];
	[tilespmem:$0x300] =	vst v59;
	v61 =	vsel vm9, $0x200, v9  }
0xae: {  	vm11 =	veq.s32 v54, $0x0;
	v48 =	vld [tilespmem:$0x100];
	v63 =	vsel vm10, $0x200, v10;
	[tilespmem:$0x310] =	vst v61  }
0xaf: {  	vm12 =	veq.s32 v56, $0x0;
	v50 =	vld [tilespmem:$0x110];
	v49 =	vsel vm11, $0x200, v11;
	[tilespmem:$0x320] =	vst v63  }
0xb0: {  	v52 =	vld [tilespmem:$0x120];
	vm13 =	veq.s32 v58, $0x0;
	v51 =	vsel vm12, $0x200, v12;
	[tilespmem:$0x330] =	vst v49  }
0xb1: {  	v54 =	vld [tilespmem:$0x130];
	v53 =	vsel vm13, $0x200, v13;
	[tilespmem:$0x340] =	vst v51;
	vm14 =	veq.s32 v60, $0x0  }
0xb2: {  	v56 =	vld [tilespmem:$0x140];
	[tilespmem:$0x350] =	vst v53;
	vm15 =	veq.s32 v62, $0x0;
	v55 =	vsel vm14, $0x200, v14  }
0xb3: {  	v58 =	vld [tilespmem:$0x150];
	vm4 =	veq.s32 v48, $0x0;
	v57 =	vsel vm15, $0x200, v15;
	[tilespmem:$0x360] =	vst v55  }
0xb4: {  	vm5 =	veq.s32 v50, $0x0;
	v60 =	vld [tilespmem:$0x160];
	v59 =	vsel vm4, $0x200, v16;
	[tilespmem:$0x370] =	vst v57  }
0xb5: {  	vm6 =	veq.s32 v52, $0x0;
	v62 =	vld [tilespmem:$0x170];
	v61 =	vsel vm5, $0x200, v17;
	[tilespmem:$0x380] =	vst v59  }
0xb6: {  	vm7 =	veq.s32 v54, $0x0;
	v48 =	vld [tilespmem:$0x180];
	v63 =	vsel vm6, $0x200, v18;
	[tilespmem:$0x390] =	vst v61  }
0xb7: {  	vm8 =	veq.s32 v56, $0x0;
	v50 =	vld [tilespmem:$0x190];
	v49 =	vsel vm7, $0x200, v19;
	[tilespmem:$0x3A0] =	vst v63  }
0xb8: {  	v52 =	vld [tilespmem:$0x1A0];
	v51 =	vsel vm8, $0x200, v20;
	vm9 =	veq.s32 v58, $0x0;
	[tilespmem:$0x3B0] =	vst v49  }
0xb9: {  	v54 =	vld [tilespmem:$0x1B0];
	[tilespmem:$0x3C0] =	vst v51;
	v53 =	vsel vm9, $0x200, v21;
	vm10 =	veq.s32 v60, $0x0  }
0xba: {  	v56 =	vld [tilespmem:$0x1C0];
	[tilespmem:$0x3D0] =	vst v53;
	vm11 =	veq.s32 v62, $0x0;
	v55 =	vsel vm10, $0x200, v22  }
0xbb: {  	v58 =	vld [tilespmem:$0x1D0];
	vm12 =	veq.s32 v48, $0x0;
	v57 =	vsel vm11, $0x200, v23;
	[tilespmem:$0x3E0] =	vst v55  }
0xbc: {  	vm13 =	veq.s32 v50, $0x0;
	v60 =	vld [tilespmem:$0x1E0];
	v59 =	vsel vm12, $0x200, v24;
	[tilespmem:$0x3F0] =	vst v57  }
0xbd: {  	vm14 =	veq.s32 v52, $0x0;
	v62 =	vld [tilespmem:$0x1F0];
	v61 =	vsel vm13, $0x200, v25;
	[tilespmem:$0x400] =	vst v59  }
0xbe: {  	vm15 =	veq.s32 v54, $0x0;
	v48 =	vld [tilespmem:$0x200];
	v63 =	vsel vm14, $0x200, v26;
	[tilespmem:$0x410] =	vst v61  }
0xbf: {  	vm4 =	veq.s32 v56, $0x0;
	v50 =	vld [tilespmem:$0x210];
	v49 =	vsel vm15, $0x200, v27;
	[tilespmem:$0x420] =	vst v63  }
0xc0: {  	v52 =	vld [tilespmem:$0x220];
	v51 =	vsel vm4, $0x200, v28;
	vm5 =	veq.s32 v58, $0x0;
	[tilespmem:$0x430] =	vst v49  }
0xc1: {  	v54 =	vld [tilespmem:$0x230];
	[tilespmem:$0x440] =	vst v51;
	v53 =	vsel vm5, $0x200, v29;
	vm6 =	veq.s32 v60, $0x0  }
0xc2: {  	v56 =	vld [tilespmem:$0x240];
	[tilespmem:$0x450] =	vst v53;
	vm7 =	veq.s32 v62, $0x0;
	v55 =	vsel vm6, $0x200, v30  }
0xc3: {  	v58 =	vld [tilespmem:$0x250];
	vm8 =	veq.s32 v48, $0x0;
	v57 =	vsel vm7, $0x200, v31;
	[tilespmem:$0x460] =	vst v55  }
0xc4: {  	vm9 =	veq.s32 v50, $0x0;
	v60 =	vld [tilespmem:$0x260];
	v59 =	vsel vm8, $0x200, v32;
	[tilespmem:$0x470] =	vst v57  }
0xc5: {  	vm10 =	veq.s32 v52, $0x0;
	v62 =	vld [tilespmem:$0x270];
	v61 =	vsel vm9, $0x200, v33;
	[tilespmem:$0x480] =	vst v59  }
0xc6: {  	vm11 =	veq.s32 v54, $0x0;
	v63 =	vsel vm10, $0x200, v34;
	[tilespmem:$0x490] =	vst v61  }
0xc7: {  	vm12 =	veq.s32 v56, $0x0;
	v41 =	vsel vm11, $0x200, v35;
	[tilespmem:$0x4A0] =	vst v63  }
0xc8: {  	v47 =	vsel vm12, $0x200, v36;
	vm13 =	veq.s32 v58, $0x0;
	[tilespmem:$0x4B0] =	vst v41  }
0xc9: {  	[tilespmem:$0x4C0] =	vst v47;
	v48 =	vsel vm13, $0x200, v37;
	vm14 =	veq.s32 v60, $0x0  }
0xca: {  	[tilespmem:$0x4D0] =	vst v48;
	vm15 =	veq.s32 v62, $0x0;
	v49 =	vsel vm14, $0x200, v38  }
0xcb: {  	v50 =	vsel vm15, $0x200, v39;
	[tilespmem:$0x4E0] =	vst v49  }
0xcc: {  	[tilespmem:$0x4F0] =	vst v50  }
0xcd: {  	[spmem:s5] =	stream.linear.scatter [tilespmem:s19], [sflag:$0x2], $0x400, $0x38;
	[tilespmem:$0x6110] =	vst v63  }
0xce: {  	_ =	swait.ge [sflag:s9], $0x400  }
0xcf: {  	[sflag:s9] =	ssyncset.done $0x0  }
0xd0: {  	s28 =	simm.s32 @!p0 $0x5500;
	[sflag:s9] =	ssyncadd.s32 $0xFFFFFC00  }
0xd1: {  	[spmem:s6] =	stream.linear.scatter @!p0 [tilespmem:s28], [sflag:$0x2], $0x100, $0x38;
	[tilespmem:$0x6110] =	vst v63  }
0xd2: {  	s28 =	simm.s32 @!p0 $0x2  }
0xd3: {  	_ =	swait.ge @!p0 [sflag:s28], $0x100  }
0xd4: {  	[sflag:s28] =	ssyncset.done @!p0 $0x0  }
0xd5: {  	[sflag:s28] =	ssyncadd.s32 @!p0 $0xFFFFFF00  }
0xd6: {  	[bflag:$0x0] =	sbarrier.arrive $0xFFFF  }
0xd7: {  	_ =	swait.ge [sflag:s20], $0x1000  }
0xd8: {  	[sflag:s20] =	ssyncset.done $0x0  }
0xd9: {  	[sflag:s20] =	ssyncadd.s32 $0xFFFFF000  }
0xda: {  	_ =	swait.ge [sflag:s20], $0x1000  }
0xdb: {  	[sflag:s20] =	ssyncset.done $0x0  }
0xdc: {  	[sflag:s20] =	ssyncadd.s32 $0xFFFFF000  }
0xdd: {  	_ =	swait.ge [sflag:s20], $0x1000  }
0xde: {  	[sflag:s20] =	ssyncset.done $0x0  }
0xdf: {  	[sflag:s20] =	ssyncadd.s32 $0xFFFFF000  }
0xe0: {  	_ =	swait.ge [sflag:s20], $0x1000  }
0xe1: {  	[sflag:s20] =	ssyncset.done $0x0  }
0xe2: {  	[sflag:s20] =	ssyncadd.s32 $0xFFFFF000  }
0xe3: {  	_ =	swait.ge [sflag:s20], $0x1000  }
0xe4: {  	[sflag:s20] =	ssyncset.done $0x0  }
0xe5: {  	[sflag:s20] =	ssyncadd.s32 $0xFFFFF000  }
0xe6: {  	[spmem:s1] =	stream.indirect.scatter.add.f32 [tilespmem:s11], [sflag:$0x2], $0x20, s21, s10, $0xb8;
	[tilespmem:$0x6110] =	vst v63  }
0xe7: {  	_ =	swait.ge [sflag:s9], $0x1000  }
0xe8: {  	[sflag:s9] =	ssyncset.done $0x0  }
0xe9: {  	[sflag:s9] =	ssyncadd.s32 $0xFFFFF000  }
0xea: {  	[spmem:s1] =	stream.indirect.scatter.add.f32 [tilespmem:s12], [sflag:$0x2], $0x20, s22, s10, $0xb8;
	[tilespmem:$0x6110] =	vst v63  }
0xeb: {  	_ =	swait.ge [sflag:s9], $0x1000  }
0xec: {  	[sflag:s9] =	ssyncset.done $0x0  }
0xed: {  	[sflag:s9] =	ssyncadd.s32 $0xFFFFF000  }
0xee: {  	[spmem:s1] =	stream.indirect.scatter.add.f32 [tilespmem:s14], [sflag:$0x2], $0x20, s23, s10, $0xb8;
	[tilespmem:$0x6110] =	vst v63  }
0xef: {  	_ =	swait.ge [sflag:s9], $0x1000  }
0xf0: {  	[sflag:s9] =	ssyncset.done $0x0  }
0xf1: {  	[sflag:s9] =	ssyncadd.s32 $0xFFFFF000  }
0xf2: {  	[spmem:s1] =	stream.indirect.scatter.add.f32 [tilespmem:s16], [sflag:$0x2], $0x20, s24, s10, $0xb8;
	[tilespmem:$0x6110] =	vst v63  }
0xf3: {  	_ =	swait.ge [sflag:s9], $0x1000  }
0xf4: {  	[sflag:s9] =	ssyncset.done $0x0  }
0xf5: {  	[sflag:s9] =	ssyncadd.s32 $0xFFFFF000  }
0xf6: {  	[spmem:s1] =	stream.indirect.scatter.add.f32 [tilespmem:s18], [sflag:$0x2], $0x20, s25, s10, $0xb8;
	[tilespmem:$0x6110] =	vst v63  }
0xf7: {  	_ =	swait.ge [sflag:s9], $0x1000  }
0xf8: {  	[sflag:s9] =	ssyncset.done $0x0  }
0xf9: {  	[sflag:s9] =	ssyncadd.s32 $0xFFFFF000  }
0xfa: {  	[bflag:$0x0] =	sbarrier.arrive $0xFFFF  }
0xfb: {  	[tilespmem:s26], [sflag:$0x2] =	stream.linear.gather [spmem:s5], $0x400, $0x38;
	[tilespmem:$0x6110] =	vst v63  }
0xfc: {  	_ =	swait.ge [sflag:s9], $0x400  }
0xfd: {  	[sflag:s9] =	ssyncset.done $0x0  }
0xfe: {  	[sflag:s9] =	ssyncadd.s32 $0xFFFFFC00  }
0xff: {  	v51 =	vld [tilespmem:$0x5900]  }
0x100: {  	v52 =	vld [tilespmem:$0x5910]  }
0x101: {  	v53 =	vld [tilespmem:$0x5920]  }
0x102: {  	v54 =	vld [tilespmem:$0x5930]  }
0x103: {  	v55 =	vld [tilespmem:$0x5940]  }
0x104: {  	v56 =	vld [tilespmem:$0x5950];
	v41 =	vmul.f32 $1.442695020e+00, v51  }
0x105: {  	v47 =	vld [tilespmem:$0x5960];
	v42 =	vmul.f32 $1.442695020e+00, v52  }
0x106: {  	v58 =	vld [tilespmem:$0x5970];
	v57 =	vmul.f32 $1.442695020e+00, v53;
	[tilespmem:$0x5900] =	vst v41  }
0x107: {  	v60 =	vld [tilespmem:$0x5980];
	v59 =	vmul.f32 $1.442695020e+00, v54;
	[tilespmem:$0x5910] =	vst v42  }
0x108: {  	v62 =	vld [tilespmem:$0x5990];
	v61 =	vmul.f32 $1.442695020e+00, v55;
	[tilespmem:$0x5920] =	vst v57  }
0x109: {  	v48 =	vld [tilespmem:$0x59A0];
	v63 =	vmul.f32 $1.442695020e+00, v56;
	[tilespmem:$0x5930] =	vst v59  }
0x10a: {  	v50 =	vld [tilespmem:$0x59B0];
	v49 =	vmul.f32 $1.442695020e+00, v47;
	[tilespmem:$0x5940] =	vst v61  }
0x10b: {  	v51 =	vmul.f32 $1.442695020e+00, v58;
	v52 =	vld [tilespmem:$0x59C0];
	[tilespmem:$0x5950] =	vst v63  }
0x10c: {  	v53 =	vmul.f32 $1.442695020e+00, v60;
	v54 =	vld [tilespmem:$0x59D0];
	[tilespmem:$0x5960] =	vst v49  }
0x10d: {  	v55 =	vmul.f32 $1.442695020e+00, v62;
	v56 =	vld [tilespmem:$0x59E0];
	[tilespmem:$0x5970] =	vst v51  }
0x10e: {  	v58 =	vld [tilespmem:$0x59F0];
	[tilespmem:$0x5980] =	vst v53;
	v57 =	vmul.f32 $1.442695020e+00, v48  }
0x10f: {  	v60 =	vld [tilespmem:$0x5A00];
	[tilespmem:$0x5990] =	vst v55;
	v59 =	vmul.f32 $1.442695020e+00, v50  }
0x110: {  	v62 =	vld [tilespmem:$0x5A10];
	[tilespmem:$0x59A0] =	vst v57;
	v61 =	vmul.f32 $1.442695020e+00, v52  }
0x111: {  	v48 =	vld [tilespmem:$0x5A20];
	[tilespmem:$0x59B0] =	vst v59;
	v63 =	vmul.f32 $1.442695020e+00, v54  }
0x112: {  	v50 =	vld [tilespmem:$0x5A30];
	v49 =	vmul.f32 $1.442695020e+00, v56;
	[tilespmem:$0x59C0] =	vst v61  }
0x113: {  	v51 =	vmul.f32 $1.442695020e+00, v58;
	v52 =	vld [tilespmem:$0x5A40];
	[tilespmem:$0x59D0] =	vst v63  }
0x114: {  	v53 =	vmul.f32 $1.442695020e+00, v60;
	v54 =	vld [tilespmem:$0x5A50];
	[tilespmem:$0x59E0] =	vst v49  }
0x115: {  	v55 =	vmul.f32 $1.442695020e+00, v62;
	v56 =	vld [tilespmem:$0x5A60];
	[tilespmem:$0x59F0] =	vst v51  }
0x116: {  	v58 =	vld [tilespmem:$0x5A70];
	[tilespmem:$0x5A00] =	vst v53;
	v57 =	vmul.f32 $1.442695020e+00, v48  }
0x117: {  	v60 =	vld [tilespmem:$0x5A80];
	[tilespmem:$0x5A10] =	vst v55;
	v59 =	vmul.f32 $1.442695020e+00, v50  }
0x118: {  	v62 =	vld [tilespmem:$0x5A90];
	[tilespmem:$0x5A20] =	vst v57;
	v61 =	vmul.f32 $1.442695020e+00, v52  }
0x119: {  	v48 =	vld [tilespmem:$0x5AA0];
	[tilespmem:$0x5A30] =	vst v59;
	v63 =	vmul.f32 $1.442695020e+00, v54  }
0x11a: {  	v50 =	vld [tilespmem:$0x5AB0];
	v49 =	vmul.f32 $1.442695020e+00, v56;
	[tilespmem:$0x5A40] =	vst v61  }
0x11b: {  	v51 =	vmul.f32 $1.442695020e+00, v58;
	v52 =	vld [tilespmem:$0x5AC0];
	[tilespmem:$0x5A50] =	vst v63  }
0x11c: {  	v53 =	vmul.f32 $1.442695020e+00, v60;
	v54 =	vld [tilespmem:$0x5AD0];
	[tilespmem:$0x5A60] =	vst v49  }
0x11d: {  	v55 =	vmul.f32 $1.442695020e+00, v62;
	v56 =	vld [tilespmem:$0x5AE0];
	[tilespmem:$0x5A70] =	vst v51  }
0x11e: {  	v58 =	vld [tilespmem:$0x5AF0];
	[tilespmem:$0x5A80] =	vst v53;
	v57 =	vmul.f32 $1.442695020e+00, v48  }
0x11f: {  	v60 =	vld [tilespmem:$0x5B00];
	[tilespmem:$0x5A90] =	vst v55;
	v59 =	vmul.f32 $1.442695020e+00, v50  }
0x120: {  	v62 =	vld [tilespmem:$0x5B10];
	[tilespmem:$0x5AA0] =	vst v57;
	v61 =	vmul.f32 $1.442695020e+00, v52  }
0x121: {  	v48 =	vld [tilespmem:$0x5B20];
	[tilespmem:$0x5AB0] =	vst v59;
	v63 =	vmul.f32 $1.442695020e+00, v54  }
0x122: {  	v50 =	vld [tilespmem:$0x5B30];
	v49 =	vmul.f32 $1.442695020e+00, v56;
	[tilespmem:$0x5AC0] =	vst v61  }
0x123: {  	v51 =	vmul.f32 $1.442695020e+00, v58;
	v52 =	vld [tilespmem:$0x5B40];
	[tilespmem:$0x5AD0] =	vst v63  }
0x124: {  	v53 =	vmul.f32 $1.442695020e+00, v60;
	v54 =	vld [tilespmem:$0x5B50];
	[tilespmem:$0x5AE0] =	vst v49  }
0x125: {  	v55 =	vmul.f32 $1.442695020e+00, v62;
	v56 =	vld [tilespmem:$0x5B60];
	[tilespmem:$0x5AF0] =	vst v51  }
0x126: {  	v58 =	vld [tilespmem:$0x5B70];
	[tilespmem:$0x5B00] =	vst v53;
	v57 =	vmul.f32 $1.442695020e+00, v48  }
0x127: {  	v60 =	vld [tilespmem:$0x5B80];
	[tilespmem:$0x5B10] =	vst v55;
	v59 =	vmul.f32 $1.442695020e+00, v50  }
0x128: {  	v62 =	vld [tilespmem:$0x5B90];
	[tilespmem:$0x5B20] =	vst v57;
	v61 =	vmul.f32 $1.442695020e+00, v52  }
0x129: {  	v48 =	vld [tilespmem:$0x5BA0];
	[tilespmem:$0x5B30] =	vst v59;
	v63 =	vmul.f32 $1.442695020e+00, v54  }
0x12a: {  	v50 =	vld [tilespmem:$0x5BB0];
	v49 =	vmul.f32 $1.442695020e+00, v56;
	[tilespmem:$0x5B40] =	vst v61  }
0x12b: {  	v51 =	vmul.f32 $1.442695020e+00, v58;
	v52 =	vld [tilespmem:$0x5BC0];
	[tilespmem:$0x5B50] =	vst v63  }
0x12c: {  	v53 =	vmul.f32 $1.442695020e+00, v60;
	v54 =	vld [tilespmem:$0x5BD0];
	[tilespmem:$0x5B60] =	vst v49  }
0x12d: {  	v55 =	vmul.f32 $1.442695020e+00, v62;
	v56 =	vld [tilespmem:$0x5BE0];
	[tilespmem:$0x5B70] =	vst v51  }
0x12e: {  	v58 =	vld [tilespmem:$0x5BF0];
	[tilespmem:$0x5B80] =	vst v53;
	v57 =	vmul.f32 $1.442695020e+00, v48  }
0x12f: {  	v60 =	vld [tilespmem:$0x5C00];
	[tilespmem:$0x5B90] =	vst v55;
	v59 =	vmul.f32 $1.442695020e+00, v50  }
0x130: {  	v62 =	vld [tilespmem:$0x5C10];
	[tilespmem:$0x5BA0] =	vst v57;
	v61 =	vmul.f32 $1.442695020e+00, v52  }
0x131: {  	v48 =	vld [tilespmem:$0x5C20];
	[tilespmem:$0x5BB0] =	vst v59;
	v63 =	vmul.f32 $1.442695020e+00, v54  }
0x132: {  	v50 =	vld [tilespmem:$0x5C30];
	v49 =	vmul.f32 $1.442695020e+00, v56;
	[tilespmem:$0x5BC0] =	vst v61  }
0x133: {  	v51 =	vmul.f32 $1.442695020e+00, v58;
	v52 =	vld [tilespmem:$0x5C40];
	[tilespmem:$0x5BD0] =	vst v63  }
0x134: {  	v53 =	vmul.f32 $1.442695020e+00, v60;
	v54 =	vld [tilespmem:$0x5C50];
	[tilespmem:$0x5BE0] =	vst v49  }
0x135: {  	v55 =	vmul.f32 $1.442695020e+00, v62;
	v56 =	vld [tilespmem:$0x5C60];
	[tilespmem:$0x5BF0] =	vst v51  }
0x136: {  	v58 =	vld [tilespmem:$0x5C70];
	[tilespmem:$0x5C00] =	vst v53;
	v57 =	vmul.f32 $1.442695020e+00, v48  }
0x137: {  	v60 =	vld [tilespmem:$0x5C80];
	[tilespmem:$0x5C10] =	vst v55;
	v59 =	vmul.f32 $1.442695020e+00, v50  }
0x138: {  	v62 =	vld [tilespmem:$0x5C90];
	[tilespmem:$0x5C20] =	vst v57;
	v61 =	vmul.f32 $1.442695020e+00, v52  }
0x139: {  	v48 =	vld [tilespmem:$0x5CA0];
	[tilespmem:$0x5C30] =	vst v59;
	v63 =	vmul.f32 $1.442695020e+00, v54  }
0x13a: {  	v50 =	vld [tilespmem:$0x5CB0];
	v49 =	vmul.f32 $1.442695020e+00, v56;
	[tilespmem:$0x5C40] =	vst v61  }
0x13b: {  	v51 =	vmul.f32 $1.442695020e+00, v58;
	v52 =	vld [tilespmem:$0x5CC0];
	[tilespmem:$0x5C50] =	vst v63  }
0x13c: {  	v53 =	vmul.f32 $1.442695020e+00, v60;
	v54 =	vld [tilespmem:$0x5CD0];
	[tilespmem:$0x5C60] =	vst v49  }
0x13d: {  	v55 =	vmul.f32 $1.442695020e+00, v62;
	v56 =	vld [tilespmem:$0x5CE0];
	[tilespmem:$0x5C70] =	vst v51  }
0x13e: {  	v58 =	vld [tilespmem:$0x5CF0];
	[tilespmem:$0x5C80] =	vst v53;
	v57 =	vmul.f32 $1.442695020e+00, v48  }
0x13f: {  	[tilespmem:$0x5C90] =	vst v55;
	v59 =	vmul.f32 $1.442695020e+00, v50  }
0x140: {  	[tilespmem:$0x5CA0] =	vst v57;
	v60 =	vmul.f32 $1.442695020e+00, v52  }
0x141: {  	[tilespmem:$0x5CB0] =	vst v59;
	v61 =	vmul.f32 $1.442695020e+00, v54  }
0x142: {  	v62 =	vmul.f32 $1.442695020e+00, v56;
	[tilespmem:$0x5CC0] =	vst v60  }
0x143: {  	s8 =	sadd.s32 $0xFFFFFFFF, s8;
	v63 =	vmul.f32 $1.442695020e+00, v58;
	[tilespmem:$0x5CD0] =	vst v61  }
0x144: {  	p1 =	sne.s32 s8, $0x0;
	[tilespmem:$0x5CE0] =	vst v62  }
.Ltmp0:
0x145: {  	[tilespmem:$0x5CF0] =	vst v63;
	(pc) =	sbr.rel @p1 .LBB2_1-.Ltmp0, $4  }
0x146: {  	[hbm4b:s7+s2] =	stream.linear.scatter [tilespmem:s26], [sflag:$0x2], $0x400, $0x38;
	[tilespmem:$0x6110] =	vst v63  }
0x147: {  	_ =	swait.ge [sflag:s9], $0x400  }
0x148: {  	[sflag:s9] =	ssyncset.done $0x0  }
0x149: {  	[sflag:s9] =	ssyncadd.s32 $0xFFFFFC00  }
0x14a: {  	_ =	sfence.sel $0x180000  }
0x14b: {  	[bflag:$0x0] =	sbarrier.arrive $0xFFFF  }
0x14c: {  	_ =	strace $0x90000047  }
0x14d: {  	s0 =	sadd.s32 @!p0 $0x100000, s0;
	[bflag:$0x2] =	sbarrier.arrive $0xFFFF  }
0x14e: {  	[sflag:s0] =	ssyncadd.tile.s32 @!p0 $0x1;
	_ =	shalt  }
.Lfunc_end2:
_tile_overlayer_lowered:
.L_overlay_start_2:
0x14f: {  	(tag) =	ssettag $0x2  }
0x150: {  	s0 =	rddreg [dreg:$0x0];
	s2 =	stileid.u32  }
0x151: {  	s1 =	rddreg [dreg:$0x1];
	p0 =	sne.s32 s2, $0x0  }
0x152: {  	s3 =	rddreg [dreg:$0x2];
	[bflag:$0x3] =	sbarrier.arrive $0xFFFF;
	s2 =	simm.s32 @!p0 $0x1C02  }
0x153: {  	[timem:s3], [sflag:s2] =	dma.local @!p0 [hbm:s0], s1  }
0x154: {  	s0 =	simm.s32 @!p0 $0x2  }
0x155: {  	_ =	swait.ge @!p0 [sflag:s0], s1  }
0x156: {  	s1 =	ssub.s32 @!p0 $0x0, s1;
	[sflag:s0] =	ssyncset.done @!p0 $0x0  }
0x157: {  	[sflag:s0] =	ssyncadd.s32 @!p0 s1  }
0x158: {  	[bflag:$0x3] =	sbarrier.arrive $0xFFFF  }
0x159: {  	_ =	shalt  }

// kernel: kernel.9.cloned.1.call-start
scs
__scs_entry_jumppad:
0x0: {  	(pc) =	sbr.rel $0x88, $3  }
0x1: {  	(tag) =	ssettag $0x0;
	lr =	simm.s32 $0x1  }
0x2: {  	[smem:$0x3F9D] =	sst lr;
	_ =	strace $0xD0000000  }
0x3: {  	_ = 	snop  }
0x4: {  	_ = 	snop  }
0x5: {  	_ = 	snop  }
0x6: {  	_ = 	snop  }
0x7: {  	_ = 	snop  }
__scs_overlays_trampoline_lowered:
0x8: {  	[smem:$0x3FAC] =	sst s0  }
0x9: {  	[smem:$0x3FAD] =	sst s1  }
0xa: {  	[smem:$0x3FAE] =	sst s2  }
0xb: {  	[smem:$0x3FAF] =	sst s3  }
0xc: {  	[smem:$0x3FB0] =	sst s4  }
0xd: {  	[smem:$0x3FB1] =	sst s5  }
0xe: {  	[smem:$0x3FB2] =	sst s6  }
0xf: {  	[smem:$0x3FB3] =	sst s7  }
0x10: {  	[smem:$0x3FB4] =	sst s8  }
0x11: {  	[smem:$0x3FB5] =	sst s9;
	s0 =	simm.s32 @!p0 $0x0  }
0x12: {  	s1 =	sld [smem:$0x3F9B];
	s0 =	simm.s32 @p0 $0x1  }
0x13: {  	[smem:$0x3FB6] =	sst s0;
	s0 =	simm.s32 @!p1 $0x0  }
0x14: {  	s2 =	sld [smem:$0x3F9A];
	s0 =	simm.s32 @p1 $0x1  }
0x15: {  	[smem:$0x3FB7] =	sst s0;
	s0 =	simm.s32 @!p2 $0x0  }
0x16: {  	s3 =	sld [smem:$0x3FDB];
	s0 =	simm.s32 @p2 $0x1  }
0x17: {  	s4 =	simm.s32 $0x1BF5;
	[smem:$0x3FB9] =	sst s0  }
0x18: {  	s0 =	sld [smem:$0x3F9C];
	_ =	swait.ge [sflag:s4], $0x0  }
0x19: {  	s7 =	sld [smem:$0x3F9D]  }
0x1a: {  	s8 =	sadd.s32 $0xFFFFE003, lr  }
0x1b: {  	s9 =	sadd.s32 $0xFFFFFEF7, lr;
	s5 =	simm.s32 $0xFFFFFFFF;
	p2 =	slt.u32 s8, $0xFFFFF086  }
0x1c: {  	p1 =	slt.u32 s9, $0xF7A;
	s5 =	simm.s32 @!p2 $0x0  }
0x1d: {  	s5 =	simm.s32 @p1 $0x1;
	p0 =	seq.s32 s7, s2  }
0x1e: {  	s7 =	smul.u32 @!p0 $0xF7A, s2;
	p2 =	seq.s32 @!p0 s5, $0x0  }
0x1f: {  	s9 =	smul.u32 $0xF7A, s1;
	s8 =	simm.s32 @!p0 $0x1BF5;
	p2 =	por !p2, p0  }
0x20: {  	[sflag:s8] =	ssyncset.s32 @!p0 $0xFFFFF086;
	s6 =	sadd.s32 @!p0 s3, s7;
	s7 =	simm.s32 @!p0 $0x108  }
0x21: {  	s3 =	sadd.s32 s3, s9;
	s6 =	sadd.s32 @!p0 $0x88, s6;
	s7 =	simm.s32 @p2 $0x1082  }
0x22: {  	[simem:s7], [sflag:s8] =	dma.local @!p0 [hbm:s6], $0xF7A  }
0x23: {  	s9 =	sor.u32 $0xD0000000, s2;
	s6 =	simm.s32 $0x108;
	_ =	swait.ge @!p0 [sflag:s8], $0x0  }
0x24: {  	s3 =	sadd.s32 $0x88, s3;
	s6 =	simm.s32 @!p1 $0x1082;
	[sflag:s4] =	ssyncset.s32 $0xFFFFF086  }
0x25: {  	[simem:s6], [sflag:s4] =	dma.local [hbm:s3], $0xF7A  }
0x26: {  	[smem:$0x3F9D] =	sst s1;
	(tag) =	ssettag s2;
	_ =	strace s9  }
0x27: {  	s1 =	sld [smem:$0x3FAD]  }
0x28: {  	s2 =	sld [smem:$0x3FAE]  }
0x29: {  	s4 =	sld [smem:$0x3FB0]  }
0x2a: {  	p0 =	seq.s32 s5, $0x0;
	s5 =	sld [smem:$0x3FB1]  }
0x2b: {  	s6 =	sld [smem:$0x3FB2]  }
0x2c: {  	s7 =	sld [smem:$0x3FB3]  }
0x2d: {  	s3 =	simm.s32 $0x108;
	s8 =	sld [smem:$0x3FB4]  }
0x2e: {  	s3 =	simm.s32 @!p0 $0x1082;
	s9 =	sld [smem:$0x3FB5]  }
0x2f: {  	lr =	sadd.s32 s0, s3;
	s0 =	sld [smem:$0x3FAC]  }
0x30: {  	s3 =	sld [smem:$0x3FAF]  }
0x31: {  	[smem:$0x3FB8] =	sst s10  }
0x32: {  	s10 =	sld [smem:$0x3FB6];
	_ =	sdelay $0x3  }
0x33: {  	p0 =	seq.s32 s10, $0x1;
	s10 =	sld [smem:$0x3FB8];
	_ =	sdelay $0x3  }
0x34: {  	[smem:$0x3FB8] =	sst s10  }
0x35: {  	s10 =	sld [smem:$0x3FB7];
	_ =	sdelay $0x3  }
0x36: {  	p1 =	seq.s32 s10, $0x1;
	s10 =	sld [smem:$0x3FB8];
	_ =	sdelay $0x3  }
0x37: {  	[smem:$0x3FB8] =	sst s10  }
0x38: {  	s10 =	sld [smem:$0x3FB9]  }
0x39: {  	_ = 	snop;
	(pc) =	sbr.ind lr, $3  }
0x3a: {  	_ = 	snop  }
0x3b: {  	_ = 	snop  }
0x3c: {  	p2 =	seq.s32 s10, $0x1;
	s10 =	sld [smem:$0x3FB8]  }
0x3d: {  	_ =	shalt  }
0x3e: {  	_ =	shalt  }
0x3f: {  	_ =	shalt  }
0x40: {  	_ =	shalt  }
0x41: {  	_ =	shalt  }
0x42: {  	_ =	shalt  }
0x43: {  	_ =	shalt  }
0x44: {  	_ =	shalt  }
0x45: {  	_ =	shalt  }
0x46: {  	_ =	shalt  }
0x47: {  	_ =	shalt  }
0x48: {  	_ =	shalt  }
0x49: {  	_ =	shalt  }
0x4a: {  	_ =	shalt  }
0x4b: {  	_ =	shalt  }
0x4c: {  	_ =	shalt  }
0x4d: {  	_ =	shalt  }
0x4e: {  	_ =	shalt  }
0x4f: {  	_ =	shalt  }
0x50: {  	_ =	shalt  }
0x51: {  	_ =	shalt  }
0x52: {  	_ =	shalt  }
0x53: {  	_ =	shalt  }
0x54: {  	_ =	shalt  }
0x55: {  	_ =	shalt  }
0x56: {  	_ =	shalt  }
0x57: {  	_ =	shalt  }
0x58: {  	_ =	shalt  }
0x59: {  	_ =	shalt  }
0x5a: {  	_ =	shalt  }
0x5b: {  	_ =	shalt  }
0x5c: {  	_ =	shalt  }
0x5d: {  	_ =	shalt  }
0x5e: {  	_ =	shalt  }
0x5f: {  	_ =	shalt  }
0x60: {  	_ =	shalt  }
0x61: {  	_ =	shalt  }
0x62: {  	_ =	shalt  }
0x63: {  	_ =	shalt  }
0x64: {  	_ =	shalt  }
0x65: {  	_ =	shalt  }
0x66: {  	_ =	shalt  }
0x67: {  	_ =	shalt  }
0x68: {  	_ =	shalt  }
0x69: {  	_ =	shalt  }
0x6a: {  	_ =	shalt  }
0x6b: {  	_ =	shalt  }
0x6c: {  	_ =	shalt  }
0x6d: {  	_ =	shalt  }
0x6e: {  	_ =	shalt  }
0x6f: {  	_ =	shalt  }
0x70: {  	_ =	shalt  }
0x71: {  	_ =	shalt  }
0x72: {  	_ =	shalt  }
0x73: {  	_ =	shalt  }
0x74: {  	_ =	shalt  }
0x75: {  	_ =	shalt  }
0x76: {  	_ =	shalt  }
0x77: {  	_ =	shalt  }
0x78: {  	_ =	shalt  }
0x79: {  	_ =	shalt  }
0x7a: {  	_ =	shalt  }
0x7b: {  	_ =	shalt  }
0x7c: {  	_ =	shalt  }
0x7d: {  	_ =	shalt  }
0x7e: {  	_ =	shalt  }
0x7f: {  	_ =	shalt  }
0x80: {  	_ =	shalt  }
0x81: {  	_ =	shalt  }
0x82: {  	_ =	shalt  }
0x83: {  	_ =	shalt  }
0x84: {  	_ =	shalt  }
0x85: {  	_ =	shalt  }
0x86: {  	_ =	shalt  }
0x87: {  	_ =	shalt  }
.Lfunc_end0:
.L_simem_size_0:
called_computation.1_lowered:
.L_overlay_start_0:
0x88: {  	s2 =	sld [smem:$0x3FD9]  }
0x89: {  	s3 =	sld [smem:$0x3FFE];
	_ =	sdelay $0x1  }
0x8a: {  	s1 =	srdreg.scid  }
0x8b: {  	s0 =	sand.u32 $0x1, s1  }
0x8c: {  	s17 =	sshll.u32 s0, $0xA;
	s2 =	sadd.s32 s3, s2  }
0x8d: {  	s2 =	sadd.s32 s2, s17  }
0x8e: {  	[smem:$0x3FC4] =	sst s2  }
0x8f: {  	_ = 	snop  }
0x90: {  	s18 =	sld [smem:$0x3FC8];
	(tm) =	ssettm $0x1  }
0x91: {  	s19 =	sld [smem:$0x3FFB];
	_ =	sdelay $0x3  }
0x92: {  	_ =	strace s19  }
0x93: {  	s2 =	sld [smem:$0x3FFC];
	_ =	sdelay $0x3  }
0x94: {  	_ =	strace s2  }
0x95: {  	s2 =	sld [smem:$0x3FFD];
	_ =	sdelay $0x3  }
0x96: {  	_ =	strace s2  }
0x97: {  	_ =	strace $0x8FFFFFFF  }
0x98: {  	s20 =	sld [smem:$0x3FDB];
	_ =	sdelay $0x1  }
0x99: {  	s4 =	simm.s32 $_scs_section_size  }
0x9a: {  	s5 =	simm.s32 $_size__tile_overlayer_lowered;
	s6 =	simm.s32 $_tile_overlayer_lowered  }
0x9b: {  	s7 =	simm.s32 $0x1BFF;
	s21 =	sshll.u32 s6, $0x1;
	s4 =	sadd.s32 s4, s20  }
0x9c: {  	s22 =	simm.s32 $0x0;
	s5 =	sshll.u32 s5, $0x1;
	s6 =	sadd.s32 s21, s4  }
0x9d: {  	[timem:s22], [sflag:s7] =	dma.local [hbm:s6], s5  }
0x9e: {  	_ =	swait.ge [sflag:s7], s5  }
0x9f: {  	s5 =	ssub.s32 $0x0, s5;
	[sflag:s7] =	ssyncset.done $0x0  }
0xa0: {  	[sflag:s7] =	ssyncadd.s32 s5;
	_ =	sdelay $0x1  }
0xa1: {  	s23 =	simm.s32 $0x1B8B  }
0xa2: {  	_ =	swait.ge [sflag:s23], $0x1  }
0xa3: {  	[sflag:s23] =	ssyncset.done $0x0  }
0xa4: {  	[sflag:s23] =	ssyncadd.s32 $0xFFFFFFFF  }
0xa5: {  	s5 =	sld [smem:$0x0]  }
0xa6: {  	s6 =	sand.u32 $0xFFFFFFFE, s1  }
0xa7: {  	p0 =	sne.s32 s1, s6  }
0xa8: {  	s6 =	sshll.u32 @p0 s6, $0xE  }
0xa9: {  	s6 =	sadd.s32 @p0 $0x11B8D, s6;
	s7 =	sshll.u32 @p0 s5, $0x11  }
0xaa: {  	s6 =	sor.u32 @p0 s7, s6  }
0xab: {  	[sflag:s6] =	ssyncadd.remote.s32 @p0 $0x1;
	_ =	sdelay $0x1  }
0xac: {  	s6 =	simm.s32 @p0 $0x1B8D  }
0xad: {  	_ =	swait.eq @p0 [sflag:s6], $0x1  }
0xae: {  	[sflag:s6] =	ssyncadd.s32 @p0 $0xFFFFFFFF  }
0xaf: {  	s7 =	sshll.u32 @!p0 s1, $0xE  }
0xb0: {  	s7 =	sor.u32 @!p0 $0x4000, s7;
	s6 =	simm.s32 @!p0 $0x1B8D  }
0xb1: {  	s5 =	sshll.u32 @!p0 s5, $0x11;
	s7 =	sadd.s32 @!p0 $0x11B8D, s7;
	_ =	swait.eq @!p0 [sflag:s6], $0x1  }
0xb2: {  	s5 =	sor.u32 @!p0 s5, s7;
	[sflag:s6] =	ssyncadd.s32 @!p0 $0xFFFFFFFF  }
0xb3: {  	s25 =	simm.s32 $0x1B8E;
	s24 =	sld [smem:$0x3FFE];
	[sflag:s5] =	ssyncadd.remote.s32 @!p0 $0x1  }
0xb4: {  	s26 =	simm.s32 $execute0_lowered;
	[smem:$0x3FD2] =	sst s25  }
0xb5: {  	s6 =	sshll.u32 s26, $0x1;
	_ =	strace $0x80000049;
	[dreg:$0x1] =	wrdreg $0xFFFFFFFF  }
0xb6: {  	s28 =	simm.s32 $_size_execute0_lowered;
	s4 =	sadd.s32 s4, s6;
	[dreg:$0x0] =	wrdreg $0x0  }
0xb7: {  	s6 =	sshll.u32 s28, $0x1;
	[dreg:$0x2] =	wrdreg s4  }
0xb8: {  	[dreg:$0x3] =	wrdreg s6  }
0xb9: {  	[dreg:$0x4] =	wrdreg $0xC0  }
0xba: {  	_ =	task [dreg:s22], $0x5FFFF  }
0xbb: {  	[dreg:$0x1] =	wrdreg $0xFFFFFFFF  }
0xbc: {  	[dreg:$0x0] =	wrdreg $0x60  }
0xbd: {  	[dreg:$0x2] =	wrdreg s18  }
0xbe: {  	[dreg:$0x3] =	wrdreg s24  }
0xbf: {  	[dreg:$0x4] =	wrdreg $0xA  }
0xc0: {  	_ =	task.clear_ibuf [dreg:s22], $0x5FFFF;
	_ =	strace $0x90000049  }
0xc1: {  	s29 =	simm.s32 $0xA;
	_ =	strace $0x8000004B  }
0xc2: {  	_ =	swait.ge [sflag:s29], $0x1  }
0xc3: {  	[sflag:s29] =	ssyncadd.s32 $0xFFFFFFFF  }
0xc4: {  	_ =	strace $0x9000004B  }
0xc5: {  	_ =	sfence  }
0xc6: {  	s30 =	sld [smem:$0x0];
	_ =	sdelay $0x2  }
0xc7: {  	s31 =	sshll.u32 s1, $0xD;
	s1 =	sshrl.u32 s1, $0x2  }
0xc8: {  	s4 =	sand.u32 $0x4000, s31;
	s1 =	sadd.s32 s1, s30  }
0xc9: {  	s0 =	sor.u32 s4, s0;
	s1 =	sshll.u32 s1, $0x11  }
0xca: {  	s0 =	sor.u32 s1, s0  }
0xcb: {  	s0 =	sadd.s32 $0x8F2B, s0  }
0xcc: {  	[sflag:s0] =	ssyncadd.remote.s32 $0x1  }
0xcd: {  	_ =	sfence.sel $0xFFFF  }
0xce: {  	[dreg:$0x0] =	wrdreg $0xFFFFFFFF;
	(pc) =	sbr.abs _section_cstart, $3  }
0xcf: {  	[dreg:$0x1] =	wrdreg $0xFFFFFFFF  }
0xd0: {  	_ =	task.clear_ibuf [dreg:s22], $0x2FFFF;
	_ =	strace $0x9FFFFFFF  }
0xd1: {  	(tm) =	ssettm $0x7FFFFFFF  }
tec
execute0_lowered:
.L_overlay_start_1:
0x0: {  	(tag) =	ssettag $0x1  }
0x1: {  	s1 =	srdreg.scid  }
0x2: {  	s3 =	rddreg [dreg:$0x0];
	s0 =	stileid.u32  }
0x3: {  	s8 =	rddreg [dreg:$0x1];
	s2 =	simm.s32 $0x0;
	s6 =	sand.u32 $0x1, s1  }
0x4: {  	s5 =	sshll.u32 s0, $0x5;
	s1 =	rddreg [dreg:$0x2];
	s4 =	sshll.u32 s6, $0x9  }
0x5: {  	s7 =	simm.s32 $0x1;
	[smem:$0x7FF] =	sst s2;
	s9 =	sor.u32 s5, s4  }
0x6: {  	_ =	strace $0x8000004A;
	s10 =	ssub.s32 $0x2, s6;
	s4 =	sshrl.u32 s9, $0x3  }
0x7: {  	s6 =	simm.s32 $0x20;
	s4 =	sadd.s32 s3, s4;
	s3 =	simm.s32 $0x2  }
0x8: {  	[tilespmem:s2], [sflag:$0x2] =	stream.linear.gather [hbm4b:s4+s2], $0x20, $0x38;
	[tilespmem:$0x420] =	vst v63  }
0x9: {  	s5 =	sadd.s32 $0x3200, s8;
	s11 =	sshrl.u32 s10, $0x1;
	_ =	swait.ge [sflag:s3], $0x20  }
0xa: {  	s9 =	sshll.u32 s9, $0x2;
	s31 =	ssub.s32 s10, s11;
	[sflag:s3] =	ssyncset.done $0x0  }
0xb: {  	s8 =	sadd.s32 s9, s8;
	s9 =	smax.u32 s31, $0x1;
	[sflag:s3] =	ssyncadd.s32 $0xFFFFFFE0  }
0xc: {  	[tilespmem:s6], [sflag:$0x1] =	stream.indirect.gather [hbm4b:s5+s6], $0x20, s2, s6, $0xb8;
	[tilespmem:$0x420] =	vst v63  }
0xd: {  	p0 =	sne.s32 s9, $0x1;
	_ =	swait.ge [sflag:s7], $0x400  }
.Ltmp0:
0xe: {  	[sflag:s7] =	ssyncset.done $0x0;
	(pc) =	sbr.rel @!p0 .LBB2_2-.Ltmp0, $4  }
0xf: {  	s8 =	sadd.s32 $0x64E00, s8;
	[sflag:s7] =	ssyncadd.s32 $0xFFFFFC00  }
0x10: {  	[hbm4b:s8+s2] =	stream.linear.scatter [tilespmem:s6], [sflag:$0x2], $0x400, $0x38;
	[tilespmem:$0x420] =	vst v63  }
0x11: {  	_ =	swait.ge [sflag:s3], $0x400  }
0x12: {  	s9 =	sadd.s32 $0xFFFFFFFF, s9;
	[sflag:s3] =	ssyncset.done $0x0  }
.LBB2_1:
0x13: {  	p0 =	sne.s32 s9, $0x1;
	s9 =	sadd.s32 $0xFFFFFFFF, s9;
	[sflag:s3] =	ssyncadd.s32 $0xFFFFFC00  }
0x14: {  	[tilespmem:s2], [sflag:$0x2] =	stream.linear.gather [hbm4b:s4+s2], $0x20, $0x38;
	[tilespmem:$0x420] =	vst v63  }
0x15: {  	_ =	swait.ge [sflag:s3], $0x20  }
0x16: {  	[sflag:s3] =	ssyncset.done $0x0  }
0x17: {  	[sflag:s3] =	ssyncadd.s32 $0xFFFFFFE0  }
0x18: {  	[tilespmem:s6], [sflag:$0x1] =	stream.indirect.gather [hbm4b:s5+s6], $0x20, s2, s6, $0xb8;
	[tilespmem:$0x420] =	vst v63  }
0x19: {  	_ =	swait.ge [sflag:s7], $0x400  }
.Ltmp1:
0x1a: {  	[sflag:s7] =	ssyncset.done $0x0;
	(pc) =	sbr.rel @p0 .LBB2_1-.Ltmp1, $4  }
0x1b: {  	[sflag:s7] =	ssyncadd.s32 $0xFFFFFC00  }
0x1c: {  	[hbm4b:s8+s2] =	stream.linear.scatter [tilespmem:s6], [sflag:$0x2], $0x400, $0x38;
	[tilespmem:$0x420] =	vst v63  }
0x1d: {  	_ =	swait.ge [sflag:s3], $0x400  }
0x1e: {  	[sflag:s3] =	ssyncset.done $0x0  }
.LBB2_2:
0x1f: {  	[sflag:s3] =	ssyncadd.s32 $0xFFFFFC00  }
0x20: {  	_ =	sfence.sel $0x180000  }
0x21: {  	[bflag:$0x0] =	sbarrier.arrive $0xFFFF  }
0x22: {  	p0 =	sne.s32 s0, $0x0;
	_ =	strace $0x9000004A  }
0x23: {  	s0 =	sadd.s32 @!p0 $0x100000, s1;
	[bflag:$0x2] =	sbarrier.arrive $0xFFFF  }
0x24: {  	[sflag:s0] =	ssyncadd.tile.s32 @!p0 $0x1;
	_ =	shalt  }
.Lfunc_end2:
_tile_overlayer_lowered:
.L_overlay_start_2:
0x25: {  	(tag) =	ssettag $0x2  }
0x26: {  	s0 =	rddreg [dreg:$0x0];
	s2 =	stileid.u32  }
0x27: {  	s1 =	rddreg [dreg:$0x1];
	p0 =	sne.s32 s2, $0x0  }
0x28: {  	s3 =	rddreg [dreg:$0x2];
	[bflag:$0x3] =	sbarrier.arrive $0xFFFF;
	s2 =	simm.s32 @!p0 $0x1C02  }
0x29: {  	[timem:s3], [sflag:s2] =	dma.local @!p0 [hbm:s0], s1  }
0x2a: {  	s0 =	simm.s32 @!p0 $0x2  }
0x2b: {  	_ =	swait.ge @!p0 [sflag:s0], s1  }
0x2c: {  	s1 =	ssub.s32 @!p0 $0x0, s1;
	[sflag:s0] =	ssyncset.done @!p0 $0x0  }
0x2d: {  	[sflag:s0] =	ssyncadd.s32 @!p0 s1  }
0x2e: {  	[bflag:$0x3] =	sbarrier.arrive $0xFFFF  }
0x2f: {  	_ =	shalt  }

</sc_bundles>
